<compile_context>
chip_gen: v7x
topology: tpu7x:2x2x1
jax: 0.10.2.dev20260603
libtpu: 0.0.44.dev20260713+nightly
codegen_flags: <defaults>
</compile_context>

<pallas_src>
import functools

import numpy as np
import jax
import jax.numpy as jnp
from jax import lax
from jax.experimental import pallas as pl
from jax.experimental.pallas import tpu as pltpu
from jax.experimental.pallas import tpu_sc as plsc

N = 10000
E = 320000
IN_CH = 128
HID = 128
HEADS = 8
CH = 16
NUM_KP = 17
KP_DIM = 16
LAYERS = 3
G = 588
GP = 640

NC = 2
NS = 16
NW = NC * NS

HPC = HEADS // NC
FPC = HID // NC
FW = FPC + CH
EPT = E // NS
CHUNK = 40
NCHUNKS = EPT // CHUNK
RPT = 624
RTAIL = N - NS * RPT

PR_W = 312
PR_CH = 104
PR_TAIL = N - NW * PR_W

_f32 = jnp.float32

_E8 = np.zeros((HEADS, HID), np.float32)
for _h in range(HEADS):
    _E8[_h, _h * CH:(_h + 1) * CH] = 1.0
_M16A = np.zeros((CH, HID), np.float32)
_M16B = np.zeros((CH, HID), np.float32)
for _h in range(HPC):
    _M16A[_h, _h * CH:(_h + 1) * CH] = 1.0
    _M16B[_h, (HPC + _h) * CH:(HPC + _h + 1) * CH] = 1.0
_S16 = np.zeros((CH, HID), np.float32)
_S16[0, :] = 1.0


def _zero_ref(ref, rows, cols):
    nv = cols // 16
    zv = jnp.zeros((16,), _f32)

    def body(i, _):
        ref[i // nv, pl.ds((i % nv) * 16, 16)] = zv
        return 0

    lax.fori_loop(0, rows * nv, body, 0)


def _ones_ref(ref, rows, cols):
    nv = cols // 16
    ov = jnp.ones((16,), _f32)

    def body(i, _):
        ref[i // nv, pl.ds((i % nv) * 16, 16)] = ov
        return 0

    lax.fori_loop(0, rows * nv, body, 0)


def _edge_sc_body(xl_hbm, xr_hbm, src_hbm, dst_hbm, att_hbm,
                  num_out,
                  sidx_all, didx_all,
                  xl_a, xr_a, msg_a,
                  xl_b, xr_b, msg_b,
                  xl_c, xr_c, msg_c,
                  xl_d, xr_d, msg_d,
                  att_v, zbuf,
                  num_sp,
                  gsa, gsb, gsc, gsd, ssa, ssb, ssc, ssd):
    cid = lax.axis_index("c")
    sid = lax.axis_index("s")
    lane = lax.broadcasted_iota(jnp.int32, (16,), 0)

    pltpu.sync_copy(att_hbm.at[cid], att_v)
    pltpu.sync_copy(src_hbm.at[sid], sidx_all)
    pltpu.sync_copy(dst_hbm.at[sid], didx_all)

    _zero_ref(zbuf, 48, FW)
    for j in range(RPT // 48):
        off = sid * RPT + j * 48
        pltpu.sync_copy(zbuf, num_sp.at[pl.ds(off, 48)])

    @pl.when(sid == NS - 1)
    def _():
        pltpu.sync_copy(zbuf.at[pl.ds(0, RTAIL)], num_sp.at[pl.ds(NS * RPT, RTAIL)])

    plsc.subcore_barrier()

    def gather(j, xl_buf, xr_buf, sem):
        pltpu.async_copy(xl_hbm.at[cid].at[sidx_all.at[j]], xl_buf, sem)
        pltpu.async_copy(xr_hbm.at[cid].at[didx_all.at[j]], xr_buf, sem)

    def wait_gather(j, xl_buf, xr_buf, sem):
        pltpu.make_async_copy(xl_hbm.at[cid].at[sidx_all.at[j]], xl_buf, sem).wait()
        pltpu.make_async_copy(xr_hbm.at[cid].at[didx_all.at[j]], xr_buf, sem).wait()

    def scatter(j, msg_buf, sem):
        pltpu.async_copy(msg_buf, num_sp.at[didx_all.at[j]], sem, add=True)

    def wait_scatter(j, msg_buf, sem):
        pltpu.make_async_copy(msg_buf, num_sp.at[didx_all.at[j]], sem).wait()

    atts = [att_v[h] for h in range(HPC)]

    def compute(xl_buf, xr_buf, msg_buf):
        UNROLL = 4

        def edge_body(eb, _):
            es = [eb * UNROLL + k for k in range(UNROLL)]
            xls = [[xl_buf[e, pl.ds(h * CH, CH)] for h in range(HPC)]
                   for e in es]
            xrs = [[xr_buf[e, pl.ds(h * CH, CH)] for h in range(HPC)]
                   for e in es]
            evs = []
            for i in range(UNROLL):
                a = jnp.zeros((16,), _f32)
                for h in range(HPC):
                    m = xls[i][h] + xrs[i][h]
                    m = jnp.maximum(m, m * _f32(0.2))
                    t = m * atts[h]
                    a = jnp.where(lane == h, jnp.sum(t), a)
                ev = jnp.exp(a)
                evs.append(jnp.where(lane < HPC, ev, _f32(0.0)))
            for i, e in enumerate(es):
                msg_buf[e, pl.ds(FPC, CH)] = evs[i]
                for h in range(HPC):
                    msg_buf[e, pl.ds(h * CH, CH)] = xls[i][h] * evs[i][h]
            return 0

        lax.fori_loop(0, CHUNK // UNROLL, edge_body, 0)

    nquad = NCHUNKS // 4
    gather(0, xl_a, xr_a, gsa)
    gather(1, xl_b, xr_b, gsb)
    gather(2, xl_c, xr_c, gsc)
    gather(3, xl_d, xr_d, gsd)

    sets = None

    def quad_body(jq, _):
        for k, (xlb, xrb, msgb, gs, ss) in enumerate([
                (xl_a, xr_a, msg_a, gsa, ssa),
                (xl_b, xr_b, msg_b, gsb, ssb),
                (xl_c, xr_c, msg_c, gsc, ssc),
                (xl_d, xr_d, msg_d, gsd, ssd)]):
            j = 4 * jq + k

            @pl.when(jq > 0)
            def _():
                wait_scatter(j - 4, msgb, ss)

            wait_gather(j, xlb, xrb, gs)
            compute(xlb, xrb, msgb)

            @pl.when(jq < nquad - 1)
            def _():
                gather(j + 4, xlb, xrb, gs)

            scatter(j, msgb, ss)
        return 0

    lax.fori_loop(0, nquad, quad_body, 0)
    wait_scatter(NCHUNKS - 4, msg_a, ssa)
    wait_scatter(NCHUNKS - 3, msg_b, ssb)
    wait_scatter(NCHUNKS - 2, msg_c, ssc)
    wait_scatter(NCHUNKS - 1, msg_d, ssd)
    plsc.subcore_barrier()

    roff = sid * RPT
    pltpu.sync_copy(num_sp.at[pl.ds(roff, RPT)], num_out.at[cid, pl.ds(roff, RPT)])

    @pl.when(sid == NS - 1)
    def _():
        toff = NS * RPT
        pltpu.sync_copy(num_sp.at[pl.ds(toff, RTAIL)],
                        num_out.at[cid, pl.ds(toff, RTAIL)])


@functools.cache
def _get_edge_sc():
  return pl.kernel(
    _edge_sc_body,
    out_type=[
        jax.ShapeDtypeStruct((NC, N, FW), _f32),
    ],
    mesh=plsc.VectorSubcoreMesh(core_axis_name="c", subcore_axis_name="s", num_cores=NC, num_subcores=NS),
    compiler_params=pltpu.CompilerParams(needs_layout_passes=False,
                                         use_tc_tiling_on_sc=False),
    scratch_types=[
        pltpu.VMEM((NCHUNKS, CHUNK), jnp.int32),
        pltpu.VMEM((NCHUNKS, CHUNK), jnp.int32),
        pltpu.VMEM((CHUNK, FPC), _f32),
        pltpu.VMEM((CHUNK, FPC), _f32),
        pltpu.VMEM((CHUNK, FW), _f32),
        pltpu.VMEM((CHUNK, FPC), _f32),
        pltpu.VMEM((CHUNK, FPC), _f32),
        pltpu.VMEM((CHUNK, FW), _f32),
        pltpu.VMEM((CHUNK, FPC), _f32),
        pltpu.VMEM((CHUNK, FPC), _f32),
        pltpu.VMEM((CHUNK, FW), _f32),
        pltpu.VMEM((CHUNK, FPC), _f32),
        pltpu.VMEM((CHUNK, FPC), _f32),
        pltpu.VMEM((CHUNK, FW), _f32),
        pltpu.VMEM((HPC, CH), _f32),
        pltpu.VMEM((48, FW), _f32),
        pltpu.MemorySpace.VMEM_SHARED((N, FW), _f32),
        pltpu.SemaphoreType.DMA,
        pltpu.SemaphoreType.DMA,
        pltpu.SemaphoreType.DMA,
        pltpu.SemaphoreType.DMA,
        pltpu.SemaphoreType.DMA,
        pltpu.SemaphoreType.DMA,
        pltpu.SemaphoreType.DMA,
        pltpu.SemaphoreType.DMA,
    ],
  )


def _pool_sc_body(h_hbm, batch_hbm,
                  acc_out, cnt_out,
                  bidx, h_buf, one_buf, bidx_t, h_buf_t, one_t, z128, z16,
                  acc_sp, cnt_sp, sem1):
    cid = lax.axis_index("c")
    sid = lax.axis_index("s")
    wid = sid * NC + cid

    _zero_ref(z128, 40, 128)
    _zero_ref(z16, 40, 16)
    pltpu.sync_copy(z128, acc_sp.at[pl.ds(sid * 40, 40)])
    pltpu.sync_copy(z16, cnt_sp.at[pl.ds(sid * 40, 40)])
    _ones_ref(one_buf, PR_CH, CH)
    plsc.subcore_barrier()

    def chunk_body(j, _):
        base = wid * PR_W + j * PR_CH
        pltpu.sync_copy(batch_hbm.at[pl.ds(base, PR_CH)], bidx)
        pltpu.async_copy(h_hbm.at[pl.ds(base, PR_CH)], h_buf, sem1).wait()
        pltpu.sync_copy(h_buf, acc_sp.at[bidx], add=True)
        pltpu.sync_copy(one_buf, cnt_sp.at[bidx], add=True)
        return 0

    lax.fori_loop(0, PR_W // PR_CH, chunk_body, 0)

    @pl.when(wid == 0)
    def _():
        _ones_ref(one_t, PR_TAIL, CH)
        base = NW * PR_W
        pltpu.sync_copy(batch_hbm.at[pl.ds(base, PR_TAIL)], bidx_t)
        pltpu.async_copy(h_hbm.at[pl.ds(base, PR_TAIL)], h_buf_t, sem1).wait()
        pltpu.sync_copy(h_buf_t, acc_sp.at[bidx_t], add=True)
        pltpu.sync_copy(one_t, cnt_sp.at[bidx_t], add=True)

    plsc.subcore_barrier()
    roff = sid * 40
    pltpu.sync_copy(acc_sp.at[pl.ds(roff, 40)], acc_out.at[cid, pl.ds(roff, 40)])
    pltpu.sync_copy(cnt_sp.at[pl.ds(roff, 40)], cnt_out.at[cid, pl.ds(roff, 40)])


@functools.cache
def _get_pool_sc():
  return pl.kernel(
    _pool_sc_body,
    out_type=[
        jax.ShapeDtypeStruct((NC, GP, HID), _f32),
        jax.ShapeDtypeStruct((NC, GP, CH), _f32),
    ],
    mesh=plsc.VectorSubcoreMesh(core_axis_name="c", subcore_axis_name="s", num_cores=NC, num_subcores=NS),
    compiler_params=pltpu.CompilerParams(needs_layout_passes=False,
                                         use_tc_tiling_on_sc=False),
    scratch_types=[
        pltpu.VMEM((PR_CH,), jnp.int32),
        pltpu.VMEM((PR_CH, HID), _f32),
        pltpu.VMEM((PR_CH, CH), _f32),
        pltpu.VMEM((PR_TAIL,), jnp.int32),
        pltpu.VMEM((PR_TAIL, HID), _f32),
        pltpu.VMEM((PR_TAIL, CH), _f32),
        pltpu.VMEM((40, HID), _f32),
        pltpu.VMEM((40, CH), _f32),
        pltpu.MemorySpace.VMEM_SHARED((GP, HID), _f32),
        pltpu.MemorySpace.VMEM_SHARED((GP, CH), _f32),
        pltpu.SemaphoreType.DMA,
    ],
  )


def _proj_body(x_ref, emb_ref, wpx_ref, wpe_ref, bp_ref, o_ref):
    t = jnp.dot(emb_ref[...], wpe_ref[...], preferred_element_type=_f32)
    base = pl.program_id(0) * _RB
    rows = (base + lax.broadcasted_iota(jnp.int32, (_RB, NUM_KP), 0)) % NUM_KP
    cols = lax.broadcasted_iota(jnp.int32, (_RB, NUM_KP), 1)
    onehot = (rows == cols).astype(_f32)
    o_ref[...] = (jnp.dot(x_ref[...], wpx_ref[...], preferred_element_type=_f32)
                  + jnp.dot(onehot, t, preferred_element_type=_f32)
                  + bp_ref[...])


_RB = 2000


def _proj(x, emb, wpx, wpe, bp):
    return pl.pallas_call(
        _proj_body,
        grid=(N // _RB,),
        in_specs=[
            pl.BlockSpec((_RB, IN_CH), lambda i: (i, 0)),
            pl.BlockSpec((NUM_KP, KP_DIM), lambda i: (0, 0)),
            pl.BlockSpec((IN_CH, HID), lambda i: (0, 0)),
            pl.BlockSpec((KP_DIM, HID), lambda i: (0, 0)),
            pl.BlockSpec((HID,), lambda i: (0,)),
        ],
        out_specs=pl.BlockSpec((_RB, HID), lambda i: (i, 0)),
        out_shape=jax.ShapeDtypeStruct((N, HID), _f32),
    )(x, emb, wpx, wpe, bp)


def _pre_body(h_ref, wlr_ref, attd_ref, e8_ref, xl_ref, xr_ref, ns_ref, ds_ref):
    h = h_ref[...]
    xl = jnp.dot(h, wlr_ref[:, :HID], preferred_element_type=_f32)
    xr = jnp.dot(h, wlr_ref[:, HID:], preferred_element_type=_f32)
    xl_ref[0] = xl[:, :FPC]
    xl_ref[1] = xl[:, FPC:]
    xr_ref[0] = xr[:, :FPC]
    xr_ref[1] = xr[:, FPC:]
    m = xl + xr
    m = jnp.maximum(m, m * _f32(0.2))
    alpha = jnp.dot(m, attd_ref[...], preferred_element_type=_f32)
    e = jnp.exp(alpha)
    ds_ref[...] = e
    e128 = jnp.dot(e, e8_ref[...], preferred_element_type=_f32)
    ns_ref[...] = xl * e128


def _pre(h, wlr, attd, e8):
    return pl.pallas_call(
        _pre_body,
        grid=(N // _RB,),
        in_specs=[
            pl.BlockSpec((_RB, HID), lambda i: (i, 0)),
            pl.BlockSpec((HID, 2 * HID), lambda i: (0, 0)),
            pl.BlockSpec((HID, HEADS), lambda i: (0, 0)),
            pl.BlockSpec((HEADS, HID), lambda i: (0, 0)),
        ],
        out_specs=[
            pl.BlockSpec((NC, _RB, FPC), lambda i: (0, i, 0)),
            pl.BlockSpec((NC, _RB, FPC), lambda i: (0, i, 0)),
            pl.BlockSpec((_RB, HID), lambda i: (i, 0)),
            pl.BlockSpec((_RB, HEADS), lambda i: (i, 0)),
        ],
        out_shape=[
            jax.ShapeDtypeStruct((NC, N, FPC), _f32),
            jax.ShapeDtypeStruct((NC, N, FPC), _f32),
            jax.ShapeDtypeStruct((N, HID), _f32),
            jax.ShapeDtypeStruct((N, HEADS), _f32),
        ],
    )(h, wlr, attd, e8)


def _post_body(h_ref, num_ref, ns_ref, ds_ref, bc_ref, g_ref, b_ref,
               e8_ref, m16a_ref, m16b_ref, o_ref):
    n0 = num_ref[0]
    n1 = num_ref[1]
    num = jnp.concatenate([n0[:, :FPC], n1[:, :FPC]], axis=1) + ns_ref[...]
    den128 = (jnp.dot(n0[:, FPC:], m16a_ref[...], preferred_element_type=_f32)
              + jnp.dot(n1[:, FPC:], m16b_ref[...], preferred_element_type=_f32)
              + jnp.dot(ds_ref[...], e8_ref[...], preferred_element_type=_f32))
    c = num / (den128 + _f32(1e-16)) + bc_ref[...]
    c = jnp.maximum(c, _f32(0.0))
    mu = jnp.mean(c, axis=0)
    var = jnp.mean((c - mu) ** 2, axis=0)
    o_ref[...] = h_ref[...] + g_ref[...] * (c - mu) / jnp.sqrt(var + _f32(1e-5)) + b_ref[...]


def _post(h, num_sc, ns, ds, bc, gamma, beta, e8, m16a, m16b):
    return pl.pallas_call(
        _post_body,
        out_shape=jax.ShapeDtypeStruct((N, HID), _f32),
    )(h, num_sc, ns, ds, bc, gamma, beta, e8, m16a, m16b)


def _final_body(acc_ref, cnt_ref, s16_ref, o_ref):
    s = acc_ref[0] + acc_ref[1]
    cnt128 = jnp.dot(cnt_ref[0] + cnt_ref[1], s16_ref[...],
                     preferred_element_type=_f32)
    o_ref[...] = (s / jnp.maximum(cnt128, _f32(1.0)))[:G, :]


def _final(acc, cnt, s16):
    return pl.pallas_call(
        _final_body,
        out_shape=jax.ShapeDtypeStruct((G, HID), _f32),
    )(acc, cnt, s16)


def kernel(x, params, edge_index, batch):
    p = params
    src = edge_index[0].reshape(NS, NCHUNKS, CHUNK)
    dst = edge_index[1].reshape(NS, NCHUNKS, CHUNK)

    e8 = jnp.asarray(_E8)
    m16a = jnp.asarray(_M16A)
    m16b = jnp.asarray(_M16B)
    s16 = jnp.asarray(_S16)

    wpx = p["Wp"][:, :IN_CH].T
    wpe = p["Wp"][:, IN_CH:].T

    h = _proj(x, p["emb"], wpx, wpe, p["bp"])

    wlrs = jnp.stack([jnp.concatenate([p[f"Wl{i}"].T, p[f"Wr{i}"].T], axis=1)
                      for i in range(LAYERS)])
    atts = jnp.stack([p[f"att{i}"] for i in range(LAYERS)])
    attds = jnp.stack([e8.T * p[f"att{i}"].reshape(-1)[:, None]
                       for i in range(LAYERS)])
    bcs = jnp.stack([p[f"bc{i}"] for i in range(LAYERS)])
    gammas = jnp.stack([p[f"gamma{i}"] for i in range(LAYERS)])
    betas = jnp.stack([p[f"beta{i}"] for i in range(LAYERS)])

    def layer_step(h, xs):
        wlr, att, attd, bc, gamma, beta = xs
        xl, xr, ns, ds = _pre(h, wlr, attd, e8)
        (num_sc,) = _get_edge_sc()(xl, xr, src, dst,
                                   att.reshape(NC, HPC, CH))
        h = _post(h, num_sc, ns, ds, bc, gamma, beta, e8, m16a, m16b)
        return h, None

    h, _ = lax.scan(layer_step, h, (wlrs, atts, attds, bcs, gammas, betas))

    acc, cnt = _get_pool_sc()(h, batch)
    return _final(acc, cnt, s16)

# --- scband reference (transcript-rebuilt; emitter-appended) ---
"""Pipeline reference for scband-pose-encoder-47708496724722 (READ-ONLY COPY).

The authoritative reference and input builder live on the scoring server;
editing this copy changes nothing except your own understanding.
"""

import jax, jax.numpy as jnp
import numpy as np

N = 10000
E = 320000
IN_CH = 128
HID = 128
HEADS = 8
CH = HID // HEADS
NUM_KP = 17
KP_DIM = 16
LAYERS = 3
G = 588


def setup_inputs(seed: int = 0) -> dict:
    key = jax.random.key(seed)
    ks = jax.random.split(key, 40)
    x = jax.random.normal(ks[0], (N, IN_CH), dtype=jnp.float32)
    edge_index = jax.random.randint(ks[1], (2, E), 0, N, dtype=jnp.int32)
    batch = jnp.sort(jax.random.randint(ks[2], (N,), 0, G, dtype=jnp.int32))
    params = {}
    params["emb"] = jax.random.normal(ks[3], (NUM_KP, KP_DIM), dtype=jnp.float32)
    params["Wp"] = jax.random.normal(ks[4], (HID, IN_CH + KP_DIM), dtype=jnp.float32) / np.sqrt(IN_CH + KP_DIM)
    params["bp"] = jnp.zeros((HID,), dtype=jnp.float32)
    for i in range(LAYERS):
        params[f"Wl{i}"] = jax.random.normal(ks[5 + 6 * i], (HID, HID), dtype=jnp.float32) / np.sqrt(HID)
        params[f"Wr{i}"] = jax.random.normal(ks[6 + 6 * i], (HID, HID), dtype=jnp.float32) / np.sqrt(HID)
        params[f"att{i}"] = jax.random.normal(ks[7 + 6 * i], (HEADS, CH), dtype=jnp.float32) / np.sqrt(CH)
        params[f"bc{i}"] = jnp.zeros((HID,), dtype=jnp.float32)
        params[f"gamma{i}"] = jnp.ones((HID,), dtype=jnp.float32)
        params[f"beta{i}"] = jnp.zeros((HID,), dtype=jnp.float32)
    return {"x": x, "params": params, "edge_index": edge_index, "batch": batch}


def _gatv2(x, edge_index, Wl, Wr, att, bias):
    # GATv2Conv (PyG semantics, add_self_loops=True, edge_index[0]=src, [1]=dst)
    n = x.shape[0]
    loop = jnp.arange(n, dtype=edge_index.dtype)
    src = jnp.concatenate([edge_index[0], loop])
    dst = jnp.concatenate([edge_index[1], loop])
    xl = (x @ Wl.T).reshape(n, HEADS, CH)
    xr = (x @ Wr.T).reshape(n, HEADS, CH)
    m = xl[src] + xr[dst]
    m = jax.nn.leaky_relu(m, 0.2)
    alpha = jnp.sum(m * att[None, :, :], axis=-1)  # [E+N, HEADS]
    amax = jax.ops.segment_max(alpha, dst, num_segments=n)
    amax = jnp.where(jnp.isfinite(amax), amax, 0.0)
    amax = jax.lax.stop_gradient(amax)
    ealpha = jnp.exp(alpha - amax[dst])
    denom = jax.ops.segment_sum(ealpha, dst, num_segments=n)
    w = ealpha / (denom[dst] + 1e-16)
    msg = xl[src] * w[:, :, None]
    out = jax.ops.segment_sum(msg, dst, num_segments=n)
    return out.reshape(n, HID) + bias


def _bn(x, gamma, beta):
    mu = jnp.mean(x, axis=0)
    var = jnp.var(x, axis=0)
    return gamma * (x - mu) / jnp.sqrt(var + 1e-5) + beta


def reference(x, params, edge_index, batch):
    n = x.shape[0]
    kp = jnp.arange(n) % NUM_KP
    h = jnp.concatenate([x, params["emb"][kp]], axis=-1)
    h = h @ params["Wp"].T + params["bp"]
    for i in range(LAYERS):
        c = _gatv2(h, edge_index, params[f"Wl{i}"], params[f"Wr{i}"], params[f"att{i}"], params[f"bc{i}"])
        c = jax.nn.relu(c)
        c = _bn(c, params[f"gamma{i}"], params[f"beta{i}"])
        h = h + c  # dropout disabled for deterministic reference
    # global_mean_pool
    s = jax.ops.segment_sum(h, batch, num_segments=G)
    cnt = jax.ops.segment_sum(jnp.ones((n,), dtype=h.dtype), batch, num_segments=G)
    return s / jnp.maximum(cnt, 1.0)[:, None]

if __name__ == "__main__":
    import jax
    _d = setup_inputs()
    print(jax.jit(kernel)(*tuple(_d.values())))

</pallas_src>

<mosaic_0001>
#map = affine_map<(d0, d1) -> (0, 0)>
#map1 = affine_map<(d0, d1) -> (0)>
#map2 = affine_map<(d0, d1) -> (0, 0, 0)>
module attributes {stable_mosaic.version = 14 : i64} {
  func.func @_pool_sc_body(%arg0: i32, %arg1: i32, %arg2: memref<10000x128xf32, #tpu.memory_space<hbm>>, %arg3: memref<10000xi32, #tpu.memory_space<hbm>>, %arg4: memref<2x640x128xf32, #tpu.memory_space<hbm>>, %arg5: memref<2x640x16xf32, #tpu.memory_space<hbm>>, %arg6: memref<104xi32, #tpu.memory_space<vmem>>, %arg7: memref<104x128xf32, #tpu.memory_space<vmem>>, %arg8: memref<104x16xf32, #tpu.memory_space<vmem>>, %arg9: memref<16xi32, #tpu.memory_space<vmem>>, %arg10: memref<16x128xf32, #tpu.memory_space<vmem>>, %arg11: memref<16x16xf32, #tpu.memory_space<vmem>>, %arg12: memref<40x128xf32, #tpu.memory_space<vmem>>, %arg13: memref<40x16xf32, #tpu.memory_space<vmem>>, %arg14: memref<640x128xf32, #tpu.memory_space<vmem_shared>>, %arg15: memref<640x16xf32, #tpu.memory_space<vmem_shared>>, %arg16: memref<!tpu.dma_semaphore, #tpu.memory_space<semaphore_mem>>) attributes {dimension_semantics = [#tpu.dimension_semantics<core_parallel>, #tpu.dimension_semantics<subcore_parallel>], iteration_bounds = array<i64: 2, 16>, scalar_prefetch = 0 : i64, scratch_operands = 11 : i64, tpu.core_type = #tpu.core_type<sc_vector_subcore>, window_params = [{transform_indices = #map}, {transform_indices = #map1}, {transform_indices = #map2}, {transform_indices = #map2}]} {
    %mul3A = arith.constant 2 : i32
    %mul3A_0 = arith.muli %arg1, %mul3A : i32
    %add3A = arith.addi %mul3A_0, %arg0 : i32
    %broadcast_in_dim3A = arith.constant 0.000000e+00 : f32
    %broadcast_in_dim3A_1 = vector.broadcast %broadcast_in_dim3A : f32 to vector<16xf32>
    %scan3A = arith.constant 0 : i32
    %scan3A_2 = arith.constant 0 : i32
    %scan3A_3 = arith.constant 320 : i32
    %scan3A_4 = arith.addi %scan3A_2, %scan3A_3 : i32
    %scan3A_5 = arith.constant 1 : i32
    %scan3A_6 = scf.for %scan3A_42 = %scan3A_2 to %scan3A_4 step %scan3A_5 iter_args(%scan3A_43 = %scan3A) -> (i32)  : i32 {
      %jit3A = arith.constant 8 : i32
      %div3A = arith.divsi %scan3A_42, %jit3A : i32
      %sign3A = arith.constant 0 : i32
      %sign3A_44 = arith.cmpi sgt, %scan3A_42, %sign3A : i32
      %sign3A_45 = arith.extui %sign3A_44 : i1 to i32
      %sign3A_46 = arith.constant 0 : i32
      %sign3A_47 = arith.cmpi slt, %scan3A_42, %sign3A_46 : i32
      %sign3A_48 = arith.extui %sign3A_47 : i1 to i32
      %sign3A_49 = arith.subi %sign3A_45, %sign3A_48 : i32
      %sign3A_50 = arith.constant 0 : i32
      %sign3A_51 = arith.cmpi sgt, %jit3A, %sign3A_50 : i32
      %sign3A_52 = arith.extui %sign3A_51 : i1 to i32
      %sign3A_53 = arith.constant 0 : i32
      %sign3A_54 = arith.cmpi slt, %jit3A, %sign3A_53 : i32
      %sign3A_55 = arith.extui %sign3A_54 : i1 to i32
      %sign3A_56 = arith.subi %sign3A_52, %sign3A_55 : i32
      %ne3A = arith.cmpi ne, %sign3A_49, %sign3A_56 : i32
      %rem3A = arith.remsi %scan3A_42, %jit3A : i32
      %ne3A_57 = arith.constant 0 : i32
      %ne3A_58 = arith.cmpi ne, %rem3A, %ne3A_57 : i32
      %and3A = arith.andi %ne3A, %ne3A_58 : i1
      %sub3A = arith.constant 1 : i32
      %sub3A_59 = arith.subi %div3A, %sub3A : i32
      %select_n3A = arith.select %and3A, %sub3A_59, %div3A : i32
      %jit3A_60 = arith.constant 8 : i32
      %eq3A_61 = arith.constant 0 : i32
      %eq3A_62 = arith.cmpi eq, %jit3A_60, %eq3A_61 : i32
      %jit3A_63 = arith.constant 1 : i32
      %select_n3A_64 = arith.select %eq3A_62, %jit3A_63, %jit3A_60 : i32
      %rem3A_65 = arith.remsi %scan3A_42, %select_n3A_64 : i32
      %ne3A_66 = arith.constant 0 : i32
      %ne3A_67 = arith.cmpi ne, %rem3A_65, %ne3A_66 : i32
      %lt3A = arith.constant 0 : i32
      %lt3A_68 = arith.cmpi slt, %rem3A_65, %lt3A : i32
      %lt3A_69 = arith.constant 0 : i32
      %lt3A_70 = arith.cmpi slt, %select_n3A_64, %lt3A_69 : i32
      %ne3A_71 = arith.xori %lt3A_68, %lt3A_70 : i1
      %and3A_72 = arith.andi %ne3A_71, %ne3A_67 : i1
      %add3A_73 = arith.addi %rem3A_65, %select_n3A_64 : i32
      %select_n3A_74 = arith.select %and3A_72, %add3A_73, %rem3A_65 : i32
      %mul3A_75 = arith.constant 16 : i32
      %mul3A_76 = arith.muli %select_n3A_74, %mul3A_75 : i32
      %swap3A = arith.index_cast %select_n3A : i32 to index
      %swap3A_77 = arith.index_cast %mul3A_76 : i32 to index
      %swap3A_78 = tpu.vector_load %arg12[%swap3A, %swap3A_77] {strides = array<i32>} : memref<40x128xf32, #tpu.memory_space<vmem>>, vector<16xf32>,
      tpu.vector_store %arg12[%swap3A, %swap3A_77], %broadcast_in_dim3A_1 {strides = array<i32>} : memref<40x128xf32, #tpu.memory_space<vmem>>, vector<16xf32>,
      %scan3A_79 = arith.constant 0 : i32
      scf.yield %scan3A_79 : i32
    }
    %scan3A_7 = arith.constant 320 : i32
    %broadcast_in_dim3A_8 = arith.constant 0.000000e+00 : f32
    %broadcast_in_dim3A_9 = vector.broadcast %broadcast_in_dim3A_8 : f32 to vector<16xf32>
    %scan3A_10 = arith.constant 0 : i32
    %scan3A_11 = arith.constant 0 : i32
    %scan3A_12 = arith.constant 40 : i32
    %scan3A_13 = arith.addi %scan3A_11, %scan3A_12 : i32
    %scan3A_14 = arith.constant 1 : i32
    %scan3A_15 = scf.for %scan3A_42 = %scan3A_11 to %scan3A_13 step %scan3A_14 iter_args(%scan3A_43 = %scan3A_10) -> (i32)  : i32 {
      %jit3A = arith.constant 1 : i32
      %div3A = arith.divsi %scan3A_42, %jit3A : i32
      %sign3A = arith.constant 0 : i32
      %sign3A_44 = arith.cmpi sgt, %scan3A_42, %sign3A : i32
      %sign3A_45 = arith.extui %sign3A_44 : i1 to i32
      %sign3A_46 = arith.constant 0 : i32
      %sign3A_47 = arith.cmpi slt, %scan3A_42, %sign3A_46 : i32
      %sign3A_48 = arith.extui %sign3A_47 : i1 to i32
      %sign3A_49 = arith.subi %sign3A_45, %sign3A_48 : i32
      %sign3A_50 = arith.constant 0 : i32
      %sign3A_51 = arith.cmpi sgt, %jit3A, %sign3A_50 : i32
      %sign3A_52 = arith.extui %sign3A_51 : i1 to i32
      %sign3A_53 = arith.constant 0 : i32
      %sign3A_54 = arith.cmpi slt, %jit3A, %sign3A_53 : i32
      %sign3A_55 = arith.extui %sign3A_54 : i1 to i32
      %sign3A_56 = arith.subi %sign3A_52, %sign3A_55 : i32
      %ne3A = arith.cmpi ne, %sign3A_49, %sign3A_56 : i32
      %rem3A = arith.remsi %scan3A_42, %jit3A : i32
      %ne3A_57 = arith.constant 0 : i32
      %ne3A_58 = arith.cmpi ne, %rem3A, %ne3A_57 : i32
      %and3A = arith.andi %ne3A, %ne3A_58 : i1
      %sub3A = arith.constant 1 : i32
      %sub3A_59 = arith.subi %div3A, %sub3A : i32
      %select_n3A = arith.select %and3A, %sub3A_59, %div3A : i32
      %jit3A_60 = arith.constant 1 : i32
      %eq3A_61 = arith.constant 0 : i32
      %eq3A_62 = arith.cmpi eq, %jit3A_60, %eq3A_61 : i32
      %jit3A_63 = arith.constant 1 : i32
      %select_n3A_64 = arith.select %eq3A_62, %jit3A_63, %jit3A_60 : i32
      %rem3A_65 = arith.remsi %scan3A_42, %select_n3A_64 : i32
      %ne3A_66 = arith.constant 0 : i32
      %ne3A_67 = arith.cmpi ne, %rem3A_65, %ne3A_66 : i32
      %lt3A = arith.constant 0 : i32
      %lt3A_68 = arith.cmpi slt, %rem3A_65, %lt3A : i32
      %lt3A_69 = arith.constant 0 : i32
      %lt3A_70 = arith.cmpi slt, %select_n3A_64, %lt3A_69 : i32
      %ne3A_71 = arith.xori %lt3A_68, %lt3A_70 : i1
      %and3A_72 = arith.andi %ne3A_71, %ne3A_67 : i1
      %add3A_73 = arith.addi %rem3A_65, %select_n3A_64 : i32
      %select_n3A_74 = arith.select %and3A_72, %add3A_73, %rem3A_65 : i32
      %mul3A_75 = arith.constant 16 : i32
      %mul3A_76 = arith.muli %select_n3A_74, %mul3A_75 : i32
      %swap3A = arith.index_cast %select_n3A : i32 to index
      %swap3A_77 = arith.index_cast %mul3A_76 : i32 to index
      %swap3A_78 = tpu.vector_load %arg13[%swap3A, %swap3A_77] {strides = array<i32>} : memref<40x16xf32, #tpu.memory_space<vmem>>, vector<16xf32>,
      tpu.vector_store %arg13[%swap3A, %swap3A_77], %broadcast_in_dim3A_9 {strides = array<i32>} : memref<40x16xf32, #tpu.memory_space<vmem>>, vector<16xf32>,
      %scan3A_79 = arith.constant 0 : i32
      scf.yield %scan3A_79 : i32
    }
    %scan3A_16 = arith.constant 40 : i32
    %mul3A_17 = arith.constant 40 : i32
    %mul3A_18 = arith.muli %arg1, %mul3A_17 : i32
    "tpu.region"() ({
      %run_scoped3A = tpu.sem_alloc : memref<!tpu.dma_semaphore, #tpu.memory_space<semaphore_mem>>
      %dma_start3A = arith.constant 0 : i32
      %dma_start3A_42 = tpu.memref_slice %arg14[%mul3A_18, %dma_start3A] : memref<640x128xf32, #tpu.memory_space<vmem_shared>> -> memref<40x128xf32, #tpu.memory_space<vmem_shared>>
      %dma_start3A_43 = arith.constant 0 : i32
      %dma_start3A_44 = tpu.memref_slice %arg14[%mul3A_18, %dma_start3A_43] : memref<640x128xf32, #tpu.memory_space<vmem_shared>> -> memref<40x128xf32, #tpu.memory_space<vmem_shared>>
      tpu.enqueue_dma source(%arg12 : memref<40x128xf32, #tpu.memory_space<vmem>>) target(%dma_start3A_44 : memref<40x128xf32, #tpu.memory_space<vmem_shared>>) target_semaphore(%run_scoped3A : memref<!tpu.dma_semaphore, #tpu.memory_space<semaphore_mem>>)
      %dma_wait3A = arith.constant 0 : i32
      %dma_wait3A_45 = tpu.memref_slice %arg14[%mul3A_18, %dma_wait3A] : memref<640x128xf32, #tpu.memory_space<vmem_shared>> -> memref<40x128xf32, #tpu.memory_space<vmem_shared>>
      %dma_wait3A_46 = arith.constant 0 : i32
      %dma_wait3A_47 = tpu.memref_slice %arg14[%mul3A_18, %dma_wait3A_46] : memref<640x128xf32, #tpu.memory_space<vmem_shared>> -> memref<40x128xf32, #tpu.memory_space<vmem_shared>>
      tpu.wait_dma2 semaphore(%run_scoped3A : memref<!tpu.dma_semaphore, #tpu.memory_space<semaphore_mem>>) src(%arg12 : memref<40x128xf32, #tpu.memory_space<vmem>>) dst(%dma_wait3A_47 : memref<40x128xf32, #tpu.memory_space<vmem_shared>>)
      tpu.yield
    }) : () -> ()
    %mul3A_19 = arith.constant 40 : i32
    %mul3A_20 = arith.muli %arg1, %mul3A_19 : i32
    "tpu.region"() ({
      %run_scoped3A = tpu.sem_alloc : memref<!tpu.dma_semaphore, #tpu.memory_space<semaphore_mem>>
      %dma_start3A = arith.constant 0 : i32
      %dma_start3A_42 = tpu.memref_slice %arg15[%mul3A_20, %dma_start3A] : memref<640x16xf32, #tpu.memory_space<vmem_shared>> -> memref<40x16xf32, #tpu.memory_space<vmem_shared>>
      %dma_start3A_43 = arith.constant 0 : i32
      %dma_start3A_44 = tpu.memref_slice %arg15[%mul3A_20, %dma_start3A_43] : memref<640x16xf32, #tpu.memory_space<vmem_shared>> -> memref<40x16xf32, #tpu.memory_space<vmem_shared>>
      tpu.enqueue_dma source(%arg13 : memref<40x16xf32, #tpu.memory_space<vmem>>) target(%dma_start3A_44 : memref<40x16xf32, #tpu.memory_space<vmem_shared>>) target_semaphore(%run_scoped3A : memref<!tpu.dma_semaphore, #tpu.memory_space<semaphore_mem>>)
      %dma_wait3A = arith.constant 0 : i32
      %dma_wait3A_45 = tpu.memref_slice %arg15[%mul3A_20, %dma_wait3A] : memref<640x16xf32, #tpu.memory_space<vmem_shared>> -> memref<40x16xf32, #tpu.memory_space<vmem_shared>>
      %dma_wait3A_46 = arith.constant 0 : i32
      %dma_wait3A_47 = tpu.memref_slice %arg15[%mul3A_20, %dma_wait3A_46] : memref<640x16xf32, #tpu.memory_space<vmem_shared>> -> memref<40x16xf32, #tpu.memory_space<vmem_shared>>
      tpu.wait_dma2 semaphore(%run_scoped3A : memref<!tpu.dma_semaphore, #tpu.memory_space<semaphore_mem>>) src(%arg13 : memref<40x16xf32, #tpu.memory_space<vmem>>) dst(%dma_wait3A_47 : memref<40x16xf32, #tpu.memory_space<vmem_shared>>)
      tpu.yield
    }) : () -> ()
    %broadcast_in_dim3A_21 = arith.constant 1.000000e+00 : f32
    %broadcast_in_dim3A_22 = vector.broadcast %broadcast_in_dim3A_21 : f32 to vector<16xf32>
    %scan3A_23 = arith.constant 0 : i32
    %scan3A_24 = arith.constant 0 : i32
    %scan3A_25 = arith.constant 104 : i32
    %scan3A_26 = arith.addi %scan3A_24, %scan3A_25 : i32
    %scan3A_27 = arith.constant 1 : i32
    %scan3A_28 = scf.for %scan3A_42 = %scan3A_24 to %scan3A_26 step %scan3A_27 iter_args(%scan3A_43 = %scan3A_23) -> (i32)  : i32 {
      %jit3A = arith.constant 1 : i32
      %div3A = arith.divsi %scan3A_42, %jit3A : i32
      %sign3A = arith.constant 0 : i32
      %sign3A_44 = arith.cmpi sgt, %scan3A_42, %sign3A : i32
      %sign3A_45 = arith.extui %sign3A_44 : i1 to i32
      %sign3A_46 = arith.constant 0 : i32
      %sign3A_47 = arith.cmpi slt, %scan3A_42, %sign3A_46 : i32
      %sign3A_48 = arith.extui %sign3A_47 : i1 to i32
      %sign3A_49 = arith.subi %sign3A_45, %sign3A_48 : i32
      %sign3A_50 = arith.constant 0 : i32
      %sign3A_51 = arith.cmpi sgt, %jit3A, %sign3A_50 : i32
      %sign3A_52 = arith.extui %sign3A_51 : i1 to i32
      %sign3A_53 = arith.constant 0 : i32
      %sign3A_54 = arith.cmpi slt, %jit3A, %sign3A_53 : i32
      %sign3A_55 = arith.extui %sign3A_54 : i1 to i32
      %sign3A_56 = arith.subi %sign3A_52, %sign3A_55 : i32
      %ne3A = arith.cmpi ne, %sign3A_49, %sign3A_56 : i32
      %rem3A = arith.remsi %scan3A_42, %jit3A : i32
      %ne3A_57 = arith.constant 0 : i32
      %ne3A_58 = arith.cmpi ne, %rem3A, %ne3A_57 : i32
      %and3A = arith.andi %ne3A, %ne3A_58 : i1
      %sub3A = arith.constant 1 : i32
      %sub3A_59 = arith.subi %div3A, %sub3A : i32
      %select_n3A = arith.select %and3A, %sub3A_59, %div3A : i32
      %jit3A_60 = arith.constant 1 : i32
      %eq3A_61 = arith.constant 0 : i32
      %eq3A_62 = arith.cmpi eq, %jit3A_60, %eq3A_61 : i32
      %jit3A_63 = arith.constant 1 : i32
      %select_n3A_64 = arith.select %eq3A_62, %jit3A_63, %jit3A_60 : i32
      %rem3A_65 = arith.remsi %scan3A_42, %select_n3A_64 : i32
      %ne3A_66 = arith.constant 0 : i32
      %ne3A_67 = arith.cmpi ne, %rem3A_65, %ne3A_66 : i32
      %lt3A = arith.constant 0 : i32
      %lt3A_68 = arith.cmpi slt, %rem3A_65, %lt3A : i32
      %lt3A_69 = arith.constant 0 : i32
      %lt3A_70 = arith.cmpi slt, %select_n3A_64, %lt3A_69 : i32
      %ne3A_71 = arith.xori %lt3A_68, %lt3A_70 : i1
      %and3A_72 = arith.andi %ne3A_71, %ne3A_67 : i1
      %add3A_73 = arith.addi %rem3A_65, %select_n3A_64 : i32
      %select_n3A_74 = arith.select %and3A_72, %add3A_73, %rem3A_65 : i32
      %mul3A_75 = arith.constant 16 : i32
      %mul3A_76 = arith.muli %select_n3A_74, %mul3A_75 : i32
      %swap3A = arith.index_cast %select_n3A : i32 to index
      %swap3A_77 = arith.index_cast %mul3A_76 : i32 to index
      %swap3A_78 = tpu.vector_load %arg8[%swap3A, %swap3A_77] {strides = array<i32>} : memref<104x16xf32, #tpu.memory_space<vmem>>, vector<16xf32>,
      tpu.vector_store %arg8[%swap3A, %swap3A_77], %broadcast_in_dim3A_22 {strides = array<i32>} : memref<104x16xf32, #tpu.memory_space<vmem>>, vector<16xf32>,
      %scan3A_79 = arith.constant 0 : i32
      scf.yield %scan3A_79 : i32
    }
    %scan3A_29 = arith.constant 104 : i32
    %barrier3A = arith.constant 0 : index
    tpu.barrier barrier_id(%barrier3A)
    %scan3A_30 = arith.constant 0 : i32
    %scan3A_31 = arith.constant 0 : i32
    %scan3A_32 = arith.constant 3 : i32
    %scan3A_33 = arith.addi %scan3A_31, %scan3A_32 : i32
    %scan3A_34 = arith.constant 1 : i32
    %scan3A_35 = scf.for %scan3A_42 = %scan3A_31 to %scan3A_33 step %scan3A_34 iter_args(%scan3A_43 = %scan3A_30) -> (i32)  : i32 {
      %mul3A_44 = arith.constant 312 : i32
      %mul3A_45 = arith.muli %add3A, %mul3A_44 : i32
      %mul3A_46 = arith.constant 104 : i32
      %mul3A_47 = arith.muli %scan3A_42, %mul3A_46 : i32
      %add3A_48 = arith.addi %mul3A_45, %mul3A_47 : i32
      "tpu.region"() ({
        %run_scoped3A = tpu.sem_alloc : memref<!tpu.dma_semaphore, #tpu.memory_space<semaphore_mem>>
        %dma_start3A_56 = tpu.memref_slice %arg3[%add3A_48] : memref<10000xi32, #tpu.memory_space<hbm>> -> memref<104xi32, #tpu.memory_space<hbm>>
        %dma_start3A_57 = tpu.memref_slice %arg3[%add3A_48] : memref<10000xi32, #tpu.memory_space<hbm>> -> memref<104xi32, #tpu.memory_space<hbm>>
        tpu.enqueue_dma source(%dma_start3A_57 : memref<104xi32, #tpu.memory_space<hbm>>) target(%arg6 : memref<104xi32, #tpu.memory_space<vmem>>) target_semaphore(%run_scoped3A : memref<!tpu.dma_semaphore, #tpu.memory_space<semaphore_mem>>)
        %dma_wait3A_58 = tpu.memref_slice %arg3[%add3A_48] : memref<10000xi32, #tpu.memory_space<hbm>> -> memref<104xi32, #tpu.memory_space<hbm>>
        %dma_wait3A_59 = tpu.memref_slice %arg3[%add3A_48] : memref<10000xi32, #tpu.memory_space<hbm>> -> memref<104xi32, #tpu.memory_space<hbm>>
        tpu.wait_dma2 semaphore(%run_scoped3A : memref<!tpu.dma_semaphore, #tpu.memory_space<semaphore_mem>>) src(%dma_wait3A_59 : memref<104xi32, #tpu.memory_space<hbm>>) dst(%arg6 : memref<104xi32, #tpu.memory_space<vmem>>)
        tpu.yield
      }) : () -> ()
      %dma_start3A = arith.constant 0 : i32
      %dma_start3A_49 = tpu.memref_slice %arg2[%add3A_48, %dma_start3A] : memref<10000x128xf32, #tpu.memory_space<hbm>> -> memref<104x128xf32, #tpu.memory_space<hbm>>
      %dma_start3A_50 = arith.constant 0 : i32
      %dma_start3A_51 = tpu.memref_slice %arg2[%add3A_48, %dma_start3A_50] : memref<10000x128xf32, #tpu.memory_space<hbm>> -> memref<104x128xf32, #tpu.memory_space<hbm>>
      tpu.enqueue_dma source(%dma_start3A_51 : memref<104x128xf32, #tpu.memory_space<hbm>>) target(%arg7 : memref<104x128xf32, #tpu.memory_space<vmem>>) target_semaphore(%arg16 : memref<!tpu.dma_semaphore, #tpu.memory_space<semaphore_mem>>)
      %dma_wait3A = arith.constant 0 : i32
      %dma_wait3A_52 = tpu.memref_slice %arg2[%add3A_48, %dma_wait3A] : memref<10000x128xf32, #tpu.memory_space<hbm>> -> memref<104x128xf32, #tpu.memory_space<hbm>>
      %dma_wait3A_53 = arith.constant 0 : i32
      %dma_wait3A_54 = tpu.memref_slice %arg2[%add3A_48, %dma_wait3A_53] : memref<10000x128xf32, #tpu.memory_space<hbm>> -> memref<104x128xf32, #tpu.memory_space<hbm>>
      tpu.wait_dma2 semaphore(%arg16 : memref<!tpu.dma_semaphore, #tpu.memory_space<semaphore_mem>>) src(%dma_wait3A_54 : memref<104x128xf32, #tpu.memory_space<hbm>>) dst(%arg7 : memref<104x128xf32, #tpu.memory_space<vmem>>)
      "tpu.region"() ({
        %run_scoped3A = tpu.sem_alloc : memref<!tpu.dma_semaphore, #tpu.memory_space<semaphore_mem>>
        %dma_start3A_56 = arith.constant 0 : i32
        %dma_start3A_57 = arith.constant 0 : i32
        %dma_start3A_58 = tpu.memref_slice %arg14[%dma_start3A_56, %dma_start3A_57] : memref<640x128xf32, #tpu.memory_space<vmem_shared>> -> memref<640x128xf32, #tpu.memory_space<vmem_shared>>
        tpu.enqueue_indirect_dma source(%arg7 : memref<104x128xf32, #tpu.memory_space<vmem>>) target(%dma_start3A_58 : memref<640x128xf32, #tpu.memory_space<vmem_shared>>) offsets(%arg6 : memref<104xi32, #tpu.memory_space<vmem>>) semaphore(%run_scoped3A : memref<!tpu.dma_semaphore, #tpu.memory_space<semaphore_mem>>) {add = true}
        %dma_wait3A_59 = arith.constant 0 : i32
        %dma_wait3A_60 = arith.constant 0 : i32
        %dma_wait3A_61 = tpu.memref_slice %arg14[%dma_wait3A_59, %dma_wait3A_60] : memref<640x128xf32, #tpu.memory_space<vmem_shared>> -> memref<640x128xf32, #tpu.memory_space<vmem_shared>>
        tpu.wait_indirect_dma semaphore(%run_scoped3A : memref<!tpu.dma_semaphore, #tpu.memory_space<semaphore_mem>>) src(%arg7 : memref<104x128xf32, #tpu.memory_space<vmem>>) dst(%dma_wait3A_61 : memref<640x128xf32, #tpu.memory_space<vmem_shared>>)
        tpu.yield
      }) : () -> ()
      "tpu.region"() ({
        %run_scoped3A = tpu.sem_alloc : memref<!tpu.dma_semaphore, #tpu.memory_space<semaphore_mem>>
        %dma_start3A_56 = arith.constant 0 : i32
        %dma_start3A_57 = arith.constant 0 : i32
        %dma_start3A_58 = tpu.memref_slice %arg15[%dma_start3A_56, %dma_start3A_57] : memref<640x16xf32, #tpu.memory_space<vmem_shared>> -> memref<640x16xf32, #tpu.memory_space<vmem_shared>>
        tpu.enqueue_indirect_dma source(%arg8 : memref<104x16xf32, #tpu.memory_space<vmem>>) target(%dma_start3A_58 : memref<640x16xf32, #tpu.memory_space<vmem_shared>>) offsets(%arg6 : memref<104xi32, #tpu.memory_space<vmem>>) semaphore(%run_scoped3A : memref<!tpu.dma_semaphore, #tpu.memory_space<semaphore_mem>>) {add = true}
        %dma_wait3A_59 = arith.constant 0 : i32
        %dma_wait3A_60 = arith.constant 0 : i32
        %dma_wait3A_61 = tpu.memref_slice %arg15[%dma_wait3A_59, %dma_wait3A_60] : memref<640x16xf32, #tpu.memory_space<vmem_shared>> -> memref<640x16xf32, #tpu.memory_space<vmem_shared>>
        tpu.wait_indirect_dma semaphore(%run_scoped3A : memref<!tpu.dma_semaphore, #tpu.memory_space<semaphore_mem>>) src(%arg8 : memref<104x16xf32, #tpu.memory_space<vmem>>) dst(%dma_wait3A_61 : memref<640x16xf32, #tpu.memory_space<vmem_shared>>)
        tpu.yield
      }) : () -> ()
      %scan3A_55 = arith.constant 0 : i32
      scf.yield %scan3A_55 : i32
    }
    %scan3A_36 = arith.constant 3 : i32
    %eq3A = arith.constant 0 : i32
    %eq3A_37 = arith.cmpi eq, %add3A, %eq3A : i32
    %convert_element_type3A = arith.extui %eq3A_37 : i1 to i32
    %cond3A = arith.constant 0 : i32
    %cond3A_38 = arith.cmpi ne, %convert_element_type3A, %cond3A : i32
    scf.if %cond3A_38 {
      %broadcast_in_dim3A_42 = arith.constant 1.000000e+00 : f32
      %broadcast_in_dim3A_43 = vector.broadcast %broadcast_in_dim3A_42 : f32 to vector<16xf32>
      %scan3A_44 = arith.constant 0 : i32
      %scan3A_45 = arith.constant 0 : i32
      %scan3A_46 = arith.constant 16 : i32
      %scan3A_47 = arith.addi %scan3A_45, %scan3A_46 : i32
      %scan3A_48 = arith.constant 1 : i32
      %scan3A_49 = scf.for %scan3A_61 = %scan3A_45 to %scan3A_47 step %scan3A_48 iter_args(%scan3A_62 = %scan3A_44) -> (i32)  : i32 {
        %jit3A = arith.constant 1 : i32
        %div3A = arith.divsi %scan3A_61, %jit3A : i32
        %sign3A = arith.constant 0 : i32
        %sign3A_63 = arith.cmpi sgt, %scan3A_61, %sign3A : i32
        %sign3A_64 = arith.extui %sign3A_63 : i1 to i32
        %sign3A_65 = arith.constant 0 : i32
        %sign3A_66 = arith.cmpi slt, %scan3A_61, %sign3A_65 : i32
        %sign3A_67 = arith.extui %sign3A_66 : i1 to i32
        %sign3A_68 = arith.subi %sign3A_64, %sign3A_67 : i32
        %sign3A_69 = arith.constant 0 : i32
        %sign3A_70 = arith.cmpi sgt, %jit3A, %sign3A_69 : i32
        %sign3A_71 = arith.extui %sign3A_70 : i1 to i32
        %sign3A_72 = arith.constant 0 : i32
        %sign3A_73 = arith.cmpi slt, %jit3A, %sign3A_72 : i32
        %sign3A_74 = arith.extui %sign3A_73 : i1 to i32
        %sign3A_75 = arith.subi %sign3A_71, %sign3A_74 : i32
        %ne3A = arith.cmpi ne, %sign3A_68, %sign3A_75 : i32
        %rem3A = arith.remsi %scan3A_61, %jit3A : i32
        %ne3A_76 = arith.constant 0 : i32
        %ne3A_77 = arith.cmpi ne, %rem3A, %ne3A_76 : i32
        %and3A = arith.andi %ne3A, %ne3A_77 : i1
        %sub3A = arith.constant 1 : i32
        %sub3A_78 = arith.subi %div3A, %sub3A : i32
        %select_n3A = arith.select %and3A, %sub3A_78, %div3A : i32
        %jit3A_79 = arith.constant 1 : i32
        %eq3A_80 = arith.constant 0 : i32
        %eq3A_81 = arith.cmpi eq, %jit3A_79, %eq3A_80 : i32
        %jit3A_82 = arith.constant 1 : i32
        %select_n3A_83 = arith.select %eq3A_81, %jit3A_82, %jit3A_79 : i32
        %rem3A_84 = arith.remsi %scan3A_61, %select_n3A_83 : i32
        %ne3A_85 = arith.constant 0 : i32
        %ne3A_86 = arith.cmpi ne, %rem3A_84, %ne3A_85 : i32
        %lt3A = arith.constant 0 : i32
        %lt3A_87 = arith.cmpi slt, %rem3A_84, %lt3A : i32
        %lt3A_88 = arith.constant 0 : i32
        %lt3A_89 = arith.cmpi slt, %select_n3A_83, %lt3A_88 : i32
        %ne3A_90 = arith.xori %lt3A_87, %lt3A_89 : i1
        %and3A_91 = arith.andi %ne3A_90, %ne3A_86 : i1
        %add3A_92 = arith.addi %rem3A_84, %select_n3A_83 : i32
        %select_n3A_93 = arith.select %and3A_91, %add3A_92, %rem3A_84 : i32
        %mul3A_94 = arith.constant 16 : i32
        %mul3A_95 = arith.muli %select_n3A_93, %mul3A_94 : i32
        %swap3A = arith.index_cast %select_n3A : i32 to index
        %swap3A_96 = arith.index_cast %mul3A_95 : i32 to index
        %swap3A_97 = tpu.vector_load %arg11[%swap3A, %swap3A_96] {strides = array<i32>} : memref<16x16xf32, #tpu.memory_space<vmem>>, vector<16xf32>,
        tpu.vector_store %arg11[%swap3A, %swap3A_96], %broadcast_in_dim3A_43 {strides = array<i32>} : memref<16x16xf32, #tpu.memory_space<vmem>>, vector<16xf32>,
        %scan3A_98 = arith.constant 0 : i32
        scf.yield %scan3A_98 : i32
      }
      %scan3A_50 = arith.constant 16 : i32
      "tpu.region"() ({
        %run_scoped3A = tpu.sem_alloc : memref<!tpu.dma_semaphore, #tpu.memory_space<semaphore_mem>>
        %dma_start3A_61 = arith.constant 9984 : i32
        %dma_start3A_62 = tpu.memref_slice %arg3[%dma_start3A_61] : memref<10000xi32, #tpu.memory_space<hbm>> -> memref<16xi32, #tpu.memory_space<hbm>>
        %dma_start3A_63 = arith.constant 9984 : i32
        %dma_start3A_64 = tpu.memref_slice %arg3[%dma_start3A_63] : memref<10000xi32, #tpu.memory_space<hbm>> -> memref<16xi32, #tpu.memory_space<hbm>>
        tpu.enqueue_dma source(%dma_start3A_64 : memref<16xi32, #tpu.memory_space<hbm>>) target(%arg9 : memref<16xi32, #tpu.memory_space<vmem>>) target_semaphore(%run_scoped3A : memref<!tpu.dma_semaphore, #tpu.memory_space<semaphore_mem>>)
        %dma_wait3A_65 = arith.constant 9984 : i32
        %dma_wait3A_66 = tpu.memref_slice %arg3[%dma_wait3A_65] : memref<10000xi32, #tpu.memory_space<hbm>> -> memref<16xi32, #tpu.memory_space<hbm>>
        %dma_wait3A_67 = arith.constant 9984 : i32
        %dma_wait3A_68 = tpu.memref_slice %arg3[%dma_wait3A_67] : memref<10000xi32, #tpu.memory_space<hbm>> -> memref<16xi32, #tpu.memory_space<hbm>>
        tpu.wait_dma2 semaphore(%run_scoped3A : memref<!tpu.dma_semaphore, #tpu.memory_space<semaphore_mem>>) src(%dma_wait3A_68 : memref<16xi32, #tpu.memory_space<hbm>>) dst(%arg9 : memref<16xi32, #tpu.memory_space<vmem>>)
        tpu.yield
      }) : () -> ()
      %dma_start3A = arith.constant 9984 : i32
      %dma_start3A_51 = arith.constant 0 : i32
      %dma_start3A_52 = tpu.memref_slice %arg2[%dma_start3A, %dma_start3A_51] : memref<10000x128xf32, #tpu.memory_space<hbm>> -> memref<16x128xf32, #tpu.memory_space<hbm>>
      %dma_start3A_53 = arith.constant 9984 : i32
      %dma_start3A_54 = arith.constant 0 : i32
      %dma_start3A_55 = tpu.memref_slice %arg2[%dma_start3A_53, %dma_start3A_54] : memref<10000x128xf32, #tpu.memory_space<hbm>> -> memref<16x128xf32, #tpu.memory_space<hbm>>
      tpu.enqueue_dma source(%dma_start3A_55 : memref<16x128xf32, #tpu.memory_space<hbm>>) target(%arg10 : memref<16x128xf32, #tpu.memory_space<vmem>>) target_semaphore(%arg16 : memref<!tpu.dma_semaphore, #tpu.memory_space<semaphore_mem>>)
      %dma_wait3A = arith.constant 9984 : i32
      %dma_wait3A_56 = arith.constant 0 : i32
      %dma_wait3A_57 = tpu.memref_slice %arg2[%dma_wait3A, %dma_wait3A_56] : memref<10000x128xf32, #tpu.memory_space<hbm>> -> memref<16x128xf32, #tpu.memory_space<hbm>>
      %dma_wait3A_58 = arith.constant 9984 : i32
      %dma_wait3A_59 = arith.constant 0 : i32
      %dma_wait3A_60 = tpu.memref_slice %arg2[%dma_wait3A_58, %dma_wait3A_59] : memref<10000x128xf32, #tpu.memory_space<hbm>> -> memref<16x128xf32, #tpu.memory_space<hbm>>
      tpu.wait_dma2 semaphore(%arg16 : memref<!tpu.dma_semaphore, #tpu.memory_space<semaphore_mem>>) src(%dma_wait3A_60 : memref<16x128xf32, #tpu.memory_space<hbm>>) dst(%arg10 : memref<16x128xf32, #tpu.memory_space<vmem>>)
      "tpu.region"() ({
        %run_scoped3A = tpu.sem_alloc : memref<!tpu.dma_semaphore, #tpu.memory_space<semaphore_mem>>
        %dma_start3A_61 = arith.constant 0 : i32
        %dma_start3A_62 = arith.constant 0 : i32
        %dma_start3A_63 = tpu.memref_slice %arg14[%dma_start3A_61, %dma_start3A_62] : memref<640x128xf32, #tpu.memory_space<vmem_shared>> -> memref<640x128xf32, #tpu.memory_space<vmem_shared>>
        tpu.enqueue_indirect_dma source(%arg10 : memref<16x128xf32, #tpu.memory_space<vmem>>) target(%dma_start3A_63 : memref<640x128xf32, #tpu.memory_space<vmem_shared>>) offsets(%arg9 : memref<16xi32, #tpu.memory_space<vmem>>) semaphore(%run_scoped3A : memref<!tpu.dma_semaphore, #tpu.memory_space<semaphore_mem>>) {add = true}
        %dma_wait3A_64 = arith.constant 0 : i32
        %dma_wait3A_65 = arith.constant 0 : i32
        %dma_wait3A_66 = tpu.memref_slice %arg14[%dma_wait3A_64, %dma_wait3A_65] : memref<640x128xf32, #tpu.memory_space<vmem_shared>> -> memref<640x128xf32, #tpu.memory_space<vmem_shared>>
        tpu.wait_indirect_dma semaphore(%run_scoped3A : memref<!tpu.dma_semaphore, #tpu.memory_space<semaphore_mem>>) src(%arg10 : memref<16x128xf32, #tpu.memory_space<vmem>>) dst(%dma_wait3A_66 : memref<640x128xf32, #tpu.memory_space<vmem_shared>>)
        tpu.yield
      }) : () -> ()
      "tpu.region"() ({
        %run_scoped3A = tpu.sem_alloc : memref<!tpu.dma_semaphore, #tpu.memory_space<semaphore_mem>>
        %dma_start3A_61 = arith.constant 0 : i32
        %dma_start3A_62 = arith.constant 0 : i32
        %dma_start3A_63 = tpu.memref_slice %arg15[%dma_start3A_61, %dma_start3A_62] : memref<640x16xf32, #tpu.memory_space<vmem_shared>> -> memref<640x16xf32, #tpu.memory_space<vmem_shared>>
        tpu.enqueue_indirect_dma source(%arg11 : memref<16x16xf32, #tpu.memory_space<vmem>>) target(%dma_start3A_63 : memref<640x16xf32, #tpu.memory_space<vmem_shared>>) offsets(%arg9 : memref<16xi32, #tpu.memory_space<vmem>>) semaphore(%run_scoped3A : memref<!tpu.dma_semaphore, #tpu.memory_space<semaphore_mem>>) {add = true}
        %dma_wait3A_64 = arith.constant 0 : i32
        %dma_wait3A_65 = arith.constant 0 : i32
        %dma_wait3A_66 = tpu.memref_slice %arg15[%dma_wait3A_64, %dma_wait3A_65] : memref<640x16xf32, #tpu.memory_space<vmem_shared>> -> memref<640x16xf32, #tpu.memory_space<vmem_shared>>
        tpu.wait_indirect_dma semaphore(%run_scoped3A : memref<!tpu.dma_semaphore, #tpu.memory_space<semaphore_mem>>) src(%arg11 : memref<16x16xf32, #tpu.memory_space<vmem>>) dst(%dma_wait3A_66 : memref<640x16xf32, #tpu.memory_space<vmem_shared>>)
        tpu.yield
      }) : () -> ()
    } else {
    }
    %barrier3A_39 = arith.constant 0 : index
    tpu.barrier barrier_id(%barrier3A_39)
    %mul3A_40 = arith.constant 40 : i32
    %mul3A_41 = arith.muli %arg1, %mul3A_40 : i32
    "tpu.region"() ({
      %run_scoped3A = tpu.sem_alloc : memref<!tpu.dma_semaphore, #tpu.memory_space<semaphore_mem>>
      %dma_start3A = arith.constant 0 : i32
      %dma_start3A_42 = tpu.memref_slice %arg4[%arg0, %mul3A_41, %dma_start3A] : memref<2x640x128xf32, #tpu.memory_space<hbm>> -> memref<1x40x128xf32, #tpu.memory_space<hbm>>
      %dma_start3A_43 = tpu.memref_squeeze %dma_start3A_42 : memref<1x40x128xf32, #tpu.memory_space<hbm>> -> memref<40x128xf32, #tpu.memory_space<hbm>>
      %dma_start3A_44 = arith.constant 0 : i32
      %dma_start3A_45 = tpu.memref_slice %arg14[%mul3A_41, %dma_start3A_44] : memref<640x128xf32, #tpu.memory_space<vmem_shared>> -> memref<40x128xf32, #tpu.memory_space<vmem_shared>>
      tpu.enqueue_dma source(%dma_start3A_45 : memref<40x128xf32, #tpu.memory_space<vmem_shared>>) target(%dma_start3A_43 : memref<40x128xf32, #tpu.memory_space<hbm>>) target_semaphore(%run_scoped3A : memref<!tpu.dma_semaphore, #tpu.memory_space<semaphore_mem>>)
      %dma_wait3A = arith.constant 0 : i32
      %dma_wait3A_46 = tpu.memref_slice %arg4[%arg0, %mul3A_41, %dma_wait3A] : memref<2x640x128xf32, #tpu.memory_space<hbm>> -> memref<1x40x128xf32, #tpu.memory_space<hbm>>
      %dma_wait3A_47 = tpu.memref_squeeze %dma_wait3A_46 : memref<1x40x128xf32, #tpu.memory_space<hbm>> -> memref<40x128xf32, #tpu.memory_space<hbm>>
      %dma_wait3A_48 = arith.constant 0 : i32
      %dma_wait3A_49 = tpu.memref_slice %arg14[%mul3A_41, %dma_wait3A_48] : memref<640x128xf32, #tpu.memory_space<vmem_shared>> -> memref<40x128xf32, #tpu.memory_space<vmem_shared>>
      tpu.wait_dma2 semaphore(%run_scoped3A : memref<!tpu.dma_semaphore, #tpu.memory_space<semaphore_mem>>) src(%dma_wait3A_49 : memref<40x128xf32, #tpu.memory_space<vmem_shared>>) dst(%dma_wait3A_47 : memref<40x128xf32, #tpu.memory_space<hbm>>)
      tpu.yield
    }) : () -> ()
    "tpu.region"() ({
      %run_scoped3A = tpu.sem_alloc : memref<!tpu.dma_semaphore, #tpu.memory_space<semaphore_mem>>
      %dma_start3A = arith.constant 0 : i32
      %dma_start3A_42 = tpu.memref_slice %arg5[%arg0, %mul3A_41, %dma_start3A] : memref<2x640x16xf32, #tpu.memory_space<hbm>> -> memref<1x40x16xf32, #tpu.memory_space<hbm>>
      %dma_start3A_43 = tpu.memref_squeeze %dma_start3A_42 : memref<1x40x16xf32, #tpu.memory_space<hbm>> -> memref<40x16xf32, #tpu.memory_space<hbm>>
      %dma_start3A_44 = arith.constant 0 : i32
      %dma_start3A_45 = tpu.memref_slice %arg15[%mul3A_41, %dma_start3A_44] : memref<640x16xf32, #tpu.memory_space<vmem_shared>> -> memref<40x16xf32, #tpu.memory_space<vmem_shared>>
      tpu.enqueue_dma source(%dma_start3A_45 : memref<40x16xf32, #tpu.memory_space<vmem_shared>>) target(%dma_start3A_43 : memref<40x16xf32, #tpu.memory_space<hbm>>) target_semaphore(%run_scoped3A : memref<!tpu.dma_semaphore, #tpu.memory_space<semaphore_mem>>)
      %dma_wait3A = arith.constant 0 : i32
      %dma_wait3A_46 = tpu.memref_slice %arg5[%arg0, %mul3A_41, %dma_wait3A] : memref<2x640x16xf32, #tpu.memory_space<hbm>> -> memref<1x40x16xf32, #tpu.memory_space<hbm>>
      %dma_wait3A_47 = tpu.memref_squeeze %dma_wait3A_46 : memref<1x40x16xf32, #tpu.memory_space<hbm>> -> memref<40x16xf32, #tpu.memory_space<hbm>>
      %dma_wait3A_48 = arith.constant 0 : i32
      %dma_wait3A_49 = tpu.memref_slice %arg15[%mul3A_41, %dma_wait3A_48] : memref<640x16xf32, #tpu.memory_space<vmem_shared>> -> memref<40x16xf32, #tpu.memory_space<vmem_shared>>
      tpu.wait_dma2 semaphore(%run_scoped3A : memref<!tpu.dma_semaphore, #tpu.memory_space<semaphore_mem>>) src(%dma_wait3A_49 : memref<40x16xf32, #tpu.memory_space<vmem_shared>>) dst(%dma_wait3A_47 : memref<40x16xf32, #tpu.memory_space<hbm>>)
      tpu.yield
    }) : () -> ()
    return
  }
}

#map = affine_map<(d0, d1) -> (0, 0, 0)>
module attributes {stable_mosaic.version = 14 : i64} {
  func.func @_edge_sc_body(%arg0: i32, %arg1: i32, %arg2: memref<2x10000x64xf32, #tpu.memory_space<hbm>>, %arg3: memref<2x10000x64xf32, #tpu.memory_space<hbm>>, %arg4: memref<16x500x40xi32, #tpu.memory_space<hbm>>, %arg5: memref<16x500x40xi32, #tpu.memory_space<hbm>>, %arg6: memref<2x4x16xf32, #tpu.memory_space<hbm>>, %arg7: memref<2x10000x80xf32, #tpu.memory_space<hbm>>, %arg8: memref<500x40xi32, #tpu.memory_space<vmem>>, %arg9: memref<500x40xi32, #tpu.memory_space<vmem>>, %arg10: memref<40x64xf32, #tpu.memory_space<vmem>>, %arg11: memref<40x64xf32, #tpu.memory_space<vmem>>, %arg12: memref<40x80xf32, #tpu.memory_space<vmem>>, %arg13: memref<40x64xf32, #tpu.memory_space<vmem>>, %arg14: memref<40x64xf32, #tpu.memory_space<vmem>>, %arg15: memref<40x80xf32, #tpu.memory_space<vmem>>, %arg16: memref<40x64xf32, #tpu.memory_space<vmem>>, %arg17: memref<40x64xf32, #tpu.memory_space<vmem>>, %arg18: memref<40x80xf32, #tpu.memory_space<vmem>>, %arg19: memref<40x64xf32, #tpu.memory_space<vmem>>, %arg20: memref<40x64xf32, #tpu.memory_space<vmem>>, %arg21: memref<40x80xf32, #tpu.memory_space<vmem>>, %arg22: memref<4x16xf32, #tpu.memory_space<vmem>>, %arg23: memref<48x80xf32, #tpu.memory_space<vmem>>, %arg24: memref<10000x80xf32, #tpu.memory_space<vmem_shared>>, %arg25: memref<!tpu.dma_semaphore, #tpu.memory_space<semaphore_mem>>, %arg26: memref<!tpu.dma_semaphore, #tpu.memory_space<semaphore_mem>>, %arg27: memref<!tpu.dma_semaphore, #tpu.memory_space<semaphore_mem>>, %arg28: memref<!tpu.dma_semaphore, #tpu.memory_space<semaphore_mem>>, %arg29: memref<!tpu.dma_semaphore, #tpu.memory_space<semaphore_mem>>, %arg30: memref<!tpu.dma_semaphore, #tpu.memory_space<semaphore_mem>>, %arg31: memref<!tpu.dma_semaphore, #tpu.memory_space<semaphore_mem>>, %arg32: memref<!tpu.dma_semaphore, #tpu.memory_space<semaphore_mem>>) attributes {dimension_semantics = [#tpu.dimension_semantics<core_parallel>, #tpu.dimension_semantics<subcore_parallel>], iteration_bounds = array<i64: 2, 16>, scalar_prefetch = 0 : i64, scratch_operands = 25 : i64, tpu.core_type = #tpu.core_type<sc_vector_subcore>, window_params = [{transform_indices = #map}, {transform_indices = #map}, {transform_indices = #map}, {transform_indices = #map}, {transform_indices = #map}, {transform_indices = #map}]} {
    %iota3A = tpu.iota {dimensions = array<i32: 0>} : vector<16xi32>
    "tpu.region"() ({
      %run_scoped3A = tpu.sem_alloc : memref<!tpu.dma_semaphore, #tpu.memory_space<semaphore_mem>>
      %dma_start3A_203 = arith.constant 0 : i32
      %dma_start3A_204 = arith.constant 0 : i32
      %dma_start3A_205 = tpu.memref_slice %arg6[%arg0, %dma_start3A_203, %dma_start3A_204] : memref<2x4x16xf32, #tpu.memory_space<hbm>> -> memref<1x4x16xf32, #tpu.memory_space<hbm>>
      %dma_start3A_206 = tpu.memref_squeeze %dma_start3A_205 : memref<1x4x16xf32, #tpu.memory_space<hbm>> -> memref<4x16xf32, #tpu.memory_space<hbm>>
      %dma_start3A_207 = arith.constant 0 : i32
      %dma_start3A_208 = arith.constant 0 : i32
      %dma_start3A_209 = tpu.memref_slice %arg6[%arg0, %dma_start3A_207, %dma_start3A_208] : memref<2x4x16xf32, #tpu.memory_space<hbm>> -> memref<1x4x16xf32, #tpu.memory_space<hbm>>
      %dma_start3A_210 = tpu.memref_squeeze %dma_start3A_209 : memref<1x4x16xf32, #tpu.memory_space<hbm>> -> memref<4x16xf32, #tpu.memory_space<hbm>>
      tpu.enqueue_dma source(%dma_start3A_210 : memref<4x16xf32, #tpu.memory_space<hbm>>) target(%arg22 : memref<4x16xf32, #tpu.memory_space<vmem>>) target_semaphore(%run_scoped3A : memref<!tpu.dma_semaphore, #tpu.memory_space<semaphore_mem>>)
      %dma_wait3A_211 = arith.constant 0 : i32
      %dma_wait3A_212 = arith.constant 0 : i32
      %dma_wait3A_213 = tpu.memref_slice %arg6[%arg0, %dma_wait3A_211, %dma_wait3A_212] : memref<2x4x16xf32, #tpu.memory_space<hbm>> -> memref<1x4x16xf32, #tpu.memory_space<hbm>>
      %dma_wait3A_214 = tpu.memref_squeeze %dma_wait3A_213 : memref<1x4x16xf32, #tpu.memory_space<hbm>> -> memref<4x16xf32, #tpu.memory_space<hbm>>
      %dma_wait3A_215 = arith.constant 0 : i32
      %dma_wait3A_216 = arith.constant 0 : i32
      %dma_wait3A_217 = tpu.memref_slice %arg6[%arg0, %dma_wait3A_215, %dma_wait3A_216] : memref<2x4x16xf32, #tpu.memory_space<hbm>> -> memref<1x4x16xf32, #tpu.memory_space<hbm>>
      %dma_wait3A_218 = tpu.memref_squeeze %dma_wait3A_217 : memref<1x4x16xf32, #tpu.memory_space<hbm>> -> memref<4x16xf32, #tpu.memory_space<hbm>>
      tpu.wait_dma2 semaphore(%run_scoped3A : memref<!tpu.dma_semaphore, #tpu.memory_space<semaphore_mem>>) src(%dma_wait3A_218 : memref<4x16xf32, #tpu.memory_space<hbm>>) dst(%arg22 : memref<4x16xf32, #tpu.memory_space<vmem>>)
      tpu.yield
    }) : () -> ()
    "tpu.region"() ({
      %run_scoped3A = tpu.sem_alloc : memref<!tpu.dma_semaphore, #tpu.memory_space<semaphore_mem>>
      %dma_start3A_203 = arith.constant 0 : i32
      %dma_start3A_204 = arith.constant 0 : i32
      %dma_start3A_205 = tpu.memref_slice %arg4[%arg1, %dma_start3A_203, %dma_start3A_204] : memref<16x500x40xi32, #tpu.memory_space<hbm>> -> memref<1x500x40xi32, #tpu.memory_space<hbm>>
      %dma_start3A_206 = tpu.memref_squeeze %dma_start3A_205 : memref<1x500x40xi32, #tpu.memory_space<hbm>> -> memref<500x40xi32, #tpu.memory_space<hbm>>
      %dma_start3A_207 = arith.constant 0 : i32
      %dma_start3A_208 = arith.constant 0 : i32
      %dma_start3A_209 = tpu.memref_slice %arg4[%arg1, %dma_start3A_207, %dma_start3A_208] : memref<16x500x40xi32, #tpu.memory_space<hbm>> -> memref<1x500x40xi32, #tpu.memory_space<hbm>>
      %dma_start3A_210 = tpu.memref_squeeze %dma_start3A_209 : memref<1x500x40xi32, #tpu.memory_space<hbm>> -> memref<500x40xi32, #tpu.memory_space<hbm>>
      tpu.enqueue_dma source(%dma_start3A_210 : memref<500x40xi32, #tpu.memory_space<hbm>>) target(%arg8 : memref<500x40xi32, #tpu.memory_space<vmem>>) target_semaphore(%run_scoped3A : memref<!tpu.dma_semaphore, #tpu.memory_space<semaphore_mem>>)
      %dma_wait3A_211 = arith.constant 0 : i32
      %dma_wait3A_212 = arith.constant 0 : i32
      %dma_wait3A_213 = tpu.memref_slice %arg4[%arg1, %dma_wait3A_211, %dma_wait3A_212] : memref<16x500x40xi32, #tpu.memory_space<hbm>> -> memref<1x500x40xi32, #tpu.memory_space<hbm>>
      %dma_wait3A_214 = tpu.memref_squeeze %dma_wait3A_213 : memref<1x500x40xi32, #tpu.memory_space<hbm>> -> memref<500x40xi32, #tpu.memory_space<hbm>>
      %dma_wait3A_215 = arith.constant 0 : i32
      %dma_wait3A_216 = arith.constant 0 : i32
      %dma_wait3A_217 = tpu.memref_slice %arg4[%arg1, %dma_wait3A_215, %dma_wait3A_216] : memref<16x500x40xi32, #tpu.memory_space<hbm>> -> memref<1x500x40xi32, #tpu.memory_space<hbm>>
      %dma_wait3A_218 = tpu.memref_squeeze %dma_wait3A_217 : memref<1x500x40xi32, #tpu.memory_space<hbm>> -> memref<500x40xi32, #tpu.memory_space<hbm>>
      tpu.wait_dma2 semaphore(%run_scoped3A : memref<!tpu.dma_semaphore, #tpu.memory_space<semaphore_mem>>) src(%dma_wait3A_218 : memref<500x40xi32, #tpu.memory_space<hbm>>) dst(%arg8 : memref<500x40xi32, #tpu.memory_space<vmem>>)
      tpu.yield
    }) : () -> ()
    "tpu.region"() ({
      %run_scoped3A = tpu.sem_alloc : memref<!tpu.dma_semaphore, #tpu.memory_space<semaphore_mem>>
      %dma_start3A_203 = arith.constant 0 : i32
      %dma_start3A_204 = arith.constant 0 : i32
      %dma_start3A_205 = tpu.memref_slice %arg5[%arg1, %dma_start3A_203, %dma_start3A_204] : memref<16x500x40xi32, #tpu.memory_space<hbm>> -> memref<1x500x40xi32, #tpu.memory_space<hbm>>
      %dma_start3A_206 = tpu.memref_squeeze %dma_start3A_205 : memref<1x500x40xi32, #tpu.memory_space<hbm>> -> memref<500x40xi32, #tpu.memory_space<hbm>>
      %dma_start3A_207 = arith.constant 0 : i32
      %dma_start3A_208 = arith.constant 0 : i32
      %dma_start3A_209 = tpu.memref_slice %arg5[%arg1, %dma_start3A_207, %dma_start3A_208] : memref<16x500x40xi32, #tpu.memory_space<hbm>> -> memref<1x500x40xi32, #tpu.memory_space<hbm>>
      %dma_start3A_210 = tpu.memref_squeeze %dma_start3A_209 : memref<1x500x40xi32, #tpu.memory_space<hbm>> -> memref<500x40xi32, #tpu.memory_space<hbm>>
      tpu.enqueue_dma source(%dma_start3A_210 : memref<500x40xi32, #tpu.memory_space<hbm>>) target(%arg9 : memref<500x40xi32, #tpu.memory_space<vmem>>) target_semaphore(%run_scoped3A : memref<!tpu.dma_semaphore, #tpu.memory_space<semaphore_mem>>)
      %dma_wait3A_211 = arith.constant 0 : i32
      %dma_wait3A_212 = arith.constant 0 : i32
      %dma_wait3A_213 = tpu.memref_slice %arg5[%arg1, %dma_wait3A_211, %dma_wait3A_212] : memref<16x500x40xi32, #tpu.memory_space<hbm>> -> memref<1x500x40xi32, #tpu.memory_space<hbm>>
      %dma_wait3A_214 = tpu.memref_squeeze %dma_wait3A_213 : memref<1x500x40xi32, #tpu.memory_space<hbm>> -> memref<500x40xi32, #tpu.memory_space<hbm>>
      %dma_wait3A_215 = arith.constant 0 : i32
      %dma_wait3A_216 = arith.constant 0 : i32
      %dma_wait3A_217 = tpu.memref_slice %arg5[%arg1, %dma_wait3A_215, %dma_wait3A_216] : memref<16x500x40xi32, #tpu.memory_space<hbm>> -> memref<1x500x40xi32, #tpu.memory_space<hbm>>
      %dma_wait3A_218 = tpu.memref_squeeze %dma_wait3A_217 : memref<1x500x40xi32, #tpu.memory_space<hbm>> -> memref<500x40xi32, #tpu.memory_space<hbm>>
      tpu.wait_dma2 semaphore(%run_scoped3A : memref<!tpu.dma_semaphore, #tpu.memory_space<semaphore_mem>>) src(%dma_wait3A_218 : memref<500x40xi32, #tpu.memory_space<hbm>>) dst(%arg9 : memref<500x40xi32, #tpu.memory_space<vmem>>)
      tpu.yield
    }) : () -> ()
    %broadcast_in_dim3A = arith.constant 0.000000e+00 : f32
    %broadcast_in_dim3A_0 = vector.broadcast %broadcast_in_dim3A : f32 to vector<16xf32>
    %scan3A = arith.constant 0 : i32
    %scan3A_1 = arith.constant 0 : i32
    %scan3A_2 = arith.constant 240 : i32
    %scan3A_3 = arith.addi %scan3A_1, %scan3A_2 : i32
    %scan3A_4 = arith.constant 1 : i32
    %scan3A_5 = scf.for %scan3A_203 = %scan3A_1 to %scan3A_3 step %scan3A_4 iter_args(%scan3A_204 = %scan3A) -> (i32)  : i32 {
      %jit3A = arith.constant 5 : i32
      %div3A = arith.divsi %scan3A_203, %jit3A : i32
      %sign3A = arith.constant 0 : i32
      %sign3A_205 = arith.cmpi sgt, %scan3A_203, %sign3A : i32
      %sign3A_206 = arith.extui %sign3A_205 : i1 to i32
      %sign3A_207 = arith.constant 0 : i32
      %sign3A_208 = arith.cmpi slt, %scan3A_203, %sign3A_207 : i32
      %sign3A_209 = arith.extui %sign3A_208 : i1 to i32
      %sign3A_210 = arith.subi %sign3A_206, %sign3A_209 : i32
      %sign3A_211 = arith.constant 0 : i32
      %sign3A_212 = arith.cmpi sgt, %jit3A, %sign3A_211 : i32
      %sign3A_213 = arith.extui %sign3A_212 : i1 to i32
      %sign3A_214 = arith.constant 0 : i32
      %sign3A_215 = arith.cmpi slt, %jit3A, %sign3A_214 : i32
      %sign3A_216 = arith.extui %sign3A_215 : i1 to i32
      %sign3A_217 = arith.subi %sign3A_213, %sign3A_216 : i32
      %ne3A = arith.cmpi ne, %sign3A_210, %sign3A_217 : i32
      %rem3A = arith.remsi %scan3A_203, %jit3A : i32
      %ne3A_218 = arith.constant 0 : i32
      %ne3A_219 = arith.cmpi ne, %rem3A, %ne3A_218 : i32
      %and3A = arith.andi %ne3A, %ne3A_219 : i1
      %sub3A = arith.constant 1 : i32
      %sub3A_220 = arith.subi %div3A, %sub3A : i32
      %select_n3A = arith.select %and3A, %sub3A_220, %div3A : i32
      %jit3A_221 = arith.constant 5 : i32
      %eq3A_222 = arith.constant 0 : i32
      %eq3A_223 = arith.cmpi eq, %jit3A_221, %eq3A_222 : i32
      %jit3A_224 = arith.constant 1 : i32
      %select_n3A_225 = arith.select %eq3A_223, %jit3A_224, %jit3A_221 : i32
      %rem3A_226 = arith.remsi %scan3A_203, %select_n3A_225 : i32
      %ne3A_227 = arith.constant 0 : i32
      %ne3A_228 = arith.cmpi ne, %rem3A_226, %ne3A_227 : i32
      %lt3A = arith.constant 0 : i32
      %lt3A_229 = arith.cmpi slt, %rem3A_226, %lt3A : i32
      %lt3A_230 = arith.constant 0 : i32
      %lt3A_231 = arith.cmpi slt, %select_n3A_225, %lt3A_230 : i32
      %ne3A_232 = arith.xori %lt3A_229, %lt3A_231 : i1
      %and3A_233 = arith.andi %ne3A_232, %ne3A_228 : i1
      %add3A_234 = arith.addi %rem3A_226, %select_n3A_225 : i32
      %select_n3A_235 = arith.select %and3A_233, %add3A_234, %rem3A_226 : i32
      %mul3A_236 = arith.constant 16 : i32
      %mul3A_237 = arith.muli %select_n3A_235, %mul3A_236 : i32
      %swap3A = arith.index_cast %select_n3A : i32 to index
      %swap3A_238 = arith.index_cast %mul3A_237 : i32 to index
      %swap3A_239 = tpu.vector_load %arg23[%swap3A, %swap3A_238] {strides = array<i32>} : memref<48x80xf32, #tpu.memory_space<vmem>>, vector<16xf32>,
      tpu.vector_store %arg23[%swap3A, %swap3A_238], %broadcast_in_dim3A_0 {strides = array<i32>} : memref<48x80xf32, #tpu.memory_space<vmem>>, vector<16xf32>,
      %scan3A_240 = arith.constant 0 : i32
      scf.yield %scan3A_240 : i32
    }
    %scan3A_6 = arith.constant 240 : i32
    %mul3A = arith.constant 624 : i32
    %mul3A_7 = arith.muli %arg1, %mul3A : i32
    %add3A = arith.constant 0 : i32
    %add3A_8 = arith.addi %mul3A_7, %add3A : i32
    "tpu.region"() ({
      %run_scoped3A = tpu.sem_alloc : memref<!tpu.dma_semaphore, #tpu.memory_space<semaphore_mem>>
      %dma_start3A_203 = arith.constant 0 : i32
      %dma_start3A_204 = tpu.memref_slice %arg24[%add3A_8, %dma_start3A_203] : memref<10000x80xf32, #tpu.memory_space<vmem_shared>> -> memref<48x80xf32, #tpu.memory_space<vmem_shared>>
      %dma_start3A_205 = arith.constant 0 : i32
      %dma_start3A_206 = tpu.memref_slice %arg24[%add3A_8, %dma_start3A_205] : memref<10000x80xf32, #tpu.memory_space<vmem_shared>> -> memref<48x80xf32, #tpu.memory_space<vmem_shared>>
      tpu.enqueue_dma source(%arg23 : memref<48x80xf32, #tpu.memory_space<vmem>>) target(%dma_start3A_206 : memref<48x80xf32, #tpu.memory_space<vmem_shared>>) target_semaphore(%run_scoped3A : memref<!tpu.dma_semaphore, #tpu.memory_space<semaphore_mem>>)
      %dma_wait3A_207 = arith.constant 0 : i32
      %dma_wait3A_208 = tpu.memref_slice %arg24[%add3A_8, %dma_wait3A_207] : memref<10000x80xf32, #tpu.memory_space<vmem_shared>> -> memref<48x80xf32, #tpu.memory_space<vmem_shared>>
      %dma_wait3A_209 = arith.constant 0 : i32
      %dma_wait3A_210 = tpu.memref_slice %arg24[%add3A_8, %dma_wait3A_209] : memref<10000x80xf32, #tpu.memory_space<vmem_shared>> -> memref<48x80xf32, #tpu.memory_space<vmem_shared>>
      tpu.wait_dma2 semaphore(%run_scoped3A : memref<!tpu.dma_semaphore, #tpu.memory_space<semaphore_mem>>) src(%arg23 : memref<48x80xf32, #tpu.memory_space<vmem>>) dst(%dma_wait3A_210 : memref<48x80xf32, #tpu.memory_space<vmem_shared>>)
      tpu.yield
    }) : () -> ()
    %mul3A_9 = arith.constant 624 : i32
    %mul3A_10 = arith.muli %arg1, %mul3A_9 : i32
    %add3A_11 = arith.constant 48 : i32
    %add3A_12 = arith.addi %mul3A_10, %add3A_11 : i32
    "tpu.region"() ({
      %run_scoped3A = tpu.sem_alloc : memref<!tpu.dma_semaphore, #tpu.memory_space<semaphore_mem>>
      %dma_start3A_203 = arith.constant 0 : i32
      %dma_start3A_204 = tpu.memref_slice %arg24[%add3A_12, %dma_start3A_203] : memref<10000x80xf32, #tpu.memory_space<vmem_shared>> -> memref<48x80xf32, #tpu.memory_space<vmem_shared>>
      %dma_start3A_205 = arith.constant 0 : i32
      %dma_start3A_206 = tpu.memref_slice %arg24[%add3A_12, %dma_start3A_205] : memref<10000x80xf32, #tpu.memory_space<vmem_shared>> -> memref<48x80xf32, #tpu.memory_space<vmem_shared>>
      tpu.enqueue_dma source(%arg23 : memref<48x80xf32, #tpu.memory_space<vmem>>) target(%dma_start3A_206 : memref<48x80xf32, #tpu.memory_space<vmem_shared>>) target_semaphore(%run_scoped3A : memref<!tpu.dma_semaphore, #tpu.memory_space<semaphore_mem>>)
      %dma_wait3A_207 = arith.constant 0 : i32
      %dma_wait3A_208 = tpu.memref_slice %arg24[%add3A_12, %dma_wait3A_207] : memref<10000x80xf32, #tpu.memory_space<vmem_shared>> -> memref<48x80xf32, #tpu.memory_space<vmem_shared>>
      %dma_wait3A_209 = arith.constant 0 : i32
      %dma_wait3A_210 = tpu.memref_slice %arg24[%add3A_12, %dma_wait3A_209] : memref<10000x80xf32, #tpu.memory_space<vmem_shared>> -> memref<48x80xf32, #tpu.memory_space<vmem_shared>>
      tpu.wait_dma2 semaphore(%run_scoped3A : memref<!tpu.dma_semaphore, #tpu.memory_space<semaphore_mem>>) src(%arg23 : memref<48x80xf32, #tpu.memory_space<vmem>>) dst(%dma_wait3A_210 : memref<48x80xf32, #tpu.memory_space<vmem_shared>>)
      tpu.yield
    }) : () -> ()
    %mul3A_13 = arith.constant 624 : i32
    %mul3A_14 = arith.muli %arg1, %mul3A_13 : i32
    %add3A_15 = arith.constant 96 : i32
    %add3A_16 = arith.addi %mul3A_14, %add3A_15 : i32
    "tpu.region"() ({
      %run_scoped3A = tpu.sem_alloc : memref<!tpu.dma_semaphore, #tpu.memory_space<semaphore_mem>>
      %dma_start3A_203 = arith.constant 0 : i32
      %dma_start3A_204 = tpu.memref_slice %arg24[%add3A_16, %dma_start3A_203] : memref<10000x80xf32, #tpu.memory_space<vmem_shared>> -> memref<48x80xf32, #tpu.memory_space<vmem_shared>>
      %dma_start3A_205 = arith.constant 0 : i32
      %dma_start3A_206 = tpu.memref_slice %arg24[%add3A_16, %dma_start3A_205] : memref<10000x80xf32, #tpu.memory_space<vmem_shared>> -> memref<48x80xf32, #tpu.memory_space<vmem_shared>>
      tpu.enqueue_dma source(%arg23 : memref<48x80xf32, #tpu.memory_space<vmem>>) target(%dma_start3A_206 : memref<48x80xf32, #tpu.memory_space<vmem_shared>>) target_semaphore(%run_scoped3A : memref<!tpu.dma_semaphore, #tpu.memory_space<semaphore_mem>>)
      %dma_wait3A_207 = arith.constant 0 : i32
      %dma_wait3A_208 = tpu.memref_slice %arg24[%add3A_16, %dma_wait3A_207] : memref<10000x80xf32, #tpu.memory_space<vmem_shared>> -> memref<48x80xf32, #tpu.memory_space<vmem_shared>>
      %dma_wait3A_209 = arith.constant 0 : i32
      %dma_wait3A_210 = tpu.memref_slice %arg24[%add3A_16, %dma_wait3A_209] : memref<10000x80xf32, #tpu.memory_space<vmem_shared>> -> memref<48x80xf32, #tpu.memory_space<vmem_shared>>
      tpu.wait_dma2 semaphore(%run_scoped3A : memref<!tpu.dma_semaphore, #tpu.memory_space<semaphore_mem>>) src(%arg23 : memref<48x80xf32, #tpu.memory_space<vmem>>) dst(%dma_wait3A_210 : memref<48x80xf32, #tpu.memory_space<vmem_shared>>)
      tpu.yield
    }) : () -> ()
    %mul3A_17 = arith.constant 624 : i32
    %mul3A_18 = arith.muli %arg1, %mul3A_17 : i32
    %add3A_19 = arith.constant 144 : i32
    %add3A_20 = arith.addi %mul3A_18, %add3A_19 : i32
    "tpu.region"() ({
      %run_scoped3A = tpu.sem_alloc : memref<!tpu.dma_semaphore, #tpu.memory_space<semaphore_mem>>
      %dma_start3A_203 = arith.constant 0 : i32
      %dma_start3A_204 = tpu.memref_slice %arg24[%add3A_20, %dma_start3A_203] : memref<10000x80xf32, #tpu.memory_space<vmem_shared>> -> memref<48x80xf32, #tpu.memory_space<vmem_shared>>
      %dma_start3A_205 = arith.constant 0 : i32
      %dma_start3A_206 = tpu.memref_slice %arg24[%add3A_20, %dma_start3A_205] : memref<10000x80xf32, #tpu.memory_space<vmem_shared>> -> memref<48x80xf32, #tpu.memory_space<vmem_shared>>
      tpu.enqueue_dma source(%arg23 : memref<48x80xf32, #tpu.memory_space<vmem>>) target(%dma_start3A_206 : memref<48x80xf32, #tpu.memory_space<vmem_shared>>) target_semaphore(%run_scoped3A : memref<!tpu.dma_semaphore, #tpu.memory_space<semaphore_mem>>)
      %dma_wait3A_207 = arith.constant 0 : i32
      %dma_wait3A_208 = tpu.memref_slice %arg24[%add3A_20, %dma_wait3A_207] : memref<10000x80xf32, #tpu.memory_space<vmem_shared>> -> memref<48x80xf32, #tpu.memory_space<vmem_shared>>
      %dma_wait3A_209 = arith.constant 0 : i32
      %dma_wait3A_210 = tpu.memref_slice %arg24[%add3A_20, %dma_wait3A_209] : memref<10000x80xf32, #tpu.memory_space<vmem_shared>> -> memref<48x80xf32, #tpu.memory_space<vmem_shared>>
      tpu.wait_dma2 semaphore(%run_scoped3A : memref<!tpu.dma_semaphore, #tpu.memory_space<semaphore_mem>>) src(%arg23 : memref<48x80xf32, #tpu.memory_space<vmem>>) dst(%dma_wait3A_210 : memref<48x80xf32, #tpu.memory_space<vmem_shared>>)
      tpu.yield
    }) : () -> ()
    %mul3A_21 = arith.constant 624 : i32
    %mul3A_22 = arith.muli %arg1, %mul3A_21 : i32
    %add3A_23 = arith.constant 192 : i32
    %add3A_24 = arith.addi %mul3A_22, %add3A_23 : i32
    "tpu.region"() ({
      %run_scoped3A = tpu.sem_alloc : memref<!tpu.dma_semaphore, #tpu.memory_space<semaphore_mem>>
      %dma_start3A_203 = arith.constant 0 : i32
      %dma_start3A_204 = tpu.memref_slice %arg24[%add3A_24, %dma_start3A_203] : memref<10000x80xf32, #tpu.memory_space<vmem_shared>> -> memref<48x80xf32, #tpu.memory_space<vmem_shared>>
      %dma_start3A_205 = arith.constant 0 : i32
      %dma_start3A_206 = tpu.memref_slice %arg24[%add3A_24, %dma_start3A_205] : memref<10000x80xf32, #tpu.memory_space<vmem_shared>> -> memref<48x80xf32, #tpu.memory_space<vmem_shared>>
      tpu.enqueue_dma source(%arg23 : memref<48x80xf32, #tpu.memory_space<vmem>>) target(%dma_start3A_206 : memref<48x80xf32, #tpu.memory_space<vmem_shared>>) target_semaphore(%run_scoped3A : memref<!tpu.dma_semaphore, #tpu.memory_space<semaphore_mem>>)
      %dma_wait3A_207 = arith.constant 0 : i32
      %dma_wait3A_208 = tpu.memref_slice %arg24[%add3A_24, %dma_wait3A_207] : memref<10000x80xf32, #tpu.memory_space<vmem_shared>> -> memref<48x80xf32, #tpu.memory_space<vmem_shared>>
      %dma_wait3A_209 = arith.constant 0 : i32
      %dma_wait3A_210 = tpu.memref_slice %arg24[%add3A_24, %dma_wait3A_209] : memref<10000x80xf32, #tpu.memory_space<vmem_shared>> -> memref<48x80xf32, #tpu.memory_space<vmem_shared>>
      tpu.wait_dma2 semaphore(%run_scoped3A : memref<!tpu.dma_semaphore, #tpu.memory_space<semaphore_mem>>) src(%arg23 : memref<48x80xf32, #tpu.memory_space<vmem>>) dst(%dma_wait3A_210 : memref<48x80xf32, #tpu.memory_space<vmem_shared>>)
      tpu.yield
    }) : () -> ()
    %mul3A_25 = arith.constant 624 : i32
    %mul3A_26 = arith.muli %arg1, %mul3A_25 : i32
    %add3A_27 = arith.constant 240 : i32
    %add3A_28 = arith.addi %mul3A_26, %add3A_27 : i32
    "tpu.region"() ({
      %run_scoped3A = tpu.sem_alloc : memref<!tpu.dma_semaphore, #tpu.memory_space<semaphore_mem>>
      %dma_start3A_203 = arith.constant 0 : i32
      %dma_start3A_204 = tpu.memref_slice %arg24[%add3A_28, %dma_start3A_203] : memref<10000x80xf32, #tpu.memory_space<vmem_shared>> -> memref<48x80xf32, #tpu.memory_space<vmem_shared>>
      %dma_start3A_205 = arith.constant 0 : i32
      %dma_start3A_206 = tpu.memref_slice %arg24[%add3A_28, %dma_start3A_205] : memref<10000x80xf32, #tpu.memory_space<vmem_shared>> -> memref<48x80xf32, #tpu.memory_space<vmem_shared>>
      tpu.enqueue_dma source(%arg23 : memref<48x80xf32, #tpu.memory_space<vmem>>) target(%dma_start3A_206 : memref<48x80xf32, #tpu.memory_space<vmem_shared>>) target_semaphore(%run_scoped3A : memref<!tpu.dma_semaphore, #tpu.memory_space<semaphore_mem>>)
      %dma_wait3A_207 = arith.constant 0 : i32
      %dma_wait3A_208 = tpu.memref_slice %arg24[%add3A_28, %dma_wait3A_207] : memref<10000x80xf32, #tpu.memory_space<vmem_shared>> -> memref<48x80xf32, #tpu.memory_space<vmem_shared>>
      %dma_wait3A_209 = arith.constant 0 : i32
      %dma_wait3A_210 = tpu.memref_slice %arg24[%add3A_28, %dma_wait3A_209] : memref<10000x80xf32, #tpu.memory_space<vmem_shared>> -> memref<48x80xf32, #tpu.memory_space<vmem_shared>>
      tpu.wait_dma2 semaphore(%run_scoped3A : memref<!tpu.dma_semaphore, #tpu.memory_space<semaphore_mem>>) src(%arg23 : memref<48x80xf32, #tpu.memory_space<vmem>>) dst(%dma_wait3A_210 : memref<48x80xf32, #tpu.memory_space<vmem_shared>>)
      tpu.yield
    }) : () -> ()
    %mul3A_29 = arith.constant 624 : i32
    %mul3A_30 = arith.muli %arg1, %mul3A_29 : i32
    %add3A_31 = arith.constant 288 : i32
    %add3A_32 = arith.addi %mul3A_30, %add3A_31 : i32
    "tpu.region"() ({
      %run_scoped3A = tpu.sem_alloc : memref<!tpu.dma_semaphore, #tpu.memory_space<semaphore_mem>>
      %dma_start3A_203 = arith.constant 0 : i32
      %dma_start3A_204 = tpu.memref_slice %arg24[%add3A_32, %dma_start3A_203] : memref<10000x80xf32, #tpu.memory_space<vmem_shared>> -> memref<48x80xf32, #tpu.memory_space<vmem_shared>>
      %dma_start3A_205 = arith.constant 0 : i32
      %dma_start3A_206 = tpu.memref_slice %arg24[%add3A_32, %dma_start3A_205] : memref<10000x80xf32, #tpu.memory_space<vmem_shared>> -> memref<48x80xf32, #tpu.memory_space<vmem_shared>>
      tpu.enqueue_dma source(%arg23 : memref<48x80xf32, #tpu.memory_space<vmem>>) target(%dma_start3A_206 : memref<48x80xf32, #tpu.memory_space<vmem_shared>>) target_semaphore(%run_scoped3A : memref<!tpu.dma_semaphore, #tpu.memory_space<semaphore_mem>>)
      %dma_wait3A_207 = arith.constant 0 : i32
      %dma_wait3A_208 = tpu.memref_slice %arg24[%add3A_32, %dma_wait3A_207] : memref<10000x80xf32, #tpu.memory_space<vmem_shared>> -> memref<48x80xf32, #tpu.memory_space<vmem_shared>>
      %dma_wait3A_209 = arith.constant 0 : i32
      %dma_wait3A_210 = tpu.memref_slice %arg24[%add3A_32, %dma_wait3A_209] : memref<10000x80xf32, #tpu.memory_space<vmem_shared>> -> memref<48x80xf32, #tpu.memory_space<vmem_shared>>
      tpu.wait_dma2 semaphore(%run_scoped3A : memref<!tpu.dma_semaphore, #tpu.memory_space<semaphore_mem>>) src(%arg23 : memref<48x80xf32, #tpu.memory_space<vmem>>) dst(%dma_wait3A_210 : memref<48x80xf32, #tpu.memory_space<vmem_shared>>)
      tpu.yield
    }) : () -> ()
    %mul3A_33 = arith.constant 624 : i32
    %mul3A_34 = arith.muli %arg1, %mul3A_33 : i32
    %add3A_35 = arith.constant 336 : i32
    %add3A_36 = arith.addi %mul3A_34, %add3A_35 : i32
    "tpu.region"() ({
      %run_scoped3A = tpu.sem_alloc : memref<!tpu.dma_semaphore, #tpu.memory_space<semaphore_mem>>
      %dma_start3A_203 = arith.constant 0 : i32
      %dma_start3A_204 = tpu.memref_slice %arg24[%add3A_36, %dma_start3A_203] : memref<10000x80xf32, #tpu.memory_space<vmem_shared>> -> memref<48x80xf32, #tpu.memory_space<vmem_shared>>
      %dma_start3A_205 = arith.constant 0 : i32
      %dma_start3A_206 = tpu.memref_slice %arg24[%add3A_36, %dma_start3A_205] : memref<10000x80xf32, #tpu.memory_space<vmem_shared>> -> memref<48x80xf32, #tpu.memory_space<vmem_shared>>
      tpu.enqueue_dma source(%arg23 : memref<48x80xf32, #tpu.memory_space<vmem>>) target(%dma_start3A_206 : memref<48x80xf32, #tpu.memory_space<vmem_shared>>) target_semaphore(%run_scoped3A : memref<!tpu.dma_semaphore, #tpu.memory_space<semaphore_mem>>)
      %dma_wait3A_207 = arith.constant 0 : i32
      %dma_wait3A_208 = tpu.memref_slice %arg24[%add3A_36, %dma_wait3A_207] : memref<10000x80xf32, #tpu.memory_space<vmem_shared>> -> memref<48x80xf32, #tpu.memory_space<vmem_shared>>
      %dma_wait3A_209 = arith.constant 0 : i32
      %dma_wait3A_210 = tpu.memref_slice %arg24[%add3A_36, %dma_wait3A_209] : memref<10000x80xf32, #tpu.memory_space<vmem_shared>> -> memref<48x80xf32, #tpu.memory_space<vmem_shared>>
      tpu.wait_dma2 semaphore(%run_scoped3A : memref<!tpu.dma_semaphore, #tpu.memory_space<semaphore_mem>>) src(%arg23 : memref<48x80xf32, #tpu.memory_space<vmem>>) dst(%dma_wait3A_210 : memref<48x80xf32, #tpu.memory_space<vmem_shared>>)
      tpu.yield
    }) : () -> ()
    %mul3A_37 = arith.constant 624 : i32
    %mul3A_38 = arith.muli %arg1, %mul3A_37 : i32
    %add3A_39 = arith.constant 384 : i32
    %add3A_40 = arith.addi %mul3A_38, %add3A_39 : i32
    "tpu.region"() ({
      %run_scoped3A = tpu.sem_alloc : memref<!tpu.dma_semaphore, #tpu.memory_space<semaphore_mem>>
      %dma_start3A_203 = arith.constant 0 : i32
      %dma_start3A_204 = tpu.memref_slice %arg24[%add3A_40, %dma_start3A_203] : memref<10000x80xf32, #tpu.memory_space<vmem_shared>> -> memref<48x80xf32, #tpu.memory_space<vmem_shared>>
      %dma_start3A_205 = arith.constant 0 : i32
      %dma_start3A_206 = tpu.memref_slice %arg24[%add3A_40, %dma_start3A_205] : memref<10000x80xf32, #tpu.memory_space<vmem_shared>> -> memref<48x80xf32, #tpu.memory_space<vmem_shared>>
      tpu.enqueue_dma source(%arg23 : memref<48x80xf32, #tpu.memory_space<vmem>>) target(%dma_start3A_206 : memref<48x80xf32, #tpu.memory_space<vmem_shared>>) target_semaphore(%run_scoped3A : memref<!tpu.dma_semaphore, #tpu.memory_space<semaphore_mem>>)
      %dma_wait3A_207 = arith.constant 0 : i32
      %dma_wait3A_208 = tpu.memref_slice %arg24[%add3A_40, %dma_wait3A_207] : memref<10000x80xf32, #tpu.memory_space<vmem_shared>> -> memref<48x80xf32, #tpu.memory_space<vmem_shared>>
      %dma_wait3A_209 = arith.constant 0 : i32
      %dma_wait3A_210 = tpu.memref_slice %arg24[%add3A_40, %dma_wait3A_209] : memref<10000x80xf32, #tpu.memory_space<vmem_shared>> -> memref<48x80xf32, #tpu.memory_space<vmem_shared>>
      tpu.wait_dma2 semaphore(%run_scoped3A : memref<!tpu.dma_semaphore, #tpu.memory_space<semaphore_mem>>) src(%arg23 : memref<48x80xf32, #tpu.memory_space<vmem>>) dst(%dma_wait3A_210 : memref<48x80xf32, #tpu.memory_space<vmem_shared>>)
      tpu.yield
    }) : () -> ()
    %mul3A_41 = arith.constant 624 : i32
    %mul3A_42 = arith.muli %arg1, %mul3A_41 : i32
    %add3A_43 = arith.constant 432 : i32
    %add3A_44 = arith.addi %mul3A_42, %add3A_43 : i32
    "tpu.region"() ({
      %run_scoped3A = tpu.sem_alloc : memref<!tpu.dma_semaphore, #tpu.memory_space<semaphore_mem>>
      %dma_start3A_203 = arith.constant 0 : i32
      %dma_start3A_204 = tpu.memref_slice %arg24[%add3A_44, %dma_start3A_203] : memref<10000x80xf32, #tpu.memory_space<vmem_shared>> -> memref<48x80xf32, #tpu.memory_space<vmem_shared>>
      %dma_start3A_205 = arith.constant 0 : i32
      %dma_start3A_206 = tpu.memref_slice %arg24[%add3A_44, %dma_start3A_205] : memref<10000x80xf32, #tpu.memory_space<vmem_shared>> -> memref<48x80xf32, #tpu.memory_space<vmem_shared>>
      tpu.enqueue_dma source(%arg23 : memref<48x80xf32, #tpu.memory_space<vmem>>) target(%dma_start3A_206 : memref<48x80xf32, #tpu.memory_space<vmem_shared>>) target_semaphore(%run_scoped3A : memref<!tpu.dma_semaphore, #tpu.memory_space<semaphore_mem>>)
      %dma_wait3A_207 = arith.constant 0 : i32
      %dma_wait3A_208 = tpu.memref_slice %arg24[%add3A_44, %dma_wait3A_207] : memref<10000x80xf32, #tpu.memory_space<vmem_shared>> -> memref<48x80xf32, #tpu.memory_space<vmem_shared>>
      %dma_wait3A_209 = arith.constant 0 : i32
      %dma_wait3A_210 = tpu.memref_slice %arg24[%add3A_44, %dma_wait3A_209] : memref<10000x80xf32, #tpu.memory_space<vmem_shared>> -> memref<48x80xf32, #tpu.memory_space<vmem_shared>>
      tpu.wait_dma2 semaphore(%run_scoped3A : memref<!tpu.dma_semaphore, #tpu.memory_space<semaphore_mem>>) src(%arg23 : memref<48x80xf32, #tpu.memory_space<vmem>>) dst(%dma_wait3A_210 : memref<48x80xf32, #tpu.memory_space<vmem_shared>>)
      tpu.yield
    }) : () -> ()
    %mul3A_45 = arith.constant 624 : i32
    %mul3A_46 = arith.muli %arg1, %mul3A_45 : i32
    %add3A_47 = arith.constant 480 : i32
    %add3A_48 = arith.addi %mul3A_46, %add3A_47 : i32
    "tpu.region"() ({
      %run_scoped3A = tpu.sem_alloc : memref<!tpu.dma_semaphore, #tpu.memory_space<semaphore_mem>>
      %dma_start3A_203 = arith.constant 0 : i32
      %dma_start3A_204 = tpu.memref_slice %arg24[%add3A_48, %dma_start3A_203] : memref<10000x80xf32, #tpu.memory_space<vmem_shared>> -> memref<48x80xf32, #tpu.memory_space<vmem_shared>>
      %dma_start3A_205 = arith.constant 0 : i32
      %dma_start3A_206 = tpu.memref_slice %arg24[%add3A_48, %dma_start3A_205] : memref<10000x80xf32, #tpu.memory_space<vmem_shared>> -> memref<48x80xf32, #tpu.memory_space<vmem_shared>>
      tpu.enqueue_dma source(%arg23 : memref<48x80xf32, #tpu.memory_space<vmem>>) target(%dma_start3A_206 : memref<48x80xf32, #tpu.memory_space<vmem_shared>>) target_semaphore(%run_scoped3A : memref<!tpu.dma_semaphore, #tpu.memory_space<semaphore_mem>>)
      %dma_wait3A_207 = arith.constant 0 : i32
      %dma_wait3A_208 = tpu.memref_slice %arg24[%add3A_48, %dma_wait3A_207] : memref<10000x80xf32, #tpu.memory_space<vmem_shared>> -> memref<48x80xf32, #tpu.memory_space<vmem_shared>>
      %dma_wait3A_209 = arith.constant 0 : i32
      %dma_wait3A_210 = tpu.memref_slice %arg24[%add3A_48, %dma_wait3A_209] : memref<10000x80xf32, #tpu.memory_space<vmem_shared>> -> memref<48x80xf32, #tpu.memory_space<vmem_shared>>
      tpu.wait_dma2 semaphore(%run_scoped3A : memref<!tpu.dma_semaphore, #tpu.memory_space<semaphore_mem>>) src(%arg23 : memref<48x80xf32, #tpu.memory_space<vmem>>) dst(%dma_wait3A_210 : memref<48x80xf32, #tpu.memory_space<vmem_shared>>)
      tpu.yield
    }) : () -> ()
    %mul3A_49 = arith.constant 624 : i32
    %mul3A_50 = arith.muli %arg1, %mul3A_49 : i32
    %add3A_51 = arith.constant 528 : i32
    %add3A_52 = arith.addi %mul3A_50, %add3A_51 : i32
    "tpu.region"() ({
      %run_scoped3A = tpu.sem_alloc : memref<!tpu.dma_semaphore, #tpu.memory_space<semaphore_mem>>
      %dma_start3A_203 = arith.constant 0 : i32
      %dma_start3A_204 = tpu.memref_slice %arg24[%add3A_52, %dma_start3A_203] : memref<10000x80xf32, #tpu.memory_space<vmem_shared>> -> memref<48x80xf32, #tpu.memory_space<vmem_shared>>
      %dma_start3A_205 = arith.constant 0 : i32
      %dma_start3A_206 = tpu.memref_slice %arg24[%add3A_52, %dma_start3A_205] : memref<10000x80xf32, #tpu.memory_space<vmem_shared>> -> memref<48x80xf32, #tpu.memory_space<vmem_shared>>
      tpu.enqueue_dma source(%arg23 : memref<48x80xf32, #tpu.memory_space<vmem>>) target(%dma_start3A_206 : memref<48x80xf32, #tpu.memory_space<vmem_shared>>) target_semaphore(%run_scoped3A : memref<!tpu.dma_semaphore, #tpu.memory_space<semaphore_mem>>)
      %dma_wait3A_207 = arith.constant 0 : i32
      %dma_wait3A_208 = tpu.memref_slice %arg24[%add3A_52, %dma_wait3A_207] : memref<10000x80xf32, #tpu.memory_space<vmem_shared>> -> memref<48x80xf32, #tpu.memory_space<vmem_shared>>
      %dma_wait3A_209 = arith.constant 0 : i32
      %dma_wait3A_210 = tpu.memref_slice %arg24[%add3A_52, %dma_wait3A_209] : memref<10000x80xf32, #tpu.memory_space<vmem_shared>> -> memref<48x80xf32, #tpu.memory_space<vmem_shared>>
      tpu.wait_dma2 semaphore(%run_scoped3A : memref<!tpu.dma_semaphore, #tpu.memory_space<semaphore_mem>>) src(%arg23 : memref<48x80xf32, #tpu.memory_space<vmem>>) dst(%dma_wait3A_210 : memref<48x80xf32, #tpu.memory_space<vmem_shared>>)
      tpu.yield
    }) : () -> ()
    %mul3A_53 = arith.constant 624 : i32
    %mul3A_54 = arith.muli %arg1, %mul3A_53 : i32
    %add3A_55 = arith.constant 576 : i32
    %add3A_56 = arith.addi %mul3A_54, %add3A_55 : i32
    "tpu.region"() ({
      %run_scoped3A = tpu.sem_alloc : memref<!tpu.dma_semaphore, #tpu.memory_space<semaphore_mem>>
      %dma_start3A_203 = arith.constant 0 : i32
      %dma_start3A_204 = tpu.memref_slice %arg24[%add3A_56, %dma_start3A_203] : memref<10000x80xf32, #tpu.memory_space<vmem_shared>> -> memref<48x80xf32, #tpu.memory_space<vmem_shared>>
      %dma_start3A_205 = arith.constant 0 : i32
      %dma_start3A_206 = tpu.memref_slice %arg24[%add3A_56, %dma_start3A_205] : memref<10000x80xf32, #tpu.memory_space<vmem_shared>> -> memref<48x80xf32, #tpu.memory_space<vmem_shared>>
      tpu.enqueue_dma source(%arg23 : memref<48x80xf32, #tpu.memory_space<vmem>>) target(%dma_start3A_206 : memref<48x80xf32, #tpu.memory_space<vmem_shared>>) target_semaphore(%run_scoped3A : memref<!tpu.dma_semaphore, #tpu.memory_space<semaphore_mem>>)
      %dma_wait3A_207 = arith.constant 0 : i32
      %dma_wait3A_208 = tpu.memref_slice %arg24[%add3A_56, %dma_wait3A_207] : memref<10000x80xf32, #tpu.memory_space<vmem_shared>> -> memref<48x80xf32, #tpu.memory_space<vmem_shared>>
      %dma_wait3A_209 = arith.constant 0 : i32
      %dma_wait3A_210 = tpu.memref_slice %arg24[%add3A_56, %dma_wait3A_209] : memref<10000x80xf32, #tpu.memory_space<vmem_shared>> -> memref<48x80xf32, #tpu.memory_space<vmem_shared>>
      tpu.wait_dma2 semaphore(%run_scoped3A : memref<!tpu.dma_semaphore, #tpu.memory_space<semaphore_mem>>) src(%arg23 : memref<48x80xf32, #tpu.memory_space<vmem>>) dst(%dma_wait3A_210 : memref<48x80xf32, #tpu.memory_space<vmem_shared>>)
      tpu.yield
    }) : () -> ()
    %eq3A = arith.constant 15 : i32
    %eq3A_57 = arith.cmpi eq, %arg1, %eq3A : i32
    %convert_element_type3A = arith.extui %eq3A_57 : i1 to i32
    %cond3A = arith.constant 0 : i32
    %cond3A_58 = arith.cmpi ne, %convert_element_type3A, %cond3A : i32
    scf.if %cond3A_58 {
      "tpu.region"() ({
        %run_scoped3A = tpu.sem_alloc : memref<!tpu.dma_semaphore, #tpu.memory_space<semaphore_mem>>
        %dma_start3A_203 = arith.constant 0 : i32
        %dma_start3A_204 = arith.constant 0 : i32
        %dma_start3A_205 = tpu.memref_slice %arg23[%dma_start3A_203, %dma_start3A_204] : memref<48x80xf32, #tpu.memory_space<vmem>> -> memref<16x80xf32, #tpu.memory_space<vmem>>
        %dma_start3A_206 = arith.constant 9984 : i32
        %dma_start3A_207 = arith.constant 0 : i32
        %dma_start3A_208 = tpu.memref_slice %arg24[%dma_start3A_206, %dma_start3A_207] : memref<10000x80xf32, #tpu.memory_space<vmem_shared>> -> memref<16x80xf32, #tpu.memory_space<vmem_shared>>
        %dma_start3A_209 = arith.constant 9984 : i32
        %dma_start3A_210 = arith.constant 0 : i32
        %dma_start3A_211 = tpu.memref_slice %arg24[%dma_start3A_209, %dma_start3A_210] : memref<10000x80xf32, #tpu.memory_space<vmem_shared>> -> memref<16x80xf32, #tpu.memory_space<vmem_shared>>
        %dma_start3A_212 = arith.constant 0 : i32
        %dma_start3A_213 = arith.constant 0 : i32
        %dma_start3A_214 = tpu.memref_slice %arg23[%dma_start3A_212, %dma_start3A_213] : memref<48x80xf32, #tpu.memory_space<vmem>> -> memref<16x80xf32, #tpu.memory_space<vmem>>
        tpu.enqueue_dma source(%dma_start3A_214 : memref<16x80xf32, #tpu.memory_space<vmem>>) target(%dma_start3A_211 : memref<16x80xf32, #tpu.memory_space<vmem_shared>>) target_semaphore(%run_scoped3A : memref<!tpu.dma_semaphore, #tpu.memory_space<semaphore_mem>>)
        %dma_wait3A_215 = arith.constant 0 : i32
        %dma_wait3A_216 = arith.constant 0 : i32
        %dma_wait3A_217 = tpu.memref_slice %arg23[%dma_wait3A_215, %dma_wait3A_216] : memref<48x80xf32, #tpu.memory_space<vmem>> -> memref<16x80xf32, #tpu.memory_space<vmem>>
        %dma_wait3A_218 = arith.constant 9984 : i32
        %dma_wait3A_219 = arith.constant 0 : i32
        %dma_wait3A_220 = tpu.memref_slice %arg24[%dma_wait3A_218, %dma_wait3A_219] : memref<10000x80xf32, #tpu.memory_space<vmem_shared>> -> memref<16x80xf32, #tpu.memory_space<vmem_shared>>
        %dma_wait3A_221 = arith.constant 9984 : i32
        %dma_wait3A_222 = arith.constant 0 : i32
        %dma_wait3A_223 = tpu.memref_slice %arg24[%dma_wait3A_221, %dma_wait3A_222] : memref<10000x80xf32, #tpu.memory_space<vmem_shared>> -> memref<16x80xf32, #tpu.memory_space<vmem_shared>>
        %dma_wait3A_224 = arith.constant 0 : i32
        %dma_wait3A_225 = arith.constant 0 : i32
        %dma_wait3A_226 = tpu.memref_slice %arg23[%dma_wait3A_224, %dma_wait3A_225] : memref<48x80xf32, #tpu.memory_space<vmem>> -> memref<16x80xf32, #tpu.memory_space<vmem>>
        tpu.wait_dma2 semaphore(%run_scoped3A : memref<!tpu.dma_semaphore, #tpu.memory_space<semaphore_mem>>) src(%dma_wait3A_226 : memref<16x80xf32, #tpu.memory_space<vmem>>) dst(%dma_wait3A_223 : memref<16x80xf32, #tpu.memory_space<vmem_shared>>)
        tpu.yield
      }) : () -> ()
    } else {
    }
    %barrier3A = arith.constant 0 : index
    tpu.barrier barrier_id(%barrier3A)
    %get3A = arith.constant 0 : i32
    %get3A_59 = arith.index_cast %get3A : i32 to index
    %get3A_60 = arith.constant 0 : index
    %get3A_61 = tpu.vector_load %arg22[%get3A_59, %get3A_60] {strides = array<i32>} : memref<4x16xf32, #tpu.memory_space<vmem>>, vector<16xf32>,
    %get3A_62 = arith.constant 1 : i32
    %get3A_63 = arith.index_cast %get3A_62 : i32 to index
    %get3A_64 = arith.constant 0 : index
    %get3A_65 = tpu.vector_load %arg22[%get3A_63, %get3A_64] {strides = array<i32>} : memref<4x16xf32, #tpu.memory_space<vmem>>, vector<16xf32>,
    %get3A_66 = arith.constant 2 : i32
    %get3A_67 = arith.index_cast %get3A_66 : i32 to index
    %get3A_68 = arith.constant 0 : index
    %get3A_69 = tpu.vector_load %arg22[%get3A_67, %get3A_68] {strides = array<i32>} : memref<4x16xf32, #tpu.memory_space<vmem>>, vector<16xf32>,
    %get3A_70 = arith.constant 3 : i32
    %get3A_71 = arith.index_cast %get3A_70 : i32 to index
    %get3A_72 = arith.constant 0 : index
    %get3A_73 = tpu.vector_load %arg22[%get3A_71, %get3A_72] {strides = array<i32>} : memref<4x16xf32, #tpu.memory_space<vmem>>, vector<16xf32>,
    %dma_start3A = arith.constant 0 : i32
    %dma_start3A_74 = arith.constant 0 : i32
    %dma_start3A_75 = tpu.memref_slice %arg8[%dma_start3A, %dma_start3A_74] : memref<500x40xi32, #tpu.memory_space<vmem>> -> memref<1x40xi32, #tpu.memory_space<vmem>>
    %dma_start3A_76 = tpu.memref_squeeze %dma_start3A_75 : memref<1x40xi32, #tpu.memory_space<vmem>> -> memref<40xi32, #tpu.memory_space<vmem>>
    %dma_start3A_77 = arith.constant 0 : i32
    %dma_start3A_78 = arith.constant 0 : i32
    %dma_start3A_79 = tpu.memref_slice %arg2[%arg0, %dma_start3A_77, %dma_start3A_78] : memref<2x10000x64xf32, #tpu.memory_space<hbm>> -> memref<1x10000x64xf32, #tpu.memory_space<hbm>>
    %dma_start3A_80 = tpu.memref_squeeze %dma_start3A_79 : memref<1x10000x64xf32, #tpu.memory_space<hbm>> -> memref<10000x64xf32, #tpu.memory_space<hbm>>
    %dma_start3A_81 = arith.constant 0 : i32
    %dma_start3A_82 = arith.constant 0 : i32
    %dma_start3A_83 = tpu.memref_slice %dma_start3A_80[%dma_start3A_81, %dma_start3A_82] : memref<10000x64xf32, #tpu.memory_space<hbm>> -> memref<10000x64xf32, #tpu.memory_space<hbm>>
    tpu.enqueue_indirect_dma source(%dma_start3A_83 : memref<10000x64xf32, #tpu.memory_space<hbm>>) target(%arg10 : memref<40x64xf32, #tpu.memory_space<vmem>>) offsets(%dma_start3A_76 : memref<40xi32, #tpu.memory_space<vmem>>) semaphore(%arg25 : memref<!tpu.dma_semaphore, #tpu.memory_space<semaphore_mem>>)
    %dma_start3A_84 = arith.constant 0 : i32
    %dma_start3A_85 = arith.constant 0 : i32
    %dma_start3A_86 = tpu.memref_slice %arg9[%dma_start3A_84, %dma_start3A_85] : memref<500x40xi32, #tpu.memory_space<vmem>> -> memref<1x40xi32, #tpu.memory_space<vmem>>
    %dma_start3A_87 = tpu.memref_squeeze %dma_start3A_86 : memref<1x40xi32, #tpu.memory_space<vmem>> -> memref<40xi32, #tpu.memory_space<vmem>>
    %dma_start3A_88 = arith.constant 0 : i32
    %dma_start3A_89 = arith.constant 0 : i32
    %dma_start3A_90 = tpu.memref_slice %arg3[%arg0, %dma_start3A_88, %dma_start3A_89] : memref<2x10000x64xf32, #tpu.memory_space<hbm>> -> memref<1x10000x64xf32, #tpu.memory_space<hbm>>
    %dma_start3A_91 = tpu.memref_squeeze %dma_start3A_90 : memref<1x10000x64xf32, #tpu.memory_space<hbm>> -> memref<10000x64xf32, #tpu.memory_space<hbm>>
    %dma_start3A_92 = arith.constant 0 : i32
    %dma_start3A_93 = arith.constant 0 : i32
    %dma_start3A_94 = tpu.memref_slice %dma_start3A_91[%dma_start3A_92, %dma_start3A_93] : memref<10000x64xf32, #tpu.memory_space<hbm>> -> memref<10000x64xf32, #tpu.memory_space<hbm>>
    tpu.enqueue_indirect_dma source(%dma_start3A_94 : memref<10000x64xf32, #tpu.memory_space<hbm>>) target(%arg11 : memref<40x64xf32, #tpu.memory_space<vmem>>) offsets(%dma_start3A_87 : memref<40xi32, #tpu.memory_space<vmem>>) semaphore(%arg25 : memref<!tpu.dma_semaphore, #tpu.memory_space<semaphore_mem>>)
    %dma_start3A_95 = arith.constant 1 : i32
    %dma_start3A_96 = arith.constant 0 : i32
    %dma_start3A_97 = tpu.memref_slice %arg8[%dma_start3A_95, %dma_start3A_96] : memref<500x40xi32, #tpu.memory_space<vmem>> -> memref<1x40xi32, #tpu.memory_space<vmem>>
    %dma_start3A_98 = tpu.memref_squeeze %dma_start3A_97 : memref<1x40xi32, #tpu.memory_space<vmem>> -> memref<40xi32, #tpu.memory_space<vmem>>
    %dma_start3A_99 = arith.constant 0 : i32
    %dma_start3A_100 = arith.constant 0 : i32
    %dma_start3A_101 = tpu.memref_slice %arg2[%arg0, %dma_start3A_99, %dma_start3A_100] : memref<2x10000x64xf32, #tpu.memory_space<hbm>> -> memref<1x10000x64xf32, #tpu.memory_space<hbm>>
    %dma_start3A_102 = tpu.memref_squeeze %dma_start3A_101 : memref<1x10000x64xf32, #tpu.memory_space<hbm>> -> memref<10000x64xf32, #tpu.memory_space<hbm>>
    %dma_start3A_103 = arith.constant 0 : i32
    %dma_start3A_104 = arith.constant 0 : i32
    %dma_start3A_105 = tpu.memref_slice %dma_start3A_102[%dma_start3A_103, %dma_start3A_104] : memref<10000x64xf32, #tpu.memory_space<hbm>> -> memref<10000x64xf32, #tpu.memory_space<hbm>>
    tpu.enqueue_indirect_dma source(%dma_start3A_105 : memref<10000x64xf32, #tpu.memory_space<hbm>>) target(%arg13 : memref<40x64xf32, #tpu.memory_space<vmem>>) offsets(%dma_start3A_98 : memref<40xi32, #tpu.memory_space<vmem>>) semaphore(%arg26 : memref<!tpu.dma_semaphore, #tpu.memory_space<semaphore_mem>>)
    %dma_start3A_106 = arith.constant 1 : i32
    %dma_start3A_107 = arith.constant 0 : i32
    %dma_start3A_108 = tpu.memref_slice %arg9[%dma_start3A_106, %dma_start3A_107] : memref<500x40xi32, #tpu.memory_space<vmem>> -> memref<1x40xi32, #tpu.memory_space<vmem>>
    %dma_start3A_109 = tpu.memref_squeeze %dma_start3A_108 : memref<1x40xi32, #tpu.memory_space<vmem>> -> memref<40xi32, #tpu.memory_space<vmem>>
    %dma_start3A_110 = arith.constant 0 : i32
    %dma_start3A_111 = arith.constant 0 : i32
    %dma_start3A_112 = tpu.memref_slice %arg3[%arg0, %dma_start3A_110, %dma_start3A_111] : memref<2x10000x64xf32, #tpu.memory_space<hbm>> -> memref<1x10000x64xf32, #tpu.memory_space<hbm>>
    %dma_start3A_113 = tpu.memref_squeeze %dma_start3A_112 : memref<1x10000x64xf32, #tpu.memory_space<hbm>> -> memref<10000x64xf32, #tpu.memory_space<hbm>>
    %dma_start3A_114 = arith.constant 0 : i32
    %dma_start3A_115 = arith.constant 0 : i32
    %dma_start3A_116 = tpu.memref_slice %dma_start3A_113[%dma_start3A_114, %dma_start3A_115] : memref<10000x64xf32, #tpu.memory_space<hbm>> -> memref<10000x64xf32, #tpu.memory_space<hbm>>
    tpu.enqueue_indirect_dma source(%dma_start3A_116 : memref<10000x64xf32, #tpu.memory_space<hbm>>) target(%arg14 : memref<40x64xf32, #tpu.memory_space<vmem>>) offsets(%dma_start3A_109 : memref<40xi32, #tpu.memory_space<vmem>>) semaphore(%arg26 : memref<!tpu.dma_semaphore, #tpu.memory_space<semaphore_mem>>)
    %dma_start3A_117 = arith.constant 2 : i32
    %dma_start3A_118 = arith.constant 0 : i32
    %dma_start3A_119 = tpu.memref_slice %arg8[%dma_start3A_117, %dma_start3A_118] : memref<500x40xi32, #tpu.memory_space<vmem>> -> memref<1x40xi32, #tpu.memory_space<vmem>>
    %dma_start3A_120 = tpu.memref_squeeze %dma_start3A_119 : memref<1x40xi32, #tpu.memory_space<vmem>> -> memref<40xi32, #tpu.memory_space<vmem>>
    %dma_start3A_121 = arith.constant 0 : i32
    %dma_start3A_122 = arith.constant 0 : i32
    %dma_start3A_123 = tpu.memref_slice %arg2[%arg0, %dma_start3A_121, %dma_start3A_122] : memref<2x10000x64xf32, #tpu.memory_space<hbm>> -> memref<1x10000x64xf32, #tpu.memory_space<hbm>>
    %dma_start3A_124 = tpu.memref_squeeze %dma_start3A_123 : memref<1x10000x64xf32, #tpu.memory_space<hbm>> -> memref<10000x64xf32, #tpu.memory_space<hbm>>
    %dma_start3A_125 = arith.constant 0 : i32
    %dma_start3A_126 = arith.constant 0 : i32
    %dma_start3A_127 = tpu.memref_slice %dma_start3A_124[%dma_start3A_125, %dma_start3A_126] : memref<10000x64xf32, #tpu.memory_space<hbm>> -> memref<10000x64xf32, #tpu.memory_space<hbm>>
    tpu.enqueue_indirect_dma source(%dma_start3A_127 : memref<10000x64xf32, #tpu.memory_space<hbm>>) target(%arg16 : memref<40x64xf32, #tpu.memory_space<vmem>>) offsets(%dma_start3A_120 : memref<40xi32, #tpu.memory_space<vmem>>) semaphore(%arg27 : memref<!tpu.dma_semaphore, #tpu.memory_space<semaphore_mem>>)
    %dma_start3A_128 = arith.constant 2 : i32
    %dma_start3A_129 = arith.constant 0 : i32
    %dma_start3A_130 = tpu.memref_slice %arg9[%dma_start3A_128, %dma_start3A_129] : memref<500x40xi32, #tpu.memory_space<vmem>> -> memref<1x40xi32, #tpu.memory_space<vmem>>
    %dma_start3A_131 = tpu.memref_squeeze %dma_start3A_130 : memref<1x40xi32, #tpu.memory_space<vmem>> -> memref<40xi32, #tpu.memory_space<vmem>>
    %dma_start3A_132 = arith.constant 0 : i32
    %dma_start3A_133 = arith.constant 0 : i32
    %dma_start3A_134 = tpu.memref_slice %arg3[%arg0, %dma_start3A_132, %dma_start3A_133] : memref<2x10000x64xf32, #tpu.memory_space<hbm>> -> memref<1x10000x64xf32, #tpu.memory_space<hbm>>
    %dma_start3A_135 = tpu.memref_squeeze %dma_start3A_134 : memref<1x10000x64xf32, #tpu.memory_space<hbm>> -> memref<10000x64xf32, #tpu.memory_space<hbm>>
    %dma_start3A_136 = arith.constant 0 : i32
    %dma_start3A_137 = arith.constant 0 : i32
    %dma_start3A_138 = tpu.memref_slice %dma_start3A_135[%dma_start3A_136, %dma_start3A_137] : memref<10000x64xf32, #tpu.memory_space<hbm>> -> memref<10000x64xf32, #tpu.memory_space<hbm>>
    tpu.enqueue_indirect_dma source(%dma_start3A_138 : memref<10000x64xf32, #tpu.memory_space<hbm>>) target(%arg17 : memref<40x64xf32, #tpu.memory_space<vmem>>) offsets(%dma_start3A_131 : memref<40xi32, #tpu.memory_space<vmem>>) semaphore(%arg27 : memref<!tpu.dma_semaphore, #tpu.memory_space<semaphore_mem>>)
    %dma_start3A_139 = arith.constant 3 : i32
    %dma_start3A_140 = arith.constant 0 : i32
    %dma_start3A_141 = tpu.memref_slice %arg8[%dma_start3A_139, %dma_start3A_140] : memref<500x40xi32, #tpu.memory_space<vmem>> -> memref<1x40xi32, #tpu.memory_space<vmem>>
    %dma_start3A_142 = tpu.memref_squeeze %dma_start3A_141 : memref<1x40xi32, #tpu.memory_space<vmem>> -> memref<40xi32, #tpu.memory_space<vmem>>
    %dma_start3A_143 = arith.constant 0 : i32
    %dma_start3A_144 = arith.constant 0 : i32
    %dma_start3A_145 = tpu.memref_slice %arg2[%arg0, %dma_start3A_143, %dma_start3A_144] : memref<2x10000x64xf32, #tpu.memory_space<hbm>> -> memref<1x10000x64xf32, #tpu.memory_space<hbm>>
    %dma_start3A_146 = tpu.memref_squeeze %dma_start3A_145 : memref<1x10000x64xf32, #tpu.memory_space<hbm>> -> memref<10000x64xf32, #tpu.memory_space<hbm>>
    %dma_start3A_147 = arith.constant 0 : i32
    %dma_start3A_148 = arith.constant 0 : i32
    %dma_start3A_149 = tpu.memref_slice %dma_start3A_146[%dma_start3A_147, %dma_start3A_148] : memref<10000x64xf32, #tpu.memory_space<hbm>> -> memref<10000x64xf32, #tpu.memory_space<hbm>>
    tpu.enqueue_indirect_dma source(%dma_start3A_149 : memref<10000x64xf32, #tpu.memory_space<hbm>>) target(%arg19 : memref<40x64xf32, #tpu.memory_space<vmem>>) offsets(%dma_start3A_142 : memref<40xi32, #tpu.memory_space<vmem>>) semaphore(%arg28 : memref<!tpu.dma_semaphore, #tpu.memory_space<semaphore_mem>>)
    %dma_start3A_150 = arith.constant 3 : i32
    %dma_start3A_151 = arith.constant 0 : i32
    %dma_start3A_152 = tpu.memref_slice %arg9[%dma_start3A_150, %dma_start3A_151] : memref<500x40xi32, #tpu.memory_space<vmem>> -> memref<1x40xi32, #tpu.memory_space<vmem>>
    %dma_start3A_153 = tpu.memref_squeeze %dma_start3A_152 : memref<1x40xi32, #tpu.memory_space<vmem>> -> memref<40xi32, #tpu.memory_space<vmem>>
    %dma_start3A_154 = arith.constant 0 : i32
    %dma_start3A_155 = arith.constant 0 : i32
    %dma_start3A_156 = tpu.memref_slice %arg3[%arg0, %dma_start3A_154, %dma_start3A_155] : memref<2x10000x64xf32, #tpu.memory_space<hbm>> -> memref<1x10000x64xf32, #tpu.memory_space<hbm>>
    %dma_start3A_157 = tpu.memref_squeeze %dma_start3A_156 : memref<1x10000x64xf32, #tpu.memory_space<hbm>> -> memref<10000x64xf32, #tpu.memory_space<hbm>>
    %dma_start3A_158 = arith.constant 0 : i32
    %dma_start3A_159 = arith.constant 0 : i32
    %dma_start3A_160 = tpu.memref_slice %dma_start3A_157[%dma_start3A_158, %dma_start3A_159] : memref<10000x64xf32, #tpu.memory_space<hbm>> -> memref<10000x64xf32, #tpu.memory_space<hbm>>
    tpu.enqueue_indirect_dma source(%dma_start3A_160 : memref<10000x64xf32, #tpu.memory_space<hbm>>) target(%arg20 : memref<40x64xf32, #tpu.memory_space<vmem>>) offsets(%dma_start3A_153 : memref<40xi32, #tpu.memory_space<vmem>>) semaphore(%arg28 : memref<!tpu.dma_semaphore, #tpu.memory_space<semaphore_mem>>)
    %scan3A_161 = arith.constant 0 : i32
    %scan3A_162 = arith.constant 0 : i32
    %scan3A_163 = arith.constant 125 : i32
    %scan3A_164 = arith.addi %scan3A_162, %scan3A_163 : i32
    %scan3A_165 = arith.constant 1 : i32
    %scan3A_166 = scf.for %scan3A_203 = %scan3A_162 to %scan3A_164 step %scan3A_165 iter_args(%scan3A_204 = %scan3A_161) -> (i32)  : i32 {
      %mul3A_205 = arith.constant 4 : i32
      %mul3A_206 = arith.muli %mul3A_205, %scan3A_203 : i32
      %add3A_207 = arith.constant 0 : i32
      %add3A_208 = arith.addi %mul3A_206, %add3A_207 : i32
      %gt3A = arith.constant 0 : i32
      %gt3A_209 = arith.cmpi sgt, %scan3A_203, %gt3A : i32
      %convert_element_type3A_210 = arith.extui %gt3A_209 : i1 to i32
      %cond3A_211 = arith.constant 0 : i32
      %cond3A_212 = arith.cmpi ne, %convert_element_type3A_210, %cond3A_211 : i32
      scf.if %cond3A_212 {
        %sub3A = arith.constant 4 : i32
        %sub3A_392 = arith.subi %add3A_208, %sub3A : i32
        %dma_wait3A_393 = arith.constant 0 : i32
        %dma_wait3A_394 = tpu.memref_slice %arg9[%sub3A_392, %dma_wait3A_393] : memref<500x40xi32, #tpu.memory_space<vmem>> -> memref<1x40xi32, #tpu.memory_space<vmem>>
        %dma_wait3A_395 = tpu.memref_squeeze %dma_wait3A_394 : memref<1x40xi32, #tpu.memory_space<vmem>> -> memref<40xi32, #tpu.memory_space<vmem>>
        %dma_wait3A_396 = arith.constant 0 : i32
        %dma_wait3A_397 = arith.constant 0 : i32
        %dma_wait3A_398 = tpu.memref_slice %arg24[%dma_wait3A_396, %dma_wait3A_397] : memref<10000x80xf32, #tpu.memory_space<vmem_shared>> -> memref<10000x80xf32, #tpu.memory_space<vmem_shared>>
        tpu.wait_indirect_dma semaphore(%arg29 : memref<!tpu.dma_semaphore, #tpu.memory_space<semaphore_mem>>) src(%arg12 : memref<40x80xf32, #tpu.memory_space<vmem>>) dst(%dma_wait3A_398 : memref<10000x80xf32, #tpu.memory_space<vmem_shared>>)
      } else {
      }
      %dma_wait3A_213 = arith.constant 0 : i32
      %dma_wait3A_214 = tpu.memref_slice %arg8[%add3A_208, %dma_wait3A_213] : memref<500x40xi32, #tpu.memory_space<vmem>> -> memref<1x40xi32, #tpu.memory_space<vmem>>
      %dma_wait3A_215 = tpu.memref_squeeze %dma_wait3A_214 : memref<1x40xi32, #tpu.memory_space<vmem>> -> memref<40xi32, #tpu.memory_space<vmem>>
      %dma_wait3A_216 = arith.constant 0 : i32
      %dma_wait3A_217 = arith.constant 0 : i32
      %dma_wait3A_218 = tpu.memref_slice %arg2[%arg0, %dma_wait3A_216, %dma_wait3A_217] : memref<2x10000x64xf32, #tpu.memory_space<hbm>> -> memref<1x10000x64xf32, #tpu.memory_space<hbm>>
      %dma_wait3A_219 = tpu.memref_squeeze %dma_wait3A_218 : memref<1x10000x64xf32, #tpu.memory_space<hbm>> -> memref<10000x64xf32, #tpu.memory_space<hbm>>
      %dma_wait3A_220 = arith.constant 0 : i32
      %dma_wait3A_221 = arith.constant 0 : i32
      %dma_wait3A_222 = tpu.memref_slice %dma_wait3A_219[%dma_wait3A_220, %dma_wait3A_221] : memref<10000x64xf32, #tpu.memory_space<hbm>> -> memref<10000x64xf32, #tpu.memory_space<hbm>>
      tpu.wait_indirect_dma semaphore(%arg25 : memref<!tpu.dma_semaphore, #tpu.memory_space<semaphore_mem>>) src(%dma_wait3A_222 : memref<10000x64xf32, #tpu.memory_space<hbm>>) dst(%arg10 : memref<40x64xf32, #tpu.memory_space<vmem>>)
      %dma_wait3A_223 = arith.constant 0 : i32
      %dma_wait3A_224 = tpu.memref_slice %arg9[%add3A_208, %dma_wait3A_223] : memref<500x40xi32, #tpu.memory_space<vmem>> -> memref<1x40xi32, #tpu.memory_space<vmem>>
      %dma_wait3A_225 = tpu.memref_squeeze %dma_wait3A_224 : memref<1x40xi32, #tpu.memory_space<vmem>> -> memref<40xi32, #tpu.memory_space<vmem>>
      %dma_wait3A_226 = arith.constant 0 : i32
      %dma_wait3A_227 = arith.constant 0 : i32
      %dma_wait3A_228 = tpu.memref_slice %arg3[%arg0, %dma_wait3A_226, %dma_wait3A_227] : memref<2x10000x64xf32, #tpu.memory_space<hbm>> -> memref<1x10000x64xf32, #tpu.memory_space<hbm>>
      %dma_wait3A_229 = tpu.memref_squeeze %dma_wait3A_228 : memref<1x10000x64xf32, #tpu.memory_space<hbm>> -> memref<10000x64xf32, #tpu.memory_space<hbm>>
      %dma_wait3A_230 = arith.constant 0 : i32
      %dma_wait3A_231 = arith.constant 0 : i32
      %dma_wait3A_232 = tpu.memref_slice %dma_wait3A_229[%dma_wait3A_230, %dma_wait3A_231] : memref<10000x64xf32, #tpu.memory_space<hbm>> -> memref<10000x64xf32, #tpu.memory_space<hbm>>
      tpu.wait_indirect_dma semaphore(%arg25 : memref<!tpu.dma_semaphore, #tpu.memory_space<semaphore_mem>>) src(%dma_wait3A_232 : memref<10000x64xf32, #tpu.memory_space<hbm>>) dst(%arg11 : memref<40x64xf32, #tpu.memory_space<vmem>>)
      %scan3A_233 = arith.constant 0 : i32
      %scan3A_234 = arith.constant 0 : i32
      %scan3A_235 = arith.constant 10 : i32
      %scan3A_236 = arith.addi %scan3A_234, %scan3A_235 : i32
      %scan3A_237 = arith.constant 1 : i32
      %scan3A_238 = scf.for %scan3A_392 = %scan3A_234 to %scan3A_236 step %scan3A_237 iter_args(%scan3A_393 = %scan3A_233) -> (i32)  : i32 {
        %mul3A_394 = arith.constant 4 : i32
        %mul3A_395 = arith.muli %scan3A_392, %mul3A_394 : i32
        %add3A_396 = arith.constant 0 : i32
        %add3A_397 = arith.addi %mul3A_395, %add3A_396 : i32
        %mul3A_398 = arith.constant 4 : i32
        %mul3A_399 = arith.muli %scan3A_392, %mul3A_398 : i32
        %add3A_400 = arith.constant 1 : i32
        %add3A_401 = arith.addi %mul3A_399, %add3A_400 : i32
        %mul3A_402 = arith.constant 4 : i32
        %mul3A_403 = arith.muli %scan3A_392, %mul3A_402 : i32
        %add3A_404 = arith.constant 2 : i32
        %add3A_405 = arith.addi %mul3A_403, %add3A_404 : i32
        %mul3A_406 = arith.constant 4 : i32
        %mul3A_407 = arith.muli %scan3A_392, %mul3A_406 : i32
        %add3A_408 = arith.constant 3 : i32
        %add3A_409 = arith.addi %mul3A_407, %add3A_408 : i32
        %get3A_410 = arith.index_cast %add3A_397 : i32 to index
        %get3A_411 = arith.constant 0 : index
        %get3A_412 = tpu.vector_load %arg10[%get3A_410, %get3A_411] {strides = array<i32>} : memref<40x64xf32, #tpu.memory_space<vmem>>, vector<16xf32>,
        %get3A_413 = arith.index_cast %add3A_397 : i32 to index
        %get3A_414 = arith.constant 16 : index
        %get3A_415 = tpu.vector_load %arg10[%get3A_413, %get3A_414] {strides = array<i32>} : memref<40x64xf32, #tpu.memory_space<vmem>>, vector<16xf32>,
        %get3A_416 = arith.index_cast %add3A_397 : i32 to index
        %get3A_417 = arith.constant 32 : index
        %get3A_418 = tpu.vector_load %arg10[%get3A_416, %get3A_417] {strides = array<i32>} : memref<40x64xf32, #tpu.memory_space<vmem>>, vector<16xf32>,
        %get3A_419 = arith.index_cast %add3A_397 : i32 to index
        %get3A_420 = arith.constant 48 : index
        %get3A_421 = tpu.vector_load %arg10[%get3A_419, %get3A_420] {strides = array<i32>} : memref<40x64xf32, #tpu.memory_space<vmem>>, vector<16xf32>,
        %get3A_422 = arith.index_cast %add3A_401 : i32 to index
        %get3A_423 = arith.constant 0 : index
        %get3A_424 = tpu.vector_load %arg10[%get3A_422, %get3A_423] {strides = array<i32>} : memref<40x64xf32, #tpu.memory_space<vmem>>, vector<16xf32>,
        %get3A_425 = arith.index_cast %add3A_401 : i32 to index
        %get3A_426 = arith.constant 16 : index
        %get3A_427 = tpu.vector_load %arg10[%get3A_425, %get3A_426] {strides = array<i32>} : memref<40x64xf32, #tpu.memory_space<vmem>>, vector<16xf32>,
        %get3A_428 = arith.index_cast %add3A_401 : i32 to index
        %get3A_429 = arith.constant 32 : index
        %get3A_430 = tpu.vector_load %arg10[%get3A_428, %get3A_429] {strides = array<i32>} : memref<40x64xf32, #tpu.memory_space<vmem>>, vector<16xf32>,
        %get3A_431 = arith.index_cast %add3A_401 : i32 to index
        %get3A_432 = arith.constant 48 : index
        %get3A_433 = tpu.vector_load %arg10[%get3A_431, %get3A_432] {strides = array<i32>} : memref<40x64xf32, #tpu.memory_space<vmem>>, vector<16xf32>,
        %get3A_434 = arith.index_cast %add3A_405 : i32 to index
        %get3A_435 = arith.constant 0 : index
        %get3A_436 = tpu.vector_load %arg10[%get3A_434, %get3A_435] {strides = array<i32>} : memref<40x64xf32, #tpu.memory_space<vmem>>, vector<16xf32>,
        %get3A_437 = arith.index_cast %add3A_405 : i32 to index
        %get3A_438 = arith.constant 16 : index
        %get3A_439 = tpu.vector_load %arg10[%get3A_437, %get3A_438] {strides = array<i32>} : memref<40x64xf32, #tpu.memory_space<vmem>>, vector<16xf32>,
        %get3A_440 = arith.index_cast %add3A_405 : i32 to index
        %get3A_441 = arith.constant 32 : index
        %get3A_442 = tpu.vector_load %arg10[%get3A_440, %get3A_441] {strides = array<i32>} : memref<40x64xf32, #tpu.memory_space<vmem>>, vector<16xf32>,
        %get3A_443 = arith.index_cast %add3A_405 : i32 to index
        %get3A_444 = arith.constant 48 : index
        %get3A_445 = tpu.vector_load %arg10[%get3A_443, %get3A_444] {strides = array<i32>} : memref<40x64xf32, #tpu.memory_space<vmem>>, vector<16xf32>,
        %get3A_446 = arith.index_cast %add3A_409 : i32 to index
        %get3A_447 = arith.constant 0 : index
        %get3A_448 = tpu.vector_load %arg10[%get3A_446, %get3A_447] {strides = array<i32>} : memref<40x64xf32, #tpu.memory_space<vmem>>, vector<16xf32>,
        %get3A_449 = arith.index_cast %add3A_409 : i32 to index
        %get3A_450 = arith.constant 16 : index
        %get3A_451 = tpu.vector_load %arg10[%get3A_449, %get3A_450] {strides = array<i32>} : memref<40x64xf32, #tpu.memory_space<vmem>>, vector<16xf32>,
        %get3A_452 = arith.index_cast %add3A_409 : i32 to index
        %get3A_453 = arith.constant 32 : index
        %get3A_454 = tpu.vector_load %arg10[%get3A_452, %get3A_453] {strides = array<i32>} : memref<40x64xf32, #tpu.memory_space<vmem>>, vector<16xf32>,
        %get3A_455 = arith.index_cast %add3A_409 : i32 to index
        %get3A_456 = arith.constant 48 : index
        %get3A_457 = tpu.vector_load %arg10[%get3A_455, %get3A_456] {strides = array<i32>} : memref<40x64xf32, #tpu.memory_space<vmem>>, vector<16xf32>,
        %get3A_458 = arith.index_cast %add3A_397 : i32 to index
        %get3A_459 = arith.constant 0 : index
        %get3A_460 = tpu.vector_load %arg11[%get3A_458, %get3A_459] {strides = array<i32>} : memref<40x64xf32, #tpu.memory_space<vmem>>, vector<16xf32>,
        %get3A_461 = arith.index_cast %add3A_397 : i32 to index
        %get3A_462 = arith.constant 16 : index
        %get3A_463 = tpu.vector_load %arg11[%get3A_461, %get3A_462] {strides = array<i32>} : memref<40x64xf32, #tpu.memory_space<vmem>>, vector<16xf32>,
        %get3A_464 = arith.index_cast %add3A_397 : i32 to index
        %get3A_465 = arith.constant 32 : index
        %get3A_466 = tpu.vector_load %arg11[%get3A_464, %get3A_465] {strides = array<i32>} : memref<40x64xf32, #tpu.memory_space<vmem>>, vector<16xf32>,
        %get3A_467 = arith.index_cast %add3A_397 : i32 to index
        %get3A_468 = arith.constant 48 : index
        %get3A_469 = tpu.vector_load %arg11[%get3A_467, %get3A_468] {strides = array<i32>} : memref<40x64xf32, #tpu.memory_space<vmem>>, vector<16xf32>,
        %get3A_470 = arith.index_cast %add3A_401 : i32 to index
        %get3A_471 = arith.constant 0 : index
        %get3A_472 = tpu.vector_load %arg11[%get3A_470, %get3A_471] {strides = array<i32>} : memref<40x64xf32, #tpu.memory_space<vmem>>, vector<16xf32>,
        %get3A_473 = arith.index_cast %add3A_401 : i32 to index
        %get3A_474 = arith.constant 16 : index
        %get3A_475 = tpu.vector_load %arg11[%get3A_473, %get3A_474] {strides = array<i32>} : memref<40x64xf32, #tpu.memory_space<vmem>>, vector<16xf32>,
        %get3A_476 = arith.index_cast %add3A_401 : i32 to index
        %get3A_477 = arith.constant 32 : index
        %get3A_478 = tpu.vector_load %arg11[%get3A_476, %get3A_477] {strides = array<i32>} : memref<40x64xf32, #tpu.memory_space<vmem>>, vector<16xf32>,
        %get3A_479 = arith.index_cast %add3A_401 : i32 to index
        %get3A_480 = arith.constant 48 : index
        %get3A_481 = tpu.vector_load %arg11[%get3A_479, %get3A_480] {strides = array<i32>} : memref<40x64xf32, #tpu.memory_space<vmem>>, vector<16xf32>,
        %get3A_482 = arith.index_cast %add3A_405 : i32 to index
        %get3A_483 = arith.constant 0 : index
        %get3A_484 = tpu.vector_load %arg11[%get3A_482, %get3A_483] {strides = array<i32>} : memref<40x64xf32, #tpu.memory_space<vmem>>, vector<16xf32>,
        %get3A_485 = arith.index_cast %add3A_405 : i32 to index
        %get3A_486 = arith.constant 16 : index
        %get3A_487 = tpu.vector_load %arg11[%get3A_485, %get3A_486] {strides = array<i32>} : memref<40x64xf32, #tpu.memory_space<vmem>>, vector<16xf32>,
        %get3A_488 = arith.index_cast %add3A_405 : i32 to index
        %get3A_489 = arith.constant 32 : index
        %get3A_490 = tpu.vector_load %arg11[%get3A_488, %get3A_489] {strides = array<i32>} : memref<40x64xf32, #tpu.memory_space<vmem>>, vector<16xf32>,
        %get3A_491 = arith.index_cast %add3A_405 : i32 to index
        %get3A_492 = arith.constant 48 : index
        %get3A_493 = tpu.vector_load %arg11[%get3A_491, %get3A_492] {strides = array<i32>} : memref<40x64xf32, #tpu.memory_space<vmem>>, vector<16xf32>,
        %get3A_494 = arith.index_cast %add3A_409 : i32 to index
        %get3A_495 = arith.constant 0 : index
        %get3A_496 = tpu.vector_load %arg11[%get3A_494, %get3A_495] {strides = array<i32>} : memref<40x64xf32, #tpu.memory_space<vmem>>, vector<16xf32>,
        %get3A_497 = arith.index_cast %add3A_409 : i32 to index
        %get3A_498 = arith.constant 16 : index
        %get3A_499 = tpu.vector_load %arg11[%get3A_497, %get3A_498] {strides = array<i32>} : memref<40x64xf32, #tpu.memory_space<vmem>>, vector<16xf32>,
        %get3A_500 = arith.index_cast %add3A_409 : i32 to index
        %get3A_501 = arith.constant 32 : index
        %get3A_502 = tpu.vector_load %arg11[%get3A_500, %get3A_501] {strides = array<i32>} : memref<40x64xf32, #tpu.memory_space<vmem>>, vector<16xf32>,
        %get3A_503 = arith.index_cast %add3A_409 : i32 to index
        %get3A_504 = arith.constant 48 : index
        %get3A_505 = tpu.vector_load %arg11[%get3A_503, %get3A_504] {strides = array<i32>} : memref<40x64xf32, #tpu.memory_space<vmem>>, vector<16xf32>,
        %broadcast_in_dim3A_506 = arith.constant 0.000000e+00 : f32
        %broadcast_in_dim3A_507 = vector.broadcast %broadcast_in_dim3A_506 : f32 to vector<16xf32>
        %add3A_508 = arith.addf %get3A_412, %get3A_460 : vector<16xf32>
        %mul3A_509 = arith.constant 2.000000e-01 : f32
        %mul3A_510 = vector.broadcast %mul3A_509 : f32 to vector<16xf32>
        %mul3A_511 = arith.mulf %add3A_508, %mul3A_510 : vector<16xf32>
        %max3A = arith.maximumf %add3A_508, %mul3A_511 : vector<16xf32>
        %mul3A_512 = arith.mulf %max3A, %get3A_61 : vector<16xf32>
        %eq3A_513 = arith.constant 0 : i32
        %eq3A_514 = vector.broadcast %eq3A_513 : i32 to vector<16xi32>
        %eq3A_515 = arith.cmpi eq, %iota3A, %eq3A_514 : vector<16xi32>
        %reduce_sum3A = arith.constant true
        %reduce_sum3A_516 = vector.broadcast %reduce_sum3A : i1 to vector<16xi1>
        %reduce_sum3A_517 = tpu.scan <sum>, %mul3A_512 masked %reduce_sum3A_516 : vector<16xf32>, vector<16xi1> -> vector<16xf32>
        %reduce_sum3A_518 = vector.extract %reduce_sum3A_517[15] : f32 from vector<16xf32>
        %broadcast_in_dim3A_519 = vector.broadcast %reduce_sum3A_518 : f32 to vector<16xf32>
        %select_n3A = arith.select %eq3A_515, %broadcast_in_dim3A_519, %broadcast_in_dim3A_507 : vector<16xi1>, vector<16xf32>
        %add3A_520 = arith.addf %get3A_415, %get3A_463 : vector<16xf32>
        %mul3A_521 = arith.constant 2.000000e-01 : f32
        %mul3A_522 = vector.broadcast %mul3A_521 : f32 to vector<16xf32>
        %mul3A_523 = arith.mulf %add3A_520, %mul3A_522 : vector<16xf32>
        %max3A_524 = arith.maximumf %add3A_520, %mul3A_523 : vector<16xf32>
        %mul3A_525 = arith.mulf %max3A_524, %get3A_65 : vector<16xf32>
        %eq3A_526 = arith.constant 1 : i32
        %eq3A_527 = vector.broadcast %eq3A_526 : i32 to vector<16xi32>
        %eq3A_528 = arith.cmpi eq, %iota3A, %eq3A_527 : vector<16xi32>
        %reduce_sum3A_529 = arith.constant true
        %reduce_sum3A_530 = vector.broadcast %reduce_sum3A_529 : i1 to vector<16xi1>
        %reduce_sum3A_531 = tpu.scan <sum>, %mul3A_525 masked %reduce_sum3A_530 : vector<16xf32>, vector<16xi1> -> vector<16xf32>
        %reduce_sum3A_532 = vector.extract %reduce_sum3A_531[15] : f32 from vector<16xf32>
        %broadcast_in_dim3A_533 = vector.broadcast %reduce_sum3A_532 : f32 to vector<16xf32>
        %select_n3A_534 = arith.select %eq3A_528, %broadcast_in_dim3A_533, %select_n3A : vector<16xi1>, vector<16xf32>
        %add3A_535 = arith.addf %get3A_418, %get3A_466 : vector<16xf32>
        %mul3A_536 = arith.constant 2.000000e-01 : f32
        %mul3A_537 = vector.broadcast %mul3A_536 : f32 to vector<16xf32>
        %mul3A_538 = arith.mulf %add3A_535, %mul3A_537 : vector<16xf32>
        %max3A_539 = arith.maximumf %add3A_535, %mul3A_538 : vector<16xf32>
        %mul3A_540 = arith.mulf %max3A_539, %get3A_69 : vector<16xf32>
        %eq3A_541 = arith.constant 2 : i32
        %eq3A_542 = vector.broadcast %eq3A_541 : i32 to vector<16xi32>
        %eq3A_543 = arith.cmpi eq, %iota3A, %eq3A_542 : vector<16xi32>
        %reduce_sum3A_544 = arith.constant true
        %reduce_sum3A_545 = vector.broadcast %reduce_sum3A_544 : i1 to vector<16xi1>
        %reduce_sum3A_546 = tpu.scan <sum>, %mul3A_540 masked %reduce_sum3A_545 : vector<16xf32>, vector<16xi1> -> vector<16xf32>
        %reduce_sum3A_547 = vector.extract %reduce_sum3A_546[15] : f32 from vector<16xf32>
        %broadcast_in_dim3A_548 = vector.broadcast %reduce_sum3A_547 : f32 to vector<16xf32>
        %select_n3A_549 = arith.select %eq3A_543, %broadcast_in_dim3A_548, %select_n3A_534 : vector<16xi1>, vector<16xf32>
        %add3A_550 = arith.addf %get3A_421, %get3A_469 : vector<16xf32>
        %mul3A_551 = arith.constant 2.000000e-01 : f32
        %mul3A_552 = vector.broadcast %mul3A_551 : f32 to vector<16xf32>
        %mul3A_553 = arith.mulf %add3A_550, %mul3A_552 : vector<16xf32>
        %max3A_554 = arith.maximumf %add3A_550, %mul3A_553 : vector<16xf32>
        %mul3A_555 = arith.mulf %max3A_554, %get3A_73 : vector<16xf32>
        %eq3A_556 = arith.constant 3 : i32
        %eq3A_557 = vector.broadcast %eq3A_556 : i32 to vector<16xi32>
        %eq3A_558 = arith.cmpi eq, %iota3A, %eq3A_557 : vector<16xi32>
        %reduce_sum3A_559 = arith.constant true
        %reduce_sum3A_560 = vector.broadcast %reduce_sum3A_559 : i1 to vector<16xi1>
        %reduce_sum3A_561 = tpu.scan <sum>, %mul3A_555 masked %reduce_sum3A_560 : vector<16xf32>, vector<16xi1> -> vector<16xf32>
        %reduce_sum3A_562 = vector.extract %reduce_sum3A_561[15] : f32 from vector<16xf32>
        %broadcast_in_dim3A_563 = vector.broadcast %reduce_sum3A_562 : f32 to vector<16xf32>
        %select_n3A_564 = arith.select %eq3A_558, %broadcast_in_dim3A_563, %select_n3A_549 : vector<16xi1>, vector<16xf32>
        %exp3A = math.exp %select_n3A_564 : vector<16xf32>
        %lt3A_565 = arith.constant 4 : i32
        %lt3A_566 = vector.broadcast %lt3A_565 : i32 to vector<16xi32>
        %lt3A_567 = arith.cmpi slt, %iota3A, %lt3A_566 : vector<16xi32>
        %jit3A = arith.constant 0.000000e+00 : f32
        %broadcast_in_dim3A_568 = vector.broadcast %jit3A : f32 to vector<16xf32>
        %select_n3A_569 = arith.select %lt3A_567, %exp3A, %broadcast_in_dim3A_568 : vector<16xi1>, vector<16xf32>
        %broadcast_in_dim3A_570 = arith.constant 0.000000e+00 : f32
        %broadcast_in_dim3A_571 = vector.broadcast %broadcast_in_dim3A_570 : f32 to vector<16xf32>
        %add3A_572 = arith.addf %get3A_424, %get3A_472 : vector<16xf32>
        %mul3A_573 = arith.constant 2.000000e-01 : f32
        %mul3A_574 = vector.broadcast %mul3A_573 : f32 to vector<16xf32>
        %mul3A_575 = arith.mulf %add3A_572, %mul3A_574 : vector<16xf32>
        %max3A_576 = arith.maximumf %add3A_572, %mul3A_575 : vector<16xf32>
        %mul3A_577 = arith.mulf %max3A_576, %get3A_61 : vector<16xf32>
        %eq3A_578 = arith.constant 0 : i32
        %eq3A_579 = vector.broadcast %eq3A_578 : i32 to vector<16xi32>
        %eq3A_580 = arith.cmpi eq, %iota3A, %eq3A_579 : vector<16xi32>
        %reduce_sum3A_581 = arith.constant true
        %reduce_sum3A_582 = vector.broadcast %reduce_sum3A_581 : i1 to vector<16xi1>
        %reduce_sum3A_583 = tpu.scan <sum>, %mul3A_577 masked %reduce_sum3A_582 : vector<16xf32>, vector<16xi1> -> vector<16xf32>
        %reduce_sum3A_584 = vector.extract %reduce_sum3A_583[15] : f32 from vector<16xf32>
        %broadcast_in_dim3A_585 = vector.broadcast %reduce_sum3A_584 : f32 to vector<16xf32>
        %select_n3A_586 = arith.select %eq3A_580, %broadcast_in_dim3A_585, %broadcast_in_dim3A_571 : vector<16xi1>, vector<16xf32>
        %add3A_587 = arith.addf %get3A_427, %get3A_475 : vector<16xf32>
        %mul3A_588 = arith.constant 2.000000e-01 : f32
        %mul3A_589 = vector.broadcast %mul3A_588 : f32 to vector<16xf32>
        %mul3A_590 = arith.mulf %add3A_587, %mul3A_589 : vector<16xf32>
        %max3A_591 = arith.maximumf %add3A_587, %mul3A_590 : vector<16xf32>
        %mul3A_592 = arith.mulf %max3A_591, %get3A_65 : vector<16xf32>
        %eq3A_593 = arith.constant 1 : i32
        %eq3A_594 = vector.broadcast %eq3A_593 : i32 to vector<16xi32>
        %eq3A_595 = arith.cmpi eq, %iota3A, %eq3A_594 : vector<16xi32>
        %reduce_sum3A_596 = arith.constant true
        %reduce_sum3A_597 = vector.broadcast %reduce_sum3A_596 : i1 to vector<16xi1>
        %reduce_sum3A_598 = tpu.scan <sum>, %mul3A_592 masked %reduce_sum3A_597 : vector<16xf32>, vector<16xi1> -> vector<16xf32>
        %reduce_sum3A_599 = vector.extract %reduce_sum3A_598[15] : f32 from vector<16xf32>
        %broadcast_in_dim3A_600 = vector.broadcast %reduce_sum3A_599 : f32 to vector<16xf32>
        %select_n3A_601 = arith.select %eq3A_595, %broadcast_in_dim3A_600, %select_n3A_586 : vector<16xi1>, vector<16xf32>
        %add3A_602 = arith.addf %get3A_430, %get3A_478 : vector<16xf32>
        %mul3A_603 = arith.constant 2.000000e-01 : f32
        %mul3A_604 = vector.broadcast %mul3A_603 : f32 to vector<16xf32>
        %mul3A_605 = arith.mulf %add3A_602, %mul3A_604 : vector<16xf32>
        %max3A_606 = arith.maximumf %add3A_602, %mul3A_605 : vector<16xf32>
        %mul3A_607 = arith.mulf %max3A_606, %get3A_69 : vector<16xf32>
        %eq3A_608 = arith.constant 2 : i32
        %eq3A_609 = vector.broadcast %eq3A_608 : i32 to vector<16xi32>
        %eq3A_610 = arith.cmpi eq, %iota3A, %eq3A_609 : vector<16xi32>
        %reduce_sum3A_611 = arith.constant true
        %reduce_sum3A_612 = vector.broadcast %reduce_sum3A_611 : i1 to vector<16xi1>
        %reduce_sum3A_613 = tpu.scan <sum>, %mul3A_607 masked %reduce_sum3A_612 : vector<16xf32>, vector<16xi1> -> vector<16xf32>
        %reduce_sum3A_614 = vector.extract %reduce_sum3A_613[15] : f32 from vector<16xf32>
        %broadcast_in_dim3A_615 = vector.broadcast %reduce_sum3A_614 : f32 to vector<16xf32>
        %select_n3A_616 = arith.select %eq3A_610, %broadcast_in_dim3A_615, %select_n3A_601 : vector<16xi1>, vector<16xf32>
        %add3A_617 = arith.addf %get3A_433, %get3A_481 : vector<16xf32>
        %mul3A_618 = arith.constant 2.000000e-01 : f32
        %mul3A_619 = vector.broadcast %mul3A_618 : f32 to vector<16xf32>
        %mul3A_620 = arith.mulf %add3A_617, %mul3A_619 : vector<16xf32>
        %max3A_621 = arith.maximumf %add3A_617, %mul3A_620 : vector<16xf32>
        %mul3A_622 = arith.mulf %max3A_621, %get3A_73 : vector<16xf32>
        %eq3A_623 = arith.constant 3 : i32
        %eq3A_624 = vector.broadcast %eq3A_623 : i32 to vector<16xi32>
        %eq3A_625 = arith.cmpi eq, %iota3A, %eq3A_624 : vector<16xi32>
        %reduce_sum3A_626 = arith.constant true
        %reduce_sum3A_627 = vector.broadcast %reduce_sum3A_626 : i1 to vector<16xi1>
        %reduce_sum3A_628 = tpu.scan <sum>, %mul3A_622 masked %reduce_sum3A_627 : vector<16xf32>, vector<16xi1> -> vector<16xf32>
        %reduce_sum3A_629 = vector.extract %reduce_sum3A_628[15] : f32 from vector<16xf32>
        %broadcast_in_dim3A_630 = vector.broadcast %reduce_sum3A_629 : f32 to vector<16xf32>
        %select_n3A_631 = arith.select %eq3A_625, %broadcast_in_dim3A_630, %select_n3A_616 : vector<16xi1>, vector<16xf32>
        %exp3A_632 = math.exp %select_n3A_631 : vector<16xf32>
        %lt3A_633 = arith.constant 4 : i32
        %lt3A_634 = vector.broadcast %lt3A_633 : i32 to vector<16xi32>
        %lt3A_635 = arith.cmpi slt, %iota3A, %lt3A_634 : vector<16xi32>
        %jit3A_636 = arith.constant 0.000000e+00 : f32
        %broadcast_in_dim3A_637 = vector.broadcast %jit3A_636 : f32 to vector<16xf32>
        %select_n3A_638 = arith.select %lt3A_635, %exp3A_632, %broadcast_in_dim3A_637 : vector<16xi1>, vector<16xf32>
        %broadcast_in_dim3A_639 = arith.constant 0.000000e+00 : f32
        %broadcast_in_dim3A_640 = vector.broadcast %broadcast_in_dim3A_639 : f32 to vector<16xf32>
        %add3A_641 = arith.addf %get3A_436, %get3A_484 : vector<16xf32>
        %mul3A_642 = arith.constant 2.000000e-01 : f32
        %mul3A_643 = vector.broadcast %mul3A_642 : f32 to vector<16xf32>
        %mul3A_644 = arith.mulf %add3A_641, %mul3A_643 : vector<16xf32>
        %max3A_645 = arith.maximumf %add3A_641, %mul3A_644 : vector<16xf32>
        %mul3A_646 = arith.mulf %max3A_645, %get3A_61 : vector<16xf32>
        %eq3A_647 = arith.constant 0 : i32
        %eq3A_648 = vector.broadcast %eq3A_647 : i32 to vector<16xi32>
        %eq3A_649 = arith.cmpi eq, %iota3A, %eq3A_648 : vector<16xi32>
        %reduce_sum3A_650 = arith.constant true
        %reduce_sum3A_651 = vector.broadcast %reduce_sum3A_650 : i1 to vector<16xi1>
        %reduce_sum3A_652 = tpu.scan <sum>, %mul3A_646 masked %reduce_sum3A_651 : vector<16xf32>, vector<16xi1> -> vector<16xf32>
        %reduce_sum3A_653 = vector.extract %reduce_sum3A_652[15] : f32 from vector<16xf32>
        %broadcast_in_dim3A_654 = vector.broadcast %reduce_sum3A_653 : f32 to vector<16xf32>
        %select_n3A_655 = arith.select %eq3A_649, %broadcast_in_dim3A_654, %broadcast_in_dim3A_640 : vector<16xi1>, vector<16xf32>
        %add3A_656 = arith.addf %get3A_439, %get3A_487 : vector<16xf32>
        %mul3A_657 = arith.constant 2.000000e-01 : f32
        %mul3A_658 = vector.broadcast %mul3A_657 : f32 to vector<16xf32>
        %mul3A_659 = arith.mulf %add3A_656, %mul3A_658 : vector<16xf32>
        %max3A_660 = arith.maximumf %add3A_656, %mul3A_659 : vector<16xf32>
        %mul3A_661 = arith.mulf %max3A_660, %get3A_65 : vector<16xf32>
        %eq3A_662 = arith.constant 1 : i32
        %eq3A_663 = vector.broadcast %eq3A_662 : i32 to vector<16xi32>
        %eq3A_664 = arith.cmpi eq, %iota3A, %eq3A_663 : vector<16xi32>
        %reduce_sum3A_665 = arith.constant true
        %reduce_sum3A_666 = vector.broadcast %reduce_sum3A_665 : i1 to vector<16xi1>
        %reduce_sum3A_667 = tpu.scan <sum>, %mul3A_661 masked %reduce_sum3A_666 : vector<16xf32>, vector<16xi1> -> vector<16xf32>
        %reduce_sum3A_668 = vector.extract %reduce_sum3A_667[15] : f32 from vector<16xf32>
        %broadcast_in_dim3A_669 = vector.broadcast %reduce_sum3A_668 : f32 to vector<16xf32>
        %select_n3A_670 = arith.select %eq3A_664, %broadcast_in_dim3A_669, %select_n3A_655 : vector<16xi1>, vector<16xf32>
        %add3A_671 = arith.addf %get3A_442, %get3A_490 : vector<16xf32>
        %mul3A_672 = arith.constant 2.000000e-01 : f32
        %mul3A_673 = vector.broadcast %mul3A_672 : f32 to vector<16xf32>
        %mul3A_674 = arith.mulf %add3A_671, %mul3A_673 : vector<16xf32>
        %max3A_675 = arith.maximumf %add3A_671, %mul3A_674 : vector<16xf32>
        %mul3A_676 = arith.mulf %max3A_675, %get3A_69 : vector<16xf32>
        %eq3A_677 = arith.constant 2 : i32
        %eq3A_678 = vector.broadcast %eq3A_677 : i32 to vector<16xi32>
        %eq3A_679 = arith.cmpi eq, %iota3A, %eq3A_678 : vector<16xi32>
        %reduce_sum3A_680 = arith.constant true
        %reduce_sum3A_681 = vector.broadcast %reduce_sum3A_680 : i1 to vector<16xi1>
        %reduce_sum3A_682 = tpu.scan <sum>, %mul3A_676 masked %reduce_sum3A_681 : vector<16xf32>, vector<16xi1> -> vector<16xf32>
        %reduce_sum3A_683 = vector.extract %reduce_sum3A_682[15] : f32 from vector<16xf32>
        %broadcast_in_dim3A_684 = vector.broadcast %reduce_sum3A_683 : f32 to vector<16xf32>
        %select_n3A_685 = arith.select %eq3A_679, %broadcast_in_dim3A_684, %select_n3A_670 : vector<16xi1>, vector<16xf32>
        %add3A_686 = arith.addf %get3A_445, %get3A_493 : vector<16xf32>
        %mul3A_687 = arith.constant 2.000000e-01 : f32
        %mul3A_688 = vector.broadcast %mul3A_687 : f32 to vector<16xf32>
        %mul3A_689 = arith.mulf %add3A_686, %mul3A_688 : vector<16xf32>
        %max3A_690 = arith.maximumf %add3A_686, %mul3A_689 : vector<16xf32>
        %mul3A_691 = arith.mulf %max3A_690, %get3A_73 : vector<16xf32>
        %eq3A_692 = arith.constant 3 : i32
        %eq3A_693 = vector.broadcast %eq3A_692 : i32 to vector<16xi32>
        %eq3A_694 = arith.cmpi eq, %iota3A, %eq3A_693 : vector<16xi32>
        %reduce_sum3A_695 = arith.constant true
        %reduce_sum3A_696 = vector.broadcast %reduce_sum3A_695 : i1 to vector<16xi1>
        %reduce_sum3A_697 = tpu.scan <sum>, %mul3A_691 masked %reduce_sum3A_696 : vector<16xf32>, vector<16xi1> -> vector<16xf32>
        %reduce_sum3A_698 = vector.extract %reduce_sum3A_697[15] : f32 from vector<16xf32>
        %broadcast_in_dim3A_699 = vector.broadcast %reduce_sum3A_698 : f32 to vector<16xf32>
        %select_n3A_700 = arith.select %eq3A_694, %broadcast_in_dim3A_699, %select_n3A_685 : vector<16xi1>, vector<16xf32>
        %exp3A_701 = math.exp %select_n3A_700 : vector<16xf32>
        %lt3A_702 = arith.constant 4 : i32
        %lt3A_703 = vector.broadcast %lt3A_702 : i32 to vector<16xi32>
        %lt3A_704 = arith.cmpi slt, %iota3A, %lt3A_703 : vector<16xi32>
        %jit3A_705 = arith.constant 0.000000e+00 : f32
        %broadcast_in_dim3A_706 = vector.broadcast %jit3A_705 : f32 to vector<16xf32>
        %select_n3A_707 = arith.select %lt3A_704, %exp3A_701, %broadcast_in_dim3A_706 : vector<16xi1>, vector<16xf32>
        %broadcast_in_dim3A_708 = arith.constant 0.000000e+00 : f32
        %broadcast_in_dim3A_709 = vector.broadcast %broadcast_in_dim3A_708 : f32 to vector<16xf32>
        %add3A_710 = arith.addf %get3A_448, %get3A_496 : vector<16xf32>
        %mul3A_711 = arith.constant 2.000000e-01 : f32
        %mul3A_712 = vector.broadcast %mul3A_711 : f32 to vector<16xf32>
        %mul3A_713 = arith.mulf %add3A_710, %mul3A_712 : vector<16xf32>
        %max3A_714 = arith.maximumf %add3A_710, %mul3A_713 : vector<16xf32>
        %mul3A_715 = arith.mulf %max3A_714, %get3A_61 : vector<16xf32>
        %eq3A_716 = arith.constant 0 : i32
        %eq3A_717 = vector.broadcast %eq3A_716 : i32 to vector<16xi32>
        %eq3A_718 = arith.cmpi eq, %iota3A, %eq3A_717 : vector<16xi32>
        %reduce_sum3A_719 = arith.constant true
        %reduce_sum3A_720 = vector.broadcast %reduce_sum3A_719 : i1 to vector<16xi1>
        %reduce_sum3A_721 = tpu.scan <sum>, %mul3A_715 masked %reduce_sum3A_720 : vector<16xf32>, vector<16xi1> -> vector<16xf32>
        %reduce_sum3A_722 = vector.extract %reduce_sum3A_721[15] : f32 from vector<16xf32>
        %broadcast_in_dim3A_723 = vector.broadcast %reduce_sum3A_722 : f32 to vector<16xf32>
        %select_n3A_724 = arith.select %eq3A_718, %broadcast_in_dim3A_723, %broadcast_in_dim3A_709 : vector<16xi1>, vector<16xf32>
        %add3A_725 = arith.addf %get3A_451, %get3A_499 : vector<16xf32>
        %mul3A_726 = arith.constant 2.000000e-01 : f32
        %mul3A_727 = vector.broadcast %mul3A_726 : f32 to vector<16xf32>
        %mul3A_728 = arith.mulf %add3A_725, %mul3A_727 : vector<16xf32>
        %max3A_729 = arith.maximumf %add3A_725, %mul3A_728 : vector<16xf32>
        %mul3A_730 = arith.mulf %max3A_729, %get3A_65 : vector<16xf32>
        %eq3A_731 = arith.constant 1 : i32
        %eq3A_732 = vector.broadcast %eq3A_731 : i32 to vector<16xi32>
        %eq3A_733 = arith.cmpi eq, %iota3A, %eq3A_732 : vector<16xi32>
        %reduce_sum3A_734 = arith.constant true
        %reduce_sum3A_735 = vector.broadcast %reduce_sum3A_734 : i1 to vector<16xi1>
        %reduce_sum3A_736 = tpu.scan <sum>, %mul3A_730 masked %reduce_sum3A_735 : vector<16xf32>, vector<16xi1> -> vector<16xf32>
        %reduce_sum3A_737 = vector.extract %reduce_sum3A_736[15] : f32 from vector<16xf32>
        %broadcast_in_dim3A_738 = vector.broadcast %reduce_sum3A_737 : f32 to vector<16xf32>
        %select_n3A_739 = arith.select %eq3A_733, %broadcast_in_dim3A_738, %select_n3A_724 : vector<16xi1>, vector<16xf32>
        %add3A_740 = arith.addf %get3A_454, %get3A_502 : vector<16xf32>
        %mul3A_741 = arith.constant 2.000000e-01 : f32
        %mul3A_742 = vector.broadcast %mul3A_741 : f32 to vector<16xf32>
        %mul3A_743 = arith.mulf %add3A_740, %mul3A_742 : vector<16xf32>
        %max3A_744 = arith.maximumf %add3A_740, %mul3A_743 : vector<16xf32>
        %mul3A_745 = arith.mulf %max3A_744, %get3A_69 : vector<16xf32>
        %eq3A_746 = arith.constant 2 : i32
        %eq3A_747 = vector.broadcast %eq3A_746 : i32 to vector<16xi32>
        %eq3A_748 = arith.cmpi eq, %iota3A, %eq3A_747 : vector<16xi32>
        %reduce_sum3A_749 = arith.constant true
        %reduce_sum3A_750 = vector.broadcast %reduce_sum3A_749 : i1 to vector<16xi1>
        %reduce_sum3A_751 = tpu.scan <sum>, %mul3A_745 masked %reduce_sum3A_750 : vector<16xf32>, vector<16xi1> -> vector<16xf32>
        %reduce_sum3A_752 = vector.extract %reduce_sum3A_751[15] : f32 from vector<16xf32>
        %broadcast_in_dim3A_753 = vector.broadcast %reduce_sum3A_752 : f32 to vector<16xf32>
        %select_n3A_754 = arith.select %eq3A_748, %broadcast_in_dim3A_753, %select_n3A_739 : vector<16xi1>, vector<16xf32>
        %add3A_755 = arith.addf %get3A_457, %get3A_505 : vector<16xf32>
        %mul3A_756 = arith.constant 2.000000e-01 : f32
        %mul3A_757 = vector.broadcast %mul3A_756 : f32 to vector<16xf32>
        %mul3A_758 = arith.mulf %add3A_755, %mul3A_757 : vector<16xf32>
        %max3A_759 = arith.maximumf %add3A_755, %mul3A_758 : vector<16xf32>
        %mul3A_760 = arith.mulf %max3A_759, %get3A_73 : vector<16xf32>
        %eq3A_761 = arith.constant 3 : i32
        %eq3A_762 = vector.broadcast %eq3A_761 : i32 to vector<16xi32>
        %eq3A_763 = arith.cmpi eq, %iota3A, %eq3A_762 : vector<16xi32>
        %reduce_sum3A_764 = arith.constant true
        %reduce_sum3A_765 = vector.broadcast %reduce_sum3A_764 : i1 to vector<16xi1>
        %reduce_sum3A_766 = tpu.scan <sum>, %mul3A_760 masked %reduce_sum3A_765 : vector<16xf32>, vector<16xi1> -> vector<16xf32>
        %reduce_sum3A_767 = vector.extract %reduce_sum3A_766[15] : f32 from vector<16xf32>
        %broadcast_in_dim3A_768 = vector.broadcast %reduce_sum3A_767 : f32 to vector<16xf32>
        %select_n3A_769 = arith.select %eq3A_763, %broadcast_in_dim3A_768, %select_n3A_754 : vector<16xi1>, vector<16xf32>
        %exp3A_770 = math.exp %select_n3A_769 : vector<16xf32>
        %lt3A_771 = arith.constant 4 : i32
        %lt3A_772 = vector.broadcast %lt3A_771 : i32 to vector<16xi32>
        %lt3A_773 = arith.cmpi slt, %iota3A, %lt3A_772 : vector<16xi32>
        %jit3A_774 = arith.constant 0.000000e+00 : f32
        %broadcast_in_dim3A_775 = vector.broadcast %jit3A_774 : f32 to vector<16xf32>
        %select_n3A_776 = arith.select %lt3A_773, %exp3A_770, %broadcast_in_dim3A_775 : vector<16xi1>, vector<16xf32>
        %swap3A = arith.index_cast %add3A_397 : i32 to index
        %swap3A_777 = arith.constant 64 : index
        %swap3A_778 = tpu.vector_load %arg12[%swap3A, %swap3A_777] {strides = array<i32>} : memref<40x80xf32, #tpu.memory_space<vmem>>, vector<16xf32>,
        tpu.vector_store %arg12[%swap3A, %swap3A_777], %select_n3A_569 {strides = array<i32>} : memref<40x80xf32, #tpu.memory_space<vmem>>, vector<16xf32>,
        %slice3A = vector.extract_strided_slice %select_n3A_569 {offsets = [0], sizes = [1], strides = [1]} : vector<16xf32> to vector<1xf32>
        %squeeze3A = vector.extract %slice3A[0] : f32 from vector<1xf32>
        %mul3A_779 = vector.broadcast %squeeze3A : f32 to vector<16xf32>
        %mul3A_780 = arith.mulf %get3A_412, %mul3A_779 : vector<16xf32>
        %swap3A_781 = arith.index_cast %add3A_397 : i32 to index
        %swap3A_782 = arith.constant 0 : index
        %swap3A_783 = tpu.vector_load %arg12[%swap3A_781, %swap3A_782] {strides = array<i32>} : memref<40x80xf32, #tpu.memory_space<vmem>>, vector<16xf32>,
        tpu.vector_store %arg12[%swap3A_781, %swap3A_782], %mul3A_780 {strides = array<i32>} : memref<40x80xf32, #tpu.memory_space<vmem>>, vector<16xf32>,
        %slice3A_784 = vector.extract_strided_slice %select_n3A_569 {offsets = [1], sizes = [1], strides = [1]} : vector<16xf32> to vector<1xf32>
        %squeeze3A_785 = vector.extract %slice3A_784[0] : f32 from vector<1xf32>
        %mul3A_786 = vector.broadcast %squeeze3A_785 : f32 to vector<16xf32>
        %mul3A_787 = arith.mulf %get3A_415, %mul3A_786 : vector<16xf32>
        %swap3A_788 = arith.index_cast %add3A_397 : i32 to index
        %swap3A_789 = arith.constant 16 : index
        %swap3A_790 = tpu.vector_load %arg12[%swap3A_788, %swap3A_789] {strides = array<i32>} : memref<40x80xf32, #tpu.memory_space<vmem>>, vector<16xf32>,
        tpu.vector_store %arg12[%swap3A_788, %swap3A_789], %mul3A_787 {strides = array<i32>} : memref<40x80xf32, #tpu.memory_space<vmem>>, vector<16xf32>,
        %slice3A_791 = vector.extract_strided_slice %select_n3A_569 {offsets = [2], sizes = [1], strides = [1]} : vector<16xf32> to vector<1xf32>
        %squeeze3A_792 = vector.extract %slice3A_791[0] : f32 from vector<1xf32>
        %mul3A_793 = vector.broadcast %squeeze3A_792 : f32 to vector<16xf32>
        %mul3A_794 = arith.mulf %get3A_418, %mul3A_793 : vector<16xf32>
        %swap3A_795 = arith.index_cast %add3A_397 : i32 to index
        %swap3A_796 = arith.constant 32 : index
        %swap3A_797 = tpu.vector_load %arg12[%swap3A_795, %swap3A_796] {strides = array<i32>} : memref<40x80xf32, #tpu.memory_space<vmem>>, vector<16xf32>,
        tpu.vector_store %arg12[%swap3A_795, %swap3A_796], %mul3A_794 {strides = array<i32>} : memref<40x80xf32, #tpu.memory_space<vmem>>, vector<16xf32>,
        %slice3A_798 = vector.extract_strided_slice %select_n3A_569 {offsets = [3], sizes = [1], strides = [1]} : vector<16xf32> to vector<1xf32>
        %squeeze3A_799 = vector.extract %slice3A_798[0] : f32 from vector<1xf32>
        %mul3A_800 = vector.broadcast %squeeze3A_799 : f32 to vector<16xf32>
        %mul3A_801 = arith.mulf %get3A_421, %mul3A_800 : vector<16xf32>
        %swap3A_802 = arith.index_cast %add3A_397 : i32 to index
        %swap3A_803 = arith.constant 48 : index
        %swap3A_804 = tpu.vector_load %arg12[%swap3A_802, %swap3A_803] {strides = array<i32>} : memref<40x80xf32, #tpu.memory_space<vmem>>, vector<16xf32>,
        tpu.vector_store %arg12[%swap3A_802, %swap3A_803], %mul3A_801 {strides = array<i32>} : memref<40x80xf32, #tpu.memory_space<vmem>>, vector<16xf32>,
        %swap3A_805 = arith.index_cast %add3A_401 : i32 to index
        %swap3A_806 = arith.constant 64 : index
        %swap3A_807 = tpu.vector_load %arg12[%swap3A_805, %swap3A_806] {strides = array<i32>} : memref<40x80xf32, #tpu.memory_space<vmem>>, vector<16xf32>,
        tpu.vector_store %arg12[%swap3A_805, %swap3A_806], %select_n3A_638 {strides = array<i32>} : memref<40x80xf32, #tpu.memory_space<vmem>>, vector<16xf32>,
        %slice3A_808 = vector.extract_strided_slice %select_n3A_638 {offsets = [0], sizes = [1], strides = [1]} : vector<16xf32> to vector<1xf32>
        %squeeze3A_809 = vector.extract %slice3A_808[0] : f32 from vector<1xf32>
        %mul3A_810 = vector.broadcast %squeeze3A_809 : f32 to vector<16xf32>
        %mul3A_811 = arith.mulf %get3A_424, %mul3A_810 : vector<16xf32>
        %swap3A_812 = arith.index_cast %add3A_401 : i32 to index
        %swap3A_813 = arith.constant 0 : index
        %swap3A_814 = tpu.vector_load %arg12[%swap3A_812, %swap3A_813] {strides = array<i32>} : memref<40x80xf32, #tpu.memory_space<vmem>>, vector<16xf32>,
        tpu.vector_store %arg12[%swap3A_812, %swap3A_813], %mul3A_811 {strides = array<i32>} : memref<40x80xf32, #tpu.memory_space<vmem>>, vector<16xf32>,
        %slice3A_815 = vector.extract_strided_slice %select_n3A_638 {offsets = [1], sizes = [1], strides = [1]} : vector<16xf32> to vector<1xf32>
        %squeeze3A_816 = vector.extract %slice3A_815[0] : f32 from vector<1xf32>
        %mul3A_817 = vector.broadcast %squeeze3A_816 : f32 to vector<16xf32>
        %mul3A_818 = arith.mulf %get3A_427, %mul3A_817 : vector<16xf32>
        %swap3A_819 = arith.index_cast %add3A_401 : i32 to index
        %swap3A_820 = arith.constant 16 : index
        %swap3A_821 = tpu.vector_load %arg12[%swap3A_819, %swap3A_820] {strides = array<i32>} : memref<40x80xf32, #tpu.memory_space<vmem>>, vector<16xf32>,
        tpu.vector_store %arg12[%swap3A_819, %swap3A_820], %mul3A_818 {strides = array<i32>} : memref<40x80xf32, #tpu.memory_space<vmem>>, vector<16xf32>,
        %slice3A_822 = vector.extract_strided_slice %select_n3A_638 {offsets = [2], sizes = [1], strides = [1]} : vector<16xf32> to vector<1xf32>
        %squeeze3A_823 = vector.extract %slice3A_822[0] : f32 from vector<1xf32>
        %mul3A_824 = vector.broadcast %squeeze3A_823 : f32 to vector<16xf32>
        %mul3A_825 = arith.mulf %get3A_430, %mul3A_824 : vector<16xf32>
        %swap3A_826 = arith.index_cast %add3A_401 : i32 to index
        %swap3A_827 = arith.constant 32 : index
        %swap3A_828 = tpu.vector_load %arg12[%swap3A_826, %swap3A_827] {strides = array<i32>} : memref<40x80xf32, #tpu.memory_space<vmem>>, vector<16xf32>,
        tpu.vector_store %arg12[%swap3A_826, %swap3A_827], %mul3A_825 {strides = array<i32>} : memref<40x80xf32, #tpu.memory_space<vmem>>, vector<16xf32>,
        %slice3A_829 = vector.extract_strided_slice %select_n3A_638 {offsets = [3], sizes = [1], strides = [1]} : vector<16xf32> to vector<1xf32>
        %squeeze3A_830 = vector.extract %slice3A_829[0] : f32 from vector<1xf32>
        %mul3A_831 = vector.broadcast %squeeze3A_830 : f32 to vector<16xf32>
        %mul3A_832 = arith.mulf %get3A_433, %mul3A_831 : vector<16xf32>
        %swap3A_833 = arith.index_cast %add3A_401 : i32 to index
        %swap3A_834 = arith.constant 48 : index
        %swap3A_835 = tpu.vector_load %arg12[%swap3A_833, %swap3A_834] {strides = array<i32>} : memref<40x80xf32, #tpu.memory_space<vmem>>, vector<16xf32>,
        tpu.vector_store %arg12[%swap3A_833, %swap3A_834], %mul3A_832 {strides = array<i32>} : memref<40x80xf32, #tpu.memory_space<vmem>>, vector<16xf32>,
        %swap3A_836 = arith.index_cast %add3A_405 : i32 to index
        %swap3A_837 = arith.constant 64 : index
        %swap3A_838 = tpu.vector_load %arg12[%swap3A_836, %swap3A_837] {strides = array<i32>} : memref<40x80xf32, #tpu.memory_space<vmem>>, vector<16xf32>,
        tpu.vector_store %arg12[%swap3A_836, %swap3A_837], %select_n3A_707 {strides = array<i32>} : memref<40x80xf32, #tpu.memory_space<vmem>>, vector<16xf32>,
        %slice3A_839 = vector.extract_strided_slice %select_n3A_707 {offsets = [0], sizes = [1], strides = [1]} : vector<16xf32> to vector<1xf32>
        %squeeze3A_840 = vector.extract %slice3A_839[0] : f32 from vector<1xf32>
        %mul3A_841 = vector.broadcast %squeeze3A_840 : f32 to vector<16xf32>
        %mul3A_842 = arith.mulf %get3A_436, %mul3A_841 : vector<16xf32>
        %swap3A_843 = arith.index_cast %add3A_405 : i32 to index
        %swap3A_844 = arith.constant 0 : index
        %swap3A_845 = tpu.vector_load %arg12[%swap3A_843, %swap3A_844] {strides = array<i32>} : memref<40x80xf32, #tpu.memory_space<vmem>>, vector<16xf32>,
        tpu.vector_store %arg12[%swap3A_843, %swap3A_844], %mul3A_842 {strides = array<i32>} : memref<40x80xf32, #tpu.memory_space<vmem>>, vector<16xf32>,
        %slice3A_846 = vector.extract_strided_slice %select_n3A_707 {offsets = [1], sizes = [1], strides = [1]} : vector<16xf32> to vector<1xf32>
        %squeeze3A_847 = vector.extract %slice3A_846[0] : f32 from vector<1xf32>
        %mul3A_848 = vector.broadcast %squeeze3A_847 : f32 to vector<16xf32>
        %mul3A_849 = arith.mulf %get3A_439, %mul3A_848 : vector<16xf32>
        %swap3A_850 = arith.index_cast %add3A_405 : i32 to index
        %swap3A_851 = arith.constant 16 : index
        %swap3A_852 = tpu.vector_load %arg12[%swap3A_850, %swap3A_851] {strides = array<i32>} : memref<40x80xf32, #tpu.memory_space<vmem>>, vector<16xf32>,
        tpu.vector_store %arg12[%swap3A_850, %swap3A_851], %mul3A_849 {strides = array<i32>} : memref<40x80xf32, #tpu.memory_space<vmem>>, vector<16xf32>,
        %slice3A_853 = vector.extract_strided_slice %select_n3A_707 {offsets = [2], sizes = [1], strides = [1]} : vector<16xf32> to vector<1xf32>
        %squeeze3A_854 = vector.extract %slice3A_853[0] : f32 from vector<1xf32>
        %mul3A_855 = vector.broadcast %squeeze3A_854 : f32 to vector<16xf32>
        %mul3A_856 = arith.mulf %get3A_442, %mul3A_855 : vector<16xf32>
        %swap3A_857 = arith.index_cast %add3A_405 : i32 to index
        %swap3A_858 = arith.constant 32 : index
        %swap3A_859 = tpu.vector_load %arg12[%swap3A_857, %swap3A_858] {strides = array<i32>} : memref<40x80xf32, #tpu.memory_space<vmem>>, vector<16xf32>,
        tpu.vector_store %arg12[%swap3A_857, %swap3A_858], %mul3A_856 {strides = array<i32>} : memref<40x80xf32, #tpu.memory_space<vmem>>, vector<16xf32>,
        %slice3A_860 = vector.extract_strided_slice %select_n3A_707 {offsets = [3], sizes = [1], strides = [1]} : vector<16xf32> to vector<1xf32>
        %squeeze3A_861 = vector.extract %slice3A_860[0] : f32 from vector<1xf32>
        %mul3A_862 = vector.broadcast %squeeze3A_861 : f32 to vector<16xf32>
        %mul3A_863 = arith.mulf %get3A_445, %mul3A_862 : vector<16xf32>
        %swap3A_864 = arith.index_cast %add3A_405 : i32 to index
        %swap3A_865 = arith.constant 48 : index
        %swap3A_866 = tpu.vector_load %arg12[%swap3A_864, %swap3A_865] {strides = array<i32>} : memref<40x80xf32, #tpu.memory_space<vmem>>, vector<16xf32>,
        tpu.vector_store %arg12[%swap3A_864, %swap3A_865], %mul3A_863 {strides = array<i32>} : memref<40x80xf32, #tpu.memory_space<vmem>>, vector<16xf32>,
        %swap3A_867 = arith.index_cast %add3A_409 : i32 to index
        %swap3A_868 = arith.constant 64 : index
        %swap3A_869 = tpu.vector_load %arg12[%swap3A_867, %swap3A_868] {strides = array<i32>} : memref<40x80xf32, #tpu.memory_space<vmem>>, vector<16xf32>,
        tpu.vector_store %arg12[%swap3A_867, %swap3A_868], %select_n3A_776 {strides = array<i32>} : memref<40x80xf32, #tpu.memory_space<vmem>>, vector<16xf32>,
        %slice3A_870 = vector.extract_strided_slice %select_n3A_776 {offsets = [0], sizes = [1], strides = [1]} : vector<16xf32> to vector<1xf32>
        %squeeze3A_871 = vector.extract %slice3A_870[0] : f32 from vector<1xf32>
        %mul3A_872 = vector.broadcast %squeeze3A_871 : f32 to vector<16xf32>
        %mul3A_873 = arith.mulf %get3A_448, %mul3A_872 : vector<16xf32>
        %swap3A_874 = arith.index_cast %add3A_409 : i32 to index
        %swap3A_875 = arith.constant 0 : index
        %swap3A_876 = tpu.vector_load %arg12[%swap3A_874, %swap3A_875] {strides = array<i32>} : memref<40x80xf32, #tpu.memory_space<vmem>>, vector<16xf32>,
        tpu.vector_store %arg12[%swap3A_874, %swap3A_875], %mul3A_873 {strides = array<i32>} : memref<40x80xf32, #tpu.memory_space<vmem>>, vector<16xf32>,
        %slice3A_877 = vector.extract_strided_slice %select_n3A_776 {offsets = [1], sizes = [1], strides = [1]} : vector<16xf32> to vector<1xf32>
        %squeeze3A_878 = vector.extract %slice3A_877[0] : f32 from vector<1xf32>
        %mul3A_879 = vector.broadcast %squeeze3A_878 : f32 to vector<16xf32>
        %mul3A_880 = arith.mulf %get3A_451, %mul3A_879 : vector<16xf32>
        %swap3A_881 = arith.index_cast %add3A_409 : i32 to index
        %swap3A_882 = arith.constant 16 : index
        %swap3A_883 = tpu.vector_load %arg12[%swap3A_881, %swap3A_882] {strides = array<i32>} : memref<40x80xf32, #tpu.memory_space<vmem>>, vector<16xf32>,
        tpu.vector_store %arg12[%swap3A_881, %swap3A_882], %mul3A_880 {strides = array<i32>} : memref<40x80xf32, #tpu.memory_space<vmem>>, vector<16xf32>,
        %slice3A_884 = vector.extract_strided_slice %select_n3A_776 {offsets = [2], sizes = [1], strides = [1]} : vector<16xf32> to vector<1xf32>
        %squeeze3A_885 = vector.extract %slice3A_884[0] : f32 from vector<1xf32>
        %mul3A_886 = vector.broadcast %squeeze3A_885 : f32 to vector<16xf32>
        %mul3A_887 = arith.mulf %get3A_454, %mul3A_886 : vector<16xf32>
        %swap3A_888 = arith.index_cast %add3A_409 : i32 to index
        %swap3A_889 = arith.constant 32 : index
        %swap3A_890 = tpu.vector_load %arg12[%swap3A_888, %swap3A_889] {strides = array<i32>} : memref<40x80xf32, #tpu.memory_space<vmem>>, vector<16xf32>,
        tpu.vector_store %arg12[%swap3A_888, %swap3A_889], %mul3A_887 {strides = array<i32>} : memref<40x80xf32, #tpu.memory_space<vmem>>, vector<16xf32>,
        %slice3A_891 = vector.extract_strided_slice %select_n3A_776 {offsets = [3], sizes = [1], strides = [1]} : vector<16xf32> to vector<1xf32>
        %squeeze3A_892 = vector.extract %slice3A_891[0] : f32 from vector<1xf32>
        %mul3A_893 = vector.broadcast %squeeze3A_892 : f32 to vector<16xf32>
        %mul3A_894 = arith.mulf %get3A_457, %mul3A_893 : vector<16xf32>
        %swap3A_895 = arith.index_cast %add3A_409 : i32 to index
        %swap3A_896 = arith.constant 48 : index
        %swap3A_897 = tpu.vector_load %arg12[%swap3A_895, %swap3A_896] {strides = array<i32>} : memref<40x80xf32, #tpu.memory_space<vmem>>, vector<16xf32>,
        tpu.vector_store %arg12[%swap3A_895, %swap3A_896], %mul3A_894 {strides = array<i32>} : memref<40x80xf32, #tpu.memory_space<vmem>>, vector<16xf32>,
        %scan3A_898 = arith.constant 0 : i32
        scf.yield %scan3A_898 : i32
      }
      %scan3A_239 = arith.constant 10 : i32
      %lt3A = arith.constant 124 : i32
      %lt3A_240 = arith.cmpi slt, %scan3A_203, %lt3A : i32
      %convert_element_type3A_241 = arith.extui %lt3A_240 : i1 to i32
      %cond3A_242 = arith.constant 0 : i32
      %cond3A_243 = arith.cmpi ne, %convert_element_type3A_241, %cond3A_242 : i32
      scf.if %cond3A_243 {
        %add3A_392 = arith.constant 4 : i32
        %add3A_393 = arith.addi %add3A_208, %add3A_392 : i32
        %dma_start3A_394 = arith.constant 0 : i32
        %dma_start3A_395 = tpu.memref_slice %arg8[%add3A_393, %dma_start3A_394] : memref<500x40xi32, #tpu.memory_space<vmem>> -> memref<1x40xi32, #tpu.memory_space<vmem>>
        %dma_start3A_396 = tpu.memref_squeeze %dma_start3A_395 : memref<1x40xi32, #tpu.memory_space<vmem>> -> memref<40xi32, #tpu.memory_space<vmem>>
        %dma_start3A_397 = arith.constant 0 : i32
        %dma_start3A_398 = arith.constant 0 : i32
        %dma_start3A_399 = tpu.memref_slice %arg2[%arg0, %dma_start3A_397, %dma_start3A_398] : memref<2x10000x64xf32, #tpu.memory_space<hbm>> -> memref<1x10000x64xf32, #tpu.memory_space<hbm>>
        %dma_start3A_400 = tpu.memref_squeeze %dma_start3A_399 : memref<1x10000x64xf32, #tpu.memory_space<hbm>> -> memref<10000x64xf32, #tpu.memory_space<hbm>>
        %dma_start3A_401 = arith.constant 0 : i32
        %dma_start3A_402 = arith.constant 0 : i32
        %dma_start3A_403 = tpu.memref_slice %dma_start3A_400[%dma_start3A_401, %dma_start3A_402] : memref<10000x64xf32, #tpu.memory_space<hbm>> -> memref<10000x64xf32, #tpu.memory_space<hbm>>
        tpu.enqueue_indirect_dma source(%dma_start3A_403 : memref<10000x64xf32, #tpu.memory_space<hbm>>) target(%arg10 : memref<40x64xf32, #tpu.memory_space<vmem>>) offsets(%dma_start3A_396 : memref<40xi32, #tpu.memory_space<vmem>>) semaphore(%arg25 : memref<!tpu.dma_semaphore, #tpu.memory_space<semaphore_mem>>)
        %dma_start3A_404 = arith.constant 0 : i32
        %dma_start3A_405 = tpu.memref_slice %arg9[%add3A_393, %dma_start3A_404] : memref<500x40xi32, #tpu.memory_space<vmem>> -> memref<1x40xi32, #tpu.memory_space<vmem>>
        %dma_start3A_406 = tpu.memref_squeeze %dma_start3A_405 : memref<1x40xi32, #tpu.memory_space<vmem>> -> memref<40xi32, #tpu.memory_space<vmem>>
        %dma_start3A_407 = arith.constant 0 : i32
        %dma_start3A_408 = arith.constant 0 : i32
        %dma_start3A_409 = tpu.memref_slice %arg3[%arg0, %dma_start3A_407, %dma_start3A_408] : memref<2x10000x64xf32, #tpu.memory_space<hbm>> -> memref<1x10000x64xf32, #tpu.memory_space<hbm>>
        %dma_start3A_410 = tpu.memref_squeeze %dma_start3A_409 : memref<1x10000x64xf32, #tpu.memory_space<hbm>> -> memref<10000x64xf32, #tpu.memory_space<hbm>>
        %dma_start3A_411 = arith.constant 0 : i32
        %dma_start3A_412 = arith.constant 0 : i32
        %dma_start3A_413 = tpu.memref_slice %dma_start3A_410[%dma_start3A_411, %dma_start3A_412] : memref<10000x64xf32, #tpu.memory_space<hbm>> -> memref<10000x64xf32, #tpu.memory_space<hbm>>
        tpu.enqueue_indirect_dma source(%dma_start3A_413 : memref<10000x64xf32, #tpu.memory_space<hbm>>) target(%arg11 : memref<40x64xf32, #tpu.memory_space<vmem>>) offsets(%dma_start3A_406 : memref<40xi32, #tpu.memory_space<vmem>>) semaphore(%arg25 : memref<!tpu.dma_semaphore, #tpu.memory_space<semaphore_mem>>)
      } else {
      }
      %dma_start3A_244 = arith.constant 0 : i32
      %dma_start3A_245 = tpu.memref_slice %arg9[%add3A_208, %dma_start3A_244] : memref<500x40xi32, #tpu.memory_space<vmem>> -> memref<1x40xi32, #tpu.memory_space<vmem>>
      %dma_start3A_246 = tpu.memref_squeeze %dma_start3A_245 : memref<1x40xi32, #tpu.memory_space<vmem>> -> memref<40xi32, #tpu.memory_space<vmem>>
      %dma_start3A_247 = arith.constant 0 : i32
      %dma_start3A_248 = arith.constant 0 : i32
      %dma_start3A_249 = tpu.memref_slice %arg24[%dma_start3A_247, %dma_start3A_248] : memref<10000x80xf32, #tpu.memory_space<vmem_shared>> -> memref<10000x80xf32, #tpu.memory_space<vmem_shared>>
      tpu.enqueue_indirect_dma source(%arg12 : memref<40x80xf32, #tpu.memory_space<vmem>>) target(%dma_start3A_249 : memref<10000x80xf32, #tpu.memory_space<vmem_shared>>) offsets(%dma_start3A_246 : memref<40xi32, #tpu.memory_space<vmem>>) semaphore(%arg29 : memref<!tpu.dma_semaphore, #tpu.memory_space<semaphore_mem>>) {add = true}
      %mul3A_250 = arith.constant 4 : i32
      %mul3A_251 = arith.muli %mul3A_250, %scan3A_203 : i32
      %add3A_252 = arith.constant 1 : i32
      %add3A_253 = arith.addi %mul3A_251, %add3A_252 : i32
      %gt3A_254 = arith.constant 0 : i32
      %gt3A_255 = arith.cmpi sgt, %scan3A_203, %gt3A_254 : i32
      %convert_element_type3A_256 = arith.extui %gt3A_255 : i1 to i32
      %cond3A_257 = arith.constant 0 : i32
      %cond3A_258 = arith.cmpi ne, %convert_element_type3A_256, %cond3A_257 : i32
      scf.if %cond3A_258 {
        %sub3A = arith.constant 4 : i32
        %sub3A_392 = arith.subi %add3A_253, %sub3A : i32
        %dma_wait3A_393 = arith.constant 0 : i32
        %dma_wait3A_394 = tpu.memref_slice %arg9[%sub3A_392, %dma_wait3A_393] : memref<500x40xi32, #tpu.memory_space<vmem>> -> memref<1x40xi32, #tpu.memory_space<vmem>>
        %dma_wait3A_395 = tpu.memref_squeeze %dma_wait3A_394 : memref<1x40xi32, #tpu.memory_space<vmem>> -> memref<40xi32, #tpu.memory_space<vmem>>
        %dma_wait3A_396 = arith.constant 0 : i32
        %dma_wait3A_397 = arith.constant 0 : i32
        %dma_wait3A_398 = tpu.memref_slice %arg24[%dma_wait3A_396, %dma_wait3A_397] : memref<10000x80xf32, #tpu.memory_space<vmem_shared>> -> memref<10000x80xf32, #tpu.memory_space<vmem_shared>>
        tpu.wait_indirect_dma semaphore(%arg30 : memref<!tpu.dma_semaphore, #tpu.memory_space<semaphore_mem>>) src(%arg15 : memref<40x80xf32, #tpu.memory_space<vmem>>) dst(%dma_wait3A_398 : memref<10000x80xf32, #tpu.memory_space<vmem_shared>>)
      } else {
      }
      %dma_wait3A_259 = arith.constant 0 : i32
      %dma_wait3A_260 = tpu.memref_slice %arg8[%add3A_253, %dma_wait3A_259] : memref<500x40xi32, #tpu.memory_space<vmem>> -> memref<1x40xi32, #tpu.memory_space<vmem>>
      %dma_wait3A_261 = tpu.memref_squeeze %dma_wait3A_260 : memref<1x40xi32, #tpu.memory_space<vmem>> -> memref<40xi32, #tpu.memory_space<vmem>>
      %dma_wait3A_262 = arith.constant 0 : i32
      %dma_wait3A_263 = arith.constant 0 : i32
      %dma_wait3A_264 = tpu.memref_slice %arg2[%arg0, %dma_wait3A_262, %dma_wait3A_263] : memref<2x10000x64xf32, #tpu.memory_space<hbm>> -> memref<1x10000x64xf32, #tpu.memory_space<hbm>>
      %dma_wait3A_265 = tpu.memref_squeeze %dma_wait3A_264 : memref<1x10000x64xf32, #tpu.memory_space<hbm>> -> memref<10000x64xf32, #tpu.memory_space<hbm>>
      %dma_wait3A_266 = arith.constant 0 : i32
      %dma_wait3A_267 = arith.constant 0 : i32
      %dma_wait3A_268 = tpu.memref_slice %dma_wait3A_265[%dma_wait3A_266, %dma_wait3A_267] : memref<10000x64xf32, #tpu.memory_space<hbm>> -> memref<10000x64xf32, #tpu.memory_space<hbm>>
      tpu.wait_indirect_dma semaphore(%arg26 : memref<!tpu.dma_semaphore, #tpu.memory_space<semaphore_mem>>) src(%dma_wait3A_268 : memref<10000x64xf32, #tpu.memory_space<hbm>>) dst(%arg13 : memref<40x64xf32, #tpu.memory_space<vmem>>)
      %dma_wait3A_269 = arith.constant 0 : i32
      %dma_wait3A_270 = tpu.memref_slice %arg9[%add3A_253, %dma_wait3A_269] : memref<500x40xi32, #tpu.memory_space<vmem>> -> memref<1x40xi32, #tpu.memory_space<vmem>>
      %dma_wait3A_271 = tpu.memref_squeeze %dma_wait3A_270 : memref<1x40xi32, #tpu.memory_space<vmem>> -> memref<40xi32, #tpu.memory_space<vmem>>
      %dma_wait3A_272 = arith.constant 0 : i32
      %dma_wait3A_273 = arith.constant 0 : i32
      %dma_wait3A_274 = tpu.memref_slice %arg3[%arg0, %dma_wait3A_272, %dma_wait3A_273] : memref<2x10000x64xf32, #tpu.memory_space<hbm>> -> memref<1x10000x64xf32, #tpu.memory_space<hbm>>
      %dma_wait3A_275 = tpu.memref_squeeze %dma_wait3A_274 : memref<1x10000x64xf32, #tpu.memory_space<hbm>> -> memref<10000x64xf32, #tpu.memory_space<hbm>>
      %dma_wait3A_276 = arith.constant 0 : i32
      %dma_wait3A_277 = arith.constant 0 : i32
      %dma_wait3A_278 = tpu.memref_slice %dma_wait3A_275[%dma_wait3A_276, %dma_wait3A_277] : memref<10000x64xf32, #tpu.memory_space<hbm>> -> memref<10000x64xf32, #tpu.memory_space<hbm>>
      tpu.wait_indirect_dma semaphore(%arg26 : memref<!tpu.dma_semaphore, #tpu.memory_space<semaphore_mem>>) src(%dma_wait3A_278 : memref<10000x64xf32, #tpu.memory_space<hbm>>) dst(%arg14 : memref<40x64xf32, #tpu.memory_space<vmem>>)
      %scan3A_279 = arith.constant 0 : i32
      %scan3A_280 = arith.constant 0 : i32
      %scan3A_281 = arith.constant 10 : i32
      %scan3A_282 = arith.addi %scan3A_280, %scan3A_281 : i32
      %scan3A_283 = arith.constant 1 : i32
      %scan3A_284 = scf.for %scan3A_392 = %scan3A_280 to %scan3A_282 step %scan3A_283 iter_args(%scan3A_393 = %scan3A_279) -> (i32)  : i32 {
        %mul3A_394 = arith.constant 4 : i32
        %mul3A_395 = arith.muli %scan3A_392, %mul3A_394 : i32
        %add3A_396 = arith.constant 0 : i32
        %add3A_397 = arith.addi %mul3A_395, %add3A_396 : i32
        %mul3A_398 = arith.constant 4 : i32
        %mul3A_399 = arith.muli %scan3A_392, %mul3A_398 : i32
        %add3A_400 = arith.constant 1 : i32
        %add3A_401 = arith.addi %mul3A_399, %add3A_400 : i32
        %mul3A_402 = arith.constant 4 : i32
        %mul3A_403 = arith.muli %scan3A_392, %mul3A_402 : i32
        %add3A_404 = arith.constant 2 : i32
        %add3A_405 = arith.addi %mul3A_403, %add3A_404 : i32
        %mul3A_406 = arith.constant 4 : i32
        %mul3A_407 = arith.muli %scan3A_392, %mul3A_406 : i32
        %add3A_408 = arith.constant 3 : i32
        %add3A_409 = arith.addi %mul3A_407, %add3A_408 : i32
        %get3A_410 = arith.index_cast %add3A_397 : i32 to index
        %get3A_411 = arith.constant 0 : index
        %get3A_412 = tpu.vector_load %arg13[%get3A_410, %get3A_411] {strides = array<i32>} : memref<40x64xf32, #tpu.memory_space<vmem>>, vector<16xf32>,
        %get3A_413 = arith.index_cast %add3A_397 : i32 to index
        %get3A_414 = arith.constant 16 : index
        %get3A_415 = tpu.vector_load %arg13[%get3A_413, %get3A_414] {strides = array<i32>} : memref<40x64xf32, #tpu.memory_space<vmem>>, vector<16xf32>,
        %get3A_416 = arith.index_cast %add3A_397 : i32 to index
        %get3A_417 = arith.constant 32 : index
        %get3A_418 = tpu.vector_load %arg13[%get3A_416, %get3A_417] {strides = array<i32>} : memref<40x64xf32, #tpu.memory_space<vmem>>, vector<16xf32>,
        %get3A_419 = arith.index_cast %add3A_397 : i32 to index
        %get3A_420 = arith.constant 48 : index
        %get3A_421 = tpu.vector_load %arg13[%get3A_419, %get3A_420] {strides = array<i32>} : memref<40x64xf32, #tpu.memory_space<vmem>>, vector<16xf32>,
        %get3A_422 = arith.index_cast %add3A_401 : i32 to index
        %get3A_423 = arith.constant 0 : index
        %get3A_424 = tpu.vector_load %arg13[%get3A_422, %get3A_423] {strides = array<i32>} : memref<40x64xf32, #tpu.memory_space<vmem>>, vector<16xf32>,
        %get3A_425 = arith.index_cast %add3A_401 : i32 to index
        %get3A_426 = arith.constant 16 : index
        %get3A_427 = tpu.vector_load %arg13[%get3A_425, %get3A_426] {strides = array<i32>} : memref<40x64xf32, #tpu.memory_space<vmem>>, vector<16xf32>,
        %get3A_428 = arith.index_cast %add3A_401 : i32 to index
        %get3A_429 = arith.constant 32 : index
        %get3A_430 = tpu.vector_load %arg13[%get3A_428, %get3A_429] {strides = array<i32>} : memref<40x64xf32, #tpu.memory_space<vmem>>, vector<16xf32>,
        %get3A_431 = arith.index_cast %add3A_401 : i32 to index
        %get3A_432 = arith.constant 48 : index
        %get3A_433 = tpu.vector_load %arg13[%get3A_431, %get3A_432] {strides = array<i32>} : memref<40x64xf32, #tpu.memory_space<vmem>>, vector<16xf32>,
        %get3A_434 = arith.index_cast %add3A_405 : i32 to index
        %get3A_435 = arith.constant 0 : index
        %get3A_436 = tpu.vector_load %arg13[%get3A_434, %get3A_435] {strides = array<i32>} : memref<40x64xf32, #tpu.memory_space<vmem>>, vector<16xf32>,
        %get3A_437 = arith.index_cast %add3A_405 : i32 to index
        %get3A_438 = arith.constant 16 : index
        %get3A_439 = tpu.vector_load %arg13[%get3A_437, %get3A_438] {strides = array<i32>} : memref<40x64xf32, #tpu.memory_space<vmem>>, vector<16xf32>,
        %get3A_440 = arith.index_cast %add3A_405 : i32 to index
        %get3A_441 = arith.constant 32 : index
        %get3A_442 = tpu.vector_load %arg13[%get3A_440, %get3A_441] {strides = array<i32>} : memref<40x64xf32, #tpu.memory_space<vmem>>, vector<16xf32>,
        %get3A_443 = arith.index_cast %add3A_405 : i32 to index
        %get3A_444 = arith.constant 48 : index
        %get3A_445 = tpu.vector_load %arg13[%get3A_443, %get3A_444] {strides = array<i32>} : memref<40x64xf32, #tpu.memory_space<vmem>>, vector<16xf32>,
        %get3A_446 = arith.index_cast %add3A_409 : i32 to index
        %get3A_447 = arith.constant 0 : index
        %get3A_448 = tpu.vector_load %arg13[%get3A_446, %get3A_447] {strides = array<i32>} : memref<40x64xf32, #tpu.memory_space<vmem>>, vector<16xf32>,
        %get3A_449 = arith.index_cast %add3A_409 : i32 to index
        %get3A_450 = arith.constant 16 : index
        %get3A_451 = tpu.vector_load %arg13[%get3A_449, %get3A_450] {strides = array<i32>} : memref<40x64xf32, #tpu.memory_space<vmem>>, vector<16xf32>,
        %get3A_452 = arith.index_cast %add3A_409 : i32 to index
        %get3A_453 = arith.constant 32 : index
        %get3A_454 = tpu.vector_load %arg13[%get3A_452, %get3A_453] {strides = array<i32>} : memref<40x64xf32, #tpu.memory_space<vmem>>, vector<16xf32>,
        %get3A_455 = arith.index_cast %add3A_409 : i32 to index
        %get3A_456 = arith.constant 48 : index
        %get3A_457 = tpu.vector_load %arg13[%get3A_455, %get3A_456] {strides = array<i32>} : memref<40x64xf32, #tpu.memory_space<vmem>>, vector<16xf32>,
        %get3A_458 = arith.index_cast %add3A_397 : i32 to index
        %get3A_459 = arith.constant 0 : index
        %get3A_460 = tpu.vector_load %arg14[%get3A_458, %get3A_459] {strides = array<i32>} : memref<40x64xf32, #tpu.memory_space<vmem>>, vector<16xf32>,
        %get3A_461 = arith.index_cast %add3A_397 : i32 to index
        %get3A_462 = arith.constant 16 : index
        %get3A_463 = tpu.vector_load %arg14[%get3A_461, %get3A_462] {strides = array<i32>} : memref<40x64xf32, #tpu.memory_space<vmem>>, vector<16xf32>,
        %get3A_464 = arith.index_cast %add3A_397 : i32 to index
        %get3A_465 = arith.constant 32 : index
        %get3A_466 = tpu.vector_load %arg14[%get3A_464, %get3A_465] {strides = array<i32>} : memref<40x64xf32, #tpu.memory_space<vmem>>, vector<16xf32>,
        %get3A_467 = arith.index_cast %add3A_397 : i32 to index
        %get3A_468 = arith.constant 48 : index
        %get3A_469 = tpu.vector_load %arg14[%get3A_467, %get3A_468] {strides = array<i32>} : memref<40x64xf32, #tpu.memory_space<vmem>>, vector<16xf32>,
        %get3A_470 = arith.index_cast %add3A_401 : i32 to index
        %get3A_471 = arith.constant 0 : index
        %get3A_472 = tpu.vector_load %arg14[%get3A_470, %get3A_471] {strides = array<i32>} : memref<40x64xf32, #tpu.memory_space<vmem>>, vector<16xf32>,
        %get3A_473 = arith.index_cast %add3A_401 : i32 to index
        %get3A_474 = arith.constant 16 : index
        %get3A_475 = tpu.vector_load %arg14[%get3A_473, %get3A_474] {strides = array<i32>} : memref<40x64xf32, #tpu.memory_space<vmem>>, vector<16xf32>,
        %get3A_476 = arith.index_cast %add3A_401 : i32 to index
        %get3A_477 = arith.constant 32 : index
        %get3A_478 = tpu.vector_load %arg14[%get3A_476, %get3A_477] {strides = array<i32>} : memref<40x64xf32, #tpu.memory_space<vmem>>, vector<16xf32>,
        %get3A_479 = arith.index_cast %add3A_401 : i32 to index
        %get3A_480 = arith.constant 48 : index
        %get3A_481 = tpu.vector_load %arg14[%get3A_479, %get3A_480] {strides = array<i32>} : memref<40x64xf32, #tpu.memory_space<vmem>>, vector<16xf32>,
        %get3A_482 = arith.index_cast %add3A_405 : i32 to index
        %get3A_483 = arith.constant 0 : index
        %get3A_484 = tpu.vector_load %arg14[%get3A_482, %get3A_483] {strides = array<i32>} : memref<40x64xf32, #tpu.memory_space<vmem>>, vector<16xf32>,
        %get3A_485 = arith.index_cast %add3A_405 : i32 to index
        %get3A_486 = arith.constant 16 : index
        %get3A_487 = tpu.vector_load %arg14[%get3A_485, %get3A_486] {strides = array<i32>} : memref<40x64xf32, #tpu.memory_space<vmem>>, vector<16xf32>,
        %get3A_488 = arith.index_cast %add3A_405 : i32 to index
        %get3A_489 = arith.constant 32 : index
        %get3A_490 = tpu.vector_load %arg14[%get3A_488, %get3A_489] {strides = array<i32>} : memref<40x64xf32, #tpu.memory_space<vmem>>, vector<16xf32>,
        %get3A_491 = arith.index_cast %add3A_405 : i32 to index
        %get3A_492 = arith.constant 48 : index
        %get3A_493 = tpu.vector_load %arg14[%get3A_491, %get3A_492] {strides = array<i32>} : memref<40x64xf32, #tpu.memory_space<vmem>>, vector<16xf32>,
        %get3A_494 = arith.index_cast %add3A_409 : i32 to index
        %get3A_495 = arith.constant 0 : index
        %get3A_496 = tpu.vector_load %arg14[%get3A_494, %get3A_495] {strides = array<i32>} : memref<40x64xf32, #tpu.memory_space<vmem>>, vector<16xf32>,
        %get3A_497 = arith.index_cast %add3A_409 : i32 to index
        %get3A_498 = arith.constant 16 : index
        %get3A_499 = tpu.vector_load %arg14[%get3A_497, %get3A_498] {strides = array<i32>} : memref<40x64xf32, #tpu.memory_space<vmem>>, vector<16xf32>,
        %get3A_500 = arith.index_cast %add3A_409 : i32 to index
        %get3A_501 = arith.constant 32 : index
        %get3A_502 = tpu.vector_load %arg14[%get3A_500, %get3A_501] {strides = array<i32>} : memref<40x64xf32, #tpu.memory_space<vmem>>, vector<16xf32>,
        %get3A_503 = arith.index_cast %add3A_409 : i32 to index
        %get3A_504 = arith.constant 48 : index
        %get3A_505 = tpu.vector_load %arg14[%get3A_503, %get3A_504] {strides = array<i32>} : memref<40x64xf32, #tpu.memory_space<vmem>>, vector<16xf32>,
        %broadcast_in_dim3A_506 = arith.constant 0.000000e+00 : f32
        %broadcast_in_dim3A_507 = vector.broadcast %broadcast_in_dim3A_506 : f32 to vector<16xf32>
        %add3A_508 = arith.addf %get3A_412, %get3A_460 : vector<16xf32>
        %mul3A_509 = arith.constant 2.000000e-01 : f32
        %mul3A_510 = vector.broadcast %mul3A_509 : f32 to vector<16xf32>
        %mul3A_511 = arith.mulf %add3A_508, %mul3A_510 : vector<16xf32>
        %max3A = arith.maximumf %add3A_508, %mul3A_511 : vector<16xf32>
        %mul3A_512 = arith.mulf %max3A, %get3A_61 : vector<16xf32>
        %eq3A_513 = arith.constant 0 : i32
        %eq3A_514 = vector.broadcast %eq3A_513 : i32 to vector<16xi32>
        %eq3A_515 = arith.cmpi eq, %iota3A, %eq3A_514 : vector<16xi32>
        %reduce_sum3A = arith.constant true
        %reduce_sum3A_516 = vector.broadcast %reduce_sum3A : i1 to vector<16xi1>
        %reduce_sum3A_517 = tpu.scan <sum>, %mul3A_512 masked %reduce_sum3A_516 : vector<16xf32>, vector<16xi1> -> vector<16xf32>
        %reduce_sum3A_518 = vector.extract %reduce_sum3A_517[15] : f32 from vector<16xf32>
        %broadcast_in_dim3A_519 = vector.broadcast %reduce_sum3A_518 : f32 to vector<16xf32>
        %select_n3A = arith.select %eq3A_515, %broadcast_in_dim3A_519, %broadcast_in_dim3A_507 : vector<16xi1>, vector<16xf32>
        %add3A_520 = arith.addf %get3A_415, %get3A_463 : vector<16xf32>
        %mul3A_521 = arith.constant 2.000000e-01 : f32
        %mul3A_522 = vector.broadcast %mul3A_521 : f32 to vector<16xf32>
        %mul3A_523 = arith.mulf %add3A_520, %mul3A_522 : vector<16xf32>
        %max3A_524 = arith.maximumf %add3A_520, %mul3A_523 : vector<16xf32>
        %mul3A_525 = arith.mulf %max3A_524, %get3A_65 : vector<16xf32>
        %eq3A_526 = arith.constant 1 : i32
        %eq3A_527 = vector.broadcast %eq3A_526 : i32 to vector<16xi32>
        %eq3A_528 = arith.cmpi eq, %iota3A, %eq3A_527 : vector<16xi32>
        %reduce_sum3A_529 = arith.constant true
        %reduce_sum3A_530 = vector.broadcast %reduce_sum3A_529 : i1 to vector<16xi1>
        %reduce_sum3A_531 = tpu.scan <sum>, %mul3A_525 masked %reduce_sum3A_530 : vector<16xf32>, vector<16xi1> -> vector<16xf32>
        %reduce_sum3A_532 = vector.extract %reduce_sum3A_531[15] : f32 from vector<16xf32>
        %broadcast_in_dim3A_533 = vector.broadcast %reduce_sum3A_532 : f32 to vector<16xf32>
        %select_n3A_534 = arith.select %eq3A_528, %broadcast_in_dim3A_533, %select_n3A : vector<16xi1>, vector<16xf32>
        %add3A_535 = arith.addf %get3A_418, %get3A_466 : vector<16xf32>
        %mul3A_536 = arith.constant 2.000000e-01 : f32
        %mul3A_537 = vector.broadcast %mul3A_536 : f32 to vector<16xf32>
        %mul3A_538 = arith.mulf %add3A_535, %mul3A_537 : vector<16xf32>
        %max3A_539 = arith.maximumf %add3A_535, %mul3A_538 : vector<16xf32>
        %mul3A_540 = arith.mulf %max3A_539, %get3A_69 : vector<16xf32>
        %eq3A_541 = arith.constant 2 : i32
        %eq3A_542 = vector.broadcast %eq3A_541 : i32 to vector<16xi32>
        %eq3A_543 = arith.cmpi eq, %iota3A, %eq3A_542 : vector<16xi32>
        %reduce_sum3A_544 = arith.constant true
        %reduce_sum3A_545 = vector.broadcast %reduce_sum3A_544 : i1 to vector<16xi1>
        %reduce_sum3A_546 = tpu.scan <sum>, %mul3A_540 masked %reduce_sum3A_545 : vector<16xf32>, vector<16xi1> -> vector<16xf32>
        %reduce_sum3A_547 = vector.extract %reduce_sum3A_546[15] : f32 from vector<16xf32>
        %broadcast_in_dim3A_548 = vector.broadcast %reduce_sum3A_547 : f32 to vector<16xf32>
        %select_n3A_549 = arith.select %eq3A_543, %broadcast_in_dim3A_548, %select_n3A_534 : vector<16xi1>, vector<16xf32>
        %add3A_550 = arith.addf %get3A_421, %get3A_469 : vector<16xf32>
        %mul3A_551 = arith.constant 2.000000e-01 : f32
        %mul3A_552 = vector.broadcast %mul3A_551 : f32 to vector<16xf32>
        %mul3A_553 = arith.mulf %add3A_550, %mul3A_552 : vector<16xf32>
        %max3A_554 = arith.maximumf %add3A_550, %mul3A_553 : vector<16xf32>
        %mul3A_555 = arith.mulf %max3A_554, %get3A_73 : vector<16xf32>
        %eq3A_556 = arith.constant 3 : i32
        %eq3A_557 = vector.broadcast %eq3A_556 : i32 to vector<16xi32>
        %eq3A_558 = arith.cmpi eq, %iota3A, %eq3A_557 : vector<16xi32>
        %reduce_sum3A_559 = arith.constant true
        %reduce_sum3A_560 = vector.broadcast %reduce_sum3A_559 : i1 to vector<16xi1>
        %reduce_sum3A_561 = tpu.scan <sum>, %mul3A_555 masked %reduce_sum3A_560 : vector<16xf32>, vector<16xi1> -> vector<16xf32>
        %reduce_sum3A_562 = vector.extract %reduce_sum3A_561[15] : f32 from vector<16xf32>
        %broadcast_in_dim3A_563 = vector.broadcast %reduce_sum3A_562 : f32 to vector<16xf32>
        %select_n3A_564 = arith.select %eq3A_558, %broadcast_in_dim3A_563, %select_n3A_549 : vector<16xi1>, vector<16xf32>
        %exp3A = math.exp %select_n3A_564 : vector<16xf32>
        %lt3A_565 = arith.constant 4 : i32
        %lt3A_566 = vector.broadcast %lt3A_565 : i32 to vector<16xi32>
        %lt3A_567 = arith.cmpi slt, %iota3A, %lt3A_566 : vector<16xi32>
        %jit3A = arith.constant 0.000000e+00 : f32
        %broadcast_in_dim3A_568 = vector.broadcast %jit3A : f32 to vector<16xf32>
        %select_n3A_569 = arith.select %lt3A_567, %exp3A, %broadcast_in_dim3A_568 : vector<16xi1>, vector<16xf32>
        %broadcast_in_dim3A_570 = arith.constant 0.000000e+00 : f32
        %broadcast_in_dim3A_571 = vector.broadcast %broadcast_in_dim3A_570 : f32 to vector<16xf32>
        %add3A_572 = arith.addf %get3A_424, %get3A_472 : vector<16xf32>
        %mul3A_573 = arith.constant 2.000000e-01 : f32
        %mul3A_574 = vector.broadcast %mul3A_573 : f32 to vector<16xf32>
        %mul3A_575 = arith.mulf %add3A_572, %mul3A_574 : vector<16xf32>
        %max3A_576 = arith.maximumf %add3A_572, %mul3A_575 : vector<16xf32>
        %mul3A_577 = arith.mulf %max3A_576, %get3A_61 : vector<16xf32>
        %eq3A_578 = arith.constant 0 : i32
        %eq3A_579 = vector.broadcast %eq3A_578 : i32 to vector<16xi32>
        %eq3A_580 = arith.cmpi eq, %iota3A, %eq3A_579 : vector<16xi32>
        %reduce_sum3A_581 = arith.constant true
        %reduce_sum3A_582 = vector.broadcast %reduce_sum3A_581 : i1 to vector<16xi1>
        %reduce_sum3A_583 = tpu.scan <sum>, %mul3A_577 masked %reduce_sum3A_582 : vector<16xf32>, vector<16xi1> -> vector<16xf32>
        %reduce_sum3A_584 = vector.extract %reduce_sum3A_583[15] : f32 from vector<16xf32>
        %broadcast_in_dim3A_585 = vector.broadcast %reduce_sum3A_584 : f32 to vector<16xf32>
        %select_n3A_586 = arith.select %eq3A_580, %broadcast_in_dim3A_585, %broadcast_in_dim3A_571 : vector<16xi1>, vector<16xf32>
        %add3A_587 = arith.addf %get3A_427, %get3A_475 : vector<16xf32>
        %mul3A_588 = arith.constant 2.000000e-01 : f32
        %mul3A_589 = vector.broadcast %mul3A_588 : f32 to vector<16xf32>
        %mul3A_590 = arith.mulf %add3A_587, %mul3A_589 : vector<16xf32>
        %max3A_591 = arith.maximumf %add3A_587, %mul3A_590 : vector<16xf32>
        %mul3A_592 = arith.mulf %max3A_591, %get3A_65 : vector<16xf32>
        %eq3A_593 = arith.constant 1 : i32
        %eq3A_594 = vector.broadcast %eq3A_593 : i32 to vector<16xi32>
        %eq3A_595 = arith.cmpi eq, %iota3A, %eq3A_594 : vector<16xi32>
        %reduce_sum3A_596 = arith.constant true
        %reduce_sum3A_597 = vector.broadcast %reduce_sum3A_596 : i1 to vector<16xi1>
        %reduce_sum3A_598 = tpu.scan <sum>, %mul3A_592 masked %reduce_sum3A_597 : vector<16xf32>, vector<16xi1> -> vector<16xf32>
        %reduce_sum3A_599 = vector.extract %reduce_sum3A_598[15] : f32 from vector<16xf32>
        %broadcast_in_dim3A_600 = vector.broadcast %reduce_sum3A_599 : f32 to vector<16xf32>
        %select_n3A_601 = arith.select %eq3A_595, %broadcast_in_dim3A_600, %select_n3A_586 : vector<16xi1>, vector<16xf32>
        %add3A_602 = arith.addf %get3A_430, %get3A_478 : vector<16xf32>
        %mul3A_603 = arith.constant 2.000000e-01 : f32
        %mul3A_604 = vector.broadcast %mul3A_603 : f32 to vector<16xf32>
        %mul3A_605 = arith.mulf %add3A_602, %mul3A_604 : vector<16xf32>
        %max3A_606 = arith.maximumf %add3A_602, %mul3A_605 : vector<16xf32>
        %mul3A_607 = arith.mulf %max3A_606, %get3A_69 : vector<16xf32>
        %eq3A_608 = arith.constant 2 : i32
        %eq3A_609 = vector.broadcast %eq3A_608 : i32 to vector<16xi32>
        %eq3A_610 = arith.cmpi eq, %iota3A, %eq3A_609 : vector<16xi32>
        %reduce_sum3A_611 = arith.constant true
        %reduce_sum3A_612 = vector.broadcast %reduce_sum3A_611 : i1 to vector<16xi1>
        %reduce_sum3A_613 = tpu.scan <sum>, %mul3A_607 masked %reduce_sum3A_612 : vector<16xf32>, vector<16xi1> -> vector<16xf32>
        %reduce_sum3A_614 = vector.extract %reduce_sum3A_613[15] : f32 from vector<16xf32>
        %broadcast_in_dim3A_615 = vector.broadcast %reduce_sum3A_614 : f32 to vector<16xf32>
        %select_n3A_616 = arith.select %eq3A_610, %broadcast_in_dim3A_615, %select_n3A_601 : vector<16xi1>, vector<16xf32>
        %add3A_617 = arith.addf %get3A_433, %get3A_481 : vector<16xf32>
        %mul3A_618 = arith.constant 2.000000e-01 : f32
        %mul3A_619 = vector.broadcast %mul3A_618 : f32 to vector<16xf32>
        %mul3A_620 = arith.mulf %add3A_617, %mul3A_619 : vector<16xf32>
        %max3A_621 = arith.maximumf %add3A_617, %mul3A_620 : vector<16xf32>
        %mul3A_622 = arith.mulf %max3A_621, %get3A_73 : vector<16xf32>
        %eq3A_623 = arith.constant 3 : i32
        %eq3A_624 = vector.broadcast %eq3A_623 : i32 to vector<16xi32>
        %eq3A_625 = arith.cmpi eq, %iota3A, %eq3A_624 : vector<16xi32>
        %reduce_sum3A_626 = arith.constant true
        %reduce_sum3A_627 = vector.broadcast %reduce_sum3A_626 : i1 to vector<16xi1>
        %reduce_sum3A_628 = tpu.scan <sum>, %mul3A_622 masked %reduce_sum3A_627 : vector<16xf32>, vector<16xi1> -> vector<16xf32>
        %reduce_sum3A_629 = vector.extract %reduce_sum3A_628[15] : f32 from vector<16xf32>
        %broadcast_in_dim3A_630 = vector.broadcast %reduce_sum3A_629 : f32 to vector<16xf32>
        %select_n3A_631 = arith.select %eq3A_625, %broadcast_in_dim3A_630, %select_n3A_616 : vector<16xi1>, vector<16xf32>
        %exp3A_632 = math.exp %select_n3A_631 : vector<16xf32>
        %lt3A_633 = arith.constant 4 : i32
        %lt3A_634 = vector.broadcast %lt3A_633 : i32 to vector<16xi32>
        %lt3A_635 = arith.cmpi slt, %iota3A, %lt3A_634 : vector<16xi32>
        %jit3A_636 = arith.constant 0.000000e+00 : f32
        %broadcast_in_dim3A_637 = vector.broadcast %jit3A_636 : f32 to vector<16xf32>
        %select_n3A_638 = arith.select %lt3A_635, %exp3A_632, %broadcast_in_dim3A_637 : vector<16xi1>, vector<16xf32>
        %broadcast_in_dim3A_639 = arith.constant 0.000000e+00 : f32
        %broadcast_in_dim3A_640 = vector.broadcast %broadcast_in_dim3A_639 : f32 to vector<16xf32>
        %add3A_641 = arith.addf %get3A_436, %get3A_484 : vector<16xf32>
        %mul3A_642 = arith.constant 2.000000e-01 : f32
        %mul3A_643 = vector.broadcast %mul3A_642 : f32 to vector<16xf32>
        %mul3A_644 = arith.mulf %add3A_641, %mul3A_643 : vector<16xf32>
        %max3A_645 = arith.maximumf %add3A_641, %mul3A_644 : vector<16xf32>
        %mul3A_646 = arith.mulf %max3A_645, %get3A_61 : vector<16xf32>
        %eq3A_647 = arith.constant 0 : i32
        %eq3A_648 = vector.broadcast %eq3A_647 : i32 to vector<16xi32>
        %eq3A_649 = arith.cmpi eq, %iota3A, %eq3A_648 : vector<16xi32>
        %reduce_sum3A_650 = arith.constant true
        %reduce_sum3A_651 = vector.broadcast %reduce_sum3A_650 : i1 to vector<16xi1>
        %reduce_sum3A_652 = tpu.scan <sum>, %mul3A_646 masked %reduce_sum3A_651 : vector<16xf32>, vector<16xi1> -> vector<16xf32>
        %reduce_sum3A_653 = vector.extract %reduce_sum3A_652[15] : f32 from vector<16xf32>
        %broadcast_in_dim3A_654 = vector.broadcast %reduce_sum3A_653 : f32 to vector<16xf32>
        %select_n3A_655 = arith.select %eq3A_649, %broadcast_in_dim3A_654, %broadcast_in_dim3A_640 : vector<16xi1>, vector<16xf32>
        %add3A_656 = arith.addf %get3A_439, %get3A_487 : vector<16xf32>
        %mul3A_657 = arith.constant 2.000000e-01 : f32
        %mul3A_658 = vector.broadcast %mul3A_657 : f32 to vector<16xf32>
        %mul3A_659 = arith.mulf %add3A_656, %mul3A_658 : vector<16xf32>
        %max3A_660 = arith.maximumf %add3A_656, %mul3A_659 : vector<16xf32>
        %mul3A_661 = arith.mulf %max3A_660, %get3A_65 : vector<16xf32>
        %eq3A_662 = arith.constant 1 : i32
        %eq3A_663 = vector.broadcast %eq3A_662 : i32 to vector<16xi32>
        %eq3A_664 = arith.cmpi eq, %iota3A, %eq3A_663 : vector<16xi32>
        %reduce_sum3A_665 = arith.constant true
        %reduce_sum3A_666 = vector.broadcast %reduce_sum3A_665 : i1 to vector<16xi1>
        %reduce_sum3A_667 = tpu.scan <sum>, %mul3A_661 masked %reduce_sum3A_666 : vector<16xf32>, vector<16xi1> -> vector<16xf32>
        %reduce_sum3A_668 = vector.extract %reduce_sum3A_667[15] : f32 from vector<16xf32>
        %broadcast_in_dim3A_669 = vector.broadcast %reduce_sum3A_668 : f32 to vector<16xf32>
        %select_n3A_670 = arith.select %eq3A_664, %broadcast_in_dim3A_669, %select_n3A_655 : vector<16xi1>, vector<16xf32>
        %add3A_671 = arith.addf %get3A_442, %get3A_490 : vector<16xf32>
        %mul3A_672 = arith.constant 2.000000e-01 : f32
        %mul3A_673 = vector.broadcast %mul3A_672 : f32 to vector<16xf32>
        %mul3A_674 = arith.mulf %add3A_671, %mul3A_673 : vector<16xf32>
        %max3A_675 = arith.maximumf %add3A_671, %mul3A_674 : vector<16xf32>
        %mul3A_676 = arith.mulf %max3A_675, %get3A_69 : vector<16xf32>
        %eq3A_677 = arith.constant 2 : i32
        %eq3A_678 = vector.broadcast %eq3A_677 : i32 to vector<16xi32>
        %eq3A_679 = arith.cmpi eq, %iota3A, %eq3A_678 : vector<16xi32>
        %reduce_sum3A_680 = arith.constant true
        %reduce_sum3A_681 = vector.broadcast %reduce_sum3A_680 : i1 to vector<16xi1>
        %reduce_sum3A_682 = tpu.scan <sum>, %mul3A_676 masked %reduce_sum3A_681 : vector<16xf32>, vector<16xi1> -> vector<16xf32>
        %reduce_sum3A_683 = vector.extract %reduce_sum3A_682[15] : f32 from vector<16xf32>
        %broadcast_in_dim3A_684 = vector.broadcast %reduce_sum3A_683 : f32 to vector<16xf32>
        %select_n3A_685 = arith.select %eq3A_679, %broadcast_in_dim3A_684, %select_n3A_670 : vector<16xi1>, vector<16xf32>
        %add3A_686 = arith.addf %get3A_445, %get3A_493 : vector<16xf32>
        %mul3A_687 = arith.constant 2.000000e-01 : f32
        %mul3A_688 = vector.broadcast %mul3A_687 : f32 to vector<16xf32>
        %mul3A_689 = arith.mulf %add3A_686, %mul3A_688 : vector<16xf32>
        %max3A_690 = arith.maximumf %add3A_686, %mul3A_689 : vector<16xf32>
        %mul3A_691 = arith.mulf %max3A_690, %get3A_73 : vector<16xf32>
        %eq3A_692 = arith.constant 3 : i32
        %eq3A_693 = vector.broadcast %eq3A_692 : i32 to vector<16xi32>
        %eq3A_694 = arith.cmpi eq, %iota3A, %eq3A_693 : vector<16xi32>
        %reduce_sum3A_695 = arith.constant true
        %reduce_sum3A_696 = vector.broadcast %reduce_sum3A_695 : i1 to vector<16xi1>
        %reduce_sum3A_697 = tpu.scan <sum>, %mul3A_691 masked %reduce_sum3A_696 : vector<16xf32>, vector<16xi1> -> vector<16xf32>
        %reduce_sum3A_698 = vector.extract %reduce_sum3A_697[15] : f32 from vector<16xf32>
        %broadcast_in_dim3A_699 = vector.broadcast %reduce_sum3A_698 : f32 to vector<16xf32>
        %select_n3A_700 = arith.select %eq3A_694, %broadcast_in_dim3A_699, %select_n3A_685 : vector<16xi1>, vector<16xf32>
        %exp3A_701 = math.exp %select_n3A_700 : vector<16xf32>
        %lt3A_702 = arith.constant 4 : i32
        %lt3A_703 = vector.broadcast %lt3A_702 : i32 to vector<16xi32>
        %lt3A_704 = arith.cmpi slt, %iota3A, %lt3A_703 : vector<16xi32>
        %jit3A_705 = arith.constant 0.000000e+00 : f32
        %broadcast_in_dim3A_706 = vector.broadcast %jit3A_705 : f32 to vector<16xf32>
        %select_n3A_707 = arith.select %lt3A_704, %exp3A_701, %broadcast_in_dim3A_706 : vector<16xi1>, vector<16xf32>
        %broadcast_in_dim3A_708 = arith.constant 0.000000e+00 : f32
        %broadcast_in_dim3A_709 = vector.broadcast %broadcast_in_dim3A_708 : f32 to vector<16xf32>
        %add3A_710 = arith.addf %get3A_448, %get3A_496 : vector<16xf32>
        %mul3A_711 = arith.constant 2.000000e-01 : f32
        %mul3A_712 = vector.broadcast %mul3A_711 : f32 to vector<16xf32>
        %mul3A_713 = arith.mulf %add3A_710, %mul3A_712 : vector<16xf32>
        %max3A_714 = arith.maximumf %add3A_710, %mul3A_713 : vector<16xf32>
        %mul3A_715 = arith.mulf %max3A_714, %get3A_61 : vector<16xf32>
        %eq3A_716 = arith.constant 0 : i32
        %eq3A_717 = vector.broadcast %eq3A_716 : i32 to vector<16xi32>
        %eq3A_718 = arith.cmpi eq, %iota3A, %eq3A_717 : vector<16xi32>
        %reduce_sum3A_719 = arith.constant true
        %reduce_sum3A_720 = vector.broadcast %reduce_sum3A_719 : i1 to vector<16xi1>
        %reduce_sum3A_721 = tpu.scan <sum>, %mul3A_715 masked %reduce_sum3A_720 : vector<16xf32>, vector<16xi1> -> vector<16xf32>
        %reduce_sum3A_722 = vector.extract %reduce_sum3A_721[15] : f32 from vector<16xf32>
        %broadcast_in_dim3A_723 = vector.broadcast %reduce_sum3A_722 : f32 to vector<16xf32>
        %select_n3A_724 = arith.select %eq3A_718, %broadcast_in_dim3A_723, %broadcast_in_dim3A_709 : vector<16xi1>, vector<16xf32>
        %add3A_725 = arith.addf %get3A_451, %get3A_499 : vector<16xf32>
        %mul3A_726 = arith.constant 2.000000e-01 : f32
        %mul3A_727 = vector.broadcast %mul3A_726 : f32 to vector<16xf32>
        %mul3A_728 = arith.mulf %add3A_725, %mul3A_727 : vector<16xf32>
        %max3A_729 = arith.maximumf %add3A_725, %mul3A_728 : vector<16xf32>
        %mul3A_730 = arith.mulf %max3A_729, %get3A_65 : vector<16xf32>
        %eq3A_731 = arith.constant 1 : i32
        %eq3A_732 = vector.broadcast %eq3A_731 : i32 to vector<16xi32>
        %eq3A_733 = arith.cmpi eq, %iota3A, %eq3A_732 : vector<16xi32>
        %reduce_sum3A_734 = arith.constant true
        %reduce_sum3A_735 = vector.broadcast %reduce_sum3A_734 : i1 to vector<16xi1>
        %reduce_sum3A_736 = tpu.scan <sum>, %mul3A_730 masked %reduce_sum3A_735 : vector<16xf32>, vector<16xi1> -> vector<16xf32>
        %reduce_sum3A_737 = vector.extract %reduce_sum3A_736[15] : f32 from vector<16xf32>
        %broadcast_in_dim3A_738 = vector.broadcast %reduce_sum3A_737 : f32 to vector<16xf32>
        %select_n3A_739 = arith.select %eq3A_733, %broadcast_in_dim3A_738, %select_n3A_724 : vector<16xi1>, vector<16xf32>
        %add3A_740 = arith.addf %get3A_454, %get3A_502 : vector<16xf32>
        %mul3A_741 = arith.constant 2.000000e-01 : f32
        %mul3A_742 = vector.broadcast %mul3A_741 : f32 to vector<16xf32>
        %mul3A_743 = arith.mulf %add3A_740, %mul3A_742 : vector<16xf32>
        %max3A_744 = arith.maximumf %add3A_740, %mul3A_743 : vector<16xf32>
        %mul3A_745 = arith.mulf %max3A_744, %get3A_69 : vector<16xf32>
        %eq3A_746 = arith.constant 2 : i32
        %eq3A_747 = vector.broadcast %eq3A_746 : i32 to vector<16xi32>
        %eq3A_748 = arith.cmpi eq, %iota3A, %eq3A_747 : vector<16xi32>
        %reduce_sum3A_749 = arith.constant true
        %reduce_sum3A_750 = vector.broadcast %reduce_sum3A_749 : i1 to vector<16xi1>
        %reduce_sum3A_751 = tpu.scan <sum>, %mul3A_745 masked %reduce_sum3A_750 : vector<16xf32>, vector<16xi1> -> vector<16xf32>
        %reduce_sum3A_752 = vector.extract %reduce_sum3A_751[15] : f32 from vector<16xf32>
        %broadcast_in_dim3A_753 = vector.broadcast %reduce_sum3A_752 : f32 to vector<16xf32>
        %select_n3A_754 = arith.select %eq3A_748, %broadcast_in_dim3A_753, %select_n3A_739 : vector<16xi1>, vector<16xf32>
        %add3A_755 = arith.addf %get3A_457, %get3A_505 : vector<16xf32>
        %mul3A_756 = arith.constant 2.000000e-01 : f32
        %mul3A_757 = vector.broadcast %mul3A_756 : f32 to vector<16xf32>
        %mul3A_758 = arith.mulf %add3A_755, %mul3A_757 : vector<16xf32>
        %max3A_759 = arith.maximumf %add3A_755, %mul3A_758 : vector<16xf32>
        %mul3A_760 = arith.mulf %max3A_759, %get3A_73 : vector<16xf32>
        %eq3A_761 = arith.constant 3 : i32
        %eq3A_762 = vector.broadcast %eq3A_761 : i32 to vector<16xi32>
        %eq3A_763 = arith.cmpi eq, %iota3A, %eq3A_762 : vector<16xi32>
        %reduce_sum3A_764 = arith.constant true
        %reduce_sum3A_765 = vector.broadcast %reduce_sum3A_764 : i1 to vector<16xi1>
        %reduce_sum3A_766 = tpu.scan <sum>, %mul3A_760 masked %reduce_sum3A_765 : vector<16xf32>, vector<16xi1> -> vector<16xf32>
        %reduce_sum3A_767 = vector.extract %reduce_sum3A_766[15] : f32 from vector<16xf32>
        %broadcast_in_dim3A_768 = vector.broadcast %reduce_sum3A_767 : f32 to vector<16xf32>
        %select_n3A_769 = arith.select %eq3A_763, %broadcast_in_dim3A_768, %select_n3A_754 : vector<16xi1>, vector<16xf32>
        %exp3A_770 = math.exp %select_n3A_769 : vector<16xf32>
        %lt3A_771 = arith.constant 4 : i32
        %lt3A_772 = vector.broadcast %lt3A_771 : i32 to vector<16xi32>
        %lt3A_773 = arith.cmpi slt, %iota3A, %lt3A_772 : vector<16xi32>
        %jit3A_774 = arith.constant 0.000000e+00 : f32
        %broadcast_in_dim3A_775 = vector.broadcast %jit3A_774 : f32 to vector<16xf32>
        %select_n3A_776 = arith.select %lt3A_773, %exp3A_770, %broadcast_in_dim3A_775 : vector<16xi1>, vector<16xf32>
        %swap3A = arith.index_cast %add3A_397 : i32 to index
        %swap3A_777 = arith.constant 64 : index
        %swap3A_778 = tpu.vector_load %arg15[%swap3A, %swap3A_777] {strides = array<i32>} : memref<40x80xf32, #tpu.memory_space<vmem>>, vector<16xf32>,
        tpu.vector_store %arg15[%swap3A, %swap3A_777], %select_n3A_569 {strides = array<i32>} : memref<40x80xf32, #tpu.memory_space<vmem>>, vector<16xf32>,
        %slice3A = vector.extract_strided_slice %select_n3A_569 {offsets = [0], sizes = [1], strides = [1]} : vector<16xf32> to vector<1xf32>
        %squeeze3A = vector.extract %slice3A[0] : f32 from vector<1xf32>
        %mul3A_779 = vector.broadcast %squeeze3A : f32 to vector<16xf32>
        %mul3A_780 = arith.mulf %get3A_412, %mul3A_779 : vector<16xf32>
        %swap3A_781 = arith.index_cast %add3A_397 : i32 to index
        %swap3A_782 = arith.constant 0 : index
        %swap3A_783 = tpu.vector_load %arg15[%swap3A_781, %swap3A_782] {strides = array<i32>} : memref<40x80xf32, #tpu.memory_space<vmem>>, vector<16xf32>,
        tpu.vector_store %arg15[%swap3A_781, %swap3A_782], %mul3A_780 {strides = array<i32>} : memref<40x80xf32, #tpu.memory_space<vmem>>, vector<16xf32>,
        %slice3A_784 = vector.extract_strided_slice %select_n3A_569 {offsets = [1], sizes = [1], strides = [1]} : vector<16xf32> to vector<1xf32>
        %squeeze3A_785 = vector.extract %slice3A_784[0] : f32 from vector<1xf32>
        %mul3A_786 = vector.broadcast %squeeze3A_785 : f32 to vector<16xf32>
        %mul3A_787 = arith.mulf %get3A_415, %mul3A_786 : vector<16xf32>
        %swap3A_788 = arith.index_cast %add3A_397 : i32 to index
        %swap3A_789 = arith.constant 16 : index
        %swap3A_790 = tpu.vector_load %arg15[%swap3A_788, %swap3A_789] {strides = array<i32>} : memref<40x80xf32, #tpu.memory_space<vmem>>, vector<16xf32>,
        tpu.vector_store %arg15[%swap3A_788, %swap3A_789], %mul3A_787 {strides = array<i32>} : memref<40x80xf32, #tpu.memory_space<vmem>>, vector<16xf32>,
        %slice3A_791 = vector.extract_strided_slice %select_n3A_569 {offsets = [2], sizes = [1], strides = [1]} : vector<16xf32> to vector<1xf32>
        %squeeze3A_792 = vector.extract %slice3A_791[0] : f32 from vector<1xf32>
        %mul3A_793 = vector.broadcast %squeeze3A_792 : f32 to vector<16xf32>
        %mul3A_794 = arith.mulf %get3A_418, %mul3A_793 : vector<16xf32>
        %swap3A_795 = arith.index_cast %add3A_397 : i32 to index
        %swap3A_796 = arith.constant 32 : index
        %swap3A_797 = tpu.vector_load %arg15[%swap3A_795, %swap3A_796] {strides = array<i32>} : memref<40x80xf32, #tpu.memory_space<vmem>>, vector<16xf32>,
        tpu.vector_store %arg15[%swap3A_795, %swap3A_796], %mul3A_794 {strides = array<i32>} : memref<40x80xf32, #tpu.memory_space<vmem>>, vector<16xf32>,
        %slice3A_798 = vector.extract_strided_slice %select_n3A_569 {offsets = [3], sizes = [1], strides = [1]} : vector<16xf32> to vector<1xf32>
        %squeeze3A_799 = vector.extract %slice3A_798[0] : f32 from vector<1xf32>
        %mul3A_800 = vector.broadcast %squeeze3A_799 : f32 to vector<16xf32>
        %mul3A_801 = arith.mulf %get3A_421, %mul3A_800 : vector<16xf32>
        %swap3A_802 = arith.index_cast %add3A_397 : i32 to index
        %swap3A_803 = arith.constant 48 : index
        %swap3A_804 = tpu.vector_load %arg15[%swap3A_802, %swap3A_803] {strides = array<i32>} : memref<40x80xf32, #tpu.memory_space<vmem>>, vector<16xf32>,
        tpu.vector_store %arg15[%swap3A_802, %swap3A_803], %mul3A_801 {strides = array<i32>} : memref<40x80xf32, #tpu.memory_space<vmem>>, vector<16xf32>,
        %swap3A_805 = arith.index_cast %add3A_401 : i32 to index
        %swap3A_806 = arith.constant 64 : index
        %swap3A_807 = tpu.vector_load %arg15[%swap3A_805, %swap3A_806] {strides = array<i32>} : memref<40x80xf32, #tpu.memory_space<vmem>>, vector<16xf32>,
        tpu.vector_store %arg15[%swap3A_805, %swap3A_806], %select_n3A_638 {strides = array<i32>} : memref<40x80xf32, #tpu.memory_space<vmem>>, vector<16xf32>,
        %slice3A_808 = vector.extract_strided_slice %select_n3A_638 {offsets = [0], sizes = [1], strides = [1]} : vector<16xf32> to vector<1xf32>
        %squeeze3A_809 = vector.extract %slice3A_808[0] : f32 from vector<1xf32>
        %mul3A_810 = vector.broadcast %squeeze3A_809 : f32 to vector<16xf32>
        %mul3A_811 = arith.mulf %get3A_424, %mul3A_810 : vector<16xf32>
        %swap3A_812 = arith.index_cast %add3A_401 : i32 to index
        %swap3A_813 = arith.constant 0 : index
        %swap3A_814 = tpu.vector_load %arg15[%swap3A_812, %swap3A_813] {strides = array<i32>} : memref<40x80xf32, #tpu.memory_space<vmem>>, vector<16xf32>,
        tpu.vector_store %arg15[%swap3A_812, %swap3A_813], %mul3A_811 {strides = array<i32>} : memref<40x80xf32, #tpu.memory_space<vmem>>, vector<16xf32>,
        %slice3A_815 = vector.extract_strided_slice %select_n3A_638 {offsets = [1], sizes = [1], strides = [1]} : vector<16xf32> to vector<1xf32>
        %squeeze3A_816 = vector.extract %slice3A_815[0] : f32 from vector<1xf32>
        %mul3A_817 = vector.broadcast %squeeze3A_816 : f32 to vector<16xf32>
        %mul3A_818 = arith.mulf %get3A_427, %mul3A_817 : vector<16xf32>
        %swap3A_819 = arith.index_cast %add3A_401 : i32 to index
        %swap3A_820 = arith.constant 16 : index
        %swap3A_821 = tpu.vector_load %arg15[%swap3A_819, %swap3A_820] {strides = array<i32>} : memref<40x80xf32, #tpu.memory_space<vmem>>, vector<16xf32>,
        tpu.vector_store %arg15[%swap3A_819, %swap3A_820], %mul3A_818 {strides = array<i32>} : memref<40x80xf32, #tpu.memory_space<vmem>>, vector<16xf32>,
        %slice3A_822 = vector.extract_strided_slice %select_n3A_638 {offsets = [2], sizes = [1], strides = [1]} : vector<16xf32> to vector<1xf32>
        %squeeze3A_823 = vector.extract %slice3A_822[0] : f32 from vector<1xf32>
        %mul3A_824 = vector.broadcast %squeeze3A_823 : f32 to vector<16xf32>
        %mul3A_825 = arith.mulf %get3A_430, %mul3A_824 : vector<16xf32>
        %swap3A_826 = arith.index_cast %add3A_401 : i32 to index
        %swap3A_827 = arith.constant 32 : index
        %swap3A_828 = tpu.vector_load %arg15[%swap3A_826, %swap3A_827] {strides = array<i32>} : memref<40x80xf32, #tpu.memory_space<vmem>>, vector<16xf32>,
        tpu.vector_store %arg15[%swap3A_826, %swap3A_827], %mul3A_825 {strides = array<i32>} : memref<40x80xf32, #tpu.memory_space<vmem>>, vector<16xf32>,
        %slice3A_829 = vector.extract_strided_slice %select_n3A_638 {offsets = [3], sizes = [1], strides = [1]} : vector<16xf32> to vector<1xf32>
        %squeeze3A_830 = vector.extract %slice3A_829[0] : f32 from vector<1xf32>
        %mul3A_831 = vector.broadcast %squeeze3A_830 : f32 to vector<16xf32>
        %mul3A_832 = arith.mulf %get3A_433, %mul3A_831 : vector<16xf32>
        %swap3A_833 = arith.index_cast %add3A_401 : i32 to index
        %swap3A_834 = arith.constant 48 : index
        %swap3A_835 = tpu.vector_load %arg15[%swap3A_833, %swap3A_834] {strides = array<i32>} : memref<40x80xf32, #tpu.memory_space<vmem>>, vector<16xf32>,
        tpu.vector_store %arg15[%swap3A_833, %swap3A_834], %mul3A_832 {strides = array<i32>} : memref<40x80xf32, #tpu.memory_space<vmem>>, vector<16xf32>,
        %swap3A_836 = arith.index_cast %add3A_405 : i32 to index
        %swap3A_837 = arith.constant 64 : index
        %swap3A_838 = tpu.vector_load %arg15[%swap3A_836, %swap3A_837] {strides = array<i32>} : memref<40x80xf32, #tpu.memory_space<vmem>>, vector<16xf32>,
        tpu.vector_store %arg15[%swap3A_836, %swap3A_837], %select_n3A_707 {strides = array<i32>} : memref<40x80xf32, #tpu.memory_space<vmem>>, vector<16xf32>,
        %slice3A_839 = vector.extract_strided_slice %select_n3A_707 {offsets = [0], sizes = [1], strides = [1]} : vector<16xf32> to vector<1xf32>
        %squeeze3A_840 = vector.extract %slice3A_839[0] : f32 from vector<1xf32>
        %mul3A_841 = vector.broadcast %squeeze3A_840 : f32 to vector<16xf32>
        %mul3A_842 = arith.mulf %get3A_436, %mul3A_841 : vector<16xf32>
        %swap3A_843 = arith.index_cast %add3A_405 : i32 to index
        %swap3A_844 = arith.constant 0 : index
        %swap3A_845 = tpu.vector_load %arg15[%swap3A_843, %swap3A_844] {strides = array<i32>} : memref<40x80xf32, #tpu.memory_space<vmem>>, vector<16xf32>,
        tpu.vector_store %arg15[%swap3A_843, %swap3A_844], %mul3A_842 {strides = array<i32>} : memref<40x80xf32, #tpu.memory_space<vmem>>, vector<16xf32>,
        %slice3A_846 = vector.extract_strided_slice %select_n3A_707 {offsets = [1], sizes = [1], strides = [1]} : vector<16xf32> to vector<1xf32>
        %squeeze3A_847 = vector.extract %slice3A_846[0] : f32 from vector<1xf32>
        %mul3A_848 = vector.broadcast %squeeze3A_847 : f32 to vector<16xf32>
        %mul3A_849 = arith.mulf %get3A_439, %mul3A_848 : vector<16xf32>
        %swap3A_850 = arith.index_cast %add3A_405 : i32 to index
        %swap3A_851 = arith.constant 16 : index
        %swap3A_852 = tpu.vector_load %arg15[%swap3A_850, %swap3A_851] {strides = array<i32>} : memref<40x80xf32, #tpu.memory_space<vmem>>, vector<16xf32>,
        tpu.vector_store %arg15[%swap3A_850, %swap3A_851], %mul3A_849 {strides = array<i32>} : memref<40x80xf32, #tpu.memory_space<vmem>>, vector<16xf32>,
        %slice3A_853 = vector.extract_strided_slice %select_n3A_707 {offsets = [2], sizes = [1], strides = [1]} : vector<16xf32> to vector<1xf32>
        %squeeze3A_854 = vector.extract %slice3A_853[0] : f32 from vector<1xf32>
        %mul3A_855 = vector.broadcast %squeeze3A_854 : f32 to vector<16xf32>
        %mul3A_856 = arith.mulf %get3A_442, %mul3A_855 : vector<16xf32>
        %swap3A_857 = arith.index_cast %add3A_405 : i32 to index
        %swap3A_858 = arith.constant 32 : index
        %swap3A_859 = tpu.vector_load %arg15[%swap3A_857, %swap3A_858] {strides = array<i32>} : memref<40x80xf32, #tpu.memory_space<vmem>>, vector<16xf32>,
        tpu.vector_store %arg15[%swap3A_857, %swap3A_858], %mul3A_856 {strides = array<i32>} : memref<40x80xf32, #tpu.memory_space<vmem>>, vector<16xf32>,
        %slice3A_860 = vector.extract_strided_slice %select_n3A_707 {offsets = [3], sizes = [1], strides = [1]} : vector<16xf32> to vector<1xf32>
        %squeeze3A_861 = vector.extract %slice3A_860[0] : f32 from vector<1xf32>
        %mul3A_862 = vector.broadcast %squeeze3A_861 : f32 to vector<16xf32>
        %mul3A_863 = arith.mulf %get3A_445, %mul3A_862 : vector<16xf32>
        %swap3A_864 = arith.index_cast %add3A_405 : i32 to index
        %swap3A_865 = arith.constant 48 : index
        %swap3A_866 = tpu.vector_load %arg15[%swap3A_864, %swap3A_865] {strides = array<i32>} : memref<40x80xf32, #tpu.memory_space<vmem>>, vector<16xf32>,
        tpu.vector_store %arg15[%swap3A_864, %swap3A_865], %mul3A_863 {strides = array<i32>} : memref<40x80xf32, #tpu.memory_space<vmem>>, vector<16xf32>,
        %swap3A_867 = arith.index_cast %add3A_409 : i32 to index
        %swap3A_868 = arith.constant 64 : index
        %swap3A_869 = tpu.vector_load %arg15[%swap3A_867, %swap3A_868] {strides = array<i32>} : memref<40x80xf32, #tpu.memory_space<vmem>>, vector<16xf32>,
        tpu.vector_store %arg15[%swap3A_867, %swap3A_868], %select_n3A_776 {strides = array<i32>} : memref<40x80xf32, #tpu.memory_space<vmem>>, vector<16xf32>,
        %slice3A_870 = vector.extract_strided_slice %select_n3A_776 {offsets = [0], sizes = [1], strides = [1]} : vector<16xf32> to vector<1xf32>
        %squeeze3A_871 = vector.extract %slice3A_870[0] : f32 from vector<1xf32>
        %mul3A_872 = vector.broadcast %squeeze3A_871 : f32 to vector<16xf32>
        %mul3A_873 = arith.mulf %get3A_448, %mul3A_872 : vector<16xf32>
        %swap3A_874 = arith.index_cast %add3A_409 : i32 to index
        %swap3A_875 = arith.constant 0 : index
        %swap3A_876 = tpu.vector_load %arg15[%swap3A_874, %swap3A_875] {strides = array<i32>} : memref<40x80xf32, #tpu.memory_space<vmem>>, vector<16xf32>,
        tpu.vector_store %arg15[%swap3A_874, %swap3A_875], %mul3A_873 {strides = array<i32>} : memref<40x80xf32, #tpu.memory_space<vmem>>, vector<16xf32>,
        %slice3A_877 = vector.extract_strided_slice %select_n3A_776 {offsets = [1], sizes = [1], strides = [1]} : vector<16xf32> to vector<1xf32>
        %squeeze3A_878 = vector.extract %slice3A_877[0] : f32 from vector<1xf32>
        %mul3A_879 = vector.broadcast %squeeze3A_878 : f32 to vector<16xf32>
        %mul3A_880 = arith.mulf %get3A_451, %mul3A_879 : vector<16xf32>
        %swap3A_881 = arith.index_cast %add3A_409 : i32 to index
        %swap3A_882 = arith.constant 16 : index
        %swap3A_883 = tpu.vector_load %arg15[%swap3A_881, %swap3A_882] {strides = array<i32>} : memref<40x80xf32, #tpu.memory_space<vmem>>, vector<16xf32>,
        tpu.vector_store %arg15[%swap3A_881, %swap3A_882], %mul3A_880 {strides = array<i32>} : memref<40x80xf32, #tpu.memory_space<vmem>>, vector<16xf32>,
        %slice3A_884 = vector.extract_strided_slice %select_n3A_776 {offsets = [2], sizes = [1], strides = [1]} : vector<16xf32> to vector<1xf32>
        %squeeze3A_885 = vector.extract %slice3A_884[0] : f32 from vector<1xf32>
        %mul3A_886 = vector.broadcast %squeeze3A_885 : f32 to vector<16xf32>
        %mul3A_887 = arith.mulf %get3A_454, %mul3A_886 : vector<16xf32>
        %swap3A_888 = arith.index_cast %add3A_409 : i32 to index
        %swap3A_889 = arith.constant 32 : index
        %swap3A_890 = tpu.vector_load %arg15[%swap3A_888, %swap3A_889] {strides = array<i32>} : memref<40x80xf32, #tpu.memory_space<vmem>>, vector<16xf32>,
        tpu.vector_store %arg15[%swap3A_888, %swap3A_889], %mul3A_887 {strides = array<i32>} : memref<40x80xf32, #tpu.memory_space<vmem>>, vector<16xf32>,
        %slice3A_891 = vector.extract_strided_slice %select_n3A_776 {offsets = [3], sizes = [1], strides = [1]} : vector<16xf32> to vector<1xf32>
        %squeeze3A_892 = vector.extract %slice3A_891[0] : f32 from vector<1xf32>
        %mul3A_893 = vector.broadcast %squeeze3A_892 : f32 to vector<16xf32>
        %mul3A_894 = arith.mulf %get3A_457, %mul3A_893 : vector<16xf32>
        %swap3A_895 = arith.index_cast %add3A_409 : i32 to index
        %swap3A_896 = arith.constant 48 : index
        %swap3A_897 = tpu.vector_load %arg15[%swap3A_895, %swap3A_896] {strides = array<i32>} : memref<40x80xf32, #tpu.memory_space<vmem>>, vector<16xf32>,
        tpu.vector_store %arg15[%swap3A_895, %swap3A_896], %mul3A_894 {strides = array<i32>} : memref<40x80xf32, #tpu.memory_space<vmem>>, vector<16xf32>,
        %scan3A_898 = arith.constant 0 : i32
        scf.yield %scan3A_898 : i32
      }
      %scan3A_285 = arith.constant 10 : i32
      %lt3A_286 = arith.constant 124 : i32
      %lt3A_287 = arith.cmpi slt, %scan3A_203, %lt3A_286 : i32
      %convert_element_type3A_288 = arith.extui %lt3A_287 : i1 to i32
      %cond3A_289 = arith.constant 0 : i32
      %cond3A_290 = arith.cmpi ne, %convert_element_type3A_288, %cond3A_289 : i32
      scf.if %cond3A_290 {
        %add3A_392 = arith.constant 4 : i32
        %add3A_393 = arith.addi %add3A_253, %add3A_392 : i32
        %dma_start3A_394 = arith.constant 0 : i32
        %dma_start3A_395 = tpu.memref_slice %arg8[%add3A_393, %dma_start3A_394] : memref<500x40xi32, #tpu.memory_space<vmem>> -> memref<1x40xi32, #tpu.memory_space<vmem>>
        %dma_start3A_396 = tpu.memref_squeeze %dma_start3A_395 : memref<1x40xi32, #tpu.memory_space<vmem>> -> memref<40xi32, #tpu.memory_space<vmem>>
        %dma_start3A_397 = arith.constant 0 : i32
        %dma_start3A_398 = arith.constant 0 : i32
        %dma_start3A_399 = tpu.memref_slice %arg2[%arg0, %dma_start3A_397, %dma_start3A_398] : memref<2x10000x64xf32, #tpu.memory_space<hbm>> -> memref<1x10000x64xf32, #tpu.memory_space<hbm>>
        %dma_start3A_400 = tpu.memref_squeeze %dma_start3A_399 : memref<1x10000x64xf32, #tpu.memory_space<hbm>> -> memref<10000x64xf32, #tpu.memory_space<hbm>>
        %dma_start3A_401 = arith.constant 0 : i32
        %dma_start3A_402 = arith.constant 0 : i32
        %dma_start3A_403 = tpu.memref_slice %dma_start3A_400[%dma_start3A_401, %dma_start3A_402] : memref<10000x64xf32, #tpu.memory_space<hbm>> -> memref<10000x64xf32, #tpu.memory_space<hbm>>
        tpu.enqueue_indirect_dma source(%dma_start3A_403 : memref<10000x64xf32, #tpu.memory_space<hbm>>) target(%arg13 : memref<40x64xf32, #tpu.memory_space<vmem>>) offsets(%dma_start3A_396 : memref<40xi32, #tpu.memory_space<vmem>>) semaphore(%arg26 : memref<!tpu.dma_semaphore, #tpu.memory_space<semaphore_mem>>)
        %dma_start3A_404 = arith.constant 0 : i32
        %dma_start3A_405 = tpu.memref_slice %arg9[%add3A_393, %dma_start3A_404] : memref<500x40xi32, #tpu.memory_space<vmem>> -> memref<1x40xi32, #tpu.memory_space<vmem>>
        %dma_start3A_406 = tpu.memref_squeeze %dma_start3A_405 : memref<1x40xi32, #tpu.memory_space<vmem>> -> memref<40xi32, #tpu.memory_space<vmem>>
        %dma_start3A_407 = arith.constant 0 : i32
        %dma_start3A_408 = arith.constant 0 : i32
        %dma_start3A_409 = tpu.memref_slice %arg3[%arg0, %dma_start3A_407, %dma_start3A_408] : memref<2x10000x64xf32, #tpu.memory_space<hbm>> -> memref<1x10000x64xf32, #tpu.memory_space<hbm>>
        %dma_start3A_410 = tpu.memref_squeeze %dma_start3A_409 : memref<1x10000x64xf32, #tpu.memory_space<hbm>> -> memref<10000x64xf32, #tpu.memory_space<hbm>>
        %dma_start3A_411 = arith.constant 0 : i32
        %dma_start3A_412 = arith.constant 0 : i32
        %dma_start3A_413 = tpu.memref_slice %dma_start3A_410[%dma_start3A_411, %dma_start3A_412] : memref<10000x64xf32, #tpu.memory_space<hbm>> -> memref<10000x64xf32, #tpu.memory_space<hbm>>
        tpu.enqueue_indirect_dma source(%dma_start3A_413 : memref<10000x64xf32, #tpu.memory_space<hbm>>) target(%arg14 : memref<40x64xf32, #tpu.memory_space<vmem>>) offsets(%dma_start3A_406 : memref<40xi32, #tpu.memory_space<vmem>>) semaphore(%arg26 : memref<!tpu.dma_semaphore, #tpu.memory_space<semaphore_mem>>)
      } else {
      }
      %dma_start3A_291 = arith.constant 0 : i32
      %dma_start3A_292 = tpu.memref_slice %arg9[%add3A_253, %dma_start3A_291] : memref<500x40xi32, #tpu.memory_space<vmem>> -> memref<1x40xi32, #tpu.memory_space<vmem>>
      %dma_start3A_293 = tpu.memref_squeeze %dma_start3A_292 : memref<1x40xi32, #tpu.memory_space<vmem>> -> memref<40xi32, #tpu.memory_space<vmem>>
      %dma_start3A_294 = arith.constant 0 : i32
      %dma_start3A_295 = arith.constant 0 : i32
      %dma_start3A_296 = tpu.memref_slice %arg24[%dma_start3A_294, %dma_start3A_295] : memref<10000x80xf32, #tpu.memory_space<vmem_shared>> -> memref<10000x80xf32, #tpu.memory_space<vmem_shared>>
      tpu.enqueue_indirect_dma source(%arg15 : memref<40x80xf32, #tpu.memory_space<vmem>>) target(%dma_start3A_296 : memref<10000x80xf32, #tpu.memory_space<vmem_shared>>) offsets(%dma_start3A_293 : memref<40xi32, #tpu.memory_space<vmem>>) semaphore(%arg30 : memref<!tpu.dma_semaphore, #tpu.memory_space<semaphore_mem>>) {add = true}
      %mul3A_297 = arith.constant 4 : i32
      %mul3A_298 = arith.muli %mul3A_297, %scan3A_203 : i32
      %add3A_299 = arith.constant 2 : i32
      %add3A_300 = arith.addi %mul3A_298, %add3A_299 : i32
      %gt3A_301 = arith.constant 0 : i32
      %gt3A_302 = arith.cmpi sgt, %scan3A_203, %gt3A_301 : i32
      %convert_element_type3A_303 = arith.extui %gt3A_302 : i1 to i32
      %cond3A_304 = arith.constant 0 : i32
      %cond3A_305 = arith.cmpi ne, %convert_element_type3A_303, %cond3A_304 : i32
      scf.if %cond3A_305 {
        %sub3A = arith.constant 4 : i32
        %sub3A_392 = arith.subi %add3A_300, %sub3A : i32
        %dma_wait3A_393 = arith.constant 0 : i32
        %dma_wait3A_394 = tpu.memref_slice %arg9[%sub3A_392, %dma_wait3A_393] : memref<500x40xi32, #tpu.memory_space<vmem>> -> memref<1x40xi32, #tpu.memory_space<vmem>>
        %dma_wait3A_395 = tpu.memref_squeeze %dma_wait3A_394 : memref<1x40xi32, #tpu.memory_space<vmem>> -> memref<40xi32, #tpu.memory_space<vmem>>
        %dma_wait3A_396 = arith.constant 0 : i32
        %dma_wait3A_397 = arith.constant 0 : i32
        %dma_wait3A_398 = tpu.memref_slice %arg24[%dma_wait3A_396, %dma_wait3A_397] : memref<10000x80xf32, #tpu.memory_space<vmem_shared>> -> memref<10000x80xf32, #tpu.memory_space<vmem_shared>>
        tpu.wait_indirect_dma semaphore(%arg31 : memref<!tpu.dma_semaphore, #tpu.memory_space<semaphore_mem>>) src(%arg18 : memref<40x80xf32, #tpu.memory_space<vmem>>) dst(%dma_wait3A_398 : memref<10000x80xf32, #tpu.memory_space<vmem_shared>>)
      } else {
      }
      %dma_wait3A_306 = arith.constant 0 : i32
      %dma_wait3A_307 = tpu.memref_slice %arg8[%add3A_300, %dma_wait3A_306] : memref<500x40xi32, #tpu.memory_space<vmem>> -> memref<1x40xi32, #tpu.memory_space<vmem>>
      %dma_wait3A_308 = tpu.memref_squeeze %dma_wait3A_307 : memref<1x40xi32, #tpu.memory_space<vmem>> -> memref<40xi32, #tpu.memory_space<vmem>>
      %dma_wait3A_309 = arith.constant 0 : i32
      %dma_wait3A_310 = arith.constant 0 : i32
      %dma_wait3A_311 = tpu.memref_slice %arg2[%arg0, %dma_wait3A_309, %dma_wait3A_310] : memref<2x10000x64xf32, #tpu.memory_space<hbm>> -> memref<1x10000x64xf32, #tpu.memory_space<hbm>>
      %dma_wait3A_312 = tpu.memref_squeeze %dma_wait3A_311 : memref<1x10000x64xf32, #tpu.memory_space<hbm>> -> memref<10000x64xf32, #tpu.memory_space<hbm>>
      %dma_wait3A_313 = arith.constant 0 : i32
      %dma_wait3A_314 = arith.constant 0 : i32
      %dma_wait3A_315 = tpu.memref_slice %dma_wait3A_312[%dma_wait3A_313, %dma_wait3A_314] : memref<10000x64xf32, #tpu.memory_space<hbm>> -> memref<10000x64xf32, #tpu.memory_space<hbm>>
      tpu.wait_indirect_dma semaphore(%arg27 : memref<!tpu.dma_semaphore, #tpu.memory_space<semaphore_mem>>) src(%dma_wait3A_315 : memref<10000x64xf32, #tpu.memory_space<hbm>>) dst(%arg16 : memref<40x64xf32, #tpu.memory_space<vmem>>)
      %dma_wait3A_316 = arith.constant 0 : i32
      %dma_wait3A_317 = tpu.memref_slice %arg9[%add3A_300, %dma_wait3A_316] : memref<500x40xi32, #tpu.memory_space<vmem>> -> memref<1x40xi32, #tpu.memory_space<vmem>>
      %dma_wait3A_318 = tpu.memref_squeeze %dma_wait3A_317 : memref<1x40xi32, #tpu.memory_space<vmem>> -> memref<40xi32, #tpu.memory_space<vmem>>
      %dma_wait3A_319 = arith.constant 0 : i32
      %dma_wait3A_320 = arith.constant 0 : i32
      %dma_wait3A_321 = tpu.memref_slice %arg3[%arg0, %dma_wait3A_319, %dma_wait3A_320] : memref<2x10000x64xf32, #tpu.memory_space<hbm>> -> memref<1x10000x64xf32, #tpu.memory_space<hbm>>
      %dma_wait3A_322 = tpu.memref_squeeze %dma_wait3A_321 : memref<1x10000x64xf32, #tpu.memory_space<hbm>> -> memref<10000x64xf32, #tpu.memory_space<hbm>>
      %dma_wait3A_323 = arith.constant 0 : i32
      %dma_wait3A_324 = arith.constant 0 : i32
      %dma_wait3A_325 = tpu.memref_slice %dma_wait3A_322[%dma_wait3A_323, %dma_wait3A_324] : memref<10000x64xf32, #tpu.memory_space<hbm>> -> memref<10000x64xf32, #tpu.memory_space<hbm>>
      tpu.wait_indirect_dma semaphore(%arg27 : memref<!tpu.dma_semaphore, #tpu.memory_space<semaphore_mem>>) src(%dma_wait3A_325 : memref<10000x64xf32, #tpu.memory_space<hbm>>) dst(%arg17 : memref<40x64xf32, #tpu.memory_space<vmem>>)
      %scan3A_326 = arith.constant 0 : i32
      %scan3A_327 = arith.constant 0 : i32
      %scan3A_328 = arith.constant 10 : i32
      %scan3A_329 = arith.addi %scan3A_327, %scan3A_328 : i32
      %scan3A_330 = arith.constant 1 : i32
      %scan3A_331 = scf.for %scan3A_392 = %scan3A_327 to %scan3A_329 step %scan3A_330 iter_args(%scan3A_393 = %scan3A_326) -> (i32)  : i32 {
        %mul3A_394 = arith.constant 4 : i32
        %mul3A_395 = arith.muli %scan3A_392, %mul3A_394 : i32
        %add3A_396 = arith.constant 0 : i32
        %add3A_397 = arith.addi %mul3A_395, %add3A_396 : i32
        %mul3A_398 = arith.constant 4 : i32
        %mul3A_399 = arith.muli %scan3A_392, %mul3A_398 : i32
        %add3A_400 = arith.constant 1 : i32
        %add3A_401 = arith.addi %mul3A_399, %add3A_400 : i32
        %mul3A_402 = arith.constant 4 : i32
        %mul3A_403 = arith.muli %scan3A_392, %mul3A_402 : i32
        %add3A_404 = arith.constant 2 : i32
        %add3A_405 = arith.addi %mul3A_403, %add3A_404 : i32
        %mul3A_406 = arith.constant 4 : i32
        %mul3A_407 = arith.muli %scan3A_392, %mul3A_406 : i32
        %add3A_408 = arith.constant 3 : i32
        %add3A_409 = arith.addi %mul3A_407, %add3A_408 : i32
        %get3A_410 = arith.index_cast %add3A_397 : i32 to index
        %get3A_411 = arith.constant 0 : index
        %get3A_412 = tpu.vector_load %arg16[%get3A_410, %get3A_411] {strides = array<i32>} : memref<40x64xf32, #tpu.memory_space<vmem>>, vector<16xf32>,
        %get3A_413 = arith.index_cast %add3A_397 : i32 to index
        %get3A_414 = arith.constant 16 : index
        %get3A_415 = tpu.vector_load %arg16[%get3A_413, %get3A_414] {strides = array<i32>} : memref<40x64xf32, #tpu.memory_space<vmem>>, vector<16xf32>,
        %get3A_416 = arith.index_cast %add3A_397 : i32 to index
        %get3A_417 = arith.constant 32 : index
        %get3A_418 = tpu.vector_load %arg16[%get3A_416, %get3A_417] {strides = array<i32>} : memref<40x64xf32, #tpu.memory_space<vmem>>, vector<16xf32>,
        %get3A_419 = arith.index_cast %add3A_397 : i32 to index
        %get3A_420 = arith.constant 48 : index
        %get3A_421 = tpu.vector_load %arg16[%get3A_419, %get3A_420] {strides = array<i32>} : memref<40x64xf32, #tpu.memory_space<vmem>>, vector<16xf32>,
        %get3A_422 = arith.index_cast %add3A_401 : i32 to index
        %get3A_423 = arith.constant 0 : index
        %get3A_424 = tpu.vector_load %arg16[%get3A_422, %get3A_423] {strides = array<i32>} : memref<40x64xf32, #tpu.memory_space<vmem>>, vector<16xf32>,
        %get3A_425 = arith.index_cast %add3A_401 : i32 to index
        %get3A_426 = arith.constant 16 : index
        %get3A_427 = tpu.vector_load %arg16[%get3A_425, %get3A_426] {strides = array<i32>} : memref<40x64xf32, #tpu.memory_space<vmem>>, vector<16xf32>,
        %get3A_428 = arith.index_cast %add3A_401 : i32 to index
        %get3A_429 = arith.constant 32 : index
        %get3A_430 = tpu.vector_load %arg16[%get3A_428, %get3A_429] {strides = array<i32>} : memref<40x64xf32, #tpu.memory_space<vmem>>, vector<16xf32>,
        %get3A_431 = arith.index_cast %add3A_401 : i32 to index
        %get3A_432 = arith.constant 48 : index
        %get3A_433 = tpu.vector_load %arg16[%get3A_431, %get3A_432] {strides = array<i32>} : memref<40x64xf32, #tpu.memory_space<vmem>>, vector<16xf32>,
        %get3A_434 = arith.index_cast %add3A_405 : i32 to index
        %get3A_435 = arith.constant 0 : index
        %get3A_436 = tpu.vector_load %arg16[%get3A_434, %get3A_435] {strides = array<i32>} : memref<40x64xf32, #tpu.memory_space<vmem>>, vector<16xf32>,
        %get3A_437 = arith.index_cast %add3A_405 : i32 to index
        %get3A_438 = arith.constant 16 : index
        %get3A_439 = tpu.vector_load %arg16[%get3A_437, %get3A_438] {strides = array<i32>} : memref<40x64xf32, #tpu.memory_space<vmem>>, vector<16xf32>,
        %get3A_440 = arith.index_cast %add3A_405 : i32 to index
        %get3A_441 = arith.constant 32 : index
        %get3A_442 = tpu.vector_load %arg16[%get3A_440, %get3A_441] {strides = array<i32>} : memref<40x64xf32, #tpu.memory_space<vmem>>, vector<16xf32>,
        %get3A_443 = arith.index_cast %add3A_405 : i32 to index
        %get3A_444 = arith.constant 48 : index
        %get3A_445 = tpu.vector_load %arg16[%get3A_443, %get3A_444] {strides = array<i32>} : memref<40x64xf32, #tpu.memory_space<vmem>>, vector<16xf32>,
        %get3A_446 = arith.index_cast %add3A_409 : i32 to index
        %get3A_447 = arith.constant 0 : index
        %get3A_448 = tpu.vector_load %arg16[%get3A_446, %get3A_447] {strides = array<i32>} : memref<40x64xf32, #tpu.memory_space<vmem>>, vector<16xf32>,
        %get3A_449 = arith.index_cast %add3A_409 : i32 to index
        %get3A_450 = arith.constant 16 : index
        %get3A_451 = tpu.vector_load %arg16[%get3A_449, %get3A_450] {strides = array<i32>} : memref<40x64xf32, #tpu.memory_space<vmem>>, vector<16xf32>,
        %get3A_452 = arith.index_cast %add3A_409 : i32 to index
        %get3A_453 = arith.constant 32 : index
        %get3A_454 = tpu.vector_load %arg16[%get3A_452, %get3A_453] {strides = array<i32>} : memref<40x64xf32, #tpu.memory_space<vmem>>, vector<16xf32>,
        %get3A_455 = arith.index_cast %add3A_409 : i32 to index
        %get3A_456 = arith.constant 48 : index
        %get3A_457 = tpu.vector_load %arg16[%get3A_455, %get3A_456] {strides = array<i32>} : memref<40x64xf32, #tpu.memory_space<vmem>>, vector<16xf32>,
        %get3A_458 = arith.index_cast %add3A_397 : i32 to index
        %get3A_459 = arith.constant 0 : index
        %get3A_460 = tpu.vector_load %arg17[%get3A_458, %get3A_459] {strides = array<i32>} : memref<40x64xf32, #tpu.memory_space<vmem>>, vector<16xf32>,
        %get3A_461 = arith.index_cast %add3A_397 : i32 to index
        %get3A_462 = arith.constant 16 : index
        %get3A_463 = tpu.vector_load %arg17[%get3A_461, %get3A_462] {strides = array<i32>} : memref<40x64xf32, #tpu.memory_space<vmem>>, vector<16xf32>,
        %get3A_464 = arith.index_cast %add3A_397 : i32 to index
        %get3A_465 = arith.constant 32 : index
        %get3A_466 = tpu.vector_load %arg17[%get3A_464, %get3A_465] {strides = array<i32>} : memref<40x64xf32, #tpu.memory_space<vmem>>, vector<16xf32>,
        %get3A_467 = arith.index_cast %add3A_397 : i32 to index
        %get3A_468 = arith.constant 48 : index
        %get3A_469 = tpu.vector_load %arg17[%get3A_467, %get3A_468] {strides = array<i32>} : memref<40x64xf32, #tpu.memory_space<vmem>>, vector<16xf32>,
        %get3A_470 = arith.index_cast %add3A_401 : i32 to index
        %get3A_471 = arith.constant 0 : index
        %get3A_472 = tpu.vector_load %arg17[%get3A_470, %get3A_471] {strides = array<i32>} : memref<40x64xf32, #tpu.memory_space<vmem>>, vector<16xf32>,
        %get3A_473 = arith.index_cast %add3A_401 : i32 to index
        %get3A_474 = arith.constant 16 : index
        %get3A_475 = tpu.vector_load %arg17[%get3A_473, %get3A_474] {strides = array<i32>} : memref<40x64xf32, #tpu.memory_space<vmem>>, vector<16xf32>,
        %get3A_476 = arith.index_cast %add3A_401 : i32 to index
        %get3A_477 = arith.constant 32 : index
        %get3A_478 = tpu.vector_load %arg17[%get3A_476, %get3A_477] {strides = array<i32>} : memref<40x64xf32, #tpu.memory_space<vmem>>, vector<16xf32>,
        %get3A_479 = arith.index_cast %add3A_401 : i32 to index
        %get3A_480 = arith.constant 48 : index
        %get3A_481 = tpu.vector_load %arg17[%get3A_479, %get3A_480] {strides = array<i32>} : memref<40x64xf32, #tpu.memory_space<vmem>>, vector<16xf32>,
        %get3A_482 = arith.index_cast %add3A_405 : i32 to index
        %get3A_483 = arith.constant 0 : index
        %get3A_484 = tpu.vector_load %arg17[%get3A_482, %get3A_483] {strides = array<i32>} : memref<40x64xf32, #tpu.memory_space<vmem>>, vector<16xf32>,
        %get3A_485 = arith.index_cast %add3A_405 : i32 to index
        %get3A_486 = arith.constant 16 : index
        %get3A_487 = tpu.vector_load %arg17[%get3A_485, %get3A_486] {strides = array<i32>} : memref<40x64xf32, #tpu.memory_space<vmem>>, vector<16xf32>,
        %get3A_488 = arith.index_cast %add3A_405 : i32 to index
        %get3A_489 = arith.constant 32 : index
        %get3A_490 = tpu.vector_load %arg17[%get3A_488, %get3A_489] {strides = array<i32>} : memref<40x64xf32, #tpu.memory_space<vmem>>, vector<16xf32>,
        %get3A_491 = arith.index_cast %add3A_405 : i32 to index
        %get3A_492 = arith.constant 48 : index
        %get3A_493 = tpu.vector_load %arg17[%get3A_491, %get3A_492] {strides = array<i32>} : memref<40x64xf32, #tpu.memory_space<vmem>>, vector<16xf32>,
        %get3A_494 = arith.index_cast %add3A_409 : i32 to index
        %get3A_495 = arith.constant 0 : index
        %get3A_496 = tpu.vector_load %arg17[%get3A_494, %get3A_495] {strides = array<i32>} : memref<40x64xf32, #tpu.memory_space<vmem>>, vector<16xf32>,
        %get3A_497 = arith.index_cast %add3A_409 : i32 to index
        %get3A_498 = arith.constant 16 : index
        %get3A_499 = tpu.vector_load %arg17[%get3A_497, %get3A_498] {strides = array<i32>} : memref<40x64xf32, #tpu.memory_space<vmem>>, vector<16xf32>,
        %get3A_500 = arith.index_cast %add3A_409 : i32 to index
        %get3A_501 = arith.constant 32 : index
        %get3A_502 = tpu.vector_load %arg17[%get3A_500, %get3A_501] {strides = array<i32>} : memref<40x64xf32, #tpu.memory_space<vmem>>, vector<16xf32>,
        %get3A_503 = arith.index_cast %add3A_409 : i32 to index
        %get3A_504 = arith.constant 48 : index
        %get3A_505 = tpu.vector_load %arg17[%get3A_503, %get3A_504] {strides = array<i32>} : memref<40x64xf32, #tpu.memory_space<vmem>>, vector<16xf32>,
        %broadcast_in_dim3A_506 = arith.constant 0.000000e+00 : f32
        %broadcast_in_dim3A_507 = vector.broadcast %broadcast_in_dim3A_506 : f32 to vector<16xf32>
        %add3A_508 = arith.addf %get3A_412, %get3A_460 : vector<16xf32>
        %mul3A_509 = arith.constant 2.000000e-01 : f32
        %mul3A_510 = vector.broadcast %mul3A_509 : f32 to vector<16xf32>
        %mul3A_511 = arith.mulf %add3A_508, %mul3A_510 : vector<16xf32>
        %max3A = arith.maximumf %add3A_508, %mul3A_511 : vector<16xf32>
        %mul3A_512 = arith.mulf %max3A, %get3A_61 : vector<16xf32>
        %eq3A_513 = arith.constant 0 : i32
        %eq3A_514 = vector.broadcast %eq3A_513 : i32 to vector<16xi32>
        %eq3A_515 = arith.cmpi eq, %iota3A, %eq3A_514 : vector<16xi32>
        %reduce_sum3A = arith.constant true
        %reduce_sum3A_516 = vector.broadcast %reduce_sum3A : i1 to vector<16xi1>
        %reduce_sum3A_517 = tpu.scan <sum>, %mul3A_512 masked %reduce_sum3A_516 : vector<16xf32>, vector<16xi1> -> vector<16xf32>
        %reduce_sum3A_518 = vector.extract %reduce_sum3A_517[15] : f32 from vector<16xf32>
        %broadcast_in_dim3A_519 = vector.broadcast %reduce_sum3A_518 : f32 to vector<16xf32>
        %select_n3A = arith.select %eq3A_515, %broadcast_in_dim3A_519, %broadcast_in_dim3A_507 : vector<16xi1>, vector<16xf32>
        %add3A_520 = arith.addf %get3A_415, %get3A_463 : vector<16xf32>
        %mul3A_521 = arith.constant 2.000000e-01 : f32
        %mul3A_522 = vector.broadcast %mul3A_521 : f32 to vector<16xf32>
        %mul3A_523 = arith.mulf %add3A_520, %mul3A_522 : vector<16xf32>
        %max3A_524 = arith.maximumf %add3A_520, %mul3A_523 : vector<16xf32>
        %mul3A_525 = arith.mulf %max3A_524, %get3A_65 : vector<16xf32>
        %eq3A_526 = arith.constant 1 : i32
        %eq3A_527 = vector.broadcast %eq3A_526 : i32 to vector<16xi32>
        %eq3A_528 = arith.cmpi eq, %iota3A, %eq3A_527 : vector<16xi32>
        %reduce_sum3A_529 = arith.constant true
        %reduce_sum3A_530 = vector.broadcast %reduce_sum3A_529 : i1 to vector<16xi1>
        %reduce_sum3A_531 = tpu.scan <sum>, %mul3A_525 masked %reduce_sum3A_530 : vector<16xf32>, vector<16xi1> -> vector<16xf32>
        %reduce_sum3A_532 = vector.extract %reduce_sum3A_531[15] : f32 from vector<16xf32>
        %broadcast_in_dim3A_533 = vector.broadcast %reduce_sum3A_532 : f32 to vector<16xf32>
        %select_n3A_534 = arith.select %eq3A_528, %broadcast_in_dim3A_533, %select_n3A : vector<16xi1>, vector<16xf32>
        %add3A_535 = arith.addf %get3A_418, %get3A_466 : vector<16xf32>
        %mul3A_536 = arith.constant 2.000000e-01 : f32
        %mul3A_537 = vector.broadcast %mul3A_536 : f32 to vector<16xf32>
        %mul3A_538 = arith.mulf %add3A_535, %mul3A_537 : vector<16xf32>
        %max3A_539 = arith.maximumf %add3A_535, %mul3A_538 : vector<16xf32>
        %mul3A_540 = arith.mulf %max3A_539, %get3A_69 : vector<16xf32>
        %eq3A_541 = arith.constant 2 : i32
        %eq3A_542 = vector.broadcast %eq3A_541 : i32 to vector<16xi32>
        %eq3A_543 = arith.cmpi eq, %iota3A, %eq3A_542 : vector<16xi32>
        %reduce_sum3A_544 = arith.constant true
        %reduce_sum3A_545 = vector.broadcast %reduce_sum3A_544 : i1 to vector<16xi1>
        %reduce_sum3A_546 = tpu.scan <sum>, %mul3A_540 masked %reduce_sum3A_545 : vector<16xf32>, vector<16xi1> -> vector<16xf32>
        %reduce_sum3A_547 = vector.extract %reduce_sum3A_546[15] : f32 from vector<16xf32>
        %broadcast_in_dim3A_548 = vector.broadcast %reduce_sum3A_547 : f32 to vector<16xf32>
        %select_n3A_549 = arith.select %eq3A_543, %broadcast_in_dim3A_548, %select_n3A_534 : vector<16xi1>, vector<16xf32>
        %add3A_550 = arith.addf %get3A_421, %get3A_469 : vector<16xf32>
        %mul3A_551 = arith.constant 2.000000e-01 : f32
        %mul3A_552 = vector.broadcast %mul3A_551 : f32 to vector<16xf32>
        %mul3A_553 = arith.mulf %add3A_550, %mul3A_552 : vector<16xf32>
        %max3A_554 = arith.maximumf %add3A_550, %mul3A_553 : vector<16xf32>
        %mul3A_555 = arith.mulf %max3A_554, %get3A_73 : vector<16xf32>
        %eq3A_556 = arith.constant 3 : i32
        %eq3A_557 = vector.broadcast %eq3A_556 : i32 to vector<16xi32>
        %eq3A_558 = arith.cmpi eq, %iota3A, %eq3A_557 : vector<16xi32>
        %reduce_sum3A_559 = arith.constant true
        %reduce_sum3A_560 = vector.broadcast %reduce_sum3A_559 : i1 to vector<16xi1>
        %reduce_sum3A_561 = tpu.scan <sum>, %mul3A_555 masked %reduce_sum3A_560 : vector<16xf32>, vector<16xi1> -> vector<16xf32>
        %reduce_sum3A_562 = vector.extract %reduce_sum3A_561[15] : f32 from vector<16xf32>
        %broadcast_in_dim3A_563 = vector.broadcast %reduce_sum3A_562 : f32 to vector<16xf32>
        %select_n3A_564 = arith.select %eq3A_558, %broadcast_in_dim3A_563, %select_n3A_549 : vector<16xi1>, vector<16xf32>
        %exp3A = math.exp %select_n3A_564 : vector<16xf32>
        %lt3A_565 = arith.constant 4 : i32
        %lt3A_566 = vector.broadcast %lt3A_565 : i32 to vector<16xi32>
        %lt3A_567 = arith.cmpi slt, %iota3A, %lt3A_566 : vector<16xi32>
        %jit3A = arith.constant 0.000000e+00 : f32
        %broadcast_in_dim3A_568 = vector.broadcast %jit3A : f32 to vector<16xf32>
        %select_n3A_569 = arith.select %lt3A_567, %exp3A, %broadcast_in_dim3A_568 : vector<16xi1>, vector<16xf32>
        %broadcast_in_dim3A_570 = arith.constant 0.000000e+00 : f32
        %broadcast_in_dim3A_571 = vector.broadcast %broadcast_in_dim3A_570 : f32 to vector<16xf32>
        %add3A_572 = arith.addf %get3A_424, %get3A_472 : vector<16xf32>
        %mul3A_573 = arith.constant 2.000000e-01 : f32
        %mul3A_574 = vector.broadcast %mul3A_573 : f32 to vector<16xf32>
        %mul3A_575 = arith.mulf %add3A_572, %mul3A_574 : vector<16xf32>
        %max3A_576 = arith.maximumf %add3A_572, %mul3A_575 : vector<16xf32>
        %mul3A_577 = arith.mulf %max3A_576, %get3A_61 : vector<16xf32>
        %eq3A_578 = arith.constant 0 : i32
        %eq3A_579 = vector.broadcast %eq3A_578 : i32 to vector<16xi32>
        %eq3A_580 = arith.cmpi eq, %iota3A, %eq3A_579 : vector<16xi32>
        %reduce_sum3A_581 = arith.constant true
        %reduce_sum3A_582 = vector.broadcast %reduce_sum3A_581 : i1 to vector<16xi1>
        %reduce_sum3A_583 = tpu.scan <sum>, %mul3A_577 masked %reduce_sum3A_582 : vector<16xf32>, vector<16xi1> -> vector<16xf32>
        %reduce_sum3A_584 = vector.extract %reduce_sum3A_583[15] : f32 from vector<16xf32>
        %broadcast_in_dim3A_585 = vector.broadcast %reduce_sum3A_584 : f32 to vector<16xf32>
        %select_n3A_586 = arith.select %eq3A_580, %broadcast_in_dim3A_585, %broadcast_in_dim3A_571 : vector<16xi1>, vector<16xf32>
        %add3A_587 = arith.addf %get3A_427, %get3A_475 : vector<16xf32>
        %mul3A_588 = arith.constant 2.000000e-01 : f32
        %mul3A_589 = vector.broadcast %mul3A_588 : f32 to vector<16xf32>
        %mul3A_590 = arith.mulf %add3A_587, %mul3A_589 : vector<16xf32>
        %max3A_591 = arith.maximumf %add3A_587, %mul3A_590 : vector<16xf32>
        %mul3A_592 = arith.mulf %max3A_591, %get3A_65 : vector<16xf32>
        %eq3A_593 = arith.constant 1 : i32
        %eq3A_594 = vector.broadcast %eq3A_593 : i32 to vector<16xi32>
        %eq3A_595 = arith.cmpi eq, %iota3A, %eq3A_594 : vector<16xi32>
        %reduce_sum3A_596 = arith.constant true
        %reduce_sum3A_597 = vector.broadcast %reduce_sum3A_596 : i1 to vector<16xi1>
        %reduce_sum3A_598 = tpu.scan <sum>, %mul3A_592 masked %reduce_sum3A_597 : vector<16xf32>, vector<16xi1> -> vector<16xf32>
        %reduce_sum3A_599 = vector.extract %reduce_sum3A_598[15] : f32 from vector<16xf32>
        %broadcast_in_dim3A_600 = vector.broadcast %reduce_sum3A_599 : f32 to vector<16xf32>
        %select_n3A_601 = arith.select %eq3A_595, %broadcast_in_dim3A_600, %select_n3A_586 : vector<16xi1>, vector<16xf32>
        %add3A_602 = arith.addf %get3A_430, %get3A_478 : vector<16xf32>
        %mul3A_603 = arith.constant 2.000000e-01 : f32
        %mul3A_604 = vector.broadcast %mul3A_603 : f32 to vector<16xf32>
        %mul3A_605 = arith.mulf %add3A_602, %mul3A_604 : vector<16xf32>
        %max3A_606 = arith.maximumf %add3A_602, %mul3A_605 : vector<16xf32>
        %mul3A_607 = arith.mulf %max3A_606, %get3A_69 : vector<16xf32>
        %eq3A_608 = arith.constant 2 : i32
        %eq3A_609 = vector.broadcast %eq3A_608 : i32 to vector<16xi32>
        %eq3A_610 = arith.cmpi eq, %iota3A, %eq3A_609 : vector<16xi32>
        %reduce_sum3A_611 = arith.constant true
        %reduce_sum3A_612 = vector.broadcast %reduce_sum3A_611 : i1 to vector<16xi1>
        %reduce_sum3A_613 = tpu.scan <sum>, %mul3A_607 masked %reduce_sum3A_612 : vector<16xf32>, vector<16xi1> -> vector<16xf32>
        %reduce_sum3A_614 = vector.extract %reduce_sum3A_613[15] : f32 from vector<16xf32>
        %broadcast_in_dim3A_615 = vector.broadcast %reduce_sum3A_614 : f32 to vector<16xf32>
        %select_n3A_616 = arith.select %eq3A_610, %broadcast_in_dim3A_615, %select_n3A_601 : vector<16xi1>, vector<16xf32>
        %add3A_617 = arith.addf %get3A_433, %get3A_481 : vector<16xf32>
        %mul3A_618 = arith.constant 2.000000e-01 : f32
        %mul3A_619 = vector.broadcast %mul3A_618 : f32 to vector<16xf32>
        %mul3A_620 = arith.mulf %add3A_617, %mul3A_619 : vector<16xf32>
        %max3A_621 = arith.maximumf %add3A_617, %mul3A_620 : vector<16xf32>
        %mul3A_622 = arith.mulf %max3A_621, %get3A_73 : vector<16xf32>
        %eq3A_623 = arith.constant 3 : i32
        %eq3A_624 = vector.broadcast %eq3A_623 : i32 to vector<16xi32>
        %eq3A_625 = arith.cmpi eq, %iota3A, %eq3A_624 : vector<16xi32>
        %reduce_sum3A_626 = arith.constant true
        %reduce_sum3A_627 = vector.broadcast %reduce_sum3A_626 : i1 to vector<16xi1>
        %reduce_sum3A_628 = tpu.scan <sum>, %mul3A_622 masked %reduce_sum3A_627 : vector<16xf32>, vector<16xi1> -> vector<16xf32>
        %reduce_sum3A_629 = vector.extract %reduce_sum3A_628[15] : f32 from vector<16xf32>
        %broadcast_in_dim3A_630 = vector.broadcast %reduce_sum3A_629 : f32 to vector<16xf32>
        %select_n3A_631 = arith.select %eq3A_625, %broadcast_in_dim3A_630, %select_n3A_616 : vector<16xi1>, vector<16xf32>
        %exp3A_632 = math.exp %select_n3A_631 : vector<16xf32>
        %lt3A_633 = arith.constant 4 : i32
        %lt3A_634 = vector.broadcast %lt3A_633 : i32 to vector<16xi32>
        %lt3A_635 = arith.cmpi slt, %iota3A, %lt3A_634 : vector<16xi32>
        %jit3A_636 = arith.constant 0.000000e+00 : f32
        %broadcast_in_dim3A_637 = vector.broadcast %jit3A_636 : f32 to vector<16xf32>
        %select_n3A_638 = arith.select %lt3A_635, %exp3A_632, %broadcast_in_dim3A_637 : vector<16xi1>, vector<16xf32>
        %broadcast_in_dim3A_639 = arith.constant 0.000000e+00 : f32
        %broadcast_in_dim3A_640 = vector.broadcast %broadcast_in_dim3A_639 : f32 to vector<16xf32>
        %add3A_641 = arith.addf %get3A_436, %get3A_484 : vector<16xf32>
        %mul3A_642 = arith.constant 2.000000e-01 : f32
        %mul3A_643 = vector.broadcast %mul3A_642 : f32 to vector<16xf32>
        %mul3A_644 = arith.mulf %add3A_641, %mul3A_643 : vector<16xf32>
        %max3A_645 = arith.maximumf %add3A_641, %mul3A_644 : vector<16xf32>
        %mul3A_646 = arith.mulf %max3A_645, %get3A_61 : vector<16xf32>
        %eq3A_647 = arith.constant 0 : i32
        %eq3A_648 = vector.broadcast %eq3A_647 : i32 to vector<16xi32>
        %eq3A_649 = arith.cmpi eq, %iota3A, %eq3A_648 : vector<16xi32>
        %reduce_sum3A_650 = arith.constant true
        %reduce_sum3A_651 = vector.broadcast %reduce_sum3A_650 : i1 to vector<16xi1>
        %reduce_sum3A_652 = tpu.scan <sum>, %mul3A_646 masked %reduce_sum3A_651 : vector<16xf32>, vector<16xi1> -> vector<16xf32>
        %reduce_sum3A_653 = vector.extract %reduce_sum3A_652[15] : f32 from vector<16xf32>
        %broadcast_in_dim3A_654 = vector.broadcast %reduce_sum3A_653 : f32 to vector<16xf32>
        %select_n3A_655 = arith.select %eq3A_649, %broadcast_in_dim3A_654, %broadcast_in_dim3A_640 : vector<16xi1>, vector<16xf32>
        %add3A_656 = arith.addf %get3A_439, %get3A_487 : vector<16xf32>
        %mul3A_657 = arith.constant 2.000000e-01 : f32
        %mul3A_658 = vector.broadcast %mul3A_657 : f32 to vector<16xf32>
        %mul3A_659 = arith.mulf %add3A_656, %mul3A_658 : vector<16xf32>
        %max3A_660 = arith.maximumf %add3A_656, %mul3A_659 : vector<16xf32>
        %mul3A_661 = arith.mulf %max3A_660, %get3A_65 : vector<16xf32>
        %eq3A_662 = arith.constant 1 : i32
        %eq3A_663 = vector.broadcast %eq3A_662 : i32 to vector<16xi32>
        %eq3A_664 = arith.cmpi eq, %iota3A, %eq3A_663 : vector<16xi32>
        %reduce_sum3A_665 = arith.constant true
        %reduce_sum3A_666 = vector.broadcast %reduce_sum3A_665 : i1 to vector<16xi1>
        %reduce_sum3A_667 = tpu.scan <sum>, %mul3A_661 masked %reduce_sum3A_666 : vector<16xf32>, vector<16xi1> -> vector<16xf32>
        %reduce_sum3A_668 = vector.extract %reduce_sum3A_667[15] : f32 from vector<16xf32>
        %broadcast_in_dim3A_669 = vector.broadcast %reduce_sum3A_668 : f32 to vector<16xf32>
        %select_n3A_670 = arith.select %eq3A_664, %broadcast_in_dim3A_669, %select_n3A_655 : vector<16xi1>, vector<16xf32>
        %add3A_671 = arith.addf %get3A_442, %get3A_490 : vector<16xf32>
        %mul3A_672 = arith.constant 2.000000e-01 : f32
        %mul3A_673 = vector.broadcast %mul3A_672 : f32 to vector<16xf32>
        %mul3A_674 = arith.mulf %add3A_671, %mul3A_673 : vector<16xf32>
        %max3A_675 = arith.maximumf %add3A_671, %mul3A_674 : vector<16xf32>
        %mul3A_676 = arith.mulf %max3A_675, %get3A_69 : vector<16xf32>
        %eq3A_677 = arith.constant 2 : i32
        %eq3A_678 = vector.broadcast %eq3A_677 : i32 to vector<16xi32>
        %eq3A_679 = arith.cmpi eq, %iota3A, %eq3A_678 : vector<16xi32>
        %reduce_sum3A_680 = arith.constant true
        %reduce_sum3A_681 = vector.broadcast %reduce_sum3A_680 : i1 to vector<16xi1>
        %reduce_sum3A_682 = tpu.scan <sum>, %mul3A_676 masked %reduce_sum3A_681 : vector<16xf32>, vector<16xi1> -> vector<16xf32>
        %reduce_sum3A_683 = vector.extract %reduce_sum3A_682[15] : f32 from vector<16xf32>
        %broadcast_in_dim3A_684 = vector.broadcast %reduce_sum3A_683 : f32 to vector<16xf32>
        %select_n3A_685 = arith.select %eq3A_679, %broadcast_in_dim3A_684, %select_n3A_670 : vector<16xi1>, vector<16xf32>
        %add3A_686 = arith.addf %get3A_445, %get3A_493 : vector<16xf32>
        %mul3A_687 = arith.constant 2.000000e-01 : f32
        %mul3A_688 = vector.broadcast %mul3A_687 : f32 to vector<16xf32>
        %mul3A_689 = arith.mulf %add3A_686, %mul3A_688 : vector<16xf32>
        %max3A_690 = arith.maximumf %add3A_686, %mul3A_689 : vector<16xf32>
        %mul3A_691 = arith.mulf %max3A_690, %get3A_73 : vector<16xf32>
        %eq3A_692 = arith.constant 3 : i32
        %eq3A_693 = vector.broadcast %eq3A_692 : i32 to vector<16xi32>
        %eq3A_694 = arith.cmpi eq, %iota3A, %eq3A_693 : vector<16xi32>
        %reduce_sum3A_695 = arith.constant true
        %reduce_sum3A_696 = vector.broadcast %reduce_sum3A_695 : i1 to vector<16xi1>
        %reduce_sum3A_697 = tpu.scan <sum>, %mul3A_691 masked %reduce_sum3A_696 : vector<16xf32>, vector<16xi1> -> vector<16xf32>
        %reduce_sum3A_698 = vector.extract %reduce_sum3A_697[15] : f32 from vector<16xf32>
        %broadcast_in_dim3A_699 = vector.broadcast %reduce_sum3A_698 : f32 to vector<16xf32>
        %select_n3A_700 = arith.select %eq3A_694, %broadcast_in_dim3A_699, %select_n3A_685 : vector<16xi1>, vector<16xf32>
        %exp3A_701 = math.exp %select_n3A_700 : vector<16xf32>
        %lt3A_702 = arith.constant 4 : i32
        %lt3A_703 = vector.broadcast %lt3A_702 : i32 to vector<16xi32>
        %lt3A_704 = arith.cmpi slt, %iota3A, %lt3A_703 : vector<16xi32>
        %jit3A_705 = arith.constant 0.000000e+00 : f32
        %broadcast_in_dim3A_706 = vector.broadcast %jit3A_705 : f32 to vector<16xf32>
        %select_n3A_707 = arith.select %lt3A_704, %exp3A_701, %broadcast_in_dim3A_706 : vector<16xi1>, vector<16xf32>
        %broadcast_in_dim3A_708 = arith.constant 0.000000e+00 : f32
        %broadcast_in_dim3A_709 = vector.broadcast %broadcast_in_dim3A_708 : f32 to vector<16xf32>
        %add3A_710 = arith.addf %get3A_448, %get3A_496 : vector<16xf32>
        %mul3A_711 = arith.constant 2.000000e-01 : f32
        %mul3A_712 = vector.broadcast %mul3A_711 : f32 to vector<16xf32>
        %mul3A_713 = arith.mulf %add3A_710, %mul3A_712 : vector<16xf32>
        %max3A_714 = arith.maximumf %add3A_710, %mul3A_713 : vector<16xf32>
        %mul3A_715 = arith.mulf %max3A_714, %get3A_61 : vector<16xf32>
        %eq3A_716 = arith.constant 0 : i32
        %eq3A_717 = vector.broadcast %eq3A_716 : i32 to vector<16xi32>
        %eq3A_718 = arith.cmpi eq, %iota3A, %eq3A_717 : vector<16xi32>
        %reduce_sum3A_719 = arith.constant true
        %reduce_sum3A_720 = vector.broadcast %reduce_sum3A_719 : i1 to vector<16xi1>
        %reduce_sum3A_721 = tpu.scan <sum>, %mul3A_715 masked %reduce_sum3A_720 : vector<16xf32>, vector<16xi1> -> vector<16xf32>
        %reduce_sum3A_722 = vector.extract %reduce_sum3A_721[15] : f32 from vector<16xf32>
        %broadcast_in_dim3A_723 = vector.broadcast %reduce_sum3A_722 : f32 to vector<16xf32>
        %select_n3A_724 = arith.select %eq3A_718, %broadcast_in_dim3A_723, %broadcast_in_dim3A_709 : vector<16xi1>, vector<16xf32>
        %add3A_725 = arith.addf %get3A_451, %get3A_499 : vector<16xf32>
        %mul3A_726 = arith.constant 2.000000e-01 : f32
        %mul3A_727 = vector.broadcast %mul3A_726 : f32 to vector<16xf32>
        %mul3A_728 = arith.mulf %add3A_725, %mul3A_727 : vector<16xf32>
        %max3A_729 = arith.maximumf %add3A_725, %mul3A_728 : vector<16xf32>
        %mul3A_730 = arith.mulf %max3A_729, %get3A_65 : vector<16xf32>
        %eq3A_731 = arith.constant 1 : i32
        %eq3A_732 = vector.broadcast %eq3A_731 : i32 to vector<16xi32>
        %eq3A_733 = arith.cmpi eq, %iota3A, %eq3A_732 : vector<16xi32>
        %reduce_sum3A_734 = arith.constant true
        %reduce_sum3A_735 = vector.broadcast %reduce_sum3A_734 : i1 to vector<16xi1>
        %reduce_sum3A_736 = tpu.scan <sum>, %mul3A_730 masked %reduce_sum3A_735 : vector<16xf32>, vector<16xi1> -> vector<16xf32>
        %reduce_sum3A_737 = vector.extract %reduce_sum3A_736[15] : f32 from vector<16xf32>
        %broadcast_in_dim3A_738 = vector.broadcast %reduce_sum3A_737 : f32 to vector<16xf32>
        %select_n3A_739 = arith.select %eq3A_733, %broadcast_in_dim3A_738, %select_n3A_724 : vector<16xi1>, vector<16xf32>
        %add3A_740 = arith.addf %get3A_454, %get3A_502 : vector<16xf32>
        %mul3A_741 = arith.constant 2.000000e-01 : f32
        %mul3A_742 = vector.broadcast %mul3A_741 : f32 to vector<16xf32>
        %mul3A_743 = arith.mulf %add3A_740, %mul3A_742 : vector<16xf32>
        %max3A_744 = arith.maximumf %add3A_740, %mul3A_743 : vector<16xf32>
        %mul3A_745 = arith.mulf %max3A_744, %get3A_69 : vector<16xf32>
        %eq3A_746 = arith.constant 2 : i32
        %eq3A_747 = vector.broadcast %eq3A_746 : i32 to vector<16xi32>
        %eq3A_748 = arith.cmpi eq, %iota3A, %eq3A_747 : vector<16xi32>
        %reduce_sum3A_749 = arith.constant true
        %reduce_sum3A_750 = vector.broadcast %reduce_sum3A_749 : i1 to vector<16xi1>
        %reduce_sum3A_751 = tpu.scan <sum>, %mul3A_745 masked %reduce_sum3A_750 : vector<16xf32>, vector<16xi1> -> vector<16xf32>
        %reduce_sum3A_752 = vector.extract %reduce_sum3A_751[15] : f32 from vector<16xf32>
        %broadcast_in_dim3A_753 = vector.broadcast %reduce_sum3A_752 : f32 to vector<16xf32>
        %select_n3A_754 = arith.select %eq3A_748, %broadcast_in_dim3A_753, %select_n3A_739 : vector<16xi1>, vector<16xf32>
        %add3A_755 = arith.addf %get3A_457, %get3A_505 : vector<16xf32>
        %mul3A_756 = arith.constant 2.000000e-01 : f32
        %mul3A_757 = vector.broadcast %mul3A_756 : f32 to vector<16xf32>
        %mul3A_758 = arith.mulf %add3A_755, %mul3A_757 : vector<16xf32>
        %max3A_759 = arith.maximumf %add3A_755, %mul3A_758 : vector<16xf32>
        %mul3A_760 = arith.mulf %max3A_759, %get3A_73 : vector<16xf32>
        %eq3A_761 = arith.constant 3 : i32
        %eq3A_762 = vector.broadcast %eq3A_761 : i32 to vector<16xi32>
        %eq3A_763 = arith.cmpi eq, %iota3A, %eq3A_762 : vector<16xi32>
        %reduce_sum3A_764 = arith.constant true
        %reduce_sum3A_765 = vector.broadcast %reduce_sum3A_764 : i1 to vector<16xi1>
        %reduce_sum3A_766 = tpu.scan <sum>, %mul3A_760 masked %reduce_sum3A_765 : vector<16xf32>, vector<16xi1> -> vector<16xf32>
        %reduce_sum3A_767 = vector.extract %reduce_sum3A_766[15] : f32 from vector<16xf32>
        %broadcast_in_dim3A_768 = vector.broadcast %reduce_sum3A_767 : f32 to vector<16xf32>
        %select_n3A_769 = arith.select %eq3A_763, %broadcast_in_dim3A_768, %select_n3A_754 : vector<16xi1>, vector<16xf32>
        %exp3A_770 = math.exp %select_n3A_769 : vector<16xf32>
        %lt3A_771 = arith.constant 4 : i32
        %lt3A_772 = vector.broadcast %lt3A_771 : i32 to vector<16xi32>
        %lt3A_773 = arith.cmpi slt, %iota3A, %lt3A_772 : vector<16xi32>
        %jit3A_774 = arith.constant 0.000000e+00 : f32
        %broadcast_in_dim3A_775 = vector.broadcast %jit3A_774 : f32 to vector<16xf32>
        %select_n3A_776 = arith.select %lt3A_773, %exp3A_770, %broadcast_in_dim3A_775 : vector<16xi1>, vector<16xf32>
        %swap3A = arith.index_cast %add3A_397 : i32 to index
        %swap3A_777 = arith.constant 64 : index
        %swap3A_778 = tpu.vector_load %arg18[%swap3A, %swap3A_777] {strides = array<i32>} : memref<40x80xf32, #tpu.memory_space<vmem>>, vector<16xf32>,
        tpu.vector_store %arg18[%swap3A, %swap3A_777], %select_n3A_569 {strides = array<i32>} : memref<40x80xf32, #tpu.memory_space<vmem>>, vector<16xf32>,
        %slice3A = vector.extract_strided_slice %select_n3A_569 {offsets = [0], sizes = [1], strides = [1]} : vector<16xf32> to vector<1xf32>
        %squeeze3A = vector.extract %slice3A[0] : f32 from vector<1xf32>
        %mul3A_779 = vector.broadcast %squeeze3A : f32 to vector<16xf32>
        %mul3A_780 = arith.mulf %get3A_412, %mul3A_779 : vector<16xf32>
        %swap3A_781 = arith.index_cast %add3A_397 : i32 to index
        %swap3A_782 = arith.constant 0 : index
        %swap3A_783 = tpu.vector_load %arg18[%swap3A_781, %swap3A_782] {strides = array<i32>} : memref<40x80xf32, #tpu.memory_space<vmem>>, vector<16xf32>,
        tpu.vector_store %arg18[%swap3A_781, %swap3A_782], %mul3A_780 {strides = array<i32>} : memref<40x80xf32, #tpu.memory_space<vmem>>, vector<16xf32>,
        %slice3A_784 = vector.extract_strided_slice %select_n3A_569 {offsets = [1], sizes = [1], strides = [1]} : vector<16xf32> to vector<1xf32>
        %squeeze3A_785 = vector.extract %slice3A_784[0] : f32 from vector<1xf32>
        %mul3A_786 = vector.broadcast %squeeze3A_785 : f32 to vector<16xf32>
        %mul3A_787 = arith.mulf %get3A_415, %mul3A_786 : vector<16xf32>
        %swap3A_788 = arith.index_cast %add3A_397 : i32 to index
        %swap3A_789 = arith.constant 16 : index
        %swap3A_790 = tpu.vector_load %arg18[%swap3A_788, %swap3A_789] {strides = array<i32>} : memref<40x80xf32, #tpu.memory_space<vmem>>, vector<16xf32>,
        tpu.vector_store %arg18[%swap3A_788, %swap3A_789], %mul3A_787 {strides = array<i32>} : memref<40x80xf32, #tpu.memory_space<vmem>>, vector<16xf32>,
        %slice3A_791 = vector.extract_strided_slice %select_n3A_569 {offsets = [2], sizes = [1], strides = [1]} : vector<16xf32> to vector<1xf32>
        %squeeze3A_792 = vector.extract %slice3A_791[0] : f32 from vector<1xf32>
        %mul3A_793 = vector.broadcast %squeeze3A_792 : f32 to vector<16xf32>
        %mul3A_794 = arith.mulf %get3A_418, %mul3A_793 : vector<16xf32>
        %swap3A_795 = arith.index_cast %add3A_397 : i32 to index
        %swap3A_796 = arith.constant 32 : index
        %swap3A_797 = tpu.vector_load %arg18[%swap3A_795, %swap3A_796] {strides = array<i32>} : memref<40x80xf32, #tpu.memory_space<vmem>>, vector<16xf32>,
        tpu.vector_store %arg18[%swap3A_795, %swap3A_796], %mul3A_794 {strides = array<i32>} : memref<40x80xf32, #tpu.memory_space<vmem>>, vector<16xf32>,
        %slice3A_798 = vector.extract_strided_slice %select_n3A_569 {offsets = [3], sizes = [1], strides = [1]} : vector<16xf32> to vector<1xf32>
        %squeeze3A_799 = vector.extract %slice3A_798[0] : f32 from vector<1xf32>
        %mul3A_800 = vector.broadcast %squeeze3A_799 : f32 to vector<16xf32>
        %mul3A_801 = arith.mulf %get3A_421, %mul3A_800 : vector<16xf32>
        %swap3A_802 = arith.index_cast %add3A_397 : i32 to index
        %swap3A_803 = arith.constant 48 : index
        %swap3A_804 = tpu.vector_load %arg18[%swap3A_802, %swap3A_803] {strides = array<i32>} : memref<40x80xf32, #tpu.memory_space<vmem>>, vector<16xf32>,
        tpu.vector_store %arg18[%swap3A_802, %swap3A_803], %mul3A_801 {strides = array<i32>} : memref<40x80xf32, #tpu.memory_space<vmem>>, vector<16xf32>,
        %swap3A_805 = arith.index_cast %add3A_401 : i32 to index
        %swap3A_806 = arith.constant 64 : index
        %swap3A_807 = tpu.vector_load %arg18[%swap3A_805, %swap3A_806] {strides = array<i32>} : memref<40x80xf32, #tpu.memory_space<vmem>>, vector<16xf32>,
        tpu.vector_store %arg18[%swap3A_805, %swap3A_806], %select_n3A_638 {strides = array<i32>} : memref<40x80xf32, #tpu.memory_space<vmem>>, vector<16xf32>,
        %slice3A_808 = vector.extract_strided_slice %select_n3A_638 {offsets = [0], sizes = [1], strides = [1]} : vector<16xf32> to vector<1xf32>
        %squeeze3A_809 = vector.extract %slice3A_808[0] : f32 from vector<1xf32>
        %mul3A_810 = vector.broadcast %squeeze3A_809 : f32 to vector<16xf32>
        %mul3A_811 = arith.mulf %get3A_424, %mul3A_810 : vector<16xf32>
        %swap3A_812 = arith.index_cast %add3A_401 : i32 to index
        %swap3A_813 = arith.constant 0 : index
        %swap3A_814 = tpu.vector_load %arg18[%swap3A_812, %swap3A_813] {strides = array<i32>} : memref<40x80xf32, #tpu.memory_space<vmem>>, vector<16xf32>,
        tpu.vector_store %arg18[%swap3A_812, %swap3A_813], %mul3A_811 {strides = array<i32>} : memref<40x80xf32, #tpu.memory_space<vmem>>, vector<16xf32>,
        %slice3A_815 = vector.extract_strided_slice %select_n3A_638 {offsets = [1], sizes = [1], strides = [1]} : vector<16xf32> to vector<1xf32>
        %squeeze3A_816 = vector.extract %slice3A_815[0] : f32 from vector<1xf32>
        %mul3A_817 = vector.broadcast %squeeze3A_816 : f32 to vector<16xf32>
        %mul3A_818 = arith.mulf %get3A_427, %mul3A_817 : vector<16xf32>
        %swap3A_819 = arith.index_cast %add3A_401 : i32 to index
        %swap3A_820 = arith.constant 16 : index
        %swap3A_821 = tpu.vector_load %arg18[%swap3A_819, %swap3A_820] {strides = array<i32>} : memref<40x80xf32, #tpu.memory_space<vmem>>, vector<16xf32>,
        tpu.vector_store %arg18[%swap3A_819, %swap3A_820], %mul3A_818 {strides = array<i32>} : memref<40x80xf32, #tpu.memory_space<vmem>>, vector<16xf32>,
        %slice3A_822 = vector.extract_strided_slice %select_n3A_638 {offsets = [2], sizes = [1], strides = [1]} : vector<16xf32> to vector<1xf32>
        %squeeze3A_823 = vector.extract %slice3A_822[0] : f32 from vector<1xf32>
        %mul3A_824 = vector.broadcast %squeeze3A_823 : f32 to vector<16xf32>
        %mul3A_825 = arith.mulf %get3A_430, %mul3A_824 : vector<16xf32>
        %swap3A_826 = arith.index_cast %add3A_401 : i32 to index
        %swap3A_827 = arith.constant 32 : index
        %swap3A_828 = tpu.vector_load %arg18[%swap3A_826, %swap3A_827] {strides = array<i32>} : memref<40x80xf32, #tpu.memory_space<vmem>>, vector<16xf32>,
        tpu.vector_store %arg18[%swap3A_826, %swap3A_827], %mul3A_825 {strides = array<i32>} : memref<40x80xf32, #tpu.memory_space<vmem>>, vector<16xf32>,
        %slice3A_829 = vector.extract_strided_slice %select_n3A_638 {offsets = [3], sizes = [1], strides = [1]} : vector<16xf32> to vector<1xf32>
        %squeeze3A_830 = vector.extract %slice3A_829[0] : f32 from vector<1xf32>
        %mul3A_831 = vector.broadcast %squeeze3A_830 : f32 to vector<16xf32>
        %mul3A_832 = arith.mulf %get3A_433, %mul3A_831 : vector<16xf32>
        %swap3A_833 = arith.index_cast %add3A_401 : i32 to index
        %swap3A_834 = arith.constant 48 : index
        %swap3A_835 = tpu.vector_load %arg18[%swap3A_833, %swap3A_834] {strides = array<i32>} : memref<40x80xf32, #tpu.memory_space<vmem>>, vector<16xf32>,
        tpu.vector_store %arg18[%swap3A_833, %swap3A_834], %mul3A_832 {strides = array<i32>} : memref<40x80xf32, #tpu.memory_space<vmem>>, vector<16xf32>,
        %swap3A_836 = arith.index_cast %add3A_405 : i32 to index
        %swap3A_837 = arith.constant 64 : index
        %swap3A_838 = tpu.vector_load %arg18[%swap3A_836, %swap3A_837] {strides = array<i32>} : memref<40x80xf32, #tpu.memory_space<vmem>>, vector<16xf32>,
        tpu.vector_store %arg18[%swap3A_836, %swap3A_837], %select_n3A_707 {strides = array<i32>} : memref<40x80xf32, #tpu.memory_space<vmem>>, vector<16xf32>,
        %slice3A_839 = vector.extract_strided_slice %select_n3A_707 {offsets = [0], sizes = [1], strides = [1]} : vector<16xf32> to vector<1xf32>
        %squeeze3A_840 = vector.extract %slice3A_839[0] : f32 from vector<1xf32>
        %mul3A_841 = vector.broadcast %squeeze3A_840 : f32 to vector<16xf32>
        %mul3A_842 = arith.mulf %get3A_436, %mul3A_841 : vector<16xf32>
        %swap3A_843 = arith.index_cast %add3A_405 : i32 to index
        %swap3A_844 = arith.constant 0 : index
        %swap3A_845 = tpu.vector_load %arg18[%swap3A_843, %swap3A_844] {strides = array<i32>} : memref<40x80xf32, #tpu.memory_space<vmem>>, vector<16xf32>,
        tpu.vector_store %arg18[%swap3A_843, %swap3A_844], %mul3A_842 {strides = array<i32>} : memref<40x80xf32, #tpu.memory_space<vmem>>, vector<16xf32>,
        %slice3A_846 = vector.extract_strided_slice %select_n3A_707 {offsets = [1], sizes = [1], strides = [1]} : vector<16xf32> to vector<1xf32>
        %squeeze3A_847 = vector.extract %slice3A_846[0] : f32 from vector<1xf32>
        %mul3A_848 = vector.broadcast %squeeze3A_847 : f32 to vector<16xf32>
        %mul3A_849 = arith.mulf %get3A_439, %mul3A_848 : vector<16xf32>
        %swap3A_850 = arith.index_cast %add3A_405 : i32 to index
        %swap3A_851 = arith.constant 16 : index
        %swap3A_852 = tpu.vector_load %arg18[%swap3A_850, %swap3A_851] {strides = array<i32>} : memref<40x80xf32, #tpu.memory_space<vmem>>, vector<16xf32>,
        tpu.vector_store %arg18[%swap3A_850, %swap3A_851], %mul3A_849 {strides = array<i32>} : memref<40x80xf32, #tpu.memory_space<vmem>>, vector<16xf32>,
        %slice3A_853 = vector.extract_strided_slice %select_n3A_707 {offsets = [2], sizes = [1], strides = [1]} : vector<16xf32> to vector<1xf32>
        %squeeze3A_854 = vector.extract %slice3A_853[0] : f32 from vector<1xf32>
        %mul3A_855 = vector.broadcast %squeeze3A_854 : f32 to vector<16xf32>
        %mul3A_856 = arith.mulf %get3A_442, %mul3A_855 : vector<16xf32>
        %swap3A_857 = arith.index_cast %add3A_405 : i32 to index
        %swap3A_858 = arith.constant 32 : index
        %swap3A_859 = tpu.vector_load %arg18[%swap3A_857, %swap3A_858] {strides = array<i32>} : memref<40x80xf32, #tpu.memory_space<vmem>>, vector<16xf32>,
        tpu.vector_store %arg18[%swap3A_857, %swap3A_858], %mul3A_856 {strides = array<i32>} : memref<40x80xf32, #tpu.memory_space<vmem>>, vector<16xf32>,
        %slice3A_860 = vector.extract_strided_slice %select_n3A_707 {offsets = [3], sizes = [1], strides = [1]} : vector<16xf32> to vector<1xf32>
        %squeeze3A_861 = vector.extract %slice3A_860[0] : f32 from vector<1xf32>
        %mul3A_862 = vector.broadcast %squeeze3A_861 : f32 to vector<16xf32>
        %mul3A_863 = arith.mulf %get3A_445, %mul3A_862 : vector<16xf32>
        %swap3A_864 = arith.index_cast %add3A_405 : i32 to index
        %swap3A_865 = arith.constant 48 : index
        %swap3A_866 = tpu.vector_load %arg18[%swap3A_864, %swap3A_865] {strides = array<i32>} : memref<40x80xf32, #tpu.memory_space<vmem>>, vector<16xf32>,
        tpu.vector_store %arg18[%swap3A_864, %swap3A_865], %mul3A_863 {strides = array<i32>} : memref<40x80xf32, #tpu.memory_space<vmem>>, vector<16xf32>,
        %swap3A_867 = arith.index_cast %add3A_409 : i32 to index
        %swap3A_868 = arith.constant 64 : index
        %swap3A_869 = tpu.vector_load %arg18[%swap3A_867, %swap3A_868] {strides = array<i32>} : memref<40x80xf32, #tpu.memory_space<vmem>>, vector<16xf32>,
        tpu.vector_store %arg18[%swap3A_867, %swap3A_868], %select_n3A_776 {strides = array<i32>} : memref<40x80xf32, #tpu.memory_space<vmem>>, vector<16xf32>,
        %slice3A_870 = vector.extract_strided_slice %select_n3A_776 {offsets = [0], sizes = [1], strides = [1]} : vector<16xf32> to vector<1xf32>
        %squeeze3A_871 = vector.extract %slice3A_870[0] : f32 from vector<1xf32>
        %mul3A_872 = vector.broadcast %squeeze3A_871 : f32 to vector<16xf32>
        %mul3A_873 = arith.mulf %get3A_448, %mul3A_872 : vector<16xf32>
        %swap3A_874 = arith.index_cast %add3A_409 : i32 to index
        %swap3A_875 = arith.constant 0 : index
        %swap3A_876 = tpu.vector_load %arg18[%swap3A_874, %swap3A_875] {strides = array<i32>} : memref<40x80xf32, #tpu.memory_space<vmem>>, vector<16xf32>,
        tpu.vector_store %arg18[%swap3A_874, %swap3A_875], %mul3A_873 {strides = array<i32>} : memref<40x80xf32, #tpu.memory_space<vmem>>, vector<16xf32>,
        %slice3A_877 = vector.extract_strided_slice %select_n3A_776 {offsets = [1], sizes = [1], strides = [1]} : vector<16xf32> to vector<1xf32>
        %squeeze3A_878 = vector.extract %slice3A_877[0] : f32 from vector<1xf32>
        %mul3A_879 = vector.broadcast %squeeze3A_878 : f32 to vector<16xf32>
        %mul3A_880 = arith.mulf %get3A_451, %mul3A_879 : vector<16xf32>
        %swap3A_881 = arith.index_cast %add3A_409 : i32 to index
        %swap3A_882 = arith.constant 16 : index
        %swap3A_883 = tpu.vector_load %arg18[%swap3A_881, %swap3A_882] {strides = array<i32>} : memref<40x80xf32, #tpu.memory_space<vmem>>, vector<16xf32>,
        tpu.vector_store %arg18[%swap3A_881, %swap3A_882], %mul3A_880 {strides = array<i32>} : memref<40x80xf32, #tpu.memory_space<vmem>>, vector<16xf32>,
        %slice3A_884 = vector.extract_strided_slice %select_n3A_776 {offsets = [2], sizes = [1], strides = [1]} : vector<16xf32> to vector<1xf32>
        %squeeze3A_885 = vector.extract %slice3A_884[0] : f32 from vector<1xf32>
        %mul3A_886 = vector.broadcast %squeeze3A_885 : f32 to vector<16xf32>
        %mul3A_887 = arith.mulf %get3A_454, %mul3A_886 : vector<16xf32>
        %swap3A_888 = arith.index_cast %add3A_409 : i32 to index
        %swap3A_889 = arith.constant 32 : index
        %swap3A_890 = tpu.vector_load %arg18[%swap3A_888, %swap3A_889] {strides = array<i32>} : memref<40x80xf32, #tpu.memory_space<vmem>>, vector<16xf32>,
        tpu.vector_store %arg18[%swap3A_888, %swap3A_889], %mul3A_887 {strides = array<i32>} : memref<40x80xf32, #tpu.memory_space<vmem>>, vector<16xf32>,
        %slice3A_891 = vector.extract_strided_slice %select_n3A_776 {offsets = [3], sizes = [1], strides = [1]} : vector<16xf32> to vector<1xf32>
        %squeeze3A_892 = vector.extract %slice3A_891[0] : f32 from vector<1xf32>
        %mul3A_893 = vector.broadcast %squeeze3A_892 : f32 to vector<16xf32>
        %mul3A_894 = arith.mulf %get3A_457, %mul3A_893 : vector<16xf32>
        %swap3A_895 = arith.index_cast %add3A_409 : i32 to index
        %swap3A_896 = arith.constant 48 : index
        %swap3A_897 = tpu.vector_load %arg18[%swap3A_895, %swap3A_896] {strides = array<i32>} : memref<40x80xf32, #tpu.memory_space<vmem>>, vector<16xf32>,
        tpu.vector_store %arg18[%swap3A_895, %swap3A_896], %mul3A_894 {strides = array<i32>} : memref<40x80xf32, #tpu.memory_space<vmem>>, vector<16xf32>,
        %scan3A_898 = arith.constant 0 : i32
        scf.yield %scan3A_898 : i32
      }
      %scan3A_332 = arith.constant 10 : i32
      %lt3A_333 = arith.constant 124 : i32
      %lt3A_334 = arith.cmpi slt, %scan3A_203, %lt3A_333 : i32
      %convert_element_type3A_335 = arith.extui %lt3A_334 : i1 to i32
      %cond3A_336 = arith.constant 0 : i32
      %cond3A_337 = arith.cmpi ne, %convert_element_type3A_335, %cond3A_336 : i32
      scf.if %cond3A_337 {
        %add3A_392 = arith.constant 4 : i32
        %add3A_393 = arith.addi %add3A_300, %add3A_392 : i32
        %dma_start3A_394 = arith.constant 0 : i32
        %dma_start3A_395 = tpu.memref_slice %arg8[%add3A_393, %dma_start3A_394] : memref<500x40xi32, #tpu.memory_space<vmem>> -> memref<1x40xi32, #tpu.memory_space<vmem>>
        %dma_start3A_396 = tpu.memref_squeeze %dma_start3A_395 : memref<1x40xi32, #tpu.memory_space<vmem>> -> memref<40xi32, #tpu.memory_space<vmem>>
        %dma_start3A_397 = arith.constant 0 : i32
        %dma_start3A_398 = arith.constant 0 : i32
        %dma_start3A_399 = tpu.memref_slice %arg2[%arg0, %dma_start3A_397, %dma_start3A_398] : memref<2x10000x64xf32, #tpu.memory_space<hbm>> -> memref<1x10000x64xf32, #tpu.memory_space<hbm>>
        %dma_start3A_400 = tpu.memref_squeeze %dma_start3A_399 : memref<1x10000x64xf32, #tpu.memory_space<hbm>> -> memref<10000x64xf32, #tpu.memory_space<hbm>>
        %dma_start3A_401 = arith.constant 0 : i32
        %dma_start3A_402 = arith.constant 0 : i32
        %dma_start3A_403 = tpu.memref_slice %dma_start3A_400[%dma_start3A_401, %dma_start3A_402] : memref<10000x64xf32, #tpu.memory_space<hbm>> -> memref<10000x64xf32, #tpu.memory_space<hbm>>
        tpu.enqueue_indirect_dma source(%dma_start3A_403 : memref<10000x64xf32, #tpu.memory_space<hbm>>) target(%arg16 : memref<40x64xf32, #tpu.memory_space<vmem>>) offsets(%dma_start3A_396 : memref<40xi32, #tpu.memory_space<vmem>>) semaphore(%arg27 : memref<!tpu.dma_semaphore, #tpu.memory_space<semaphore_mem>>)
        %dma_start3A_404 = arith.constant 0 : i32
        %dma_start3A_405 = tpu.memref_slice %arg9[%add3A_393, %dma_start3A_404] : memref<500x40xi32, #tpu.memory_space<vmem>> -> memref<1x40xi32, #tpu.memory_space<vmem>>
        %dma_start3A_406 = tpu.memref_squeeze %dma_start3A_405 : memref<1x40xi32, #tpu.memory_space<vmem>> -> memref<40xi32, #tpu.memory_space<vmem>>
        %dma_start3A_407 = arith.constant 0 : i32
        %dma_start3A_408 = arith.constant 0 : i32
        %dma_start3A_409 = tpu.memref_slice %arg3[%arg0, %dma_start3A_407, %dma_start3A_408] : memref<2x10000x64xf32, #tpu.memory_space<hbm>> -> memref<1x10000x64xf32, #tpu.memory_space<hbm>>
        %dma_start3A_410 = tpu.memref_squeeze %dma_start3A_409 : memref<1x10000x64xf32, #tpu.memory_space<hbm>> -> memref<10000x64xf32, #tpu.memory_space<hbm>>
        %dma_start3A_411 = arith.constant 0 : i32
        %dma_start3A_412 = arith.constant 0 : i32
        %dma_start3A_413 = tpu.memref_slice %dma_start3A_410[%dma_start3A_411, %dma_start3A_412] : memref<10000x64xf32, #tpu.memory_space<hbm>> -> memref<10000x64xf32, #tpu.memory_space<hbm>>
        tpu.enqueue_indirect_dma source(%dma_start3A_413 : memref<10000x64xf32, #tpu.memory_space<hbm>>) target(%arg17 : memref<40x64xf32, #tpu.memory_space<vmem>>) offsets(%dma_start3A_406 : memref<40xi32, #tpu.memory_space<vmem>>) semaphore(%arg27 : memref<!tpu.dma_semaphore, #tpu.memory_space<semaphore_mem>>)
      } else {
      }
      %dma_start3A_338 = arith.constant 0 : i32
      %dma_start3A_339 = tpu.memref_slice %arg9[%add3A_300, %dma_start3A_338] : memref<500x40xi32, #tpu.memory_space<vmem>> -> memref<1x40xi32, #tpu.memory_space<vmem>>
      %dma_start3A_340 = tpu.memref_squeeze %dma_start3A_339 : memref<1x40xi32, #tpu.memory_space<vmem>> -> memref<40xi32, #tpu.memory_space<vmem>>
      %dma_start3A_341 = arith.constant 0 : i32
      %dma_start3A_342 = arith.constant 0 : i32
      %dma_start3A_343 = tpu.memref_slice %arg24[%dma_start3A_341, %dma_start3A_342] : memref<10000x80xf32, #tpu.memory_space<vmem_shared>> -> memref<10000x80xf32, #tpu.memory_space<vmem_shared>>
      tpu.enqueue_indirect_dma source(%arg18 : memref<40x80xf32, #tpu.memory_space<vmem>>) target(%dma_start3A_343 : memref<10000x80xf32, #tpu.memory_space<vmem_shared>>) offsets(%dma_start3A_340 : memref<40xi32, #tpu.memory_space<vmem>>) semaphore(%arg31 : memref<!tpu.dma_semaphore, #tpu.memory_space<semaphore_mem>>) {add = true}
      %mul3A_344 = arith.constant 4 : i32
      %mul3A_345 = arith.muli %mul3A_344, %scan3A_203 : i32
      %add3A_346 = arith.constant 3 : i32
      %add3A_347 = arith.addi %mul3A_345, %add3A_346 : i32
      %gt3A_348 = arith.constant 0 : i32
      %gt3A_349 = arith.cmpi sgt, %scan3A_203, %gt3A_348 : i32
      %convert_element_type3A_350 = arith.extui %gt3A_349 : i1 to i32
      %cond3A_351 = arith.constant 0 : i32
      %cond3A_352 = arith.cmpi ne, %convert_element_type3A_350, %cond3A_351 : i32
      scf.if %cond3A_352 {
        %sub3A = arith.constant 4 : i32
        %sub3A_392 = arith.subi %add3A_347, %sub3A : i32
        %dma_wait3A_393 = arith.constant 0 : i32
        %dma_wait3A_394 = tpu.memref_slice %arg9[%sub3A_392, %dma_wait3A_393] : memref<500x40xi32, #tpu.memory_space<vmem>> -> memref<1x40xi32, #tpu.memory_space<vmem>>
        %dma_wait3A_395 = tpu.memref_squeeze %dma_wait3A_394 : memref<1x40xi32, #tpu.memory_space<vmem>> -> memref<40xi32, #tpu.memory_space<vmem>>
        %dma_wait3A_396 = arith.constant 0 : i32
        %dma_wait3A_397 = arith.constant 0 : i32
        %dma_wait3A_398 = tpu.memref_slice %arg24[%dma_wait3A_396, %dma_wait3A_397] : memref<10000x80xf32, #tpu.memory_space<vmem_shared>> -> memref<10000x80xf32, #tpu.memory_space<vmem_shared>>
        tpu.wait_indirect_dma semaphore(%arg32 : memref<!tpu.dma_semaphore, #tpu.memory_space<semaphore_mem>>) src(%arg21 : memref<40x80xf32, #tpu.memory_space<vmem>>) dst(%dma_wait3A_398 : memref<10000x80xf32, #tpu.memory_space<vmem_shared>>)
      } else {
      }
      %dma_wait3A_353 = arith.constant 0 : i32
      %dma_wait3A_354 = tpu.memref_slice %arg8[%add3A_347, %dma_wait3A_353] : memref<500x40xi32, #tpu.memory_space<vmem>> -> memref<1x40xi32, #tpu.memory_space<vmem>>
      %dma_wait3A_355 = tpu.memref_squeeze %dma_wait3A_354 : memref<1x40xi32, #tpu.memory_space<vmem>> -> memref<40xi32, #tpu.memory_space<vmem>>
      %dma_wait3A_356 = arith.constant 0 : i32
      %dma_wait3A_357 = arith.constant 0 : i32
      %dma_wait3A_358 = tpu.memref_slice %arg2[%arg0, %dma_wait3A_356, %dma_wait3A_357] : memref<2x10000x64xf32, #tpu.memory_space<hbm>> -> memref<1x10000x64xf32, #tpu.memory_space<hbm>>
      %dma_wait3A_359 = tpu.memref_squeeze %dma_wait3A_358 : memref<1x10000x64xf32, #tpu.memory_space<hbm>> -> memref<10000x64xf32, #tpu.memory_space<hbm>>
      %dma_wait3A_360 = arith.constant 0 : i32
      %dma_wait3A_361 = arith.constant 0 : i32
      %dma_wait3A_362 = tpu.memref_slice %dma_wait3A_359[%dma_wait3A_360, %dma_wait3A_361] : memref<10000x64xf32, #tpu.memory_space<hbm>> -> memref<10000x64xf32, #tpu.memory_space<hbm>>
      tpu.wait_indirect_dma semaphore(%arg28 : memref<!tpu.dma_semaphore, #tpu.memory_space<semaphore_mem>>) src(%dma_wait3A_362 : memref<10000x64xf32, #tpu.memory_space<hbm>>) dst(%arg19 : memref<40x64xf32, #tpu.memory_space<vmem>>)
      %dma_wait3A_363 = arith.constant 0 : i32
      %dma_wait3A_364 = tpu.memref_slice %arg9[%add3A_347, %dma_wait3A_363] : memref<500x40xi32, #tpu.memory_space<vmem>> -> memref<1x40xi32, #tpu.memory_space<vmem>>
      %dma_wait3A_365 = tpu.memref_squeeze %dma_wait3A_364 : memref<1x40xi32, #tpu.memory_space<vmem>> -> memref<40xi32, #tpu.memory_space<vmem>>
      %dma_wait3A_366 = arith.constant 0 : i32
      %dma_wait3A_367 = arith.constant 0 : i32
      %dma_wait3A_368 = tpu.memref_slice %arg3[%arg0, %dma_wait3A_366, %dma_wait3A_367] : memref<2x10000x64xf32, #tpu.memory_space<hbm>> -> memref<1x10000x64xf32, #tpu.memory_space<hbm>>
      %dma_wait3A_369 = tpu.memref_squeeze %dma_wait3A_368 : memref<1x10000x64xf32, #tpu.memory_space<hbm>> -> memref<10000x64xf32, #tpu.memory_space<hbm>>
      %dma_wait3A_370 = arith.constant 0 : i32
      %dma_wait3A_371 = arith.constant 0 : i32
      %dma_wait3A_372 = tpu.memref_slice %dma_wait3A_369[%dma_wait3A_370, %dma_wait3A_371] : memref<10000x64xf32, #tpu.memory_space<hbm>> -> memref<10000x64xf32, #tpu.memory_space<hbm>>
      tpu.wait_indirect_dma semaphore(%arg28 : memref<!tpu.dma_semaphore, #tpu.memory_space<semaphore_mem>>) src(%dma_wait3A_372 : memref<10000x64xf32, #tpu.memory_space<hbm>>) dst(%arg20 : memref<40x64xf32, #tpu.memory_space<vmem>>)
      %scan3A_373 = arith.constant 0 : i32
      %scan3A_374 = arith.constant 0 : i32
      %scan3A_375 = arith.constant 10 : i32
      %scan3A_376 = arith.addi %scan3A_374, %scan3A_375 : i32
      %scan3A_377 = arith.constant 1 : i32
      %scan3A_378 = scf.for %scan3A_392 = %scan3A_374 to %scan3A_376 step %scan3A_377 iter_args(%scan3A_393 = %scan3A_373) -> (i32)  : i32 {
        %mul3A_394 = arith.constant 4 : i32
        %mul3A_395 = arith.muli %scan3A_392, %mul3A_394 : i32
        %add3A_396 = arith.constant 0 : i32
        %add3A_397 = arith.addi %mul3A_395, %add3A_396 : i32
        %mul3A_398 = arith.constant 4 : i32
        %mul3A_399 = arith.muli %scan3A_392, %mul3A_398 : i32
        %add3A_400 = arith.constant 1 : i32
        %add3A_401 = arith.addi %mul3A_399, %add3A_400 : i32
        %mul3A_402 = arith.constant 4 : i32
        %mul3A_403 = arith.muli %scan3A_392, %mul3A_402 : i32
        %add3A_404 = arith.constant 2 : i32
        %add3A_405 = arith.addi %mul3A_403, %add3A_404 : i32
        %mul3A_406 = arith.constant 4 : i32
        %mul3A_407 = arith.muli %scan3A_392, %mul3A_406 : i32
        %add3A_408 = arith.constant 3 : i32
        %add3A_409 = arith.addi %mul3A_407, %add3A_408 : i32
        %get3A_410 = arith.index_cast %add3A_397 : i32 to index
        %get3A_411 = arith.constant 0 : index
        %get3A_412 = tpu.vector_load %arg19[%get3A_410, %get3A_411] {strides = array<i32>} : memref<40x64xf32, #tpu.memory_space<vmem>>, vector<16xf32>,
        %get3A_413 = arith.index_cast %add3A_397 : i32 to index
        %get3A_414 = arith.constant 16 : index
        %get3A_415 = tpu.vector_load %arg19[%get3A_413, %get3A_414] {strides = array<i32>} : memref<40x64xf32, #tpu.memory_space<vmem>>, vector<16xf32>,
        %get3A_416 = arith.index_cast %add3A_397 : i32 to index
        %get3A_417 = arith.constant 32 : index
        %get3A_418 = tpu.vector_load %arg19[%get3A_416, %get3A_417] {strides = array<i32>} : memref<40x64xf32, #tpu.memory_space<vmem>>, vector<16xf32>,
        %get3A_419 = arith.index_cast %add3A_397 : i32 to index
        %get3A_420 = arith.constant 48 : index
        %get3A_421 = tpu.vector_load %arg19[%get3A_419, %get3A_420] {strides = array<i32>} : memref<40x64xf32, #tpu.memory_space<vmem>>, vector<16xf32>,
        %get3A_422 = arith.index_cast %add3A_401 : i32 to index
        %get3A_423 = arith.constant 0 : index
        %get3A_424 = tpu.vector_load %arg19[%get3A_422, %get3A_423] {strides = array<i32>} : memref<40x64xf32, #tpu.memory_space<vmem>>, vector<16xf32>,
        %get3A_425 = arith.index_cast %add3A_401 : i32 to index
        %get3A_426 = arith.constant 16 : index
        %get3A_427 = tpu.vector_load %arg19[%get3A_425, %get3A_426] {strides = array<i32>} : memref<40x64xf32, #tpu.memory_space<vmem>>, vector<16xf32>,
        %get3A_428 = arith.index_cast %add3A_401 : i32 to index
        %get3A_429 = arith.constant 32 : index
        %get3A_430 = tpu.vector_load %arg19[%get3A_428, %get3A_429] {strides = array<i32>} : memref<40x64xf32, #tpu.memory_space<vmem>>, vector<16xf32>,
        %get3A_431 = arith.index_cast %add3A_401 : i32 to index
        %get3A_432 = arith.constant 48 : index
        %get3A_433 = tpu.vector_load %arg19[%get3A_431, %get3A_432] {strides = array<i32>} : memref<40x64xf32, #tpu.memory_space<vmem>>, vector<16xf32>,
        %get3A_434 = arith.index_cast %add3A_405 : i32 to index
        %get3A_435 = arith.constant 0 : index
        %get3A_436 = tpu.vector_load %arg19[%get3A_434, %get3A_435] {strides = array<i32>} : memref<40x64xf32, #tpu.memory_space<vmem>>, vector<16xf32>,
        %get3A_437 = arith.index_cast %add3A_405 : i32 to index
        %get3A_438 = arith.constant 16 : index
        %get3A_439 = tpu.vector_load %arg19[%get3A_437, %get3A_438] {strides = array<i32>} : memref<40x64xf32, #tpu.memory_space<vmem>>, vector<16xf32>,
        %get3A_440 = arith.index_cast %add3A_405 : i32 to index
        %get3A_441 = arith.constant 32 : index
        %get3A_442 = tpu.vector_load %arg19[%get3A_440, %get3A_441] {strides = array<i32>} : memref<40x64xf32, #tpu.memory_space<vmem>>, vector<16xf32>,
        %get3A_443 = arith.index_cast %add3A_405 : i32 to index
        %get3A_444 = arith.constant 48 : index
        %get3A_445 = tpu.vector_load %arg19[%get3A_443, %get3A_444] {strides = array<i32>} : memref<40x64xf32, #tpu.memory_space<vmem>>, vector<16xf32>,
        %get3A_446 = arith.index_cast %add3A_409 : i32 to index
        %get3A_447 = arith.constant 0 : index
        %get3A_448 = tpu.vector_load %arg19[%get3A_446, %get3A_447] {strides = array<i32>} : memref<40x64xf32, #tpu.memory_space<vmem>>, vector<16xf32>,
        %get3A_449 = arith.index_cast %add3A_409 : i32 to index
        %get3A_450 = arith.constant 16 : index
        %get3A_451 = tpu.vector_load %arg19[%get3A_449, %get3A_450] {strides = array<i32>} : memref<40x64xf32, #tpu.memory_space<vmem>>, vector<16xf32>,
        %get3A_452 = arith.index_cast %add3A_409 : i32 to index
        %get3A_453 = arith.constant 32 : index
        %get3A_454 = tpu.vector_load %arg19[%get3A_452, %get3A_453] {strides = array<i32>} : memref<40x64xf32, #tpu.memory_space<vmem>>, vector<16xf32>,
        %get3A_455 = arith.index_cast %add3A_409 : i32 to index
        %get3A_456 = arith.constant 48 : index
        %get3A_457 = tpu.vector_load %arg19[%get3A_455, %get3A_456] {strides = array<i32>} : memref<40x64xf32, #tpu.memory_space<vmem>>, vector<16xf32>,
        %get3A_458 = arith.index_cast %add3A_397 : i32 to index
        %get3A_459 = arith.constant 0 : index
        %get3A_460 = tpu.vector_load %arg20[%get3A_458, %get3A_459] {strides = array<i32>} : memref<40x64xf32, #tpu.memory_space<vmem>>, vector<16xf32>,
        %get3A_461 = arith.index_cast %add3A_397 : i32 to index
        %get3A_462 = arith.constant 16 : index
        %get3A_463 = tpu.vector_load %arg20[%get3A_461, %get3A_462] {strides = array<i32>} : memref<40x64xf32, #tpu.memory_space<vmem>>, vector<16xf32>,
        %get3A_464 = arith.index_cast %add3A_397 : i32 to index
        %get3A_465 = arith.constant 32 : index
        %get3A_466 = tpu.vector_load %arg20[%get3A_464, %get3A_465] {strides = array<i32>} : memref<40x64xf32, #tpu.memory_space<vmem>>, vector<16xf32>,
        %get3A_467 = arith.index_cast %add3A_397 : i32 to index
        %get3A_468 = arith.constant 48 : index
        %get3A_469 = tpu.vector_load %arg20[%get3A_467, %get3A_468] {strides = array<i32>} : memref<40x64xf32, #tpu.memory_space<vmem>>, vector<16xf32>,
        %get3A_470 = arith.index_cast %add3A_401 : i32 to index
        %get3A_471 = arith.constant 0 : index
        %get3A_472 = tpu.vector_load %arg20[%get3A_470, %get3A_471] {strides = array<i32>} : memref<40x64xf32, #tpu.memory_space<vmem>>, vector<16xf32>,
        %get3A_473 = arith.index_cast %add3A_401 : i32 to index
        %get3A_474 = arith.constant 16 : index
        %get3A_475 = tpu.vector_load %arg20[%get3A_473, %get3A_474] {strides = array<i32>} : memref<40x64xf32, #tpu.memory_space<vmem>>, vector<16xf32>,
        %get3A_476 = arith.index_cast %add3A_401 : i32 to index
        %get3A_477 = arith.constant 32 : index
        %get3A_478 = tpu.vector_load %arg20[%get3A_476, %get3A_477] {strides = array<i32>} : memref<40x64xf32, #tpu.memory_space<vmem>>, vector<16xf32>,
        %get3A_479 = arith.index_cast %add3A_401 : i32 to index
        %get3A_480 = arith.constant 48 : index
        %get3A_481 = tpu.vector_load %arg20[%get3A_479, %get3A_480] {strides = array<i32>} : memref<40x64xf32, #tpu.memory_space<vmem>>, vector<16xf32>,
        %get3A_482 = arith.index_cast %add3A_405 : i32 to index
        %get3A_483 = arith.constant 0 : index
        %get3A_484 = tpu.vector_load %arg20[%get3A_482, %get3A_483] {strides = array<i32>} : memref<40x64xf32, #tpu.memory_space<vmem>>, vector<16xf32>,
        %get3A_485 = arith.index_cast %add3A_405 : i32 to index
        %get3A_486 = arith.constant 16 : index
        %get3A_487 = tpu.vector_load %arg20[%get3A_485, %get3A_486] {strides = array<i32>} : memref<40x64xf32, #tpu.memory_space<vmem>>, vector<16xf32>,
        %get3A_488 = arith.index_cast %add3A_405 : i32 to index
        %get3A_489 = arith.constant 32 : index
        %get3A_490 = tpu.vector_load %arg20[%get3A_488, %get3A_489] {strides = array<i32>} : memref<40x64xf32, #tpu.memory_space<vmem>>, vector<16xf32>,
        %get3A_491 = arith.index_cast %add3A_405 : i32 to index
        %get3A_492 = arith.constant 48 : index
        %get3A_493 = tpu.vector_load %arg20[%get3A_491, %get3A_492] {strides = array<i32>} : memref<40x64xf32, #tpu.memory_space<vmem>>, vector<16xf32>,
        %get3A_494 = arith.index_cast %add3A_409 : i32 to index
        %get3A_495 = arith.constant 0 : index
        %get3A_496 = tpu.vector_load %arg20[%get3A_494, %get3A_495] {strides = array<i32>} : memref<40x64xf32, #tpu.memory_space<vmem>>, vector<16xf32>,
        %get3A_497 = arith.index_cast %add3A_409 : i32 to index
        %get3A_498 = arith.constant 16 : index
        %get3A_499 = tpu.vector_load %arg20[%get3A_497, %get3A_498] {strides = array<i32>} : memref<40x64xf32, #tpu.memory_space<vmem>>, vector<16xf32>,
        %get3A_500 = arith.index_cast %add3A_409 : i32 to index
        %get3A_501 = arith.constant 32 : index
        %get3A_502 = tpu.vector_load %arg20[%get3A_500, %get3A_501] {strides = array<i32>} : memref<40x64xf32, #tpu.memory_space<vmem>>, vector<16xf32>,
        %get3A_503 = arith.index_cast %add3A_409 : i32 to index
        %get3A_504 = arith.constant 48 : index
        %get3A_505 = tpu.vector_load %arg20[%get3A_503, %get3A_504] {strides = array<i32>} : memref<40x64xf32, #tpu.memory_space<vmem>>, vector<16xf32>,
        %broadcast_in_dim3A_506 = arith.constant 0.000000e+00 : f32
        %broadcast_in_dim3A_507 = vector.broadcast %broadcast_in_dim3A_506 : f32 to vector<16xf32>
        %add3A_508 = arith.addf %get3A_412, %get3A_460 : vector<16xf32>
        %mul3A_509 = arith.constant 2.000000e-01 : f32
        %mul3A_510 = vector.broadcast %mul3A_509 : f32 to vector<16xf32>
        %mul3A_511 = arith.mulf %add3A_508, %mul3A_510 : vector<16xf32>
        %max3A = arith.maximumf %add3A_508, %mul3A_511 : vector<16xf32>
        %mul3A_512 = arith.mulf %max3A, %get3A_61 : vector<16xf32>
        %eq3A_513 = arith.constant 0 : i32
        %eq3A_514 = vector.broadcast %eq3A_513 : i32 to vector<16xi32>
        %eq3A_515 = arith.cmpi eq, %iota3A, %eq3A_514 : vector<16xi32>
        %reduce_sum3A = arith.constant true
        %reduce_sum3A_516 = vector.broadcast %reduce_sum3A : i1 to vector<16xi1>
        %reduce_sum3A_517 = tpu.scan <sum>, %mul3A_512 masked %reduce_sum3A_516 : vector<16xf32>, vector<16xi1> -> vector<16xf32>
        %reduce_sum3A_518 = vector.extract %reduce_sum3A_517[15] : f32 from vector<16xf32>
        %broadcast_in_dim3A_519 = vector.broadcast %reduce_sum3A_518 : f32 to vector<16xf32>
        %select_n3A = arith.select %eq3A_515, %broadcast_in_dim3A_519, %broadcast_in_dim3A_507 : vector<16xi1>, vector<16xf32>
        %add3A_520 = arith.addf %get3A_415, %get3A_463 : vector<16xf32>
        %mul3A_521 = arith.constant 2.000000e-01 : f32
        %mul3A_522 = vector.broadcast %mul3A_521 : f32 to vector<16xf32>
        %mul3A_523 = arith.mulf %add3A_520, %mul3A_522 : vector<16xf32>
        %max3A_524 = arith.maximumf %add3A_520, %mul3A_523 : vector<16xf32>
        %mul3A_525 = arith.mulf %max3A_524, %get3A_65 : vector<16xf32>
        %eq3A_526 = arith.constant 1 : i32
        %eq3A_527 = vector.broadcast %eq3A_526 : i32 to vector<16xi32>
        %eq3A_528 = arith.cmpi eq, %iota3A, %eq3A_527 : vector<16xi32>
        %reduce_sum3A_529 = arith.constant true
        %reduce_sum3A_530 = vector.broadcast %reduce_sum3A_529 : i1 to vector<16xi1>
        %reduce_sum3A_531 = tpu.scan <sum>, %mul3A_525 masked %reduce_sum3A_530 : vector<16xf32>, vector<16xi1> -> vector<16xf32>
        %reduce_sum3A_532 = vector.extract %reduce_sum3A_531[15] : f32 from vector<16xf32>
        %broadcast_in_dim3A_533 = vector.broadcast %reduce_sum3A_532 : f32 to vector<16xf32>
        %select_n3A_534 = arith.select %eq3A_528, %broadcast_in_dim3A_533, %select_n3A : vector<16xi1>, vector<16xf32>
        %add3A_535 = arith.addf %get3A_418, %get3A_466 : vector<16xf32>
        %mul3A_536 = arith.constant 2.000000e-01 : f32
        %mul3A_537 = vector.broadcast %mul3A_536 : f32 to vector<16xf32>
        %mul3A_538 = arith.mulf %add3A_535, %mul3A_537 : vector<16xf32>
        %max3A_539 = arith.maximumf %add3A_535, %mul3A_538 : vector<16xf32>
        %mul3A_540 = arith.mulf %max3A_539, %get3A_69 : vector<16xf32>
        %eq3A_541 = arith.constant 2 : i32
        %eq3A_542 = vector.broadcast %eq3A_541 : i32 to vector<16xi32>
        %eq3A_543 = arith.cmpi eq, %iota3A, %eq3A_542 : vector<16xi32>
        %reduce_sum3A_544 = arith.constant true
        %reduce_sum3A_545 = vector.broadcast %reduce_sum3A_544 : i1 to vector<16xi1>
        %reduce_sum3A_546 = tpu.scan <sum>, %mul3A_540 masked %reduce_sum3A_545 : vector<16xf32>, vector<16xi1> -> vector<16xf32>
        %reduce_sum3A_547 = vector.extract %reduce_sum3A_546[15] : f32 from vector<16xf32>
        %broadcast_in_dim3A_548 = vector.broadcast %reduce_sum3A_547 : f32 to vector<16xf32>
        %select_n3A_549 = arith.select %eq3A_543, %broadcast_in_dim3A_548, %select_n3A_534 : vector<16xi1>, vector<16xf32>
        %add3A_550 = arith.addf %get3A_421, %get3A_469 : vector<16xf32>
        %mul3A_551 = arith.constant 2.000000e-01 : f32
        %mul3A_552 = vector.broadcast %mul3A_551 : f32 to vector<16xf32>
        %mul3A_553 = arith.mulf %add3A_550, %mul3A_552 : vector<16xf32>
        %max3A_554 = arith.maximumf %add3A_550, %mul3A_553 : vector<16xf32>
        %mul3A_555 = arith.mulf %max3A_554, %get3A_73 : vector<16xf32>
        %eq3A_556 = arith.constant 3 : i32
        %eq3A_557 = vector.broadcast %eq3A_556 : i32 to vector<16xi32>
        %eq3A_558 = arith.cmpi eq, %iota3A, %eq3A_557 : vector<16xi32>
        %reduce_sum3A_559 = arith.constant true
        %reduce_sum3A_560 = vector.broadcast %reduce_sum3A_559 : i1 to vector<16xi1>
        %reduce_sum3A_561 = tpu.scan <sum>, %mul3A_555 masked %reduce_sum3A_560 : vector<16xf32>, vector<16xi1> -> vector<16xf32>
        %reduce_sum3A_562 = vector.extract %reduce_sum3A_561[15] : f32 from vector<16xf32>
        %broadcast_in_dim3A_563 = vector.broadcast %reduce_sum3A_562 : f32 to vector<16xf32>
        %select_n3A_564 = arith.select %eq3A_558, %broadcast_in_dim3A_563, %select_n3A_549 : vector<16xi1>, vector<16xf32>
        %exp3A = math.exp %select_n3A_564 : vector<16xf32>
        %lt3A_565 = arith.constant 4 : i32
        %lt3A_566 = vector.broadcast %lt3A_565 : i32 to vector<16xi32>
        %lt3A_567 = arith.cmpi slt, %iota3A, %lt3A_566 : vector<16xi32>
        %jit3A = arith.constant 0.000000e+00 : f32
        %broadcast_in_dim3A_568 = vector.broadcast %jit3A : f32 to vector<16xf32>
        %select_n3A_569 = arith.select %lt3A_567, %exp3A, %broadcast_in_dim3A_568 : vector<16xi1>, vector<16xf32>
        %broadcast_in_dim3A_570 = arith.constant 0.000000e+00 : f32
        %broadcast_in_dim3A_571 = vector.broadcast %broadcast_in_dim3A_570 : f32 to vector<16xf32>
        %add3A_572 = arith.addf %get3A_424, %get3A_472 : vector<16xf32>
        %mul3A_573 = arith.constant 2.000000e-01 : f32
        %mul3A_574 = vector.broadcast %mul3A_573 : f32 to vector<16xf32>
        %mul3A_575 = arith.mulf %add3A_572, %mul3A_574 : vector<16xf32>
        %max3A_576 = arith.maximumf %add3A_572, %mul3A_575 : vector<16xf32>
        %mul3A_577 = arith.mulf %max3A_576, %get3A_61 : vector<16xf32>
        %eq3A_578 = arith.constant 0 : i32
        %eq3A_579 = vector.broadcast %eq3A_578 : i32 to vector<16xi32>
        %eq3A_580 = arith.cmpi eq, %iota3A, %eq3A_579 : vector<16xi32>
        %reduce_sum3A_581 = arith.constant true
        %reduce_sum3A_582 = vector.broadcast %reduce_sum3A_581 : i1 to vector<16xi1>
        %reduce_sum3A_583 = tpu.scan <sum>, %mul3A_577 masked %reduce_sum3A_582 : vector<16xf32>, vector<16xi1> -> vector<16xf32>
        %reduce_sum3A_584 = vector.extract %reduce_sum3A_583[15] : f32 from vector<16xf32>
        %broadcast_in_dim3A_585 = vector.broadcast %reduce_sum3A_584 : f32 to vector<16xf32>
        %select_n3A_586 = arith.select %eq3A_580, %broadcast_in_dim3A_585, %broadcast_in_dim3A_571 : vector<16xi1>, vector<16xf32>
        %add3A_587 = arith.addf %get3A_427, %get3A_475 : vector<16xf32>
        %mul3A_588 = arith.constant 2.000000e-01 : f32
        %mul3A_589 = vector.broadcast %mul3A_588 : f32 to vector<16xf32>
        %mul3A_590 = arith.mulf %add3A_587, %mul3A_589 : vector<16xf32>
        %max3A_591 = arith.maximumf %add3A_587, %mul3A_590 : vector<16xf32>
        %mul3A_592 = arith.mulf %max3A_591, %get3A_65 : vector<16xf32>
        %eq3A_593 = arith.constant 1 : i32
        %eq3A_594 = vector.broadcast %eq3A_593 : i32 to vector<16xi32>
        %eq3A_595 = arith.cmpi eq, %iota3A, %eq3A_594 : vector<16xi32>
        %reduce_sum3A_596 = arith.constant true
        %reduce_sum3A_597 = vector.broadcast %reduce_sum3A_596 : i1 to vector<16xi1>
        %reduce_sum3A_598 = tpu.scan <sum>, %mul3A_592 masked %reduce_sum3A_597 : vector<16xf32>, vector<16xi1> -> vector<16xf32>
        %reduce_sum3A_599 = vector.extract %reduce_sum3A_598[15] : f32 from vector<16xf32>
        %broadcast_in_dim3A_600 = vector.broadcast %reduce_sum3A_599 : f32 to vector<16xf32>
        %select_n3A_601 = arith.select %eq3A_595, %broadcast_in_dim3A_600, %select_n3A_586 : vector<16xi1>, vector<16xf32>
        %add3A_602 = arith.addf %get3A_430, %get3A_478 : vector<16xf32>
        %mul3A_603 = arith.constant 2.000000e-01 : f32
        %mul3A_604 = vector.broadcast %mul3A_603 : f32 to vector<16xf32>
        %mul3A_605 = arith.mulf %add3A_602, %mul3A_604 : vector<16xf32>
        %max3A_606 = arith.maximumf %add3A_602, %mul3A_605 : vector<16xf32>
        %mul3A_607 = arith.mulf %max3A_606, %get3A_69 : vector<16xf32>
        %eq3A_608 = arith.constant 2 : i32
        %eq3A_609 = vector.broadcast %eq3A_608 : i32 to vector<16xi32>
        %eq3A_610 = arith.cmpi eq, %iota3A, %eq3A_609 : vector<16xi32>
        %reduce_sum3A_611 = arith.constant true
        %reduce_sum3A_612 = vector.broadcast %reduce_sum3A_611 : i1 to vector<16xi1>
        %reduce_sum3A_613 = tpu.scan <sum>, %mul3A_607 masked %reduce_sum3A_612 : vector<16xf32>, vector<16xi1> -> vector<16xf32>
        %reduce_sum3A_614 = vector.extract %reduce_sum3A_613[15] : f32 from vector<16xf32>
        %broadcast_in_dim3A_615 = vector.broadcast %reduce_sum3A_614 : f32 to vector<16xf32>
        %select_n3A_616 = arith.select %eq3A_610, %broadcast_in_dim3A_615, %select_n3A_601 : vector<16xi1>, vector<16xf32>
        %add3A_617 = arith.addf %get3A_433, %get3A_481 : vector<16xf32>
        %mul3A_618 = arith.constant 2.000000e-01 : f32
        %mul3A_619 = vector.broadcast %mul3A_618 : f32 to vector<16xf32>
        %mul3A_620 = arith.mulf %add3A_617, %mul3A_619 : vector<16xf32>
        %max3A_621 = arith.maximumf %add3A_617, %mul3A_620 : vector<16xf32>
        %mul3A_622 = arith.mulf %max3A_621, %get3A_73 : vector<16xf32>
        %eq3A_623 = arith.constant 3 : i32
        %eq3A_624 = vector.broadcast %eq3A_623 : i32 to vector<16xi32>
        %eq3A_625 = arith.cmpi eq, %iota3A, %eq3A_624 : vector<16xi32>
        %reduce_sum3A_626 = arith.constant true
        %reduce_sum3A_627 = vector.broadcast %reduce_sum3A_626 : i1 to vector<16xi1>
        %reduce_sum3A_628 = tpu.scan <sum>, %mul3A_622 masked %reduce_sum3A_627 : vector<16xf32>, vector<16xi1> -> vector<16xf32>
        %reduce_sum3A_629 = vector.extract %reduce_sum3A_628[15] : f32 from vector<16xf32>
        %broadcast_in_dim3A_630 = vector.broadcast %reduce_sum3A_629 : f32 to vector<16xf32>
        %select_n3A_631 = arith.select %eq3A_625, %broadcast_in_dim3A_630, %select_n3A_616 : vector<16xi1>, vector<16xf32>
        %exp3A_632 = math.exp %select_n3A_631 : vector<16xf32>
        %lt3A_633 = arith.constant 4 : i32
        %lt3A_634 = vector.broadcast %lt3A_633 : i32 to vector<16xi32>
        %lt3A_635 = arith.cmpi slt, %iota3A, %lt3A_634 : vector<16xi32>
        %jit3A_636 = arith.constant 0.000000e+00 : f32
        %broadcast_in_dim3A_637 = vector.broadcast %jit3A_636 : f32 to vector<16xf32>
        %select_n3A_638 = arith.select %lt3A_635, %exp3A_632, %broadcast_in_dim3A_637 : vector<16xi1>, vector<16xf32>
        %broadcast_in_dim3A_639 = arith.constant 0.000000e+00 : f32
        %broadcast_in_dim3A_640 = vector.broadcast %broadcast_in_dim3A_639 : f32 to vector<16xf32>
        %add3A_641 = arith.addf %get3A_436, %get3A_484 : vector<16xf32>
        %mul3A_642 = arith.constant 2.000000e-01 : f32
        %mul3A_643 = vector.broadcast %mul3A_642 : f32 to vector<16xf32>
        %mul3A_644 = arith.mulf %add3A_641, %mul3A_643 : vector<16xf32>
        %max3A_645 = arith.maximumf %add3A_641, %mul3A_644 : vector<16xf32>
        %mul3A_646 = arith.mulf %max3A_645, %get3A_61 : vector<16xf32>
        %eq3A_647 = arith.constant 0 : i32
        %eq3A_648 = vector.broadcast %eq3A_647 : i32 to vector<16xi32>
        %eq3A_649 = arith.cmpi eq, %iota3A, %eq3A_648 : vector<16xi32>
        %reduce_sum3A_650 = arith.constant true
        %reduce_sum3A_651 = vector.broadcast %reduce_sum3A_650 : i1 to vector<16xi1>
        %reduce_sum3A_652 = tpu.scan <sum>, %mul3A_646 masked %reduce_sum3A_651 : vector<16xf32>, vector<16xi1> -> vector<16xf32>
        %reduce_sum3A_653 = vector.extract %reduce_sum3A_652[15] : f32 from vector<16xf32>
        %broadcast_in_dim3A_654 = vector.broadcast %reduce_sum3A_653 : f32 to vector<16xf32>
        %select_n3A_655 = arith.select %eq3A_649, %broadcast_in_dim3A_654, %broadcast_in_dim3A_640 : vector<16xi1>, vector<16xf32>
        %add3A_656 = arith.addf %get3A_439, %get3A_487 : vector<16xf32>
        %mul3A_657 = arith.constant 2.000000e-01 : f32
        %mul3A_658 = vector.broadcast %mul3A_657 : f32 to vector<16xf32>
        %mul3A_659 = arith.mulf %add3A_656, %mul3A_658 : vector<16xf32>
        %max3A_660 = arith.maximumf %add3A_656, %mul3A_659 : vector<16xf32>
        %mul3A_661 = arith.mulf %max3A_660, %get3A_65 : vector<16xf32>
        %eq3A_662 = arith.constant 1 : i32
        %eq3A_663 = vector.broadcast %eq3A_662 : i32 to vector<16xi32>
        %eq3A_664 = arith.cmpi eq, %iota3A, %eq3A_663 : vector<16xi32>
        %reduce_sum3A_665 = arith.constant true
        %reduce_sum3A_666 = vector.broadcast %reduce_sum3A_665 : i1 to vector<16xi1>
        %reduce_sum3A_667 = tpu.scan <sum>, %mul3A_661 masked %reduce_sum3A_666 : vector<16xf32>, vector<16xi1> -> vector<16xf32>
        %reduce_sum3A_668 = vector.extract %reduce_sum3A_667[15] : f32 from vector<16xf32>
        %broadcast_in_dim3A_669 = vector.broadcast %reduce_sum3A_668 : f32 to vector<16xf32>
        %select_n3A_670 = arith.select %eq3A_664, %broadcast_in_dim3A_669, %select_n3A_655 : vector<16xi1>, vector<16xf32>
        %add3A_671 = arith.addf %get3A_442, %get3A_490 : vector<16xf32>
        %mul3A_672 = arith.constant 2.000000e-01 : f32
        %mul3A_673 = vector.broadcast %mul3A_672 : f32 to vector<16xf32>
        %mul3A_674 = arith.mulf %add3A_671, %mul3A_673 : vector<16xf32>
        %max3A_675 = arith.maximumf %add3A_671, %mul3A_674 : vector<16xf32>
        %mul3A_676 = arith.mulf %max3A_675, %get3A_69 : vector<16xf32>
        %eq3A_677 = arith.constant 2 : i32
        %eq3A_678 = vector.broadcast %eq3A_677 : i32 to vector<16xi32>
        %eq3A_679 = arith.cmpi eq, %iota3A, %eq3A_678 : vector<16xi32>
        %reduce_sum3A_680 = arith.constant true
        %reduce_sum3A_681 = vector.broadcast %reduce_sum3A_680 : i1 to vector<16xi1>
        %reduce_sum3A_682 = tpu.scan <sum>, %mul3A_676 masked %reduce_sum3A_681 : vector<16xf32>, vector<16xi1> -> vector<16xf32>
        %reduce_sum3A_683 = vector.extract %reduce_sum3A_682[15] : f32 from vector<16xf32>
        %broadcast_in_dim3A_684 = vector.broadcast %reduce_sum3A_683 : f32 to vector<16xf32>
        %select_n3A_685 = arith.select %eq3A_679, %broadcast_in_dim3A_684, %select_n3A_670 : vector<16xi1>, vector<16xf32>
        %add3A_686 = arith.addf %get3A_445, %get3A_493 : vector<16xf32>
        %mul3A_687 = arith.constant 2.000000e-01 : f32
        %mul3A_688 = vector.broadcast %mul3A_687 : f32 to vector<16xf32>
        %mul3A_689 = arith.mulf %add3A_686, %mul3A_688 : vector<16xf32>
        %max3A_690 = arith.maximumf %add3A_686, %mul3A_689 : vector<16xf32>
        %mul3A_691 = arith.mulf %max3A_690, %get3A_73 : vector<16xf32>
        %eq3A_692 = arith.constant 3 : i32
        %eq3A_693 = vector.broadcast %eq3A_692 : i32 to vector<16xi32>
        %eq3A_694 = arith.cmpi eq, %iota3A, %eq3A_693 : vector<16xi32>
        %reduce_sum3A_695 = arith.constant true
        %reduce_sum3A_696 = vector.broadcast %reduce_sum3A_695 : i1 to vector<16xi1>
        %reduce_sum3A_697 = tpu.scan <sum>, %mul3A_691 masked %reduce_sum3A_696 : vector<16xf32>, vector<16xi1> -> vector<16xf32>
        %reduce_sum3A_698 = vector.extract %reduce_sum3A_697[15] : f32 from vector<16xf32>
        %broadcast_in_dim3A_699 = vector.broadcast %reduce_sum3A_698 : f32 to vector<16xf32>
        %select_n3A_700 = arith.select %eq3A_694, %broadcast_in_dim3A_699, %select_n3A_685 : vector<16xi1>, vector<16xf32>
        %exp3A_701 = math.exp %select_n3A_700 : vector<16xf32>
        %lt3A_702 = arith.constant 4 : i32
        %lt3A_703 = vector.broadcast %lt3A_702 : i32 to vector<16xi32>
        %lt3A_704 = arith.cmpi slt, %iota3A, %lt3A_703 : vector<16xi32>
        %jit3A_705 = arith.constant 0.000000e+00 : f32
        %broadcast_in_dim3A_706 = vector.broadcast %jit3A_705 : f32 to vector<16xf32>
        %select_n3A_707 = arith.select %lt3A_704, %exp3A_701, %broadcast_in_dim3A_706 : vector<16xi1>, vector<16xf32>
        %broadcast_in_dim3A_708 = arith.constant 0.000000e+00 : f32
        %broadcast_in_dim3A_709 = vector.broadcast %broadcast_in_dim3A_708 : f32 to vector<16xf32>
        %add3A_710 = arith.addf %get3A_448, %get3A_496 : vector<16xf32>
        %mul3A_711 = arith.constant 2.000000e-01 : f32
        %mul3A_712 = vector.broadcast %mul3A_711 : f32 to vector<16xf32>
        %mul3A_713 = arith.mulf %add3A_710, %mul3A_712 : vector<16xf32>
        %max3A_714 = arith.maximumf %add3A_710, %mul3A_713 : vector<16xf32>
        %mul3A_715 = arith.mulf %max3A_714, %get3A_61 : vector<16xf32>
        %eq3A_716 = arith.constant 0 : i32
        %eq3A_717 = vector.broadcast %eq3A_716 : i32 to vector<16xi32>
        %eq3A_718 = arith.cmpi eq, %iota3A, %eq3A_717 : vector<16xi32>
        %reduce_sum3A_719 = arith.constant true
        %reduce_sum3A_720 = vector.broadcast %reduce_sum3A_719 : i1 to vector<16xi1>
        %reduce_sum3A_721 = tpu.scan <sum>, %mul3A_715 masked %reduce_sum3A_720 : vector<16xf32>, vector<16xi1> -> vector<16xf32>
        %reduce_sum3A_722 = vector.extract %reduce_sum3A_721[15] : f32 from vector<16xf32>
        %broadcast_in_dim3A_723 = vector.broadcast %reduce_sum3A_722 : f32 to vector<16xf32>
        %select_n3A_724 = arith.select %eq3A_718, %broadcast_in_dim3A_723, %broadcast_in_dim3A_709 : vector<16xi1>, vector<16xf32>
        %add3A_725 = arith.addf %get3A_451, %get3A_499 : vector<16xf32>
        %mul3A_726 = arith.constant 2.000000e-01 : f32
        %mul3A_727 = vector.broadcast %mul3A_726 : f32 to vector<16xf32>
        %mul3A_728 = arith.mulf %add3A_725, %mul3A_727 : vector<16xf32>
        %max3A_729 = arith.maximumf %add3A_725, %mul3A_728 : vector<16xf32>
        %mul3A_730 = arith.mulf %max3A_729, %get3A_65 : vector<16xf32>
        %eq3A_731 = arith.constant 1 : i32
        %eq3A_732 = vector.broadcast %eq3A_731 : i32 to vector<16xi32>
        %eq3A_733 = arith.cmpi eq, %iota3A, %eq3A_732 : vector<16xi32>
        %reduce_sum3A_734 = arith.constant true
        %reduce_sum3A_735 = vector.broadcast %reduce_sum3A_734 : i1 to vector<16xi1>
        %reduce_sum3A_736 = tpu.scan <sum>, %mul3A_730 masked %reduce_sum3A_735 : vector<16xf32>, vector<16xi1> -> vector<16xf32>
        %reduce_sum3A_737 = vector.extract %reduce_sum3A_736[15] : f32 from vector<16xf32>
        %broadcast_in_dim3A_738 = vector.broadcast %reduce_sum3A_737 : f32 to vector<16xf32>
        %select_n3A_739 = arith.select %eq3A_733, %broadcast_in_dim3A_738, %select_n3A_724 : vector<16xi1>, vector<16xf32>
        %add3A_740 = arith.addf %get3A_454, %get3A_502 : vector<16xf32>
        %mul3A_741 = arith.constant 2.000000e-01 : f32
        %mul3A_742 = vector.broadcast %mul3A_741 : f32 to vector<16xf32>
        %mul3A_743 = arith.mulf %add3A_740, %mul3A_742 : vector<16xf32>
        %max3A_744 = arith.maximumf %add3A_740, %mul3A_743 : vector<16xf32>
        %mul3A_745 = arith.mulf %max3A_744, %get3A_69 : vector<16xf32>
        %eq3A_746 = arith.constant 2 : i32
        %eq3A_747 = vector.broadcast %eq3A_746 : i32 to vector<16xi32>
        %eq3A_748 = arith.cmpi eq, %iota3A, %eq3A_747 : vector<16xi32>
        %reduce_sum3A_749 = arith.constant true
        %reduce_sum3A_750 = vector.broadcast %reduce_sum3A_749 : i1 to vector<16xi1>
        %reduce_sum3A_751 = tpu.scan <sum>, %mul3A_745 masked %reduce_sum3A_750 : vector<16xf32>, vector<16xi1> -> vector<16xf32>
        %reduce_sum3A_752 = vector.extract %reduce_sum3A_751[15] : f32 from vector<16xf32>
        %broadcast_in_dim3A_753 = vector.broadcast %reduce_sum3A_752 : f32 to vector<16xf32>
        %select_n3A_754 = arith.select %eq3A_748, %broadcast_in_dim3A_753, %select_n3A_739 : vector<16xi1>, vector<16xf32>
        %add3A_755 = arith.addf %get3A_457, %get3A_505 : vector<16xf32>
        %mul3A_756 = arith.constant 2.000000e-01 : f32
        %mul3A_757 = vector.broadcast %mul3A_756 : f32 to vector<16xf32>
        %mul3A_758 = arith.mulf %add3A_755, %mul3A_757 : vector<16xf32>
        %max3A_759 = arith.maximumf %add3A_755, %mul3A_758 : vector<16xf32>
        %mul3A_760 = arith.mulf %max3A_759, %get3A_73 : vector<16xf32>
        %eq3A_761 = arith.constant 3 : i32
        %eq3A_762 = vector.broadcast %eq3A_761 : i32 to vector<16xi32>
        %eq3A_763 = arith.cmpi eq, %iota3A, %eq3A_762 : vector<16xi32>
        %reduce_sum3A_764 = arith.constant true
        %reduce_sum3A_765 = vector.broadcast %reduce_sum3A_764 : i1 to vector<16xi1>
        %reduce_sum3A_766 = tpu.scan <sum>, %mul3A_760 masked %reduce_sum3A_765 : vector<16xf32>, vector<16xi1> -> vector<16xf32>
        %reduce_sum3A_767 = vector.extract %reduce_sum3A_766[15] : f32 from vector<16xf32>
        %broadcast_in_dim3A_768 = vector.broadcast %reduce_sum3A_767 : f32 to vector<16xf32>
        %select_n3A_769 = arith.select %eq3A_763, %broadcast_in_dim3A_768, %select_n3A_754 : vector<16xi1>, vector<16xf32>
        %exp3A_770 = math.exp %select_n3A_769 : vector<16xf32>
        %lt3A_771 = arith.constant 4 : i32
        %lt3A_772 = vector.broadcast %lt3A_771 : i32 to vector<16xi32>
        %lt3A_773 = arith.cmpi slt, %iota3A, %lt3A_772 : vector<16xi32>
        %jit3A_774 = arith.constant 0.000000e+00 : f32
        %broadcast_in_dim3A_775 = vector.broadcast %jit3A_774 : f32 to vector<16xf32>
        %select_n3A_776 = arith.select %lt3A_773, %exp3A_770, %broadcast_in_dim3A_775 : vector<16xi1>, vector<16xf32>
        %swap3A = arith.index_cast %add3A_397 : i32 to index
        %swap3A_777 = arith.constant 64 : index
        %swap3A_778 = tpu.vector_load %arg21[%swap3A, %swap3A_777] {strides = array<i32>} : memref<40x80xf32, #tpu.memory_space<vmem>>, vector<16xf32>,
        tpu.vector_store %arg21[%swap3A, %swap3A_777], %select_n3A_569 {strides = array<i32>} : memref<40x80xf32, #tpu.memory_space<vmem>>, vector<16xf32>,
        %slice3A = vector.extract_strided_slice %select_n3A_569 {offsets = [0], sizes = [1], strides = [1]} : vector<16xf32> to vector<1xf32>
        %squeeze3A = vector.extract %slice3A[0] : f32 from vector<1xf32>
        %mul3A_779 = vector.broadcast %squeeze3A : f32 to vector<16xf32>
        %mul3A_780 = arith.mulf %get3A_412, %mul3A_779 : vector<16xf32>
        %swap3A_781 = arith.index_cast %add3A_397 : i32 to index
        %swap3A_782 = arith.constant 0 : index
        %swap3A_783 = tpu.vector_load %arg21[%swap3A_781, %swap3A_782] {strides = array<i32>} : memref<40x80xf32, #tpu.memory_space<vmem>>, vector<16xf32>,
        tpu.vector_store %arg21[%swap3A_781, %swap3A_782], %mul3A_780 {strides = array<i32>} : memref<40x80xf32, #tpu.memory_space<vmem>>, vector<16xf32>,
        %slice3A_784 = vector.extract_strided_slice %select_n3A_569 {offsets = [1], sizes = [1], strides = [1]} : vector<16xf32> to vector<1xf32>
        %squeeze3A_785 = vector.extract %slice3A_784[0] : f32 from vector<1xf32>
        %mul3A_786 = vector.broadcast %squeeze3A_785 : f32 to vector<16xf32>
        %mul3A_787 = arith.mulf %get3A_415, %mul3A_786 : vector<16xf32>
        %swap3A_788 = arith.index_cast %add3A_397 : i32 to index
        %swap3A_789 = arith.constant 16 : index
        %swap3A_790 = tpu.vector_load %arg21[%swap3A_788, %swap3A_789] {strides = array<i32>} : memref<40x80xf32, #tpu.memory_space<vmem>>, vector<16xf32>,
        tpu.vector_store %arg21[%swap3A_788, %swap3A_789], %mul3A_787 {strides = array<i32>} : memref<40x80xf32, #tpu.memory_space<vmem>>, vector<16xf32>,
        %slice3A_791 = vector.extract_strided_slice %select_n3A_569 {offsets = [2], sizes = [1], strides = [1]} : vector<16xf32> to vector<1xf32>
        %squeeze3A_792 = vector.extract %slice3A_791[0] : f32 from vector<1xf32>
        %mul3A_793 = vector.broadcast %squeeze3A_792 : f32 to vector<16xf32>
        %mul3A_794 = arith.mulf %get3A_418, %mul3A_793 : vector<16xf32>
        %swap3A_795 = arith.index_cast %add3A_397 : i32 to index
        %swap3A_796 = arith.constant 32 : index
        %swap3A_797 = tpu.vector_load %arg21[%swap3A_795, %swap3A_796] {strides = array<i32>} : memref<40x80xf32, #tpu.memory_space<vmem>>, vector<16xf32>,
        tpu.vector_store %arg21[%swap3A_795, %swap3A_796], %mul3A_794 {strides = array<i32>} : memref<40x80xf32, #tpu.memory_space<vmem>>, vector<16xf32>,
        %slice3A_798 = vector.extract_strided_slice %select_n3A_569 {offsets = [3], sizes = [1], strides = [1]} : vector<16xf32> to vector<1xf32>
        %squeeze3A_799 = vector.extract %slice3A_798[0] : f32 from vector<1xf32>
        %mul3A_800 = vector.broadcast %squeeze3A_799 : f32 to vector<16xf32>
        %mul3A_801 = arith.mulf %get3A_421, %mul3A_800 : vector<16xf32>
        %swap3A_802 = arith.index_cast %add3A_397 : i32 to index
        %swap3A_803 = arith.constant 48 : index
        %swap3A_804 = tpu.vector_load %arg21[%swap3A_802, %swap3A_803] {strides = array<i32>} : memref<40x80xf32, #tpu.memory_space<vmem>>, vector<16xf32>,
        tpu.vector_store %arg21[%swap3A_802, %swap3A_803], %mul3A_801 {strides = array<i32>} : memref<40x80xf32, #tpu.memory_space<vmem>>, vector<16xf32>,
        %swap3A_805 = arith.index_cast %add3A_401 : i32 to index
        %swap3A_806 = arith.constant 64 : index
        %swap3A_807 = tpu.vector_load %arg21[%swap3A_805, %swap3A_806] {strides = array<i32>} : memref<40x80xf32, #tpu.memory_space<vmem>>, vector<16xf32>,
        tpu.vector_store %arg21[%swap3A_805, %swap3A_806], %select_n3A_638 {strides = array<i32>} : memref<40x80xf32, #tpu.memory_space<vmem>>, vector<16xf32>,
        %slice3A_808 = vector.extract_strided_slice %select_n3A_638 {offsets = [0], sizes = [1], strides = [1]} : vector<16xf32> to vector<1xf32>
        %squeeze3A_809 = vector.extract %slice3A_808[0] : f32 from vector<1xf32>
        %mul3A_810 = vector.broadcast %squeeze3A_809 : f32 to vector<16xf32>
        %mul3A_811 = arith.mulf %get3A_424, %mul3A_810 : vector<16xf32>
        %swap3A_812 = arith.index_cast %add3A_401 : i32 to index
        %swap3A_813 = arith.constant 0 : index
        %swap3A_814 = tpu.vector_load %arg21[%swap3A_812, %swap3A_813] {strides = array<i32>} : memref<40x80xf32, #tpu.memory_space<vmem>>, vector<16xf32>,
        tpu.vector_store %arg21[%swap3A_812, %swap3A_813], %mul3A_811 {strides = array<i32>} : memref<40x80xf32, #tpu.memory_space<vmem>>, vector<16xf32>,
        %slice3A_815 = vector.extract_strided_slice %select_n3A_638 {offsets = [1], sizes = [1], strides = [1]} : vector<16xf32> to vector<1xf32>
        %squeeze3A_816 = vector.extract %slice3A_815[0] : f32 from vector<1xf32>
        %mul3A_817 = vector.broadcast %squeeze3A_816 : f32 to vector<16xf32>
        %mul3A_818 = arith.mulf %get3A_427, %mul3A_817 : vector<16xf32>
        %swap3A_819 = arith.index_cast %add3A_401 : i32 to index
        %swap3A_820 = arith.constant 16 : index
        %swap3A_821 = tpu.vector_load %arg21[%swap3A_819, %swap3A_820] {strides = array<i32>} : memref<40x80xf32, #tpu.memory_space<vmem>>, vector<16xf32>,
        tpu.vector_store %arg21[%swap3A_819, %swap3A_820], %mul3A_818 {strides = array<i32>} : memref<40x80xf32, #tpu.memory_space<vmem>>, vector<16xf32>,
        %slice3A_822 = vector.extract_strided_slice %select_n3A_638 {offsets = [2], sizes = [1], strides = [1]} : vector<16xf32> to vector<1xf32>
        %squeeze3A_823 = vector.extract %slice3A_822[0] : f32 from vector<1xf32>
        %mul3A_824 = vector.broadcast %squeeze3A_823 : f32 to vector<16xf32>
        %mul3A_825 = arith.mulf %get3A_430, %mul3A_824 : vector<16xf32>
        %swap3A_826 = arith.index_cast %add3A_401 : i32 to index
        %swap3A_827 = arith.constant 32 : index
        %swap3A_828 = tpu.vector_load %arg21[%swap3A_826, %swap3A_827] {strides = array<i32>} : memref<40x80xf32, #tpu.memory_space<vmem>>, vector<16xf32>,
        tpu.vector_store %arg21[%swap3A_826, %swap3A_827], %mul3A_825 {strides = array<i32>} : memref<40x80xf32, #tpu.memory_space<vmem>>, vector<16xf32>,
        %slice3A_829 = vector.extract_strided_slice %select_n3A_638 {offsets = [3], sizes = [1], strides = [1]} : vector<16xf32> to vector<1xf32>
        %squeeze3A_830 = vector.extract %slice3A_829[0] : f32 from vector<1xf32>
        %mul3A_831 = vector.broadcast %squeeze3A_830 : f32 to vector<16xf32>
        %mul3A_832 = arith.mulf %get3A_433, %mul3A_831 : vector<16xf32>
        %swap3A_833 = arith.index_cast %add3A_401 : i32 to index
        %swap3A_834 = arith.constant 48 : index
        %swap3A_835 = tpu.vector_load %arg21[%swap3A_833, %swap3A_834] {strides = array<i32>} : memref<40x80xf32, #tpu.memory_space<vmem>>, vector<16xf32>,
        tpu.vector_store %arg21[%swap3A_833, %swap3A_834], %mul3A_832 {strides = array<i32>} : memref<40x80xf32, #tpu.memory_space<vmem>>, vector<16xf32>,
        %swap3A_836 = arith.index_cast %add3A_405 : i32 to index
        %swap3A_837 = arith.constant 64 : index
        %swap3A_838 = tpu.vector_load %arg21[%swap3A_836, %swap3A_837] {strides = array<i32>} : memref<40x80xf32, #tpu.memory_space<vmem>>, vector<16xf32>,
        tpu.vector_store %arg21[%swap3A_836, %swap3A_837], %select_n3A_707 {strides = array<i32>} : memref<40x80xf32, #tpu.memory_space<vmem>>, vector<16xf32>,
        %slice3A_839 = vector.extract_strided_slice %select_n3A_707 {offsets = [0], sizes = [1], strides = [1]} : vector<16xf32> to vector<1xf32>
        %squeeze3A_840 = vector.extract %slice3A_839[0] : f32 from vector<1xf32>
        %mul3A_841 = vector.broadcast %squeeze3A_840 : f32 to vector<16xf32>
        %mul3A_842 = arith.mulf %get3A_436, %mul3A_841 : vector<16xf32>
        %swap3A_843 = arith.index_cast %add3A_405 : i32 to index
        %swap3A_844 = arith.constant 0 : index
        %swap3A_845 = tpu.vector_load %arg21[%swap3A_843, %swap3A_844] {strides = array<i32>} : memref<40x80xf32, #tpu.memory_space<vmem>>, vector<16xf32>,
        tpu.vector_store %arg21[%swap3A_843, %swap3A_844], %mul3A_842 {strides = array<i32>} : memref<40x80xf32, #tpu.memory_space<vmem>>, vector<16xf32>,
        %slice3A_846 = vector.extract_strided_slice %select_n3A_707 {offsets = [1], sizes = [1], strides = [1]} : vector<16xf32> to vector<1xf32>
        %squeeze3A_847 = vector.extract %slice3A_846[0] : f32 from vector<1xf32>
        %mul3A_848 = vector.broadcast %squeeze3A_847 : f32 to vector<16xf32>
        %mul3A_849 = arith.mulf %get3A_439, %mul3A_848 : vector<16xf32>
        %swap3A_850 = arith.index_cast %add3A_405 : i32 to index
        %swap3A_851 = arith.constant 16 : index
        %swap3A_852 = tpu.vector_load %arg21[%swap3A_850, %swap3A_851] {strides = array<i32>} : memref<40x80xf32, #tpu.memory_space<vmem>>, vector<16xf32>,
        tpu.vector_store %arg21[%swap3A_850, %swap3A_851], %mul3A_849 {strides = array<i32>} : memref<40x80xf32, #tpu.memory_space<vmem>>, vector<16xf32>,
        %slice3A_853 = vector.extract_strided_slice %select_n3A_707 {offsets = [2], sizes = [1], strides = [1]} : vector<16xf32> to vector<1xf32>
        %squeeze3A_854 = vector.extract %slice3A_853[0] : f32 from vector<1xf32>
        %mul3A_855 = vector.broadcast %squeeze3A_854 : f32 to vector<16xf32>
        %mul3A_856 = arith.mulf %get3A_442, %mul3A_855 : vector<16xf32>
        %swap3A_857 = arith.index_cast %add3A_405 : i32 to index
        %swap3A_858 = arith.constant 32 : index
        %swap3A_859 = tpu.vector_load %arg21[%swap3A_857, %swap3A_858] {strides = array<i32>} : memref<40x80xf32, #tpu.memory_space<vmem>>, vector<16xf32>,
        tpu.vector_store %arg21[%swap3A_857, %swap3A_858], %mul3A_856 {strides = array<i32>} : memref<40x80xf32, #tpu.memory_space<vmem>>, vector<16xf32>,
        %slice3A_860 = vector.extract_strided_slice %select_n3A_707 {offsets = [3], sizes = [1], strides = [1]} : vector<16xf32> to vector<1xf32>
        %squeeze3A_861 = vector.extract %slice3A_860[0] : f32 from vector<1xf32>
        %mul3A_862 = vector.broadcast %squeeze3A_861 : f32 to vector<16xf32>
        %mul3A_863 = arith.mulf %get3A_445, %mul3A_862 : vector<16xf32>
        %swap3A_864 = arith.index_cast %add3A_405 : i32 to index
        %swap3A_865 = arith.constant 48 : index
        %swap3A_866 = tpu.vector_load %arg21[%swap3A_864, %swap3A_865] {strides = array<i32>} : memref<40x80xf32, #tpu.memory_space<vmem>>, vector<16xf32>,
        tpu.vector_store %arg21[%swap3A_864, %swap3A_865], %mul3A_863 {strides = array<i32>} : memref<40x80xf32, #tpu.memory_space<vmem>>, vector<16xf32>,
        %swap3A_867 = arith.index_cast %add3A_409 : i32 to index
        %swap3A_868 = arith.constant 64 : index
        %swap3A_869 = tpu.vector_load %arg21[%swap3A_867, %swap3A_868] {strides = array<i32>} : memref<40x80xf32, #tpu.memory_space<vmem>>, vector<16xf32>,
        tpu.vector_store %arg21[%swap3A_867, %swap3A_868], %select_n3A_776 {strides = array<i32>} : memref<40x80xf32, #tpu.memory_space<vmem>>, vector<16xf32>,
        %slice3A_870 = vector.extract_strided_slice %select_n3A_776 {offsets = [0], sizes = [1], strides = [1]} : vector<16xf32> to vector<1xf32>
        %squeeze3A_871 = vector.extract %slice3A_870[0] : f32 from vector<1xf32>
        %mul3A_872 = vector.broadcast %squeeze3A_871 : f32 to vector<16xf32>
        %mul3A_873 = arith.mulf %get3A_448, %mul3A_872 : vector<16xf32>
        %swap3A_874 = arith.index_cast %add3A_409 : i32 to index
        %swap3A_875 = arith.constant 0 : index
        %swap3A_876 = tpu.vector_load %arg21[%swap3A_874, %swap3A_875] {strides = array<i32>} : memref<40x80xf32, #tpu.memory_space<vmem>>, vector<16xf32>,
        tpu.vector_store %arg21[%swap3A_874, %swap3A_875], %mul3A_873 {strides = array<i32>} : memref<40x80xf32, #tpu.memory_space<vmem>>, vector<16xf32>,
        %slice3A_877 = vector.extract_strided_slice %select_n3A_776 {offsets = [1], sizes = [1], strides = [1]} : vector<16xf32> to vector<1xf32>
        %squeeze3A_878 = vector.extract %slice3A_877[0] : f32 from vector<1xf32>
        %mul3A_879 = vector.broadcast %squeeze3A_878 : f32 to vector<16xf32>
        %mul3A_880 = arith.mulf %get3A_451, %mul3A_879 : vector<16xf32>
        %swap3A_881 = arith.index_cast %add3A_409 : i32 to index
        %swap3A_882 = arith.constant 16 : index
        %swap3A_883 = tpu.vector_load %arg21[%swap3A_881, %swap3A_882] {strides = array<i32>} : memref<40x80xf32, #tpu.memory_space<vmem>>, vector<16xf32>,
        tpu.vector_store %arg21[%swap3A_881, %swap3A_882], %mul3A_880 {strides = array<i32>} : memref<40x80xf32, #tpu.memory_space<vmem>>, vector<16xf32>,
        %slice3A_884 = vector.extract_strided_slice %select_n3A_776 {offsets = [2], sizes = [1], strides = [1]} : vector<16xf32> to vector<1xf32>
        %squeeze3A_885 = vector.extract %slice3A_884[0] : f32 from vector<1xf32>
        %mul3A_886 = vector.broadcast %squeeze3A_885 : f32 to vector<16xf32>
        %mul3A_887 = arith.mulf %get3A_454, %mul3A_886 : vector<16xf32>
        %swap3A_888 = arith.index_cast %add3A_409 : i32 to index
        %swap3A_889 = arith.constant 32 : index
        %swap3A_890 = tpu.vector_load %arg21[%swap3A_888, %swap3A_889] {strides = array<i32>} : memref<40x80xf32, #tpu.memory_space<vmem>>, vector<16xf32>,
        tpu.vector_store %arg21[%swap3A_888, %swap3A_889], %mul3A_887 {strides = array<i32>} : memref<40x80xf32, #tpu.memory_space<vmem>>, vector<16xf32>,
        %slice3A_891 = vector.extract_strided_slice %select_n3A_776 {offsets = [3], sizes = [1], strides = [1]} : vector<16xf32> to vector<1xf32>
        %squeeze3A_892 = vector.extract %slice3A_891[0] : f32 from vector<1xf32>
        %mul3A_893 = vector.broadcast %squeeze3A_892 : f32 to vector<16xf32>
        %mul3A_894 = arith.mulf %get3A_457, %mul3A_893 : vector<16xf32>
        %swap3A_895 = arith.index_cast %add3A_409 : i32 to index
        %swap3A_896 = arith.constant 48 : index
        %swap3A_897 = tpu.vector_load %arg21[%swap3A_895, %swap3A_896] {strides = array<i32>} : memref<40x80xf32, #tpu.memory_space<vmem>>, vector<16xf32>,
        tpu.vector_store %arg21[%swap3A_895, %swap3A_896], %mul3A_894 {strides = array<i32>} : memref<40x80xf32, #tpu.memory_space<vmem>>, vector<16xf32>,
        %scan3A_898 = arith.constant 0 : i32
        scf.yield %scan3A_898 : i32
      }
      %scan3A_379 = arith.constant 10 : i32
      %lt3A_380 = arith.constant 124 : i32
      %lt3A_381 = arith.cmpi slt, %scan3A_203, %lt3A_380 : i32
      %convert_element_type3A_382 = arith.extui %lt3A_381 : i1 to i32
      %cond3A_383 = arith.constant 0 : i32
      %cond3A_384 = arith.cmpi ne, %convert_element_type3A_382, %cond3A_383 : i32
      scf.if %cond3A_384 {
        %add3A_392 = arith.constant 4 : i32
        %add3A_393 = arith.addi %add3A_347, %add3A_392 : i32
        %dma_start3A_394 = arith.constant 0 : i32
        %dma_start3A_395 = tpu.memref_slice %arg8[%add3A_393, %dma_start3A_394] : memref<500x40xi32, #tpu.memory_space<vmem>> -> memref<1x40xi32, #tpu.memory_space<vmem>>
        %dma_start3A_396 = tpu.memref_squeeze %dma_start3A_395 : memref<1x40xi32, #tpu.memory_space<vmem>> -> memref<40xi32, #tpu.memory_space<vmem>>
        %dma_start3A_397 = arith.constant 0 : i32
        %dma_start3A_398 = arith.constant 0 : i32
        %dma_start3A_399 = tpu.memref_slice %arg2[%arg0, %dma_start3A_397, %dma_start3A_398] : memref<2x10000x64xf32, #tpu.memory_space<hbm>> -> memref<1x10000x64xf32, #tpu.memory_space<hbm>>
        %dma_start3A_400 = tpu.memref_squeeze %dma_start3A_399 : memref<1x10000x64xf32, #tpu.memory_space<hbm>> -> memref<10000x64xf32, #tpu.memory_space<hbm>>
        %dma_start3A_401 = arith.constant 0 : i32
        %dma_start3A_402 = arith.constant 0 : i32
        %dma_start3A_403 = tpu.memref_slice %dma_start3A_400[%dma_start3A_401, %dma_start3A_402] : memref<10000x64xf32, #tpu.memory_space<hbm>> -> memref<10000x64xf32, #tpu.memory_space<hbm>>
        tpu.enqueue_indirect_dma source(%dma_start3A_403 : memref<10000x64xf32, #tpu.memory_space<hbm>>) target(%arg19 : memref<40x64xf32, #tpu.memory_space<vmem>>) offsets(%dma_start3A_396 : memref<40xi32, #tpu.memory_space<vmem>>) semaphore(%arg28 : memref<!tpu.dma_semaphore, #tpu.memory_space<semaphore_mem>>)
        %dma_start3A_404 = arith.constant 0 : i32
        %dma_start3A_405 = tpu.memref_slice %arg9[%add3A_393, %dma_start3A_404] : memref<500x40xi32, #tpu.memory_space<vmem>> -> memref<1x40xi32, #tpu.memory_space<vmem>>
        %dma_start3A_406 = tpu.memref_squeeze %dma_start3A_405 : memref<1x40xi32, #tpu.memory_space<vmem>> -> memref<40xi32, #tpu.memory_space<vmem>>
        %dma_start3A_407 = arith.constant 0 : i32
        %dma_start3A_408 = arith.constant 0 : i32
        %dma_start3A_409 = tpu.memref_slice %arg3[%arg0, %dma_start3A_407, %dma_start3A_408] : memref<2x10000x64xf32, #tpu.memory_space<hbm>> -> memref<1x10000x64xf32, #tpu.memory_space<hbm>>
        %dma_start3A_410 = tpu.memref_squeeze %dma_start3A_409 : memref<1x10000x64xf32, #tpu.memory_space<hbm>> -> memref<10000x64xf32, #tpu.memory_space<hbm>>
        %dma_start3A_411 = arith.constant 0 : i32
        %dma_start3A_412 = arith.constant 0 : i32
        %dma_start3A_413 = tpu.memref_slice %dma_start3A_410[%dma_start3A_411, %dma_start3A_412] : memref<10000x64xf32, #tpu.memory_space<hbm>> -> memref<10000x64xf32, #tpu.memory_space<hbm>>
        tpu.enqueue_indirect_dma source(%dma_start3A_413 : memref<10000x64xf32, #tpu.memory_space<hbm>>) target(%arg20 : memref<40x64xf32, #tpu.memory_space<vmem>>) offsets(%dma_start3A_406 : memref<40xi32, #tpu.memory_space<vmem>>) semaphore(%arg28 : memref<!tpu.dma_semaphore, #tpu.memory_space<semaphore_mem>>)
      } else {
      }
      %dma_start3A_385 = arith.constant 0 : i32
      %dma_start3A_386 = tpu.memref_slice %arg9[%add3A_347, %dma_start3A_385] : memref<500x40xi32, #tpu.memory_space<vmem>> -> memref<1x40xi32, #tpu.memory_space<vmem>>
      %dma_start3A_387 = tpu.memref_squeeze %dma_start3A_386 : memref<1x40xi32, #tpu.memory_space<vmem>> -> memref<40xi32, #tpu.memory_space<vmem>>
      %dma_start3A_388 = arith.constant 0 : i32
      %dma_start3A_389 = arith.constant 0 : i32
      %dma_start3A_390 = tpu.memref_slice %arg24[%dma_start3A_388, %dma_start3A_389] : memref<10000x80xf32, #tpu.memory_space<vmem_shared>> -> memref<10000x80xf32, #tpu.memory_space<vmem_shared>>
      tpu.enqueue_indirect_dma source(%arg21 : memref<40x80xf32, #tpu.memory_space<vmem>>) target(%dma_start3A_390 : memref<10000x80xf32, #tpu.memory_space<vmem_shared>>) offsets(%dma_start3A_387 : memref<40xi32, #tpu.memory_space<vmem>>) semaphore(%arg32 : memref<!tpu.dma_semaphore, #tpu.memory_space<semaphore_mem>>) {add = true}
      %scan3A_391 = arith.constant 0 : i32
      scf.yield %scan3A_391 : i32
    }
    %scan3A_167 = arith.constant 125 : i32
    %dma_wait3A = arith.constant 496 : i32
    %dma_wait3A_168 = arith.constant 0 : i32
    %dma_wait3A_169 = tpu.memref_slice %arg9[%dma_wait3A, %dma_wait3A_168] : memref<500x40xi32, #tpu.memory_space<vmem>> -> memref<1x40xi32, #tpu.memory_space<vmem>>
    %dma_wait3A_170 = tpu.memref_squeeze %dma_wait3A_169 : memref<1x40xi32, #tpu.memory_space<vmem>> -> memref<40xi32, #tpu.memory_space<vmem>>
    %dma_wait3A_171 = arith.constant 0 : i32
    %dma_wait3A_172 = arith.constant 0 : i32
    %dma_wait3A_173 = tpu.memref_slice %arg24[%dma_wait3A_171, %dma_wait3A_172] : memref<10000x80xf32, #tpu.memory_space<vmem_shared>> -> memref<10000x80xf32, #tpu.memory_space<vmem_shared>>
    tpu.wait_indirect_dma semaphore(%arg29 : memref<!tpu.dma_semaphore, #tpu.memory_space<semaphore_mem>>) src(%arg12 : memref<40x80xf32, #tpu.memory_space<vmem>>) dst(%dma_wait3A_173 : memref<10000x80xf32, #tpu.memory_space<vmem_shared>>)
    %dma_wait3A_174 = arith.constant 497 : i32
    %dma_wait3A_175 = arith.constant 0 : i32
    %dma_wait3A_176 = tpu.memref_slice %arg9[%dma_wait3A_174, %dma_wait3A_175] : memref<500x40xi32, #tpu.memory_space<vmem>> -> memref<1x40xi32, #tpu.memory_space<vmem>>
    %dma_wait3A_177 = tpu.memref_squeeze %dma_wait3A_176 : memref<1x40xi32, #tpu.memory_space<vmem>> -> memref<40xi32, #tpu.memory_space<vmem>>
    %dma_wait3A_178 = arith.constant 0 : i32
    %dma_wait3A_179 = arith.constant 0 : i32
    %dma_wait3A_180 = tpu.memref_slice %arg24[%dma_wait3A_178, %dma_wait3A_179] : memref<10000x80xf32, #tpu.memory_space<vmem_shared>> -> memref<10000x80xf32, #tpu.memory_space<vmem_shared>>
    tpu.wait_indirect_dma semaphore(%arg30 : memref<!tpu.dma_semaphore, #tpu.memory_space<semaphore_mem>>) src(%arg15 : memref<40x80xf32, #tpu.memory_space<vmem>>) dst(%dma_wait3A_180 : memref<10000x80xf32, #tpu.memory_space<vmem_shared>>)
    %dma_wait3A_181 = arith.constant 498 : i32
    %dma_wait3A_182 = arith.constant 0 : i32
    %dma_wait3A_183 = tpu.memref_slice %arg9[%dma_wait3A_181, %dma_wait3A_182] : memref<500x40xi32, #tpu.memory_space<vmem>> -> memref<1x40xi32, #tpu.memory_space<vmem>>
    %dma_wait3A_184 = tpu.memref_squeeze %dma_wait3A_183 : memref<1x40xi32, #tpu.memory_space<vmem>> -> memref<40xi32, #tpu.memory_space<vmem>>
    %dma_wait3A_185 = arith.constant 0 : i32
    %dma_wait3A_186 = arith.constant 0 : i32
    %dma_wait3A_187 = tpu.memref_slice %arg24[%dma_wait3A_185, %dma_wait3A_186] : memref<10000x80xf32, #tpu.memory_space<vmem_shared>> -> memref<10000x80xf32, #tpu.memory_space<vmem_shared>>
    tpu.wait_indirect_dma semaphore(%arg31 : memref<!tpu.dma_semaphore, #tpu.memory_space<semaphore_mem>>) src(%arg18 : memref<40x80xf32, #tpu.memory_space<vmem>>) dst(%dma_wait3A_187 : memref<10000x80xf32, #tpu.memory_space<vmem_shared>>)
    %dma_wait3A_188 = arith.constant 499 : i32
    %dma_wait3A_189 = arith.constant 0 : i32
    %dma_wait3A_190 = tpu.memref_slice %arg9[%dma_wait3A_188, %dma_wait3A_189] : memref<500x40xi32, #tpu.memory_space<vmem>> -> memref<1x40xi32, #tpu.memory_space<vmem>>
    %dma_wait3A_191 = tpu.memref_squeeze %dma_wait3A_190 : memref<1x40xi32, #tpu.memory_space<vmem>> -> memref<40xi32, #tpu.memory_space<vmem>>
    %dma_wait3A_192 = arith.constant 0 : i32
    %dma_wait3A_193 = arith.constant 0 : i32
    %dma_wait3A_194 = tpu.memref_slice %arg24[%dma_wait3A_192, %dma_wait3A_193] : memref<10000x80xf32, #tpu.memory_space<vmem_shared>> -> memref<10000x80xf32, #tpu.memory_space<vmem_shared>>
    tpu.wait_indirect_dma semaphore(%arg32 : memref<!tpu.dma_semaphore, #tpu.memory_space<semaphore_mem>>) src(%arg21 : memref<40x80xf32, #tpu.memory_space<vmem>>) dst(%dma_wait3A_194 : memref<10000x80xf32, #tpu.memory_space<vmem_shared>>)
    %barrier3A_195 = arith.constant 0 : index
    tpu.barrier barrier_id(%barrier3A_195)
    %mul3A_196 = arith.constant 624 : i32
    %mul3A_197 = arith.muli %arg1, %mul3A_196 : i32
    "tpu.region"() ({
      %run_scoped3A = tpu.sem_alloc : memref<!tpu.dma_semaphore, #tpu.memory_space<semaphore_mem>>
      %dma_start3A_203 = arith.constant 0 : i32
      %dma_start3A_204 = tpu.memref_slice %arg7[%arg0, %mul3A_197, %dma_start3A_203] : memref<2x10000x80xf32, #tpu.memory_space<hbm>> -> memref<1x624x80xf32, #tpu.memory_space<hbm>>
      %dma_start3A_205 = tpu.memref_squeeze %dma_start3A_204 : memref<1x624x80xf32, #tpu.memory_space<hbm>> -> memref<624x80xf32, #tpu.memory_space<hbm>>
      %dma_start3A_206 = arith.constant 0 : i32
      %dma_start3A_207 = tpu.memref_slice %arg24[%mul3A_197, %dma_start3A_206] : memref<10000x80xf32, #tpu.memory_space<vmem_shared>> -> memref<624x80xf32, #tpu.memory_space<vmem_shared>>
      tpu.enqueue_dma source(%dma_start3A_207 : memref<624x80xf32, #tpu.memory_space<vmem_shared>>) target(%dma_start3A_205 : memref<624x80xf32, #tpu.memory_space<hbm>>) target_semaphore(%run_scoped3A : memref<!tpu.dma_semaphore, #tpu.memory_space<semaphore_mem>>)
      %dma_wait3A_208 = arith.constant 0 : i32
      %dma_wait3A_209 = tpu.memref_slice %arg7[%arg0, %mul3A_197, %dma_wait3A_208] : memref<2x10000x80xf32, #tpu.memory_space<hbm>> -> memref<1x624x80xf32, #tpu.memory_space<hbm>>
      %dma_wait3A_210 = tpu.memref_squeeze %dma_wait3A_209 : memref<1x624x80xf32, #tpu.memory_space<hbm>> -> memref<624x80xf32, #tpu.memory_space<hbm>>
      %dma_wait3A_211 = arith.constant 0 : i32
      %dma_wait3A_212 = tpu.memref_slice %arg24[%mul3A_197, %dma_wait3A_211] : memref<10000x80xf32, #tpu.memory_space<vmem_shared>> -> memref<624x80xf32, #tpu.memory_space<vmem_shared>>
      tpu.wait_dma2 semaphore(%run_scoped3A : memref<!tpu.dma_semaphore, #tpu.memory_space<semaphore_mem>>) src(%dma_wait3A_212 : memref<624x80xf32, #tpu.memory_space<vmem_shared>>) dst(%dma_wait3A_210 : memref<624x80xf32, #tpu.memory_space<hbm>>)
      tpu.yield
    }) : () -> ()
    %eq3A_198 = arith.constant 15 : i32
    %eq3A_199 = arith.cmpi eq, %arg1, %eq3A_198 : i32
    %convert_element_type3A_200 = arith.extui %eq3A_199 : i1 to i32
    %cond3A_201 = arith.constant 0 : i32
    %cond3A_202 = arith.cmpi ne, %convert_element_type3A_200, %cond3A_201 : i32
    scf.if %cond3A_202 {
      "tpu.region"() ({
        %run_scoped3A = tpu.sem_alloc : memref<!tpu.dma_semaphore, #tpu.memory_space<semaphore_mem>>
        %dma_start3A_203 = arith.constant 9984 : i32
        %dma_start3A_204 = arith.constant 0 : i32
        %dma_start3A_205 = tpu.memref_slice %arg7[%arg0, %dma_start3A_203, %dma_start3A_204] : memref<2x10000x80xf32, #tpu.memory_space<hbm>> -> memref<1x16x80xf32, #tpu.memory_space<hbm>>
        %dma_start3A_206 = tpu.memref_squeeze %dma_start3A_205 : memref<1x16x80xf32, #tpu.memory_space<hbm>> -> memref<16x80xf32, #tpu.memory_space<hbm>>
        %dma_start3A_207 = arith.constant 9984 : i32
        %dma_start3A_208 = arith.constant 0 : i32
        %dma_start3A_209 = tpu.memref_slice %arg24[%dma_start3A_207, %dma_start3A_208] : memref<10000x80xf32, #tpu.memory_space<vmem_shared>> -> memref<16x80xf32, #tpu.memory_space<vmem_shared>>
        tpu.enqueue_dma source(%dma_start3A_209 : memref<16x80xf32, #tpu.memory_space<vmem_shared>>) target(%dma_start3A_206 : memref<16x80xf32, #tpu.memory_space<hbm>>) target_semaphore(%run_scoped3A : memref<!tpu.dma_semaphore, #tpu.memory_space<semaphore_mem>>)
        %dma_wait3A_210 = arith.constant 9984 : i32
        %dma_wait3A_211 = arith.constant 0 : i32
        %dma_wait3A_212 = tpu.memref_slice %arg7[%arg0, %dma_wait3A_210, %dma_wait3A_211] : memref<2x10000x80xf32, #tpu.memory_space<hbm>> -> memref<1x16x80xf32, #tpu.memory_space<hbm>>
        %dma_wait3A_213 = tpu.memref_squeeze %dma_wait3A_212 : memref<1x16x80xf32, #tpu.memory_space<hbm>> -> memref<16x80xf32, #tpu.memory_space<hbm>>
        %dma_wait3A_214 = arith.constant 9984 : i32
        %dma_wait3A_215 = arith.constant 0 : i32
        %dma_wait3A_216 = tpu.memref_slice %arg24[%dma_wait3A_214, %dma_wait3A_215] : memref<10000x80xf32, #tpu.memory_space<vmem_shared>> -> memref<16x80xf32, #tpu.memory_space<vmem_shared>>
        tpu.wait_dma2 semaphore(%run_scoped3A : memref<!tpu.dma_semaphore, #tpu.memory_space<semaphore_mem>>) src(%dma_wait3A_216 : memref<16x80xf32, #tpu.memory_space<vmem_shared>>) dst(%dma_wait3A_213 : memref<16x80xf32, #tpu.memory_space<hbm>>)
        tpu.yield
      }) : () -> ()
    } else {
    }
    return
  }
}

module attributes {stable_mosaic.version = 14 : i64} {
  func.func @_proj_body(%arg0: i32, %arg1: memref<2000x128xf32, #tpu.memory_space<vmem>>, %arg2: memref<17x16xf32, #tpu.memory_space<vmem>>, %arg3: memref<128x128xf32, #tpu.memory_space<vmem>>, %arg4: memref<16x128xf32, #tpu.memory_space<vmem>>, %arg5: memref<128xf32, #tpu.memory_space<vmem>>, %arg6: memref<2000x128xf32, #tpu.memory_space<vmem>>) attributes {dimension_semantics = [#tpu.dimension_semantics<arbitrary>], iteration_bounds = array<i64: 5>, scalar_prefetch = 0 : i64, scratch_operands = 0 : i64, tpu.core_type = #tpu.core_type<tc>, window_params = [{transform_indices = @transform_0, window_bounds = array<i64: 2000, 128>}, {pipeline_mode = #tpu.pipeline_mode<synchronous>, transform_indices = @transform_1, window_bounds = array<i64: 17, 16>}, {pipeline_mode = #tpu.pipeline_mode<synchronous>, transform_indices = @transform_2, window_bounds = array<i64: 128, 128>}, {pipeline_mode = #tpu.pipeline_mode<synchronous>, transform_indices = @transform_3, window_bounds = array<i64: 16, 128>}, {pipeline_mode = #tpu.pipeline_mode<synchronous>, transform_indices = @transform_4, window_bounds = array<i64: 128>}, {transform_indices = @transform_5, window_bounds = array<i64: 2000, 128>}]} {
    %get3A = arith.constant 0 : index
    %get3A_0 = arith.constant 0 : index
    %get3A_1 = vector.load %arg2[%get3A, %get3A_0] : memref<17x16xf32, #tpu.memory_space<vmem>>, vector<17x16xf32>
    %get3A_2 = arith.constant 0 : index
    %get3A_3 = arith.constant 0 : index
    %get3A_4 = vector.load %arg4[%get3A_2, %get3A_3] : memref<16x128xf32, #tpu.memory_space<vmem>>, vector<16x128xf32>
    %dot_general3A = arith.constant dense<0.000000e+00> : vector<17x128xf32>
    %dot_general3A_5 = tpu.matmul %get3A_1, %get3A_4, %dot_general3A {dimension_numbers = #tpu.dot_dimension_numbers<[1], [0], [0], [1], [0, 0, 1, 1], [], []>, transpose_lhs_hint = false} : vector<17x16xf32>, vector<16x128xf32>, vector<17x128xf32> -> vector<17x128xf32>
    %mul3A = arith.constant 2000 : i32
    %mul3A_6 = arith.muli %arg0, %mul3A : i32
    %iota3A = tpu.iota {dimensions = array<i32: 0>} : vector<2000x17xi32>
    %add3A = vector.broadcast %mul3A_6 : i32 to vector<2000x17xi32>
    %add3A_7 = arith.addi %add3A, %iota3A : vector<2000x17xi32>
    %jit3A = arith.constant 17 : i32
    %eq3A = arith.constant 0 : i32
    %eq3A_8 = arith.cmpi eq, %jit3A, %eq3A : i32
    %jit3A_9 = arith.constant 1 : i32
    %select_n3A = arith.select %eq3A_8, %jit3A_9, %jit3A : i32
    %rem3A = vector.broadcast %select_n3A : i32 to vector<2000x17xi32>
    %rem3A_10 = arith.remsi %add3A_7, %rem3A : vector<2000x17xi32>
    %ne3A = arith.constant 0 : i32
    %ne3A_11 = vector.broadcast %ne3A : i32 to vector<2000x17xi32>
    %ne3A_12 = arith.cmpi ne, %rem3A_10, %ne3A_11 : vector<2000x17xi32>
    %lt3A = arith.constant 0 : i32
    %lt3A_13 = vector.broadcast %lt3A : i32 to vector<2000x17xi32>
    %lt3A_14 = arith.cmpi slt, %rem3A_10, %lt3A_13 : vector<2000x17xi32>
    %lt3A_15 = arith.constant 0 : i32
    %lt3A_16 = arith.cmpi slt, %select_n3A, %lt3A_15 : i32
    %ne3A_17 = vector.broadcast %lt3A_16 : i1 to vector<2000x17xi1>
    %ne3A_18 = vector.broadcast %ne3A_17 : vector<2000x17xi1> to vector<2000x17xi1>
    %ne3A_19 = arith.xori %lt3A_14, %ne3A_18 : vector<2000x17xi1>
    %and3A = arith.andi %ne3A_19, %ne3A_12 : vector<2000x17xi1>
    %add3A_20 = vector.broadcast %select_n3A : i32 to vector<2000x17xi32>
    %add3A_21 = arith.addi %rem3A_10, %add3A_20 : vector<2000x17xi32>
    %select_n3A_22 = arith.select %and3A, %add3A_21, %rem3A_10 : vector<2000x17xi1>, vector<2000x17xi32>
    %iota3A_23 = tpu.iota {dimensions = array<i32: 1>} : vector<2000x17xi32>
    %eq3A_24 = arith.cmpi eq, %select_n3A_22, %iota3A_23 : vector<2000x17xi32>
    %convert_element_type3A = arith.extui %eq3A_24 : vector<2000x17xi1> to vector<2000x17xi32>
    %convert_element_type3A_25 = arith.sitofp %convert_element_type3A : vector<2000x17xi32> to vector<2000x17xf32>
    %get3A_26 = arith.constant 0 : index
    %get3A_27 = arith.constant 0 : index
    %get3A_28 = vector.load %arg1[%get3A_26, %get3A_27] : memref<2000x128xf32, #tpu.memory_space<vmem>>, vector<2000x128xf32>
    %get3A_29 = arith.constant 0 : index
    %get3A_30 = arith.constant 0 : index
    %get3A_31 = vector.load %arg3[%get3A_29, %get3A_30] : memref<128x128xf32, #tpu.memory_space<vmem>>, vector<128x128xf32>
    %dot_general3A_32 = arith.constant dense<0.000000e+00> : vector<2000x128xf32>
    %dot_general3A_33 = tpu.matmul %get3A_28, %get3A_31, %dot_general3A_32 {dimension_numbers = #tpu.dot_dimension_numbers<[1], [0], [0], [1], [0, 0, 1, 1], [], []>, transpose_lhs_hint = false} : vector<2000x128xf32>, vector<128x128xf32>, vector<2000x128xf32> -> vector<2000x128xf32>
    %dot_general3A_34 = arith.constant dense<0.000000e+00> : vector<2000x128xf32>
    %dot_general3A_35 = tpu.matmul %convert_element_type3A_25, %dot_general3A_5, %dot_general3A_34 {dimension_numbers = #tpu.dot_dimension_numbers<[1], [0], [0], [1], [0, 0, 1, 1], [], []>, transpose_lhs_hint = false} : vector<2000x17xf32>, vector<17x128xf32>, vector<2000x128xf32> -> vector<2000x128xf32>
    %add3A_36 = arith.addf %dot_general3A_33, %dot_general3A_35 : vector<2000x128xf32>
    %get3A_37 = arith.constant 0 : index
    %get3A_38 = vector.load %arg5[%get3A_37] : memref<128xf32, #tpu.memory_space<vmem>>, vector<128xf32>
    %broadcast_in_dim3A = vector.shape_cast %get3A_38 : vector<128xf32> to vector<1x128xf32>
    %add3A_39 = vector.broadcast %broadcast_in_dim3A : vector<1x128xf32> to vector<2000x128xf32>
    %add3A_40 = arith.addf %add3A_36, %add3A_39 : vector<2000x128xf32>
    %swap3A = arith.constant 0 : index
    %swap3A_41 = arith.constant 0 : index
    %swap3A_42 = vector.load %arg6[%swap3A, %swap3A_41] : memref<2000x128xf32, #tpu.memory_space<vmem>>, vector<2000x128xf32>
    tpu.vector_store %arg6[%swap3A, %swap3A_41], %add3A_40 {strides = array<i32>} : memref<2000x128xf32, #tpu.memory_space<vmem>>, vector<2000x128xf32>,
    return
  }
  func.func @transform_0(%arg0: i32) -> (i32, i32) {
    %c0_i32 = arith.constant 0 : i32
    %c0_i32_0 = arith.constant 0 : i32
    return %arg0, %c0_i32 : i32, i32
  }
  func.func @transform_1(%arg0: i32) -> (i32, i32) {
    %c0_i32 = arith.constant 0 : i32
    %c0_i32_0 = arith.constant 0 : i32
    %c0_i32_1 = arith.constant 0 : i32
    return %c0_i32, %c0_i32_0 : i32, i32
  }
  func.func @transform_2(%arg0: i32) -> (i32, i32) {
    %c0_i32 = arith.constant 0 : i32
    %c0_i32_0 = arith.constant 0 : i32
    %c0_i32_1 = arith.constant 0 : i32
    return %c0_i32, %c0_i32_0 : i32, i32
  }
  func.func @transform_3(%arg0: i32) -> (i32, i32) {
    %c0_i32 = arith.constant 0 : i32
    %c0_i32_0 = arith.constant 0 : i32
    %c0_i32_1 = arith.constant 0 : i32
    return %c0_i32, %c0_i32_0 : i32, i32
  }
  func.func @transform_4(%arg0: i32) -> i32 {
    %c0_i32 = arith.constant 0 : i32
    %c0_i32_0 = arith.constant 0 : i32
    return %c0_i32 : i32
  }
  func.func @transform_5(%arg0: i32) -> (i32, i32) {
    %c0_i32 = arith.constant 0 : i32
    %c0_i32_0 = arith.constant 0 : i32
    return %arg0, %c0_i32 : i32, i32
  }
}

module attributes {stable_mosaic.version = 14 : i64} {
  func.func @_pre_body(%arg0: i32, %arg1: memref<2000x128xf32, #tpu.memory_space<vmem>>, %arg2: memref<128x256xf32, #tpu.memory_space<vmem>>, %arg3: memref<128x8xf32, #tpu.memory_space<vmem>>, %arg4: memref<8x128xf32, #tpu.memory_space<vmem>>, %arg5: memref<2x2000x64xf32, #tpu.memory_space<vmem>>, %arg6: memref<2x2000x64xf32, #tpu.memory_space<vmem>>, %arg7: memref<2000x128xf32, #tpu.memory_space<vmem>>, %arg8: memref<2000x8xf32, #tpu.memory_space<vmem>>) attributes {dimension_semantics = [#tpu.dimension_semantics<arbitrary>], iteration_bounds = array<i64: 5>, scalar_prefetch = 0 : i64, scratch_operands = 0 : i64, tpu.core_type = #tpu.core_type<tc>, window_params = [{transform_indices = @transform_0, window_bounds = array<i64: 2000, 128>}, {pipeline_mode = #tpu.pipeline_mode<synchronous>, transform_indices = @transform_1, window_bounds = array<i64: 128, 256>}, {pipeline_mode = #tpu.pipeline_mode<synchronous>, transform_indices = @transform_2, window_bounds = array<i64: 128, 8>}, {pipeline_mode = #tpu.pipeline_mode<synchronous>, transform_indices = @transform_3, window_bounds = array<i64: 8, 128>}, {transform_indices = @transform_4, window_bounds = array<i64: 2, 2000, 64>}, {transform_indices = @transform_5, window_bounds = array<i64: 2, 2000, 64>}, {transform_indices = @transform_6, window_bounds = array<i64: 2000, 128>}, {transform_indices = @transform_7, window_bounds = array<i64: 2000, 8>}]} {
    %get3A = arith.constant 0 : index
    %get3A_0 = arith.constant 0 : index
    %get3A_1 = vector.load %arg1[%get3A, %get3A_0] : memref<2000x128xf32, #tpu.memory_space<vmem>>, vector<2000x128xf32>
    %get3A_2 = arith.constant 0 : index
    %get3A_3 = arith.constant 0 : index
    %get3A_4 = vector.load %arg2[%get3A_2, %get3A_3] : memref<128x256xf32, #tpu.memory_space<vmem>>, vector<128x128xf32>
    %dot_general3A = arith.constant dense<0.000000e+00> : vector<2000x128xf32>
    %dot_general3A_5 = tpu.matmul %get3A_1, %get3A_4, %dot_general3A {dimension_numbers = #tpu.dot_dimension_numbers<[1], [0], [0], [1], [0, 0, 1, 1], [], []>, transpose_lhs_hint = false} : vector<2000x128xf32>, vector<128x128xf32>, vector<2000x128xf32> -> vector<2000x128xf32>
    %get3A_6 = arith.constant 0 : index
    %get3A_7 = arith.constant 128 : index
    %get3A_8 = vector.load %arg2[%get3A_6, %get3A_7] : memref<128x256xf32, #tpu.memory_space<vmem>>, vector<128x128xf32>
    %dot_general3A_9 = arith.constant dense<0.000000e+00> : vector<2000x128xf32>
    %dot_general3A_10 = tpu.matmul %get3A_1, %get3A_8, %dot_general3A_9 {dimension_numbers = #tpu.dot_dimension_numbers<[1], [0], [0], [1], [0, 0, 1, 1], [], []>, transpose_lhs_hint = false} : vector<2000x128xf32>, vector<128x128xf32>, vector<2000x128xf32> -> vector<2000x128xf32>
    %slice3A = vector.extract_strided_slice %dot_general3A_5 {offsets = [0, 0], sizes = [2000, 64], strides = [1, 1]} : vector<2000x128xf32> to vector<2000x64xf32>
    %swap3A = arith.constant 0 : index
    %swap3A_11 = arith.constant 0 : index
    %swap3A_12 = arith.constant 0 : index
    %swap3A_13 = vector.load %arg5[%swap3A, %swap3A_11, %swap3A_12] : memref<2x2000x64xf32, #tpu.memory_space<vmem>>, vector<1x2000x64xf32>
    %swap3A_14 = vector.shape_cast %swap3A_13 : vector<1x2000x64xf32> to vector<2000x64xf32>
    %swap3A_15 = vector.shape_cast %slice3A : vector<2000x64xf32> to vector<1x2000x64xf32>
    tpu.vector_store %arg5[%swap3A, %swap3A_11, %swap3A_12], %swap3A_15 {strides = array<i32>} : memref<2x2000x64xf32, #tpu.memory_space<vmem>>, vector<1x2000x64xf32>,
    %slice3A_16 = vector.extract_strided_slice %dot_general3A_5 {offsets = [0, 64], sizes = [2000, 64], strides = [1, 1]} : vector<2000x128xf32> to vector<2000x64xf32>
    %swap3A_17 = arith.constant 1 : index
    %swap3A_18 = arith.constant 0 : index
    %swap3A_19 = arith.constant 0 : index
    %swap3A_20 = vector.load %arg5[%swap3A_17, %swap3A_18, %swap3A_19] : memref<2x2000x64xf32, #tpu.memory_space<vmem>>, vector<1x2000x64xf32>
    %swap3A_21 = vector.shape_cast %swap3A_20 : vector<1x2000x64xf32> to vector<2000x64xf32>
    %swap3A_22 = vector.shape_cast %slice3A_16 : vector<2000x64xf32> to vector<1x2000x64xf32>
    tpu.vector_store %arg5[%swap3A_17, %swap3A_18, %swap3A_19], %swap3A_22 {strides = array<i32>} : memref<2x2000x64xf32, #tpu.memory_space<vmem>>, vector<1x2000x64xf32>,
    %slice3A_23 = vector.extract_strided_slice %dot_general3A_10 {offsets = [0, 0], sizes = [2000, 64], strides = [1, 1]} : vector<2000x128xf32> to vector<2000x64xf32>
    %swap3A_24 = arith.constant 0 : index
    %swap3A_25 = arith.constant 0 : index
    %swap3A_26 = arith.constant 0 : index
    %swap3A_27 = vector.load %arg6[%swap3A_24, %swap3A_25, %swap3A_26] : memref<2x2000x64xf32, #tpu.memory_space<vmem>>, vector<1x2000x64xf32>
    %swap3A_28 = vector.shape_cast %swap3A_27 : vector<1x2000x64xf32> to vector<2000x64xf32>
    %swap3A_29 = vector.shape_cast %slice3A_23 : vector<2000x64xf32> to vector<1x2000x64xf32>
    tpu.vector_store %arg6[%swap3A_24, %swap3A_25, %swap3A_26], %swap3A_29 {strides = array<i32>} : memref<2x2000x64xf32, #tpu.memory_space<vmem>>, vector<1x2000x64xf32>,
    %slice3A_30 = vector.extract_strided_slice %dot_general3A_10 {offsets = [0, 64], sizes = [2000, 64], strides = [1, 1]} : vector<2000x128xf32> to vector<2000x64xf32>
    %swap3A_31 = arith.constant 1 : index
    %swap3A_32 = arith.constant 0 : index
    %swap3A_33 = arith.constant 0 : index
    %swap3A_34 = vector.load %arg6[%swap3A_31, %swap3A_32, %swap3A_33] : memref<2x2000x64xf32, #tpu.memory_space<vmem>>, vector<1x2000x64xf32>
    %swap3A_35 = vector.shape_cast %swap3A_34 : vector<1x2000x64xf32> to vector<2000x64xf32>
    %swap3A_36 = vector.shape_cast %slice3A_30 : vector<2000x64xf32> to vector<1x2000x64xf32>
    tpu.vector_store %arg6[%swap3A_31, %swap3A_32, %swap3A_33], %swap3A_36 {strides = array<i32>} : memref<2x2000x64xf32, #tpu.memory_space<vmem>>, vector<1x2000x64xf32>,
    %add3A = arith.addf %dot_general3A_5, %dot_general3A_10 : vector<2000x128xf32>
    %mul3A = arith.constant 2.000000e-01 : f32
    %mul3A_37 = vector.broadcast %mul3A : f32 to vector<2000x128xf32>
    %mul3A_38 = arith.mulf %add3A, %mul3A_37 : vector<2000x128xf32>
    %max3A = arith.maximumf %add3A, %mul3A_38 : vector<2000x128xf32>
    %get3A_39 = arith.constant 0 : index
    %get3A_40 = arith.constant 0 : index
    %get3A_41 = vector.load %arg3[%get3A_39, %get3A_40] : memref<128x8xf32, #tpu.memory_space<vmem>>, vector<128x8xf32>
    %dot_general3A_42 = arith.constant dense<0.000000e+00> : vector<2000x8xf32>
    %dot_general3A_43 = tpu.matmul %max3A, %get3A_41, %dot_general3A_42 {dimension_numbers = #tpu.dot_dimension_numbers<[1], [0], [0], [1], [0, 0, 1, 1], [], []>, transpose_lhs_hint = false} : vector<2000x128xf32>, vector<128x8xf32>, vector<2000x8xf32> -> vector<2000x8xf32>
    %exp3A = math.exp %dot_general3A_43 : vector<2000x8xf32>
    %swap3A_44 = arith.constant 0 : index
    %swap3A_45 = arith.constant 0 : index
    %swap3A_46 = vector.load %arg8[%swap3A_44, %swap3A_45] : memref<2000x8xf32, #tpu.memory_space<vmem>>, vector<2000x8xf32>
    tpu.vector_store %arg8[%swap3A_44, %swap3A_45], %exp3A {strides = array<i32>} : memref<2000x8xf32, #tpu.memory_space<vmem>>, vector<2000x8xf32>,
    %get3A_47 = arith.constant 0 : index
    %get3A_48 = arith.constant 0 : index
    %get3A_49 = vector.load %arg4[%get3A_47, %get3A_48] : memref<8x128xf32, #tpu.memory_space<vmem>>, vector<8x128xf32>
    %dot_general3A_50 = arith.constant dense<0.000000e+00> : vector<2000x128xf32>
    %dot_general3A_51 = tpu.matmul %exp3A, %get3A_49, %dot_general3A_50 {dimension_numbers = #tpu.dot_dimension_numbers<[1], [0], [0], [1], [0, 0, 1, 1], [], []>, transpose_lhs_hint = false} : vector<2000x8xf32>, vector<8x128xf32>, vector<2000x128xf32> -> vector<2000x128xf32>
    %mul3A_52 = arith.mulf %dot_general3A_5, %dot_general3A_51 : vector<2000x128xf32>
    %swap3A_53 = arith.constant 0 : index
    %swap3A_54 = arith.constant 0 : index
    %swap3A_55 = vector.load %arg7[%swap3A_53, %swap3A_54] : memref<2000x128xf32, #tpu.memory_space<vmem>>, vector<2000x128xf32>
    tpu.vector_store %arg7[%swap3A_53, %swap3A_54], %mul3A_52 {strides = array<i32>} : memref<2000x128xf32, #tpu.memory_space<vmem>>, vector<2000x128xf32>,
    return
  }
  func.func @transform_0(%arg0: i32) -> (i32, i32) {
    %c0_i32 = arith.constant 0 : i32
    %c0_i32_0 = arith.constant 0 : i32
    return %arg0, %c0_i32 : i32, i32
  }
  func.func @transform_1(%arg0: i32) -> (i32, i32) {
    %c0_i32 = arith.constant 0 : i32
    %c0_i32_0 = arith.constant 0 : i32
    %c0_i32_1 = arith.constant 0 : i32
    return %c0_i32, %c0_i32_0 : i32, i32
  }
  func.func @transform_2(%arg0: i32) -> (i32, i32) {
    %c0_i32 = arith.constant 0 : i32
    %c0_i32_0 = arith.constant 0 : i32
    %c0_i32_1 = arith.constant 0 : i32
    return %c0_i32, %c0_i32_0 : i32, i32
  }
  func.func @transform_3(%arg0: i32) -> (i32, i32) {
    %c0_i32 = arith.constant 0 : i32
    %c0_i32_0 = arith.constant 0 : i32
    %c0_i32_1 = arith.constant 0 : i32
    return %c0_i32, %c0_i32_0 : i32, i32
  }
  func.func @transform_4(%arg0: i32) -> (i32, i32, i32) {
    %c0_i32 = arith.constant 0 : i32
    %c0_i32_0 = arith.constant 0 : i32
    %c0_i32_1 = arith.constant 0 : i32
    return %c0_i32, %arg0, %c0_i32_0 : i32, i32, i32
  }
  func.func @transform_5(%arg0: i32) -> (i32, i32, i32) {
    %c0_i32 = arith.constant 0 : i32
    %c0_i32_0 = arith.constant 0 : i32
    %c0_i32_1 = arith.constant 0 : i32
    return %c0_i32, %arg0, %c0_i32_0 : i32, i32, i32
  }
  func.func @transform_6(%arg0: i32) -> (i32, i32) {
    %c0_i32 = arith.constant 0 : i32
    %c0_i32_0 = arith.constant 0 : i32
    return %arg0, %c0_i32 : i32, i32
  }
  func.func @transform_7(%arg0: i32) -> (i32, i32) {
    %c0_i32 = arith.constant 0 : i32
    %c0_i32_0 = arith.constant 0 : i32
    return %arg0, %c0_i32 : i32, i32
  }
}

module attributes {stable_mosaic.version = 14 : i64} {
  func.func @_post_body(%arg0: memref<10000x128xf32, #tpu.memory_space<vmem>>, %arg1: memref<2x10000x80xf32, #tpu.memory_space<vmem>>, %arg2: memref<10000x128xf32, #tpu.memory_space<vmem>>, %arg3: memref<10000x8xf32, #tpu.memory_space<vmem>>, %arg4: memref<128xf32, #tpu.memory_space<vmem>>, %arg5: memref<128xf32, #tpu.memory_space<vmem>>, %arg6: memref<128xf32, #tpu.memory_space<vmem>>, %arg7: memref<8x128xf32, #tpu.memory_space<vmem>>, %arg8: memref<16x128xf32, #tpu.memory_space<vmem>>, %arg9: memref<16x128xf32, #tpu.memory_space<vmem>>, %arg10: memref<10000x128xf32, #tpu.memory_space<vmem>>) attributes {dimension_semantics = [], scalar_prefetch = 0 : i64, scratch_operands = 0 : i64, tpu.core_type = #tpu.core_type<tc>} {
    %get3A = arith.constant 0 : index
    %get3A_0 = arith.constant 0 : index
    %get3A_1 = arith.constant 0 : index
    %get3A_2 = vector.load %arg1[%get3A, %get3A_0, %get3A_1] : memref<2x10000x80xf32, #tpu.memory_space<vmem>>, vector<1x10000x80xf32>
    %get3A_3 = vector.shape_cast %get3A_2 : vector<1x10000x80xf32> to vector<10000x80xf32>
    %get3A_4 = arith.constant 1 : index
    %get3A_5 = arith.constant 0 : index
    %get3A_6 = arith.constant 0 : index
    %get3A_7 = vector.load %arg1[%get3A_4, %get3A_5, %get3A_6] : memref<2x10000x80xf32, #tpu.memory_space<vmem>>, vector<1x10000x80xf32>
    %get3A_8 = vector.shape_cast %get3A_7 : vector<1x10000x80xf32> to vector<10000x80xf32>
    %slice3A = vector.extract_strided_slice %get3A_3 {offsets = [0, 0], sizes = [10000, 64], strides = [1, 1]} : vector<10000x80xf32> to vector<10000x64xf32>
    %slice3A_9 = vector.extract_strided_slice %get3A_8 {offsets = [0, 0], sizes = [10000, 64], strides = [1, 1]} : vector<10000x80xf32> to vector<10000x64xf32>
    %concatenate3A = tpu.concatenate %slice3A, %slice3A_9 in 1 : vector<10000x64xf32>, vector<10000x64xf32> -> vector<10000x128xf32>
    %get3A_10 = arith.constant 0 : index
    %get3A_11 = arith.constant 0 : index
    %get3A_12 = vector.load %arg2[%get3A_10, %get3A_11] : memref<10000x128xf32, #tpu.memory_space<vmem>>, vector<10000x128xf32>
    %add3A = arith.addf %concatenate3A, %get3A_12 : vector<10000x128xf32>
    %slice3A_13 = vector.extract_strided_slice %get3A_3 {offsets = [0, 64], sizes = [10000, 16], strides = [1, 1]} : vector<10000x80xf32> to vector<10000x16xf32>
    %get3A_14 = arith.constant 0 : index
    %get3A_15 = arith.constant 0 : index
    %get3A_16 = vector.load %arg8[%get3A_14, %get3A_15] : memref<16x128xf32, #tpu.memory_space<vmem>>, vector<16x128xf32>
    %dot_general3A = arith.constant dense<0.000000e+00> : vector<10000x128xf32>
    %dot_general3A_17 = tpu.matmul %slice3A_13, %get3A_16, %dot_general3A {dimension_numbers = #tpu.dot_dimension_numbers<[1], [0], [0], [1], [0, 0, 1, 1], [], []>, transpose_lhs_hint = false} : vector<10000x16xf32>, vector<16x128xf32>, vector<10000x128xf32> -> vector<10000x128xf32>
    %slice3A_18 = vector.extract_strided_slice %get3A_8 {offsets = [0, 64], sizes = [10000, 16], strides = [1, 1]} : vector<10000x80xf32> to vector<10000x16xf32>
    %get3A_19 = arith.constant 0 : index
    %get3A_20 = arith.constant 0 : index
    %get3A_21 = vector.load %arg9[%get3A_19, %get3A_20] : memref<16x128xf32, #tpu.memory_space<vmem>>, vector<16x128xf32>
    %dot_general3A_22 = arith.constant dense<0.000000e+00> : vector<10000x128xf32>
    %dot_general3A_23 = tpu.matmul %slice3A_18, %get3A_21, %dot_general3A_22 {dimension_numbers = #tpu.dot_dimension_numbers<[1], [0], [0], [1], [0, 0, 1, 1], [], []>, transpose_lhs_hint = false} : vector<10000x16xf32>, vector<16x128xf32>, vector<10000x128xf32> -> vector<10000x128xf32>
    %add3A_24 = arith.addf %dot_general3A_17, %dot_general3A_23 : vector<10000x128xf32>
    %get3A_25 = arith.constant 0 : index
    %get3A_26 = arith.constant 0 : index
    %get3A_27 = vector.load %arg3[%get3A_25, %get3A_26] : memref<10000x8xf32, #tpu.memory_space<vmem>>, vector<10000x8xf32>
    %get3A_28 = arith.constant 0 : index
    %get3A_29 = arith.constant 0 : index
    %get3A_30 = vector.load %arg7[%get3A_28, %get3A_29] : memref<8x128xf32, #tpu.memory_space<vmem>>, vector<8x128xf32>
    %dot_general3A_31 = arith.constant dense<0.000000e+00> : vector<10000x128xf32>
    %dot_general3A_32 = tpu.matmul %get3A_27, %get3A_30, %dot_general3A_31 {dimension_numbers = #tpu.dot_dimension_numbers<[1], [0], [0], [1], [0, 0, 1, 1], [], []>, transpose_lhs_hint = false} : vector<10000x8xf32>, vector<8x128xf32>, vector<10000x128xf32> -> vector<10000x128xf32>
    %add3A_33 = arith.addf %add3A_24, %dot_general3A_32 : vector<10000x128xf32>
    %add3A_34 = arith.constant 1.000000e-16 : f32
    %add3A_35 = vector.broadcast %add3A_34 : f32 to vector<10000x128xf32>
    %add3A_36 = arith.addf %add3A_33, %add3A_35 : vector<10000x128xf32>
    %div3A = arith.divf %add3A, %add3A_36 : vector<10000x128xf32>
    %get3A_37 = arith.constant 0 : index
    %get3A_38 = vector.load %arg4[%get3A_37] : memref<128xf32, #tpu.memory_space<vmem>>, vector<128xf32>
    %broadcast_in_dim3A = vector.shape_cast %get3A_38 : vector<128xf32> to vector<1x128xf32>
    %add3A_39 = vector.broadcast %broadcast_in_dim3A : vector<1x128xf32> to vector<10000x128xf32>
    %add3A_40 = arith.addf %div3A, %add3A_39 : vector<10000x128xf32>
    %max3A = arith.constant 0.000000e+00 : f32
    %max3A_41 = vector.broadcast %max3A : f32 to vector<10000x128xf32>
    %max3A_42 = arith.maximumf %add3A_40, %max3A_41 : vector<10000x128xf32>
    %reduce_sum3A = arith.constant dense<0.000000e+00> : vector<128xf32>
    %reduce_sum3A_43 = vector.multi_reduction <add>, %max3A_42, %reduce_sum3A [0] : vector<10000x128xf32> to vector<128xf32>
    %div3A_44 = arith.constant 1.000000e+04 : f32
    %div3A_45 = vector.broadcast %div3A_44 : f32 to vector<128xf32>
    %div3A_46 = arith.divf %reduce_sum3A_43, %div3A_45 : vector<128xf32>
    %broadcast_in_dim3A_47 = vector.shape_cast %div3A_46 : vector<128xf32> to vector<1x128xf32>
    %sub3A = vector.broadcast %broadcast_in_dim3A_47 : vector<1x128xf32> to vector<10000x128xf32>
    %sub3A_48 = arith.subf %max3A_42, %sub3A : vector<10000x128xf32>
    %integer_pow3A = arith.mulf %sub3A_48, %sub3A_48 : vector<10000x128xf32>
    %reduce_sum3A_49 = arith.constant dense<0.000000e+00> : vector<128xf32>
    %reduce_sum3A_50 = vector.multi_reduction <add>, %integer_pow3A, %reduce_sum3A_49 [0] : vector<10000x128xf32> to vector<128xf32>
    %div3A_51 = arith.constant 1.000000e+04 : f32
    %div3A_52 = vector.broadcast %div3A_51 : f32 to vector<128xf32>
    %div3A_53 = arith.divf %reduce_sum3A_50, %div3A_52 : vector<128xf32>
    %get3A_54 = arith.constant 0 : index
    %get3A_55 = arith.constant 0 : index
    %get3A_56 = vector.load %arg0[%get3A_54, %get3A_55] : memref<10000x128xf32, #tpu.memory_space<vmem>>, vector<10000x128xf32>
    %get3A_57 = arith.constant 0 : index
    %get3A_58 = vector.load %arg5[%get3A_57] : memref<128xf32, #tpu.memory_space<vmem>>, vector<128xf32>
    %broadcast_in_dim3A_59 = vector.shape_cast %div3A_46 : vector<128xf32> to vector<1x128xf32>
    %sub3A_60 = vector.broadcast %broadcast_in_dim3A_59 : vector<1x128xf32> to vector<10000x128xf32>
    %sub3A_61 = arith.subf %max3A_42, %sub3A_60 : vector<10000x128xf32>
    %broadcast_in_dim3A_62 = vector.shape_cast %get3A_58 : vector<128xf32> to vector<1x128xf32>
    %mul3A = vector.broadcast %broadcast_in_dim3A_62 : vector<1x128xf32> to vector<10000x128xf32>
    %mul3A_63 = arith.mulf %mul3A, %sub3A_61 : vector<10000x128xf32>
    %add3A_64 = arith.constant 9.99999974E-6 : f32
    %add3A_65 = vector.broadcast %add3A_64 : f32 to vector<128xf32>
    %add3A_66 = arith.addf %div3A_53, %add3A_65 : vector<128xf32>
    %sqrt3A = math.sqrt %add3A_66 : vector<128xf32>
    %broadcast_in_dim3A_67 = vector.shape_cast %sqrt3A : vector<128xf32> to vector<1x128xf32>
    %div3A_68 = vector.broadcast %broadcast_in_dim3A_67 : vector<1x128xf32> to vector<10000x128xf32>
    %div3A_69 = arith.divf %mul3A_63, %div3A_68 : vector<10000x128xf32>
    %add3A_70 = arith.addf %get3A_56, %div3A_69 : vector<10000x128xf32>
    %get3A_71 = arith.constant 0 : index
    %get3A_72 = vector.load %arg6[%get3A_71] : memref<128xf32, #tpu.memory_space<vmem>>, vector<128xf32>
    %broadcast_in_dim3A_73 = vector.shape_cast %get3A_72 : vector<128xf32> to vector<1x128xf32>
    %add3A_74 = vector.broadcast %broadcast_in_dim3A_73 : vector<1x128xf32> to vector<10000x128xf32>
    %add3A_75 = arith.addf %add3A_70, %add3A_74 : vector<10000x128xf32>
    %swap3A = arith.constant 0 : index
    %swap3A_76 = arith.constant 0 : index
    %swap3A_77 = vector.load %arg10[%swap3A, %swap3A_76] : memref<10000x128xf32, #tpu.memory_space<vmem>>, vector<10000x128xf32>
    tpu.vector_store %arg10[%swap3A, %swap3A_76], %add3A_75 {strides = array<i32>} : memref<10000x128xf32, #tpu.memory_space<vmem>>, vector<10000x128xf32>,
    return
  }
}

module attributes {stable_mosaic.version = 14 : i64} {
  func.func @_final_body(%arg0: memref<2x640x128xf32, #tpu.memory_space<vmem>>, %arg1: memref<2x640x16xf32, #tpu.memory_space<vmem>>, %arg2: memref<16x128xf32, #tpu.memory_space<vmem>>, %arg3: memref<588x128xf32, #tpu.memory_space<vmem>>) attributes {dimension_semantics = [], scalar_prefetch = 0 : i64, scratch_operands = 0 : i64, tpu.core_type = #tpu.core_type<tc>} {
    %get3A = arith.constant 0 : index
    %get3A_0 = arith.constant 0 : index
    %get3A_1 = arith.constant 0 : index
    %get3A_2 = vector.load %arg0[%get3A, %get3A_0, %get3A_1] : memref<2x640x128xf32, #tpu.memory_space<vmem>>, vector<1x640x128xf32>
    %get3A_3 = vector.shape_cast %get3A_2 : vector<1x640x128xf32> to vector<640x128xf32>
    %get3A_4 = arith.constant 1 : index
    %get3A_5 = arith.constant 0 : index
    %get3A_6 = arith.constant 0 : index
    %get3A_7 = vector.load %arg0[%get3A_4, %get3A_5, %get3A_6] : memref<2x640x128xf32, #tpu.memory_space<vmem>>, vector<1x640x128xf32>
    %get3A_8 = vector.shape_cast %get3A_7 : vector<1x640x128xf32> to vector<640x128xf32>
    %add3A = arith.addf %get3A_3, %get3A_8 : vector<640x128xf32>
    %get3A_9 = arith.constant 0 : index
    %get3A_10 = arith.constant 0 : index
    %get3A_11 = arith.constant 0 : index
    %get3A_12 = vector.load %arg1[%get3A_9, %get3A_10, %get3A_11] : memref<2x640x16xf32, #tpu.memory_space<vmem>>, vector<1x640x16xf32>
    %get3A_13 = vector.shape_cast %get3A_12 : vector<1x640x16xf32> to vector<640x16xf32>
    %get3A_14 = arith.constant 1 : index
    %get3A_15 = arith.constant 0 : index
    %get3A_16 = arith.constant 0 : index
    %get3A_17 = vector.load %arg1[%get3A_14, %get3A_15, %get3A_16] : memref<2x640x16xf32, #tpu.memory_space<vmem>>, vector<1x640x16xf32>
    %get3A_18 = vector.shape_cast %get3A_17 : vector<1x640x16xf32> to vector<640x16xf32>
    %add3A_19 = arith.addf %get3A_13, %get3A_18 : vector<640x16xf32>
    %get3A_20 = arith.constant 0 : index
    %get3A_21 = arith.constant 0 : index
    %get3A_22 = vector.load %arg2[%get3A_20, %get3A_21] : memref<16x128xf32, #tpu.memory_space<vmem>>, vector<16x128xf32>
    %dot_general3A = arith.constant dense<0.000000e+00> : vector<640x128xf32>
    %dot_general3A_23 = tpu.matmul %add3A_19, %get3A_22, %dot_general3A {dimension_numbers = #tpu.dot_dimension_numbers<[1], [0], [0], [1], [0, 0, 1, 1], [], []>, transpose_lhs_hint = false} : vector<640x16xf32>, vector<16x128xf32>, vector<640x128xf32> -> vector<640x128xf32>
    %max3A = arith.constant 1.000000e+00 : f32
    %max3A_24 = vector.broadcast %max3A : f32 to vector<640x128xf32>
    %max3A_25 = arith.maximumf %dot_general3A_23, %max3A_24 : vector<640x128xf32>
    %div3A = arith.divf %add3A, %max3A_25 : vector<640x128xf32>
    %slice3A = vector.extract_strided_slice %div3A {offsets = [0, 0], sizes = [588, 128], strides = [1, 1]} : vector<640x128xf32> to vector<588x128xf32>
    %swap3A = arith.constant 0 : index
    %swap3A_26 = arith.constant 0 : index
    %swap3A_27 = vector.load %arg3[%swap3A, %swap3A_26] : memref<588x128xf32, #tpu.memory_space<vmem>>, vector<588x128xf32>
    tpu.vector_store %arg3[%swap3A, %swap3A_26], %slice3A {strides = array<i32>} : memref<588x128xf32, #tpu.memory_space<vmem>>, vector<588x128xf32>,
    return
  }
}

</mosaic_0001>

<sc_bundles>
// kernel: closed_call.15.cloned.1.call-start
scs
__scs_entry_jumppad:
0x0: {  	(pc) =	sbr.rel $0x88, $3  }
0x1: {  	(tag) =	ssettag $0x0;
	lr =	simm.s32 $0x1  }
0x2: {  	[smem:$0x3F89] =	sst lr;
	_ =	strace $0xD0000000  }
0x3: {  	_ = 	snop  }
0x4: {  	_ = 	snop  }
0x5: {  	_ = 	snop  }
0x6: {  	_ = 	snop  }
0x7: {  	_ = 	snop  }
__scs_overlays_trampoline_lowered:
0x8: {  	[smem:$0x3F98] =	sst s0  }
0x9: {  	[smem:$0x3F99] =	sst s1  }
0xa: {  	[smem:$0x3F9A] =	sst s2  }
0xb: {  	[smem:$0x3F9B] =	sst s3  }
0xc: {  	[smem:$0x3F9C] =	sst s4  }
0xd: {  	[smem:$0x3F9D] =	sst s5  }
0xe: {  	[smem:$0x3F9E] =	sst s6  }
0xf: {  	[smem:$0x3F9F] =	sst s7  }
0x10: {  	[smem:$0x3FA0] =	sst s8  }
0x11: {  	[smem:$0x3FA1] =	sst s9;
	s0 =	simm.s32 @!p0 $0x0  }
0x12: {  	s1 =	sld [smem:$0x3F87];
	s0 =	simm.s32 @p0 $0x1  }
0x13: {  	[smem:$0x3FA2] =	sst s0;
	s0 =	simm.s32 @!p1 $0x0  }
0x14: {  	s2 =	sld [smem:$0x3F86];
	s0 =	simm.s32 @p1 $0x1  }
0x15: {  	[smem:$0x3FA3] =	sst s0;
	s0 =	simm.s32 @!p2 $0x0  }
0x16: {  	s3 =	sld [smem:$0x3FDB];
	s0 =	simm.s32 @p2 $0x1  }
0x17: {  	s4 =	simm.s32 $0x1BF5;
	[smem:$0x3FA5] =	sst s0  }
0x18: {  	s0 =	sld [smem:$0x3F88];
	_ =	swait.ge [sflag:s4], $0x0  }
0x19: {  	s7 =	sld [smem:$0x3F89]  }
0x1a: {  	s8 =	sadd.s32 $0xFFFFE003, lr  }
0x1b: {  	s9 =	sadd.s32 $0xFFFFFEF7, lr;
	s5 =	simm.s32 $0xFFFFFFFF;
	p2 =	slt.u32 s8, $0xFFFFF086  }
0x1c: {  	p1 =	slt.u32 s9, $0xF7A;
	s5 =	simm.s32 @!p2 $0x0  }
0x1d: {  	s5 =	simm.s32 @p1 $0x1;
	p0 =	seq.s32 s7, s2  }
0x1e: {  	s7 =	smul.u32 @!p0 $0xF7A, s2;
	p2 =	seq.s32 @!p0 s5, $0x0  }
0x1f: {  	s9 =	smul.u32 $0xF7A, s1;
	s8 =	simm.s32 @!p0 $0x1BF5;
	p2 =	por !p2, p0  }
0x20: {  	[sflag:s8] =	ssyncset.s32 @!p0 $0xFFFFF086;
	s6 =	sadd.s32 @!p0 s3, s7;
	s7 =	simm.s32 @!p0 $0x108  }
0x21: {  	s3 =	sadd.s32 s3, s9;
	s6 =	sadd.s32 @!p0 $0x88, s6;
	s7 =	simm.s32 @p2 $0x1082  }
0x22: {  	[simem:s7], [sflag:s8] =	dma.local @!p0 [hbm:s6], $0xF7A  }
0x23: {  	s9 =	sor.u32 $0xD0000000, s2;
	s6 =	simm.s32 $0x108;
	_ =	swait.ge @!p0 [sflag:s8], $0x0  }
0x24: {  	s3 =	sadd.s32 $0x88, s3;
	s6 =	simm.s32 @!p1 $0x1082;
	[sflag:s4] =	ssyncset.s32 $0xFFFFF086  }
0x25: {  	[simem:s6], [sflag:s4] =	dma.local [hbm:s3], $0xF7A  }
0x26: {  	[smem:$0x3F89] =	sst s1;
	(tag) =	ssettag s2;
	_ =	strace s9  }
0x27: {  	s1 =	sld [smem:$0x3F99]  }
0x28: {  	s2 =	sld [smem:$0x3F9A]  }
0x29: {  	s4 =	sld [smem:$0x3F9C]  }
0x2a: {  	p0 =	seq.s32 s5, $0x0;
	s5 =	sld [smem:$0x3F9D]  }
0x2b: {  	s6 =	sld [smem:$0x3F9E]  }
0x2c: {  	s7 =	sld [smem:$0x3F9F]  }
0x2d: {  	s3 =	simm.s32 $0x108;
	s8 =	sld [smem:$0x3FA0]  }
0x2e: {  	s3 =	simm.s32 @!p0 $0x1082;
	s9 =	sld [smem:$0x3FA1]  }
0x2f: {  	lr =	sadd.s32 s0, s3;
	s0 =	sld [smem:$0x3F98]  }
0x30: {  	s3 =	sld [smem:$0x3F9B]  }
0x31: {  	[smem:$0x3FA4] =	sst s10  }
0x32: {  	s10 =	sld [smem:$0x3FA2];
	_ =	sdelay $0x3  }
0x33: {  	p0 =	seq.s32 s10, $0x1;
	s10 =	sld [smem:$0x3FA4];
	_ =	sdelay $0x3  }
0x34: {  	[smem:$0x3FA4] =	sst s10  }
0x35: {  	s10 =	sld [smem:$0x3FA3];
	_ =	sdelay $0x3  }
0x36: {  	p1 =	seq.s32 s10, $0x1;
	s10 =	sld [smem:$0x3FA4];
	_ =	sdelay $0x3  }
0x37: {  	[smem:$0x3FA4] =	sst s10  }
0x38: {  	s10 =	sld [smem:$0x3FA5]  }
0x39: {  	_ = 	snop;
	(pc) =	sbr.ind lr, $3  }
0x3a: {  	_ = 	snop  }
0x3b: {  	_ = 	snop  }
0x3c: {  	p2 =	seq.s32 s10, $0x1;
	s10 =	sld [smem:$0x3FA4]  }
0x3d: {  	_ =	shalt  }
0x3e: {  	_ =	shalt  }
0x3f: {  	_ =	shalt  }
0x40: {  	_ =	shalt  }
0x41: {  	_ =	shalt  }
0x42: {  	_ =	shalt  }
0x43: {  	_ =	shalt  }
0x44: {  	_ =	shalt  }
0x45: {  	_ =	shalt  }
0x46: {  	_ =	shalt  }
0x47: {  	_ =	shalt  }
0x48: {  	_ =	shalt  }
0x49: {  	_ =	shalt  }
0x4a: {  	_ =	shalt  }
0x4b: {  	_ =	shalt  }
0x4c: {  	_ =	shalt  }
0x4d: {  	_ =	shalt  }
0x4e: {  	_ =	shalt  }
0x4f: {  	_ =	shalt  }
0x50: {  	_ =	shalt  }
0x51: {  	_ =	shalt  }
0x52: {  	_ =	shalt  }
0x53: {  	_ =	shalt  }
0x54: {  	_ =	shalt  }
0x55: {  	_ =	shalt  }
0x56: {  	_ =	shalt  }
0x57: {  	_ =	shalt  }
0x58: {  	_ =	shalt  }
0x59: {  	_ =	shalt  }
0x5a: {  	_ =	shalt  }
0x5b: {  	_ =	shalt  }
0x5c: {  	_ =	shalt  }
0x5d: {  	_ =	shalt  }
0x5e: {  	_ =	shalt  }
0x5f: {  	_ =	shalt  }
0x60: {  	_ =	shalt  }
0x61: {  	_ =	shalt  }
0x62: {  	_ =	shalt  }
0x63: {  	_ =	shalt  }
0x64: {  	_ =	shalt  }
0x65: {  	_ =	shalt  }
0x66: {  	_ =	shalt  }
0x67: {  	_ =	shalt  }
0x68: {  	_ =	shalt  }
0x69: {  	_ =	shalt  }
0x6a: {  	_ =	shalt  }
0x6b: {  	_ =	shalt  }
0x6c: {  	_ =	shalt  }
0x6d: {  	_ =	shalt  }
0x6e: {  	_ =	shalt  }
0x6f: {  	_ =	shalt  }
0x70: {  	_ =	shalt  }
0x71: {  	_ =	shalt  }
0x72: {  	_ =	shalt  }
0x73: {  	_ =	shalt  }
0x74: {  	_ =	shalt  }
0x75: {  	_ =	shalt  }
0x76: {  	_ =	shalt  }
0x77: {  	_ =	shalt  }
0x78: {  	_ =	shalt  }
0x79: {  	_ =	shalt  }
0x7a: {  	_ =	shalt  }
0x7b: {  	_ =	shalt  }
0x7c: {  	_ =	shalt  }
0x7d: {  	_ =	shalt  }
0x7e: {  	_ =	shalt  }
0x7f: {  	_ =	shalt  }
0x80: {  	_ =	shalt  }
0x81: {  	_ =	shalt  }
0x82: {  	_ =	shalt  }
0x83: {  	_ =	shalt  }
0x84: {  	_ =	shalt  }
0x85: {  	_ =	shalt  }
0x86: {  	_ =	shalt  }
0x87: {  	_ =	shalt  }
.Lfunc_end0:
.L_simem_size_0:
called_computation_lowered:
.L_overlay_start_0:
0x88: {  	s2 =	sld [smem:$0x3FD9]  }
0x89: {  	s3 =	sld [smem:$0x3FFE];
	_ =	sdelay $0x1  }
0x8a: {  	s1 =	srdreg.scid  }
0x8b: {  	s0 =	sand.u32 $0x1, s1  }
0x8c: {  	s16 =	sshll.u32 s0, $0xA;
	s2 =	sadd.s32 s3, s2  }
0x8d: {  	s2 =	sadd.s32 s2, s16  }
0x8e: {  	[smem:$0x3FB0] =	sst s2  }
0x8f: {  	_ = 	snop  }
0x90: {  	(tm) =	ssettm $0x1  }
0x91: {  	s17 =	sld [smem:$0x3FFB];
	_ =	sdelay $0x3  }
0x92: {  	_ =	strace s17  }
0x93: {  	s2 =	sld [smem:$0x3FFC];
	_ =	sdelay $0x3  }
0x94: {  	_ =	strace s2  }
0x95: {  	s2 =	sld [smem:$0x3FFD];
	_ =	sdelay $0x3  }
0x96: {  	_ =	strace s2  }
0x97: {  	_ =	strace $0x8FFFFFFF  }
0x98: {  	s18 =	sld [smem:$0x3FDB];
	_ =	sdelay $0x1  }
0x99: {  	s19 =	simm.s32 $_scs_section_size  }
0x9a: {  	s4 =	simm.s32 $_size__tile_overlayer_lowered;
	s5 =	simm.s32 $_tile_overlayer_lowered  }
0x9b: {  	s22 =	simm.s32 $0x1BFF;
	s21 =	sshll.u32 s5, $0x1;
	s2 =	sadd.s32 s19, s18  }
0x9c: {  	s6 =	simm.s32 $0x0;
	s20 =	sshll.u32 s4, $0x1;
	s4 =	sadd.s32 s21, s2  }
0x9d: {  	[timem:s6], [sflag:s22] =	dma.local [hbm:s4], s20  }
0x9e: {  	_ =	swait.ge [sflag:s22], s20  }
0x9f: {  	s3 =	ssub.s32 $0x0, s20;
	[sflag:s22] =	ssyncset.done $0x0  }
0xa0: {  	[sflag:s22] =	ssyncadd.s32 s3;
	_ =	sdelay $0x1  }
0xa1: {  	s23 =	simm.s32 $0x1B8B  }
0xa2: {  	_ =	swait.ge [sflag:s23], $0x1  }
0xa3: {  	[sflag:s23] =	ssyncset.done $0x0  }
0xa4: {  	s25 =	simm.s32 $0x1B8E;
	s24 =	sld [smem:$0x3FFE];
	[sflag:s23] =	ssyncadd.s32 $0xFFFFFFFF  }
0xa5: {  	s26 =	simm.s32 $execute0_lowered;
	[smem:$0x3FD2] =	sst s25  }
0xa6: {  	s4 =	sshll.u32 s26, $0x1;
	_ =	strace $0x80000049;
	[dreg:$0x1] =	wrdreg $0xFFFFFFFF  }
0xa7: {  	s28 =	simm.s32 $_size_execute0_lowered;
	s2 =	sadd.s32 s2, s4;
	[dreg:$0x0] =	wrdreg $0x0  }
0xa8: {  	s4 =	sshll.u32 s28, $0x1;
	[dreg:$0x2] =	wrdreg s2  }
0xa9: {  	[dreg:$0x3] =	wrdreg s4  }
0xaa: {  	[dreg:$0x4] =	wrdreg $0xC0  }
0xab: {  	_ =	task [dreg:s6], $0x5FFFF  }
0xac: {  	[dreg:$0x1] =	wrdreg $0xFFFFFFFF  }
0xad: {  	[dreg:$0x0] =	wrdreg $0x60  }
0xae: {  	[dreg:$0x2] =	wrdreg s24  }
0xaf: {  	[dreg:$0x3] =	wrdreg $0x12D800  }
0xb0: {  	[dreg:$0x4] =	wrdreg $0x9  }
0xb1: {  	_ =	task.clear_ibuf [dreg:s6], $0x5FFFF;
	_ =	strace $0x90000049  }
0xb2: {  	s29 =	simm.s32 $0x9;
	_ =	strace $0x8000004B  }
0xb3: {  	_ =	swait.ge [sflag:s29], $0x1  }
0xb4: {  	[sflag:s29] =	ssyncadd.s32 $0xFFFFFFFF  }
0xb5: {  	_ =	strace $0x9000004B  }
0xb6: {  	_ =	sfence  }
0xb7: {  	s30 =	sld [smem:$0x0];
	_ =	sdelay $0x2  }
0xb8: {  	s31 =	sshll.u32 s1, $0xD;
	s1 =	sshrl.u32 s1, $0x2  }
0xb9: {  	s3 =	sand.u32 $0x4000, s31;
	s1 =	sadd.s32 s1, s30  }
0xba: {  	s0 =	sor.u32 s3, s0;
	s1 =	sshll.u32 s1, $0x11  }
0xbb: {  	s0 =	sor.u32 s1, s0  }
0xbc: {  	s0 =	sadd.s32 $0x8F2B, s0  }
0xbd: {  	[sflag:s0] =	ssyncadd.remote.s32 $0x1  }
0xbe: {  	_ =	sfence.sel $0xFFFF  }
0xbf: {  	[dreg:$0x0] =	wrdreg $0xFFFFFFFF;
	(pc) =	sbr.abs _section_cstart, $3  }
0xc0: {  	[dreg:$0x1] =	wrdreg $0xFFFFFFFF  }
0xc1: {  	_ =	task.clear_ibuf [dreg:s6], $0x2FFFF;
	_ =	strace $0x9FFFFFFF  }
0xc2: {  	(tm) =	ssettm $0x7FFFFFFF  }
0xc3: {  	_ =	shalt  }
tec
execute0_lowered:
.L_overlay_start_1:
0x0: {  	(tag) =	ssettag $0x1  }
0x1: {  	s0 =	rddreg [dreg:$0x0];
	s1 =	srdreg.scid  }
0x2: {  	s2 =	rddreg [dreg:$0x1];
	s9 =	stileid.u32;
	s5 =	simm.s32 $0x0  }
0x3: {  	s28 =	simm.s32 $0x9;
	s31 =	simm.s32 $0x28;
	s4 =	smul.u32 $0x9C4, s9  }
0x4: {  	s29 =	simm.s32 $0xD0C0;
	s1 =	sand.u32 $0x1, s1;
	s7 =	smul.u32 $0x30C00, s9  }
0x5: {  	[smem:$0x7FF] =	sst s5;
	s10 =	smul.u32 $0xC300, s9;
	s30 =	sadd.s32 $0xC3000, s2  }
0x6: {  	p0 =	sne.s32 s9, $0xF;
	s9 =	simm.s32 $0x107C0;
	s3 =	smul.u32 $0x13880, s1  }
0x7: {  	_ =	strace $0x8000004A;
	s8 =	sshll.u32 s1, $0x3;
	s6 =	ssub.s32 $0x2, s1  }
0x8: {  	s1 =	smul.u32 $0xC3500, s1;
	s4 =	sadd.s32 s4, s0;
	s5 =	sadd.s32 s8, s0  }
0x9: {  	s8 =	sshrl.u32 s6, $0x1;
	s7 =	sshrl.u32 s7, $0x2;
	s5 =	sadd.s32 $0x82A00, s5  }
0xa: {  	s24 =	sadd.s32 s10, s2;
	s11 =	sadd.s32 $0x47C00, s4;
	[dreg:$0x3] =	wrdreg s5  }
0xb: {  	s12 =	sadd.s32 s7, s2;
	s4 =	sadd.s32 $0x51A00, s4;
	[dreg:$0x4] =	wrdreg s11  }
0xc: {  	s3 =	sadd.s32 s3, s0;
	[dreg:$0x5] =	wrdreg s4;
	s13 =	sadd.s32 $0xF00, s12  }
0xd: {  	s0 =	sadd.s32 $0x82C00, s0;
	s14 =	sadd.s32 $0x1E00, s12;
	[dreg:$0x6] =	wrdreg s13  }
0xe: {  	s6 =	ssub.s32 s6, s8;
	s15 =	sadd.s32 $0x2D00, s12;
	[dreg:$0x7] =	wrdreg s14  }
0xf: {  	s25 =	sadd.s32 s10, s1;
	s16 =	sadd.s32 $0x3C00, s12;
	[dreg:$0x8] =	wrdreg s15  }
0x10: {  	s1 =	sshrl.u32 s1, $0x3;
	s17 =	sadd.s32 $0x4B00, s12;
	[dreg:$0x9] =	wrdreg s16  }
0x11: {  	s8 =	simm.s32 $0xFDC0;
	s18 =	sadd.s32 $0x5A00, s12;
	[dreg:$0xa] =	wrdreg s17  }
0x12: {  	s10 =	simm.s32 $0x1;
	s19 =	sadd.s32 $0x6900, s12;
	[dreg:$0xb] =	wrdreg s18  }
0x13: {  	s7 =	simm.s32 $0x0;
	s20 =	sadd.s32 $0x7800, s12;
	[dreg:$0xc] =	wrdreg s19  }
0x14: {  	s21 =	sadd.s32 $0x8700, s12;
	s22 =	sadd.s32 $0x9600, s12;
	[dreg:$0xd] =	wrdreg s20  }
0x15: {  	s23 =	sadd.s32 $0xA500, s12;
	s5 =	sadd.s32 $0xB400, s12;
	[dreg:$0xe] =	wrdreg s21  }
0x16: {  	s4 =	sshrl.u32 s25, $0x3;
	s26 =	smax.u32 s6, $0x1;
	[dreg:$0xf] =	wrdreg s22  }
0x17: {  	s6 =	simm.s32 $0xE740;
	s11 =	simm.s32 $0xB040;
	[dreg:$0x10] =	wrdreg s23  }
0x18: {  	s12 =	simm.s32 $0x6;
	[dreg:$0x11] =	wrdreg s5;
	s4 =	sadd.s32 s0, s4  }
0x19: {  	s0 =	sadd.s32 s0, s1;
	s22 =	sadd.s32 $0xF7C00, s3;
	s23 =	sadd.s32 $0x5B800, s3  }
.Ltmp0:
0x1a: {  	[dreg:$0x14] =	wrdreg s26;
	s1 =	simm.s32 $0xBCC0;
	(pc) =	sbr.rel .LBB2_1-.Ltmp0, $4  }
0x1b: {  	s5 =	simm.s32 $0xDD40;
	s13 =	simm.s32 $0x2;
	s14 =	simm.s32 $0x7  }
0x1c: {  	s15 =	simm.s32 $0x3;
	s16 =	simm.s32 $0xF140;
	s17 =	simm.s32 $0x8  }
0x1d: {  	v0 =	vimm.f32 $0.0e+00;
	vm0 =	vmmov $0x1;
	vm1 =	vcmask $0x310;
	s18 =	simm.s32 $0x4;
	[dreg:$0x12] =	wrdreg s4;
	s0 =	sadd.s32 $0x18600, s0  }
0x1e: {  	vm2 =	vcmask $0x710;
	vm3 =	vcmask $0xB10;
	vm4 =	vmmov $0xf;
	s19 =	simm.s32 $0x111C0;
	s4 =	simm.s32 $0xC6C0;
	[dreg:$0x13] =	wrdreg s0  }
.LBB2_26:
0x1f: {  	[spmem:s2] =	stream.indirect.scatter.add.f32 [tilespmem:s19], [sflag:$0x8], $0x50, s3, s31, $0xb8;
	[tilespmem:$0x1F0D0] =	vst v63  }
0x20: {  	s0 =	simm.s32 $0x5  }
0x21: {  	_ =	swait.ge [sflag:s0], $0xC80  }
0x22: {  	[sflag:s0] =	ssyncset.done $0x0  }
0x23: {  	[sflag:s0] =	ssyncadd.s32 $0xFFFFF380  }
0x24: {  	_ =	swait.ge [sflag:s12], $0xC80  }
0x25: {  	[sflag:s12] =	ssyncset.done $0x0  }
0x26: {  	[sflag:s12] =	ssyncadd.s32 $0xFFFFF380  }
0x27: {  	_ =	swait.ge [sflag:s14], $0xC80  }
0x28: {  	[sflag:s14] =	ssyncset.done $0x0  }
0x29: {  	[sflag:s14] =	ssyncadd.s32 $0xFFFFF380  }
0x2a: {  	_ =	swait.ge [sflag:s17], $0xC80  }
0x2b: {  	[sflag:s17] =	ssyncset.done $0x0  }
0x2c: {  	s20 =	stileid.u32;
	[sflag:s17] =	ssyncadd.s32 $0xFFFFF380  }
0x2d: {  	s3 =	sshll.u32 s20, $0x6;
	[bflag:$0x0] =	sbarrier.arrive $0xFFFF  }
0x2e: {  	s7 =	sshrl.u32 s24, $0x3;
	s3 =	sor.u32 $0x1C09, s3;
	s21 =	rddreg [dreg:$0x12]  }
0x2f: {  	[hbm:s21], [sflag:s3] =	dma.local [spmem:s7], $0x1860  }
0x30: {  	_ =	swait.ge [sflag:s28], $0x1860  }
0x31: {  	[sflag:s28] =	ssyncset.done $0x0  }
0x32: {  	s7 =	sshrl.u32 @!p0 s30, $0x3;
	s0 =	rddreg [dreg:$0x13];
	[sflag:s28] =	ssyncadd.s32 $0xFFFFE7A0  }
0x33: {  	[hbm:s0], [sflag:s3] =	dma.local @!p0 [spmem:s7], $0xA0  }
0x34: {  	s3 =	simm.s32 @!p0 $0x9  }
0x35: {  	_ =	swait.ge @!p0 [sflag:s3], $0xA0  }
0x36: {  	s25 =	rddreg [dreg:$0x15]  }
0x37: {  	s26 =	rddreg [dreg:$0x14];
	s7 =	sadd.s32 $0x1, s25  }
0x38: {  	p1 =	sne.s32 s7, s26  }
.Ltmp1:
0x39: {  	_ = 	snop;
	(pc) =	sbr.rel @!p1 .LBB2_27-.Ltmp1, $3  }
0x3a: {  	_ =	sdelay $0x1  }
0x3b: {  	[sflag:s3] =	ssyncset.done @!p0 $0x0  }
0x3c: {  	[sflag:s3] =	ssyncadd.s32 @!p0 $0xFFFFFF60  }
.LBB2_1:
0x3d: {  	[dreg:$0x15] =	wrdreg s7  }
0x3e: {  	s7 =	simm.s32 $0x0;
	s3 =	rddreg [dreg:$0x3];
	s20 =	simm.s32 $0x11E40  }
0x3f: {  	[tilespmem:s20], [sflag:$0x9] =	stream.linear.gather [hbm4b:s3+s7], $0x40, $0x38;
	[tilespmem:$0x1F0D0] =	vst v63  }
0x40: {  	_ =	swait.ge [sflag:s28], $0x40  }
0x41: {  	[sflag:s28] =	ssyncset.done $0x0  }
0x42: {  	s0 =	smov.u32 s24;
	s24 =	rddreg [dreg:$0x4];
	[sflag:s28] =	ssyncadd.s32 $0xFFFFFFC0  }
0x43: {  	[tilespmem:s7], [sflag:$0x9] =	stream.linear.gather [hbm4b:s24+s7], $0x4E20, $0x38;
	[tilespmem:$0x1F0D0] =	vst v63  }
0x44: {  	s25 =	smul.u32 $0xCD, s7;
	_ =	swait.ge [sflag:s28], $0x4E20  }
0x45: {  	s26 =	smov.u32 s30;
	s21 =	simm.s32 $0x4E20;
	[sflag:s28] =	ssyncset.done $0x0  }
0x46: {  	s3 =	sshrl.u32 s25, $0xA;
	s30 =	rddreg [dreg:$0x5];
	[sflag:s28] =	ssyncadd.s32 $0xFFFFB1E0  }
0x47: {  	[tilespmem:s21], [sflag:$0x9] =	stream.linear.gather [hbm4b:s30+s7], $0x4E20, $0x38;
	[tilespmem:$0x1F0D0] =	vst v63  }
0x48: {  	s21 =	sand.u32 $0x3F, s3  }
0x49: {  	s3 =	simm.s32 $0x1;
	s24 =	smul.u32 $0x5, s21  }
0x4a: {  	_ =	swait.ge [sflag:s28], $0x4E20;
	s25 =	smul.u32 $0xCD, s3  }
0x4b: {  	s30 =	smul.u32 $0x140, s21;
	[sflag:s28] =	ssyncset.done $0x0;
	s20 =	ssub.s32 $0x0, s24  }
0x4c: {  	s7 =	simm.s32 $0x2;
	[sflag:s28] =	ssyncadd.s32 $0xFFFFB1E0;
	s24 =	sand.u32 $0xFF, s20  }
0x4d: {  	s25 =	sshrl.u32 s25, $0xA;
	s20 =	sshrl.u32 s30, $0x2;
	s21 =	sshll.u32 s24, $0x4  }
.LBB2_2:
0x4e: {  	s24 =	smul.u32 $0xCD, s7;
	s25 =	sand.u32 $0x3F, s25  }
0x4f: {  	s20 =	sadd.s32 s21, s20;
	p1 =	sne.s32 s7, $0xEF;
	s21 =	smul.u32 $0x5, s25  }
.Ltmp2:
0x50: {  	[tilespmem:s20+$0x11E80] =	vst v0;
	(pc) =	sbr.rel @p1 .LBB2_2-.Ltmp2, $4  }
0x51: {  	s20 =	smul.u32 $0x140, s25;
	s25 =	smov.u32 s7  }
0x52: {  	s7 =	sadd.s32 $0x1, s7;
	s3 =	ssub.s32 s3, s21  }
0x53: {  	s21 =	sand.u32 $0xFF, s3;
	s3 =	smov.u32 s25  }
0x54: {  	s20 =	sshrl.u32 s20, $0x2;
	s25 =	sshrl.u32 s24, $0xA;
	s21 =	sshll.u32 s21, $0x4  }
0x55: {  	s7 =	sand.u32 $0x3F, s25  }
0x56: {  	s24 =	smul.u32 $0x5, s7;
	_ =	sdelay $0x1  }
0x57: {  	s7 =	smul.u32 $0x140, s7;
	s3 =	ssub.s32 s3, s24  }
0x58: {  	s3 =	sand.u32 $0xFF, s3  }
0x59: {  	s20 =	sadd.s32 s21, s20;
	s7 =	sshrl.u32 s7, $0x2;
	s3 =	sshll.u32 s3, $0x4  }
0x5a: {  	[tilespmem:s20+$0x11E80] =	vst v0;
	s3 =	sadd.s32 s3, s7  }
0x5b: {  	[tilespmem:s3+$0x11E80] =	vst v0;
	s3 =	simm.s32 $0x11E80  }
0x5c: {  	[spmem:s0] =	stream.linear.scatter [tilespmem:s3], [sflag:$0x9], $0xF00, $0x38;
	[tilespmem:$0x1F0D0] =	vst v63  }
0x5d: {  	_ =	swait.ge [sflag:s28], $0xF00  }
0x5e: {  	[sflag:s28] =	ssyncset.done $0x0  }
0x5f: {  	s7 =	rddreg [dreg:$0x6];
	[sflag:s28] =	ssyncadd.s32 $0xFFFFF100  }
0x60: {  	[spmem:s7] =	stream.linear.scatter [tilespmem:s3], [sflag:$0x9], $0xF00, $0x38;
	[tilespmem:$0x1F0D0] =	vst v63  }
0x61: {  	_ =	swait.ge [sflag:s28], $0xF00  }
0x62: {  	[sflag:s28] =	ssyncset.done $0x0  }
0x63: {  	s20 =	rddreg [dreg:$0x7];
	[sflag:s28] =	ssyncadd.s32 $0xFFFFF100  }
0x64: {  	[spmem:s20] =	stream.linear.scatter [tilespmem:s3], [sflag:$0x9], $0xF00, $0x38;
	[tilespmem:$0x1F0D0] =	vst v63  }
0x65: {  	_ =	swait.ge [sflag:s28], $0xF00  }
0x66: {  	[sflag:s28] =	ssyncset.done $0x0  }
0x67: {  	s21 =	rddreg [dreg:$0x8];
	[sflag:s28] =	ssyncadd.s32 $0xFFFFF100  }
0x68: {  	[spmem:s21] =	stream.linear.scatter [tilespmem:s3], [sflag:$0x9], $0xF00, $0x38;
	[tilespmem:$0x1F0D0] =	vst v63  }
0x69: {  	_ =	swait.ge [sflag:s28], $0xF00  }
0x6a: {  	[sflag:s28] =	ssyncset.done $0x0  }
0x6b: {  	s25 =	rddreg [dreg:$0x9];
	[sflag:s28] =	ssyncadd.s32 $0xFFFFF100  }
0x6c: {  	[spmem:s25] =	stream.linear.scatter [tilespmem:s3], [sflag:$0x9], $0xF00, $0x38;
	[tilespmem:$0x1F0D0] =	vst v63  }
0x6d: {  	_ =	swait.ge [sflag:s28], $0xF00  }
0x6e: {  	[sflag:s28] =	ssyncset.done $0x0  }
0x6f: {  	s7 =	rddreg [dreg:$0xa];
	[sflag:s28] =	ssyncadd.s32 $0xFFFFF100  }
0x70: {  	[spmem:s7] =	stream.linear.scatter [tilespmem:s3], [sflag:$0x9], $0xF00, $0x38;
	[tilespmem:$0x1F0D0] =	vst v63  }
0x71: {  	_ =	swait.ge [sflag:s28], $0xF00  }
0x72: {  	[sflag:s28] =	ssyncset.done $0x0  }
0x73: {  	s20 =	rddreg [dreg:$0xb];
	[sflag:s28] =	ssyncadd.s32 $0xFFFFF100  }
0x74: {  	[spmem:s20] =	stream.linear.scatter [tilespmem:s3], [sflag:$0x9], $0xF00, $0x38;
	[tilespmem:$0x1F0D0] =	vst v63  }
0x75: {  	_ =	swait.ge [sflag:s28], $0xF00  }
0x76: {  	[sflag:s28] =	ssyncset.done $0x0  }
0x77: {  	s21 =	rddreg [dreg:$0xc];
	[sflag:s28] =	ssyncadd.s32 $0xFFFFF100  }
0x78: {  	[spmem:s21] =	stream.linear.scatter [tilespmem:s3], [sflag:$0x9], $0xF00, $0x38;
	[tilespmem:$0x1F0D0] =	vst v63  }
0x79: {  	_ =	swait.ge [sflag:s28], $0xF00  }
0x7a: {  	[sflag:s28] =	ssyncset.done $0x0  }
0x7b: {  	s25 =	rddreg [dreg:$0xd];
	[sflag:s28] =	ssyncadd.s32 $0xFFFFF100  }
0x7c: {  	[spmem:s25] =	stream.linear.scatter [tilespmem:s3], [sflag:$0x9], $0xF00, $0x38;
	[tilespmem:$0x1F0D0] =	vst v63  }
0x7d: {  	_ =	swait.ge [sflag:s28], $0xF00  }
0x7e: {  	[sflag:s28] =	ssyncset.done $0x0  }
0x7f: {  	s7 =	rddreg [dreg:$0xe];
	[sflag:s28] =	ssyncadd.s32 $0xFFFFF100  }
0x80: {  	[spmem:s7] =	stream.linear.scatter [tilespmem:s3], [sflag:$0x9], $0xF00, $0x38;
	[tilespmem:$0x1F0D0] =	vst v63  }
0x81: {  	_ =	swait.ge [sflag:s28], $0xF00  }
0x82: {  	[sflag:s28] =	ssyncset.done $0x0  }
0x83: {  	s20 =	rddreg [dreg:$0xf];
	[sflag:s28] =	ssyncadd.s32 $0xFFFFF100  }
0x84: {  	[spmem:s20] =	stream.linear.scatter [tilespmem:s3], [sflag:$0x9], $0xF00, $0x38;
	[tilespmem:$0x1F0D0] =	vst v63  }
0x85: {  	_ =	swait.ge [sflag:s28], $0xF00  }
0x86: {  	[sflag:s28] =	ssyncset.done $0x0  }
0x87: {  	s21 =	rddreg [dreg:$0x10];
	[sflag:s28] =	ssyncadd.s32 $0xFFFFF100  }
0x88: {  	[spmem:s21] =	stream.linear.scatter [tilespmem:s3], [sflag:$0x9], $0xF00, $0x38;
	[tilespmem:$0x1F0D0] =	vst v63  }
0x89: {  	_ =	swait.ge [sflag:s28], $0xF00  }
0x8a: {  	[sflag:s28] =	ssyncset.done $0x0  }
0x8b: {  	s25 =	rddreg [dreg:$0x11];
	[sflag:s28] =	ssyncadd.s32 $0xFFFFF100  }
0x8c: {  	[spmem:s25] =	stream.linear.scatter [tilespmem:s3], [sflag:$0x9], $0xF00, $0x38;
	[tilespmem:$0x1F0D0] =	vst v63  }
0x8d: {  	_ =	swait.ge [sflag:s28], $0xF00  }
0x8e: {  	[sflag:s28] =	ssyncset.done $0x0  }
0x8f: {  	s3 =	simm.s32 @!p0 $0x11E80;
	[sflag:s28] =	ssyncadd.s32 $0xFFFFF100  }
0x90: {  	[spmem:s26] =	stream.linear.scatter @!p0 [tilespmem:s3], [sflag:$0x9], $0x500, $0x38;
	[tilespmem:$0x1F0D0] =	vst v63  }
0x91: {  	s3 =	simm.s32 @!p0 $0x9  }
0x92: {  	_ =	swait.ge @!p0 [sflag:s3], $0x500  }
0x93: {  	[sflag:s3] =	ssyncset.done @!p0 $0x0  }
0x94: {  	[sflag:s3] =	ssyncadd.s32 @!p0 $0xFFFFFB00  }
0x95: {  	[bflag:$0x0] =	sbarrier.arrive $0xFFFF  }
0x96: {  	v1 =	vld [tilespmem:$0x11E40]  }
0x97: {  	v2 =	vld [tilespmem:$0x11E50]  }
0x98: {  	s30 =	smov.u32 s26;
	s25 =	simm.s32 $0x0;
	s26 =	simm.s32 $0x9C40;
	v3 =	vld [tilespmem:$0x11E60]  }
0x99: {  	v4 =	vld [tilespmem:$0x11E70];
	[tilespmem:s26], [sflag:$0x1] =	stream.indirect.gather [hbm4b:s22+s31], $0x40, s25, s31, $0xb8  }
0x9a: {  	s7 =	simm.s32 $0xA640;
	s3 =	simm.s32 $0x4E20  }
0x9b: {  	[tilespmem:s7], [sflag:$0x1] =	stream.indirect.gather [hbm4b:s23+s31], $0x40, s3, s31, $0xb8;
	[tilespmem:$0x1F0D0] =	vst v63  }
0x9c: {  	_ = 	snop  }
0x9d: {  	[tilespmem:s1], [sflag:$0x2] =	stream.indirect.gather [hbm4b:s22+s31], $0x40, s31, s31, $0xb8;
	[tilespmem:$0x1F0D0] =	vst v63  }
0x9e: {  	s20 =	simm.s32 $0x4E48  }
0x9f: {  	[tilespmem:s4], [sflag:$0x2] =	stream.indirect.gather [hbm4b:s23+s31], $0x40, s20, s31, $0xb8;
	[tilespmem:$0x1F0D0] =	vst v63  }
0xa0: {  	s21 =	simm.s32 $0x50  }
0xa1: {  	[tilespmem:s5], [sflag:$0x3] =	stream.indirect.gather [hbm4b:s22+s31], $0x40, s21, s31, $0xb8;
	[tilespmem:$0x1F0D0] =	vst v63  }
0xa2: {  	s7 =	simm.s32 $0x4E70  }
0xa3: {  	[tilespmem:s6], [sflag:$0x3] =	stream.indirect.gather [hbm4b:s23+s31], $0x40, s7, s31, $0xb8;
	[tilespmem:$0x1F0D0] =	vst v63  }
0xa4: {  	s20 =	simm.s32 $0x78  }
0xa5: {  	[tilespmem:s8], [sflag:$0x4] =	stream.indirect.gather [hbm4b:s22+s31], $0x40, s20, s31, $0xb8;
	[tilespmem:$0x1F0D0] =	vst v63  }
0xa6: {  	s24 =	smov.u32 s0;
	s0 =	simm.s32 $0xA640;
	s21 =	simm.s32 $0x4E98  }
0xa7: {  	[tilespmem:s9], [sflag:$0x4] =	stream.indirect.gather [hbm4b:s23+s31], $0x40, s21, s31, $0xb8;
	[tilespmem:$0x1F0D0] =	vst v63  }
.LBB2_4:
0xa8: {  	p1 =	seq.s32 s25, $0x0  }
0xa9: {  	s3 =	simm.s32 @!p1 $0x5  }
0xaa: {  	_ =	swait.ge @!p1 [sflag:s3], $0xC80  }
0xab: {  	[sflag:s3] =	ssyncset.done @!p1 $0x0  }
0xac: {  	[sflag:s3] =	ssyncadd.s32 @!p1 $0xFFFFF380  }
0xad: {  	_ =	swait.ge [sflag:s10], $0xA00  }
0xae: {  	[sflag:s10] =	ssyncset.done $0x0  }
0xaf: {  	[sflag:s10] =	ssyncadd.s32 $0xFFFFF600  }
0xb0: {  	_ =	swait.ge [sflag:s10], $0xA00  }
0xb1: {  	[sflag:s10] =	ssyncset.done $0x0  }
0xb2: {  	s21 =	simm.s32 $0xB0E0;
	s3 =	simm.s32 $0x0;
	[sflag:s10] =	ssyncadd.s32 $0xFFFFF600  }
.LBB2_5:
0xb3: {  	s7 =	sshra.s32 s3, $0x2  }
0xb4: {  	v20 =	vld [tilespmem:s7+$0x9C40]  }
0xb5: {  	v5 =	vld [tilespmem:s7+$0xA640]  }
0xb6: {  	v19 =	vld [tilespmem:s7+$0x9C50]  }
0xb7: {  	v16 =	vld [tilespmem:s7+$0x9C60]  }
0xb8: {  	v17 =	vld [tilespmem:s7+$0x9C70]  }
0xb9: {  	v14 =	vld [tilespmem:s7+$0x9C80]  }
0xba: {  	v13 =	vld [tilespmem:s7+$0x9C90]  }
0xbb: {  	v11 =	vld [tilespmem:s7+$0x9CA0]  }
0xbc: {  	v12 =	vld [tilespmem:s7+$0x9CB0]  }
0xbd: {  	v10 =	vld [tilespmem:s7+$0x9CC0]  }
0xbe: {  	v9 =	vld [tilespmem:s7+$0x9CD0]  }
0xbf: {  	v8 =	vld [tilespmem:s7+$0x9CE0]  }
0xc0: {  	v7 =	vld [tilespmem:s7+$0x9CF0]  }
0xc1: {  	v15 =	vld [tilespmem:s7+$0xA650]  }
0xc2: {  	v18 =	vld [tilespmem:s7+$0xA660]  }
0xc3: {  	v21 =	vld [tilespmem:s7+$0xA670];
	v5 =	vadd.f32 v5, v20  }
0xc4: {  	v22 =	vld [tilespmem:s7+$0xA680]  }
0xc5: {  	v23 =	vld [tilespmem:s7+$0xA690];
	v6 =	vmul.f32 $2.000000030e-01, v5  }
0xc6: {  	v24 =	vld [tilespmem:s7+$0xA6A0]  }
0xc7: {  	v27 =	vld [tilespmem:s7+$0xA6B0];
	v5 =	vmax.f32 v5, v6  }
0xc8: {  	v29 =	vld [tilespmem:s7+$0xA6C0];
	v5 =	vmul.f32 v5, v1  }
0xc9: {  	v30 =	vld [tilespmem:s7+$0xA6D0]  }
0xca: {  	v43 =	vld [tilespmem:s7+$0xA6E0];
	v15 =	vadd.f32 v15, v19;
	(xrf2) =	vadd.scan.msk.f32 $0xffff, v5  }
0xcb: {  	v33 =	vld [tilespmem:s7+$0xA6F0];
	v18 =	vadd.f32 v18, v16;
	v21 =	vadd.f32 v21, v17  }
0xcc: {  	v22 =	vadd.f32 v22, v14;
	v23 =	vadd.f32 v23, v13  }
0xcd: {  	v24 =	vadd.f32 v24, v11;
	v27 =	vadd.f32 v27, v12  }
0xce: {  	v35 =	vld [tilespmem:s7+$0xA700];
	v29 =	vadd.f32 v29, v10;
	v30 =	vadd.f32 v30, v9  }
0xcf: {  	v46 =	vld [tilespmem:s7+$0xA710];
	v51 =	vadd.f32 v43, v8;
	v26 =	vmul.f32 $2.000000030e-01, v15;
	v28 =	vmul.f32 $2.000000030e-01, v18  }
0xd0: {  	v48 =	vld [tilespmem:s7+$0xA720];
	v57 =	vadd.f32 v33, v7;
	v41 =	vmul.f32 $2.000000030e-01, v21;
	v42 =	vmul.f32 $2.000000030e-01, v22  }
0xd1: {  	v52 =	vld [tilespmem:s7+$0xA730];
	v44 =	vmul.f32 $2.000000030e-01, v23;
	v34 =	vmul.f32 $2.000000030e-01, v24;
	v15 =	vmax.f32 v15, v26  }
0xd2: {  	v45 =	vmul.f32 $2.000000030e-01, v27;
	v6 =	vld [tilespmem:s7+$0x9D00];
	v18 =	vmax.f32 v18, v28;
	v31 =	vmul.f32 v15, v2  }
0xd3: {  	v47 =	vmul.f32 $2.000000030e-01, v29;
	v21 =	vmax.f32 v21, v41;
	v15 =	vld [tilespmem:s7+$0x9D20];
	v32 =	vmul.f32 v18, v3  }
0xd4: {  	v50 =	vmul.f32 $2.000000030e-01, v30;
	v21 =	vmul.f32 v21, v4;
	v18 =	vld [tilespmem:s7+$0x9D30];
	v25, _, _ =	vpop (xrf2);
	(xrf2) =	vadd.scan.msk.f32 $0xffff, v31  }
0xd5: {  	v56 =	vmul.f32 $2.000000030e-01, v51;
	v61 =	vmul.f32 $2.000000030e-01, v57;
	v22 =	vmax.f32 v22, v42;
	v5 =	vld [tilespmem:s7+$0x9D10];
	(xrf2) =	vadd.scan.msk.f32 $0xffff, v32  }
0xd6: {  	v23 =	vmax.f32 v23, v44;
	v24 =	vmax.f32 v24, v34;
	v22 =	vmul.f32 v22, v1;
	(xrf2) =	vadd.scan.msk.f32 $0xffff, v21  }
0xd7: {  	v49 =	vmax.f32 v27, v45;
	v54 =	vmax.f32 v29, v47;
	v23 =	vmul.f32 v23, v2  }
0xd8: {  	v55 =	vmax.f32 v30, v50;
	v53 =	vmul.f32 v24, v3;
	v59 =	vadd.f32 v35, v6;
	(xrf2) =	vadd.scan.msk.f32 $0xffff, v22  }
0xd9: {  	v33 =	vadd.f32 v48, v15;
	v28 =	vadd.f32 v52, v18;
	v21 =	vmul.f32 v49, v4;
	(xrf2) =	vadd.scan.msk.f32 $0xffff, v23  }
0xda: {  	v58 =	vmul.f32 v54, v1;
	v63 =	vmul.f32 $2.000000030e-01, v59;
	v62 =	vadd.f32 v46, v5;
	(xrf2) =	vadd.scan.msk.f32 $0xffff, v53  }
0xdb: {  	v60 =	vmax.f32 v51, v56;
	v37 =	vmul.f32 $2.000000030e-01, v33;
	v41 =	vmul.f32 $2.000000030e-01, v28;
	(xrf2) =	vadd.scan.msk.f32 $0xffff, v21  }
0xdc: {  	v36 =	vmax.f32 v59, v63;
	v35 =	vmul.f32 $2.000000030e-01, v62;
	v23 =	vmul.f32 v55, v2  }
0xdd: {  	v34 =	vmax.f32 v57, v61;
	v39 =	vmul.f32 v36, v1;
	v21 =	vmul.f32 v60, v3;
	(xrf2) =	vadd.scan.msk.f32 $0xffff, v58  }
0xde: {  	v45 =	vmax.f32 v33, v37;
	v25 =	vbroadcast v25, $0xF;
	v22 =	vmul.f32 v34, v4;
	(xrf2) =	vadd.scan.msk.f32 $0xffff, v23;
	v38, _, _ =	vpop (xrf2)  }
0xdf: {  	v48 =	vmul.f32 v45, v3;
	v40 =	vmax.f32 v62, v35;
	(xrf2) =	vadd.scan.msk.f32 $0xffff, v21;
	v42 =	vbroadcast v38, $0xF;
	v43, _, _ =	vpop (xrf2)  }
0xe0: {  	v44 =	vmul.f32 v40, v2;
	v25 =	vnsel vm0, $0x0, v25;
	(xrf2) =	vadd.scan.msk.f32 $0xffff, v22;
	v46 =	vbroadcast v43, $0xF;
	v47, _, _ =	vpop (xrf2)  }
0xe1: {  	v49 =	vmax.f32 v28, v41;
	(xrf2) =	vadd.scan.msk.f32 $0xffff, v39;
	v25 =	vsel vm1, v25, v42;
	v50 =	vbroadcast v47, $0xF  }
0xe2: {  	v52 =	vmul.f32 v49, v4;
	v51, _, _ =	vpop (xrf2);
	(xrf2) =	vadd.scan.msk.f32 $0xffff, v44;
	v53 =	vsel vm2, v25, v46  }
0xe3: {  	v54 =	vbroadcast v51, $0xF;
	v55, _, _ =	vpop (xrf2);
	(xrf2) =	vadd.scan.msk.f32 $0xffff, v48;
	v56 =	vsel vm3, v53, v50  }
0xe4: {  	v57 =	vbroadcast v55, $0xF;
	v58, _, _ =	vpop (xrf2);
	(xrf2) =	vadd.scan.msk.f32 $0xffff, v52;
	v21 =	vmul.f32 $1.442695020e+00, v56  }
0xe5: {  	v59, _, _ =	vpop (xrf2);
	v24 =	vnsel vm0, $0x0, v54;
	v25 =	vbroadcast v58, $0xF  }
0xe6: {  	v23 =	vsel vm1, v24, v57;
	v22 =	vbroadcast v59, $0xF;
	(erf) = vpow2.f32 v21  }
0xe7: {  	v60, _, _ =	vpop (xrf2);
	v61 =	vsel vm2, v23, v25  }
0xe8: {  	v62, _, _ =	vpop (xrf2);
	v24 =	vbroadcast v60, $0xF;
	v21 =	vsel vm3, v61, v22  }
0xe9: {  	v23 =	vbroadcast v62, $0xF;
	v63, _, _ =	vpop (xrf2);
	v21 =	vmul.f32 $1.442695020e+00, v21  }
0xea: {  	v30 =	vnsel vm0, $0x0, v24;
	v28, _, _ =	vpop (xrf2);
	v22 =	vbroadcast v63, $0xF  }
0xeb: {  	v29, _, _ =	vpop (xrf2);
	(erf) = vpow2.f32 v21;
	v21 =	vsel vm1, v30, v23;
	v32 =	vbroadcast v28, $0xF  }
0xec: {  	v31, _, _ =	vpop (xrf2);
	v33 =	vbroadcast v29, $0xF;
	v21 =	vsel vm2, v21, v22  }
0xed: {  	v34, _, _ =	vpop (xrf2);
	v35 =	vbroadcast v31, $0xF;
	v21 =	vsel vm3, v21, v32  }
0xee: {  	v36 =	vnsel vm0, $0x0, v33;
	v37 =	vbroadcast v34, $0xF;
	v38, _, _ =	vpop (xrf2);
	v21 =	vmul.f32 $1.442695020e+00, v21  }
0xef: {  	v22 =	vsel vm1, v36, v35;
	v39 =	vbroadcast v38, $0xF;
	v40 =	vpop (erf)  }
0xf0: {  	v22 =	vsel vm2, v22, v37;
	(erf) = vpow2.f32 v21;
	v42 =	vbroadcast v40, $0x0  }
0xf1: {  	v41 =	vsel vm3, v22, v39;
	v43 =	vbroadcast v40, $0x1;
	v45 =	vbroadcast v40, $0x2  }
0xf2: {  	v44 =	vnsel vm4, $0x0, v40;
	v46 =	vbroadcast v40, $0x3;
	v20 =	vmul.f32 v42, v20  }
0xf3: {  	v21 =	vmul.f32 $1.442695020e+00, v41;
	[tilespmem:s21+$0xFFFFFFA0] =	vst v44;
	v19 =	vmul.f32 v43, v19  }
0xf4: {  	v16 =	vmul.f32 v45, v16;
	v17 =	vmul.f32 v46, v17;
	v47 =	vpop (erf);
	[tilespmem:s21+$0xFFFFFF60] =	vst v20  }
0xf5: {  	(erf) = vpow2.f32 v21;
	[tilespmem:s21+$0xFFFFFF70] =	vst v19;
	v48 =	vbroadcast v47, $0x0  }
0xf6: {  	[tilespmem:s21+$0xFFFFFF80] =	vst v16;
	v49 =	vbroadcast v47, $0x1  }
0xf7: {  	v50 =	vnsel vm4, $0x0, v47;
	[tilespmem:s21+$0xFFFFFF90] =	vst v17;
	v51 =	vbroadcast v47, $0x2;
	v14 =	vmul.f32 v48, v14  }
0xf8: {  	v52 =	vbroadcast v47, $0x3;
	[tilespmem:s21+$0xFFFFFFF0] =	vst v50;
	v13 =	vmul.f32 v49, v13  }
0xf9: {  	v11 =	vmul.f32 v51, v11;
	v53 =	vpop (erf);
	[tilespmem:s21+$0xFFFFFFB0] =	vst v14  }
0xfa: {  	v12 =	vmul.f32 v52, v12;
	[tilespmem:s21+$0xFFFFFFC0] =	vst v13;
	v54 =	vbroadcast v53, $0x0  }
0xfb: {  	[tilespmem:s21+$0xFFFFFFD0] =	vst v11;
	v55 =	vbroadcast v53, $0x1  }
0xfc: {  	[tilespmem:s21+$0xFFFFFFE0] =	vst v12;
	v56 =	vnsel vm4, $0x0, v53;
	v57 =	vbroadcast v53, $0x2;
	v10 =	vmul.f32 v54, v10  }
0xfd: {  	v58 =	vbroadcast v53, $0x3;
	[tilespmem:s21+$0x40] =	vst v56;
	v9 =	vmul.f32 v55, v9  }
0xfe: {  	v8 =	vmul.f32 v57, v8;
	v59 =	vpop (erf);
	[tilespmem:s21+$0x0] =	vst v10  }
0xff: {  	v7 =	vmul.f32 v58, v7;
	[tilespmem:s21+$0x10] =	vst v9;
	v60 =	vbroadcast v59, $0x0  }
0x100: {  	[tilespmem:s21+$0x20] =	vst v8;
	v61 =	vbroadcast v59, $0x1  }
0x101: {  	p2 =	sne.s32 s3, $0x2400;
	v62 =	vnsel vm4, $0x0, v59;
	[tilespmem:s21+$0x30] =	vst v7;
	v7 =	vbroadcast v59, $0x2;
	v6 =	vmul.f32 v60, v6  }
.Ltmp3:
0x102: {  	v63 =	vbroadcast v59, $0x3;
	[tilespmem:s21+$0x90] =	vst v62;
	v5 =	vmul.f32 v61, v5;
	(pc) =	sbr.rel @p2 .LBB2_5-.Ltmp3, $4  }
0x103: {  	[tilespmem:s21+$0x50] =	vst v6;
	v6 =	vmul.f32 v7, v15  }
0x104: {  	[tilespmem:s21+$0x60] =	vst v5;
	v5 =	vmul.f32 v63, v18  }
0x105: {  	[tilespmem:s21+$0x70] =	vst v6  }
0x106: {  	s3 =	sadd.s32 $0x400, s3;
	[tilespmem:s21+$0x80] =	vst v5;
	s21 =	sadd.s32 $0x140, s21  }
0x107: {  	p2 =	sne.s32 s25, $0x7C  }
.Ltmp4:
0x108: {  	_ = 	snop;
	(pc) =	sbr.rel @p2 .LBB2_8-.Ltmp4, $1  }
0x109: {  	_ =	sdelay $0x3  }
.Ltmp5:
0x10a: {  	(pc) =	sbr.rel .LBB2_9-.Ltmp5, $3  }
0x10b: {  	_ =	sdelay $0x1  }
0x10c: {  	s21 =	simm.s32 $0x9BA0  }
0x10d: {  	[spmem:s2] =	stream.indirect.scatter.add.f32 [tilespmem:s11], [sflag:$0x5], $0x50, s21, s31, $0xb8;
	[tilespmem:$0x1F0D0] =	vst v63  }
.LBB2_8:
0x10e: {  	s3 =	smul.u32 $0xA0, s25;
	_ =	sdelay $0x1  }
0x10f: {  	s20 =	smul.u32 $0x280, s25;
	s7 =	sadd.s32 $0xA0, s3  }
0x110: {  	[tilespmem:s26], [sflag:$0x1] =	stream.indirect.gather [hbm4b:s22+s31], $0x40, s7, s31, $0xb8;
	[tilespmem:$0x1F0D0] =	vst v63  }
.Ltmp6:
0x111: {  	_ = 	snop;
	(pc) =	sbr.rel @p1 .LBB2_10-.Ltmp6, $4  }
0x112: {  	s3 =	sadd.s32 $0x4EC0, s3;
	s21 =	sshra.s32 s20, $0x2  }
0x113: {  	[tilespmem:s0], [sflag:$0x1] =	stream.indirect.gather [hbm4b:s23+s31], $0x40, s3, s31, $0xb8;
	[tilespmem:$0x1F0D0] =	vst v63  }
0x114: {  	s21 =	sadd.s32 $0x4E20, s21  }
0x115: {  	[spmem:s2] =	stream.indirect.scatter.add.f32 [tilespmem:s11], [sflag:$0x5], $0x50, s21, s31, $0xb8;
	[tilespmem:$0x1F0D0] =	vst v63  }
.LBB2_9:
0x116: {  	_ =	swait.ge [sflag:s12], $0xC80  }
0x117: {  	[sflag:s12] =	ssyncset.done $0x0  }
0x118: {  	[sflag:s12] =	ssyncadd.s32 $0xFFFFF380  }
.LBB2_10:
0x119: {  	_ =	swait.ge [sflag:s13], $0xA00  }
0x11a: {  	[sflag:s13] =	ssyncset.done $0x0  }
0x11b: {  	[sflag:s13] =	ssyncadd.s32 $0xFFFFF600  }
0x11c: {  	_ =	swait.ge [sflag:s13], $0xA00  }
0x11d: {  	[sflag:s13] =	ssyncset.done $0x0  }
0x11e: {  	s3 =	simm.s32 $0x0;
	s7 =	simm.s32 $0xD160;
	[sflag:s13] =	ssyncadd.s32 $0xFFFFF600  }
.LBB2_11:
0x11f: {  	s20 =	sshra.s32 s3, $0x2  }
0x120: {  	v20 =	vld [tilespmem:s20+$0xBCC0]  }
0x121: {  	v5 =	vld [tilespmem:s20+$0xC6C0]  }
0x122: {  	v19 =	vld [tilespmem:s20+$0xBCD0]  }
0x123: {  	v16 =	vld [tilespmem:s20+$0xBCE0]  }
0x124: {  	v17 =	vld [tilespmem:s20+$0xBCF0]  }
0x125: {  	v14 =	vld [tilespmem:s20+$0xBD00]  }
0x126: {  	v13 =	vld [tilespmem:s20+$0xBD10]  }
0x127: {  	v11 =	vld [tilespmem:s20+$0xBD20]  }
0x128: {  	v12 =	vld [tilespmem:s20+$0xBD30]  }
0x129: {  	v10 =	vld [tilespmem:s20+$0xBD40]  }
0x12a: {  	v9 =	vld [tilespmem:s20+$0xBD50]  }
0x12b: {  	v8 =	vld [tilespmem:s20+$0xBD60]  }
0x12c: {  	v7 =	vld [tilespmem:s20+$0xBD70]  }
0x12d: {  	v15 =	vld [tilespmem:s20+$0xC6D0]  }
0x12e: {  	v18 =	vld [tilespmem:s20+$0xC6E0]  }
0x12f: {  	v21 =	vld [tilespmem:s20+$0xC6F0];
	v5 =	vadd.f32 v5, v20  }
0x130: {  	v22 =	vld [tilespmem:s20+$0xC700]  }
0x131: {  	v23 =	vld [tilespmem:s20+$0xC710];
	v6 =	vmul.f32 $2.000000030e-01, v5  }
0x132: {  	v24 =	vld [tilespmem:s20+$0xC720]  }
0x133: {  	v27 =	vld [tilespmem:s20+$0xC730];
	v5 =	vmax.f32 v5, v6  }
0x134: {  	v29 =	vld [tilespmem:s20+$0xC740];
	v5 =	vmul.f32 v5, v1  }
0x135: {  	v30 =	vld [tilespmem:s20+$0xC750]  }
0x136: {  	v43 =	vld [tilespmem:s20+$0xC760];
	v15 =	vadd.f32 v15, v19;
	(xrf2) =	vadd.scan.msk.f32 $0xffff, v5  }
0x137: {  	v33 =	vld [tilespmem:s20+$0xC770];
	v18 =	vadd.f32 v18, v16;
	v21 =	vadd.f32 v21, v17  }
0x138: {  	v22 =	vadd.f32 v22, v14;
	v23 =	vadd.f32 v23, v13  }
0x139: {  	v24 =	vadd.f32 v24, v11;
	v27 =	vadd.f32 v27, v12  }
0x13a: {  	v35 =	vld [tilespmem:s20+$0xC780];
	v29 =	vadd.f32 v29, v10;
	v30 =	vadd.f32 v30, v9  }
0x13b: {  	v46 =	vld [tilespmem:s20+$0xC790];
	v51 =	vadd.f32 v43, v8;
	v26 =	vmul.f32 $2.000000030e-01, v15;
	v28 =	vmul.f32 $2.000000030e-01, v18  }
0x13c: {  	v48 =	vld [tilespmem:s20+$0xC7A0];
	v57 =	vadd.f32 v33, v7;
	v41 =	vmul.f32 $2.000000030e-01, v21;
	v42 =	vmul.f32 $2.000000030e-01, v22  }
0x13d: {  	v52 =	vld [tilespmem:s20+$0xC7B0];
	v44 =	vmul.f32 $2.000000030e-01, v23;
	v34 =	vmul.f32 $2.000000030e-01, v24;
	v15 =	vmax.f32 v15, v26  }
0x13e: {  	v45 =	vmul.f32 $2.000000030e-01, v27;
	v6 =	vld [tilespmem:s20+$0xBD80];
	v18 =	vmax.f32 v18, v28;
	v31 =	vmul.f32 v15, v2  }
0x13f: {  	v47 =	vmul.f32 $2.000000030e-01, v29;
	v21 =	vmax.f32 v21, v41;
	v15 =	vld [tilespmem:s20+$0xBDA0];
	v32 =	vmul.f32 v18, v3  }
0x140: {  	v50 =	vmul.f32 $2.000000030e-01, v30;
	v21 =	vmul.f32 v21, v4;
	v18 =	vld [tilespmem:s20+$0xBDB0];
	v25, _, _ =	vpop (xrf2);
	(xrf2) =	vadd.scan.msk.f32 $0xffff, v31  }
0x141: {  	v56 =	vmul.f32 $2.000000030e-01, v51;
	v61 =	vmul.f32 $2.000000030e-01, v57;
	v22 =	vmax.f32 v22, v42;
	v5 =	vld [tilespmem:s20+$0xBD90];
	(xrf2) =	vadd.scan.msk.f32 $0xffff, v32  }
0x142: {  	v23 =	vmax.f32 v23, v44;
	v24 =	vmax.f32 v24, v34;
	v22 =	vmul.f32 v22, v1;
	(xrf2) =	vadd.scan.msk.f32 $0xffff, v21  }
0x143: {  	v49 =	vmax.f32 v27, v45;
	v54 =	vmax.f32 v29, v47;
	v23 =	vmul.f32 v23, v2  }
0x144: {  	v55 =	vmax.f32 v30, v50;
	v53 =	vmul.f32 v24, v3;
	v59 =	vadd.f32 v35, v6;
	(xrf2) =	vadd.scan.msk.f32 $0xffff, v22  }
0x145: {  	v33 =	vadd.f32 v48, v15;
	v28 =	vadd.f32 v52, v18;
	v21 =	vmul.f32 v49, v4;
	(xrf2) =	vadd.scan.msk.f32 $0xffff, v23  }
0x146: {  	v58 =	vmul.f32 v54, v1;
	v63 =	vmul.f32 $2.000000030e-01, v59;
	v62 =	vadd.f32 v46, v5;
	(xrf2) =	vadd.scan.msk.f32 $0xffff, v53  }
0x147: {  	v60 =	vmax.f32 v51, v56;
	v37 =	vmul.f32 $2.000000030e-01, v33;
	v41 =	vmul.f32 $2.000000030e-01, v28;
	(xrf2) =	vadd.scan.msk.f32 $0xffff, v21  }
0x148: {  	v36 =	vmax.f32 v59, v63;
	v35 =	vmul.f32 $2.000000030e-01, v62;
	v23 =	vmul.f32 v55, v2  }
0x149: {  	v34 =	vmax.f32 v57, v61;
	v39 =	vmul.f32 v36, v1;
	v21 =	vmul.f32 v60, v3;
	(xrf2) =	vadd.scan.msk.f32 $0xffff, v58  }
0x14a: {  	v45 =	vmax.f32 v33, v37;
	v25 =	vbroadcast v25, $0xF;
	v22 =	vmul.f32 v34, v4;
	(xrf2) =	vadd.scan.msk.f32 $0xffff, v23;
	v38, _, _ =	vpop (xrf2)  }
0x14b: {  	v48 =	vmul.f32 v45, v3;
	v40 =	vmax.f32 v62, v35;
	(xrf2) =	vadd.scan.msk.f32 $0xffff, v21;
	v42 =	vbroadcast v38, $0xF;
	v43, _, _ =	vpop (xrf2)  }
0x14c: {  	v44 =	vmul.f32 v40, v2;
	v25 =	vnsel vm0, $0x0, v25;
	(xrf2) =	vadd.scan.msk.f32 $0xffff, v22;
	v46 =	vbroadcast v43, $0xF;
	v47, _, _ =	vpop (xrf2)  }
0x14d: {  	v49 =	vmax.f32 v28, v41;
	(xrf2) =	vadd.scan.msk.f32 $0xffff, v39;
	v25 =	vsel vm1, v25, v42;
	v50 =	vbroadcast v47, $0xF  }
0x14e: {  	v52 =	vmul.f32 v49, v4;
	v51, _, _ =	vpop (xrf2);
	(xrf2) =	vadd.scan.msk.f32 $0xffff, v44;
	v53 =	vsel vm2, v25, v46  }
0x14f: {  	v54 =	vbroadcast v51, $0xF;
	v55, _, _ =	vpop (xrf2);
	(xrf2) =	vadd.scan.msk.f32 $0xffff, v48;
	v56 =	vsel vm3, v53, v50  }
0x150: {  	v57 =	vbroadcast v55, $0xF;
	v58, _, _ =	vpop (xrf2);
	(xrf2) =	vadd.scan.msk.f32 $0xffff, v52;
	v21 =	vmul.f32 $1.442695020e+00, v56  }
0x151: {  	v59, _, _ =	vpop (xrf2);
	v24 =	vnsel vm0, $0x0, v54;
	v25 =	vbroadcast v58, $0xF  }
0x152: {  	v23 =	vsel vm1, v24, v57;
	v22 =	vbroadcast v59, $0xF;
	(erf) = vpow2.f32 v21  }
0x153: {  	v60, _, _ =	vpop (xrf2);
	v61 =	vsel vm2, v23, v25  }
0x154: {  	v62, _, _ =	vpop (xrf2);
	v24 =	vbroadcast v60, $0xF;
	v21 =	vsel vm3, v61, v22  }
0x155: {  	v23 =	vbroadcast v62, $0xF;
	v63, _, _ =	vpop (xrf2);
	v21 =	vmul.f32 $1.442695020e+00, v21  }
0x156: {  	v30 =	vnsel vm0, $0x0, v24;
	v28, _, _ =	vpop (xrf2);
	v22 =	vbroadcast v63, $0xF  }
0x157: {  	v29, _, _ =	vpop (xrf2);
	(erf) = vpow2.f32 v21;
	v21 =	vsel vm1, v30, v23;
	v32 =	vbroadcast v28, $0xF  }
0x158: {  	v31, _, _ =	vpop (xrf2);
	v33 =	vbroadcast v29, $0xF;
	v21 =	vsel vm2, v21, v22  }
0x159: {  	v34, _, _ =	vpop (xrf2);
	v35 =	vbroadcast v31, $0xF;
	v21 =	vsel vm3, v21, v32  }
0x15a: {  	v36 =	vnsel vm0, $0x0, v33;
	v37 =	vbroadcast v34, $0xF;
	v38, _, _ =	vpop (xrf2);
	v21 =	vmul.f32 $1.442695020e+00, v21  }
0x15b: {  	v22 =	vsel vm1, v36, v35;
	v39 =	vbroadcast v38, $0xF;
	v40 =	vpop (erf)  }
0x15c: {  	v22 =	vsel vm2, v22, v37;
	(erf) = vpow2.f32 v21;
	v42 =	vbroadcast v40, $0x0  }
0x15d: {  	v41 =	vsel vm3, v22, v39;
	v43 =	vbroadcast v40, $0x1;
	v45 =	vbroadcast v40, $0x2  }
0x15e: {  	v44 =	vnsel vm4, $0x0, v40;
	v46 =	vbroadcast v40, $0x3;
	v20 =	vmul.f32 v42, v20  }
0x15f: {  	v21 =	vmul.f32 $1.442695020e+00, v41;
	[tilespmem:s7+$0xFFFFFFA0] =	vst v44;
	v19 =	vmul.f32 v43, v19  }
0x160: {  	v16 =	vmul.f32 v45, v16;
	v17 =	vmul.f32 v46, v17;
	v47 =	vpop (erf);
	[tilespmem:s7+$0xFFFFFF60] =	vst v20  }
0x161: {  	(erf) = vpow2.f32 v21;
	[tilespmem:s7+$0xFFFFFF70] =	vst v19;
	v48 =	vbroadcast v47, $0x0  }
0x162: {  	[tilespmem:s7+$0xFFFFFF80] =	vst v16;
	v49 =	vbroadcast v47, $0x1  }
0x163: {  	v50 =	vnsel vm4, $0x0, v47;
	[tilespmem:s7+$0xFFFFFF90] =	vst v17;
	v51 =	vbroadcast v47, $0x2;
	v14 =	vmul.f32 v48, v14  }
0x164: {  	v52 =	vbroadcast v47, $0x3;
	[tilespmem:s7+$0xFFFFFFF0] =	vst v50;
	v13 =	vmul.f32 v49, v13  }
0x165: {  	v11 =	vmul.f32 v51, v11;
	v53 =	vpop (erf);
	[tilespmem:s7+$0xFFFFFFB0] =	vst v14  }
0x166: {  	v12 =	vmul.f32 v52, v12;
	[tilespmem:s7+$0xFFFFFFC0] =	vst v13;
	v54 =	vbroadcast v53, $0x0  }
0x167: {  	[tilespmem:s7+$0xFFFFFFD0] =	vst v11;
	v55 =	vbroadcast v53, $0x1  }
0x168: {  	[tilespmem:s7+$0xFFFFFFE0] =	vst v12;
	v56 =	vnsel vm4, $0x0, v53;
	v57 =	vbroadcast v53, $0x2;
	v10 =	vmul.f32 v54, v10  }
0x169: {  	v58 =	vbroadcast v53, $0x3;
	[tilespmem:s7+$0x40] =	vst v56;
	v9 =	vmul.f32 v55, v9  }
0x16a: {  	v8 =	vmul.f32 v57, v8;
	v59 =	vpop (erf);
	[tilespmem:s7+$0x0] =	vst v10  }
0x16b: {  	v7 =	vmul.f32 v58, v7;
	[tilespmem:s7+$0x10] =	vst v9;
	v60 =	vbroadcast v59, $0x0  }
0x16c: {  	[tilespmem:s7+$0x20] =	vst v8;
	v61 =	vbroadcast v59, $0x1  }
0x16d: {  	p3 =	sne.s32 s3, $0x2400;
	v62 =	vnsel vm4, $0x0, v59;
	[tilespmem:s7+$0x30] =	vst v7;
	v7 =	vbroadcast v59, $0x2;
	v6 =	vmul.f32 v60, v6  }
.Ltmp7:
0x16e: {  	v63 =	vbroadcast v59, $0x3;
	[tilespmem:s7+$0x90] =	vst v62;
	v5 =	vmul.f32 v61, v5;
	(pc) =	sbr.rel @p3 .LBB2_11-.Ltmp7, $4  }
0x16f: {  	[tilespmem:s7+$0x50] =	vst v6;
	v6 =	vmul.f32 v7, v15  }
0x170: {  	[tilespmem:s7+$0x60] =	vst v5;
	v5 =	vmul.f32 v63, v18  }
0x171: {  	[tilespmem:s7+$0x70] =	vst v6  }
0x172: {  	s3 =	sadd.s32 $0x400, s3;
	[tilespmem:s7+$0x80] =	vst v5;
	s7 =	sadd.s32 $0x140, s7  }
.Ltmp8:
0x173: {  	(pc) =	sbr.rel @p2 .LBB2_14-.Ltmp8, $2  }
0x174: {  	_ =	sdelay $0x2  }
0x175: {  	s3 =	sadd.s32 $0x28, s21  }
.Ltmp9:
0x176: {  	(pc) =	sbr.rel .LBB2_15-.Ltmp9, $2  }
0x177: {  	_ =	sdelay $0x2  }
0x178: {  	[spmem:s2] =	stream.indirect.scatter.add.f32 [tilespmem:s29], [sflag:$0x6], $0x50, s3, s31, $0xb8;
	[tilespmem:$0x1F0D0] =	vst v63  }
.LBB2_14:
0x179: {  	s7 =	smul.u32 $0xA0, s25;
	_ =	sdelay $0x1  }
0x17a: {  	s20 =	sadd.s32 $0xC8, s7  }
0x17b: {  	[tilespmem:s1], [sflag:$0x2] =	stream.indirect.gather [hbm4b:s22+s31], $0x40, s20, s31, $0xb8;
	[tilespmem:$0x1F0D0] =	vst v63  }
.Ltmp10:
0x17c: {  	_ = 	snop;
	(pc) =	sbr.rel @p1 .LBB2_16-.Ltmp10, $4  }
0x17d: {  	s7 =	sadd.s32 $0x4EE8, s7  }
0x17e: {  	[tilespmem:s4], [sflag:$0x2] =	stream.indirect.gather [hbm4b:s23+s31], $0x40, s7, s31, $0xb8;
	[tilespmem:$0x1F0D0] =	vst v63  }
0x17f: {  	_ = 	snop  }
0x180: {  	[spmem:s2] =	stream.indirect.scatter.add.f32 [tilespmem:s29], [sflag:$0x6], $0x50, s3, s31, $0xb8;
	[tilespmem:$0x1F0D0] =	vst v63  }
.LBB2_15:
0x181: {  	_ =	swait.ge [sflag:s14], $0xC80  }
0x182: {  	[sflag:s14] =	ssyncset.done $0x0  }
0x183: {  	[sflag:s14] =	ssyncadd.s32 $0xFFFFF380  }
.LBB2_16:
0x184: {  	_ =	swait.ge [sflag:s15], $0xA00  }
0x185: {  	[sflag:s15] =	ssyncset.done $0x0  }
0x186: {  	[sflag:s15] =	ssyncadd.s32 $0xFFFFF600  }
0x187: {  	_ =	swait.ge [sflag:s15], $0xA00  }
0x188: {  	[sflag:s15] =	ssyncset.done $0x0  }
0x189: {  	s3 =	simm.s32 $0x0;
	s7 =	simm.s32 $0xF1E0;
	[sflag:s15] =	ssyncadd.s32 $0xFFFFF600  }
.LBB2_17:
0x18a: {  	s20 =	sshra.s32 s3, $0x2  }
0x18b: {  	v20 =	vld [tilespmem:s20+$0xDD40]  }
0x18c: {  	v5 =	vld [tilespmem:s20+$0xE740]  }
0x18d: {  	v19 =	vld [tilespmem:s20+$0xDD50]  }
0x18e: {  	v16 =	vld [tilespmem:s20+$0xDD60]  }
0x18f: {  	v17 =	vld [tilespmem:s20+$0xDD70]  }
0x190: {  	v14 =	vld [tilespmem:s20+$0xDD80]  }
0x191: {  	v13 =	vld [tilespmem:s20+$0xDD90]  }
0x192: {  	v11 =	vld [tilespmem:s20+$0xDDA0]  }
0x193: {  	v12 =	vld [tilespmem:s20+$0xDDB0]  }
0x194: {  	v10 =	vld [tilespmem:s20+$0xDDC0]  }
0x195: {  	v9 =	vld [tilespmem:s20+$0xDDD0]  }
0x196: {  	v8 =	vld [tilespmem:s20+$0xDDE0]  }
0x197: {  	v7 =	vld [tilespmem:s20+$0xDDF0]  }
0x198: {  	v15 =	vld [tilespmem:s20+$0xE750]  }
0x199: {  	v18 =	vld [tilespmem:s20+$0xE760]  }
0x19a: {  	v21 =	vld [tilespmem:s20+$0xE770];
	v5 =	vadd.f32 v5, v20  }
0x19b: {  	v22 =	vld [tilespmem:s20+$0xE780]  }
0x19c: {  	v23 =	vld [tilespmem:s20+$0xE790];
	v6 =	vmul.f32 $2.000000030e-01, v5  }
0x19d: {  	v24 =	vld [tilespmem:s20+$0xE7A0]  }
0x19e: {  	v27 =	vld [tilespmem:s20+$0xE7B0];
	v5 =	vmax.f32 v5, v6  }
0x19f: {  	v29 =	vld [tilespmem:s20+$0xE7C0];
	v5 =	vmul.f32 v5, v1  }
0x1a0: {  	v30 =	vld [tilespmem:s20+$0xE7D0]  }
0x1a1: {  	v43 =	vld [tilespmem:s20+$0xE7E0];
	v15 =	vadd.f32 v15, v19;
	(xrf2) =	vadd.scan.msk.f32 $0xffff, v5  }
0x1a2: {  	v33 =	vld [tilespmem:s20+$0xE7F0];
	v18 =	vadd.f32 v18, v16;
	v21 =	vadd.f32 v21, v17  }
0x1a3: {  	v22 =	vadd.f32 v22, v14;
	v23 =	vadd.f32 v23, v13  }
0x1a4: {  	v24 =	vadd.f32 v24, v11;
	v27 =	vadd.f32 v27, v12  }
0x1a5: {  	v35 =	vld [tilespmem:s20+$0xE800];
	v29 =	vadd.f32 v29, v10;
	v30 =	vadd.f32 v30, v9  }
0x1a6: {  	v46 =	vld [tilespmem:s20+$0xE810];
	v51 =	vadd.f32 v43, v8;
	v26 =	vmul.f32 $2.000000030e-01, v15;
	v28 =	vmul.f32 $2.000000030e-01, v18  }
0x1a7: {  	v48 =	vld [tilespmem:s20+$0xE820];
	v57 =	vadd.f32 v33, v7;
	v41 =	vmul.f32 $2.000000030e-01, v21;
	v42 =	vmul.f32 $2.000000030e-01, v22  }
0x1a8: {  	v52 =	vld [tilespmem:s20+$0xE830];
	v44 =	vmul.f32 $2.000000030e-01, v23;
	v34 =	vmul.f32 $2.000000030e-01, v24;
	v15 =	vmax.f32 v15, v26  }
0x1a9: {  	v45 =	vmul.f32 $2.000000030e-01, v27;
	v6 =	vld [tilespmem:s20+$0xDE00];
	v18 =	vmax.f32 v18, v28;
	v31 =	vmul.f32 v15, v2  }
0x1aa: {  	v47 =	vmul.f32 $2.000000030e-01, v29;
	v21 =	vmax.f32 v21, v41;
	v15 =	vld [tilespmem:s20+$0xDE20];
	v32 =	vmul.f32 v18, v3  }
0x1ab: {  	v50 =	vmul.f32 $2.000000030e-01, v30;
	v21 =	vmul.f32 v21, v4;
	v18 =	vld [tilespmem:s20+$0xDE30];
	v25, _, _ =	vpop (xrf2);
	(xrf2) =	vadd.scan.msk.f32 $0xffff, v31  }
0x1ac: {  	v56 =	vmul.f32 $2.000000030e-01, v51;
	v61 =	vmul.f32 $2.000000030e-01, v57;
	v22 =	vmax.f32 v22, v42;
	v5 =	vld [tilespmem:s20+$0xDE10];
	(xrf2) =	vadd.scan.msk.f32 $0xffff, v32  }
0x1ad: {  	v23 =	vmax.f32 v23, v44;
	v24 =	vmax.f32 v24, v34;
	v22 =	vmul.f32 v22, v1;
	(xrf2) =	vadd.scan.msk.f32 $0xffff, v21  }
0x1ae: {  	v49 =	vmax.f32 v27, v45;
	v54 =	vmax.f32 v29, v47;
	v23 =	vmul.f32 v23, v2  }
0x1af: {  	v55 =	vmax.f32 v30, v50;
	v53 =	vmul.f32 v24, v3;
	v59 =	vadd.f32 v35, v6;
	(xrf2) =	vadd.scan.msk.f32 $0xffff, v22  }
0x1b0: {  	v33 =	vadd.f32 v48, v15;
	v28 =	vadd.f32 v52, v18;
	v21 =	vmul.f32 v49, v4;
	(xrf2) =	vadd.scan.msk.f32 $0xffff, v23  }
0x1b1: {  	v58 =	vmul.f32 v54, v1;
	v63 =	vmul.f32 $2.000000030e-01, v59;
	v62 =	vadd.f32 v46, v5;
	(xrf2) =	vadd.scan.msk.f32 $0xffff, v53  }
0x1b2: {  	v60 =	vmax.f32 v51, v56;
	v37 =	vmul.f32 $2.000000030e-01, v33;
	v41 =	vmul.f32 $2.000000030e-01, v28;
	(xrf2) =	vadd.scan.msk.f32 $0xffff, v21  }
0x1b3: {  	v36 =	vmax.f32 v59, v63;
	v35 =	vmul.f32 $2.000000030e-01, v62;
	v23 =	vmul.f32 v55, v2  }
0x1b4: {  	v34 =	vmax.f32 v57, v61;
	v39 =	vmul.f32 v36, v1;
	v21 =	vmul.f32 v60, v3;
	(xrf2) =	vadd.scan.msk.f32 $0xffff, v58  }
0x1b5: {  	v45 =	vmax.f32 v33, v37;
	v25 =	vbroadcast v25, $0xF;
	v22 =	vmul.f32 v34, v4;
	(xrf2) =	vadd.scan.msk.f32 $0xffff, v23;
	v38, _, _ =	vpop (xrf2)  }
0x1b6: {  	v48 =	vmul.f32 v45, v3;
	v40 =	vmax.f32 v62, v35;
	(xrf2) =	vadd.scan.msk.f32 $0xffff, v21;
	v42 =	vbroadcast v38, $0xF;
	v43, _, _ =	vpop (xrf2)  }
0x1b7: {  	v44 =	vmul.f32 v40, v2;
	v25 =	vnsel vm0, $0x0, v25;
	(xrf2) =	vadd.scan.msk.f32 $0xffff, v22;
	v46 =	vbroadcast v43, $0xF;
	v47, _, _ =	vpop (xrf2)  }
0x1b8: {  	v49 =	vmax.f32 v28, v41;
	(xrf2) =	vadd.scan.msk.f32 $0xffff, v39;
	v25 =	vsel vm1, v25, v42;
	v50 =	vbroadcast v47, $0xF  }
0x1b9: {  	v52 =	vmul.f32 v49, v4;
	v51, _, _ =	vpop (xrf2);
	(xrf2) =	vadd.scan.msk.f32 $0xffff, v44;
	v53 =	vsel vm2, v25, v46  }
0x1ba: {  	v54 =	vbroadcast v51, $0xF;
	v55, _, _ =	vpop (xrf2);
	(xrf2) =	vadd.scan.msk.f32 $0xffff, v48;
	v56 =	vsel vm3, v53, v50  }
0x1bb: {  	v57 =	vbroadcast v55, $0xF;
	v58, _, _ =	vpop (xrf2);
	(xrf2) =	vadd.scan.msk.f32 $0xffff, v52;
	v21 =	vmul.f32 $1.442695020e+00, v56  }
0x1bc: {  	v59, _, _ =	vpop (xrf2);
	v24 =	vnsel vm0, $0x0, v54;
	v25 =	vbroadcast v58, $0xF  }
0x1bd: {  	v23 =	vsel vm1, v24, v57;
	v22 =	vbroadcast v59, $0xF;
	(erf) = vpow2.f32 v21  }
0x1be: {  	v60, _, _ =	vpop (xrf2);
	v61 =	vsel vm2, v23, v25  }
0x1bf: {  	v62, _, _ =	vpop (xrf2);
	v24 =	vbroadcast v60, $0xF;
	v21 =	vsel vm3, v61, v22  }
0x1c0: {  	v23 =	vbroadcast v62, $0xF;
	v63, _, _ =	vpop (xrf2);
	v21 =	vmul.f32 $1.442695020e+00, v21  }
0x1c1: {  	v30 =	vnsel vm0, $0x0, v24;
	v28, _, _ =	vpop (xrf2);
	v22 =	vbroadcast v63, $0xF  }
0x1c2: {  	v29, _, _ =	vpop (xrf2);
	(erf) = vpow2.f32 v21;
	v21 =	vsel vm1, v30, v23;
	v32 =	vbroadcast v28, $0xF  }
0x1c3: {  	v31, _, _ =	vpop (xrf2);
	v33 =	vbroadcast v29, $0xF;
	v21 =	vsel vm2, v21, v22  }
0x1c4: {  	v34, _, _ =	vpop (xrf2);
	v35 =	vbroadcast v31, $0xF;
	v21 =	vsel vm3, v21, v32  }
0x1c5: {  	v36 =	vnsel vm0, $0x0, v33;
	v37 =	vbroadcast v34, $0xF;
	v38, _, _ =	vpop (xrf2);
	v21 =	vmul.f32 $1.442695020e+00, v21  }
0x1c6: {  	v22 =	vsel vm1, v36, v35;
	v39 =	vbroadcast v38, $0xF;
	v40 =	vpop (erf)  }
0x1c7: {  	v22 =	vsel vm2, v22, v37;
	(erf) = vpow2.f32 v21;
	v42 =	vbroadcast v40, $0x0  }
0x1c8: {  	v41 =	vsel vm3, v22, v39;
	v43 =	vbroadcast v40, $0x1;
	v45 =	vbroadcast v40, $0x2  }
0x1c9: {  	v44 =	vnsel vm4, $0x0, v40;
	v46 =	vbroadcast v40, $0x3;
	v20 =	vmul.f32 v42, v20  }
0x1ca: {  	v21 =	vmul.f32 $1.442695020e+00, v41;
	[tilespmem:s7+$0xFFFFFFA0] =	vst v44;
	v19 =	vmul.f32 v43, v19  }
0x1cb: {  	v16 =	vmul.f32 v45, v16;
	v17 =	vmul.f32 v46, v17;
	v47 =	vpop (erf);
	[tilespmem:s7+$0xFFFFFF60] =	vst v20  }
0x1cc: {  	(erf) = vpow2.f32 v21;
	[tilespmem:s7+$0xFFFFFF70] =	vst v19;
	v48 =	vbroadcast v47, $0x0  }
0x1cd: {  	[tilespmem:s7+$0xFFFFFF80] =	vst v16;
	v49 =	vbroadcast v47, $0x1  }
0x1ce: {  	v50 =	vnsel vm4, $0x0, v47;
	[tilespmem:s7+$0xFFFFFF90] =	vst v17;
	v51 =	vbroadcast v47, $0x2;
	v14 =	vmul.f32 v48, v14  }
0x1cf: {  	v52 =	vbroadcast v47, $0x3;
	[tilespmem:s7+$0xFFFFFFF0] =	vst v50;
	v13 =	vmul.f32 v49, v13  }
0x1d0: {  	v11 =	vmul.f32 v51, v11;
	v53 =	vpop (erf);
	[tilespmem:s7+$0xFFFFFFB0] =	vst v14  }
0x1d1: {  	v12 =	vmul.f32 v52, v12;
	[tilespmem:s7+$0xFFFFFFC0] =	vst v13;
	v54 =	vbroadcast v53, $0x0  }
0x1d2: {  	[tilespmem:s7+$0xFFFFFFD0] =	vst v11;
	v55 =	vbroadcast v53, $0x1  }
0x1d3: {  	[tilespmem:s7+$0xFFFFFFE0] =	vst v12;
	v56 =	vnsel vm4, $0x0, v53;
	v57 =	vbroadcast v53, $0x2;
	v10 =	vmul.f32 v54, v10  }
0x1d4: {  	v58 =	vbroadcast v53, $0x3;
	[tilespmem:s7+$0x40] =	vst v56;
	v9 =	vmul.f32 v55, v9  }
0x1d5: {  	v8 =	vmul.f32 v57, v8;
	v59 =	vpop (erf);
	[tilespmem:s7+$0x0] =	vst v10  }
0x1d6: {  	v7 =	vmul.f32 v58, v7;
	[tilespmem:s7+$0x10] =	vst v9;
	v60 =	vbroadcast v59, $0x0  }
0x1d7: {  	[tilespmem:s7+$0x20] =	vst v8;
	v61 =	vbroadcast v59, $0x1  }
0x1d8: {  	p3 =	sne.s32 s3, $0x2400;
	v62 =	vnsel vm4, $0x0, v59;
	[tilespmem:s7+$0x30] =	vst v7;
	v7 =	vbroadcast v59, $0x2;
	v6 =	vmul.f32 v60, v6  }
.Ltmp11:
0x1d9: {  	v63 =	vbroadcast v59, $0x3;
	[tilespmem:s7+$0x90] =	vst v62;
	v5 =	vmul.f32 v61, v5;
	(pc) =	sbr.rel @p3 .LBB2_17-.Ltmp11, $4  }
0x1da: {  	[tilespmem:s7+$0x50] =	vst v6;
	v6 =	vmul.f32 v7, v15  }
0x1db: {  	[tilespmem:s7+$0x60] =	vst v5;
	v5 =	vmul.f32 v63, v18  }
0x1dc: {  	[tilespmem:s7+$0x70] =	vst v6  }
0x1dd: {  	s3 =	sadd.s32 $0x400, s3;
	[tilespmem:s7+$0x80] =	vst v5;
	s7 =	sadd.s32 $0x140, s7  }
.Ltmp12:
0x1de: {  	(pc) =	sbr.rel @p2 .LBB2_20-.Ltmp12, $2  }
0x1df: {  	_ =	sdelay $0x2  }
0x1e0: {  	s3 =	sadd.s32 $0x50, s21  }
.Ltmp13:
0x1e1: {  	(pc) =	sbr.rel .LBB2_21-.Ltmp13, $2  }
0x1e2: {  	_ =	sdelay $0x2  }
0x1e3: {  	[spmem:s2] =	stream.indirect.scatter.add.f32 [tilespmem:s16], [sflag:$0x7], $0x50, s3, s31, $0xb8;
	[tilespmem:$0x1F0D0] =	vst v63  }
.LBB2_20:
0x1e4: {  	s7 =	smul.u32 $0xA0, s25;
	_ =	sdelay $0x1  }
0x1e5: {  	s20 =	sadd.s32 $0xF0, s7  }
0x1e6: {  	[tilespmem:s5], [sflag:$0x3] =	stream.indirect.gather [hbm4b:s22+s31], $0x40, s20, s31, $0xb8;
	[tilespmem:$0x1F0D0] =	vst v63  }
.Ltmp14:
0x1e7: {  	_ = 	snop;
	(pc) =	sbr.rel @p1 .LBB2_22-.Ltmp14, $4  }
0x1e8: {  	s7 =	sadd.s32 $0x4F10, s7  }
0x1e9: {  	[tilespmem:s6], [sflag:$0x3] =	stream.indirect.gather [hbm4b:s23+s31], $0x40, s7, s31, $0xb8;
	[tilespmem:$0x1F0D0] =	vst v63  }
0x1ea: {  	_ = 	snop  }
0x1eb: {  	[spmem:s2] =	stream.indirect.scatter.add.f32 [tilespmem:s16], [sflag:$0x7], $0x50, s3, s31, $0xb8;
	[tilespmem:$0x1F0D0] =	vst v63  }
.LBB2_21:
0x1ec: {  	_ =	swait.ge [sflag:s17], $0xC80  }
0x1ed: {  	[sflag:s17] =	ssyncset.done $0x0  }
0x1ee: {  	[sflag:s17] =	ssyncadd.s32 $0xFFFFF380  }
.LBB2_22:
0x1ef: {  	_ =	swait.ge [sflag:s18], $0xA00  }
0x1f0: {  	[sflag:s18] =	ssyncset.done $0x0  }
0x1f1: {  	[sflag:s18] =	ssyncadd.s32 $0xFFFFF600  }
0x1f2: {  	_ =	swait.ge [sflag:s18], $0xA00  }
0x1f3: {  	[sflag:s18] =	ssyncset.done $0x0  }
0x1f4: {  	s3 =	simm.s32 $0x0;
	s7 =	simm.s32 $0x11260;
	[sflag:s18] =	ssyncadd.s32 $0xFFFFF600  }
.LBB2_23:
0x1f5: {  	s20 =	sshra.s32 s3, $0x2  }
0x1f6: {  	v20 =	vld [tilespmem:s20+$0xFDC0]  }
0x1f7: {  	v5 =	vld [tilespmem:s20+$0x107C0]  }
0x1f8: {  	v19 =	vld [tilespmem:s20+$0xFDD0]  }
0x1f9: {  	v16 =	vld [tilespmem:s20+$0xFDE0]  }
0x1fa: {  	v17 =	vld [tilespmem:s20+$0xFDF0]  }
0x1fb: {  	v14 =	vld [tilespmem:s20+$0xFE00]  }
0x1fc: {  	v13 =	vld [tilespmem:s20+$0xFE10]  }
0x1fd: {  	v11 =	vld [tilespmem:s20+$0xFE20]  }
0x1fe: {  	v12 =	vld [tilespmem:s20+$0xFE30]  }
0x1ff: {  	v10 =	vld [tilespmem:s20+$0xFE40]  }
0x200: {  	v9 =	vld [tilespmem:s20+$0xFE50]  }
0x201: {  	v8 =	vld [tilespmem:s20+$0xFE60]  }
0x202: {  	v7 =	vld [tilespmem:s20+$0xFE70]  }
0x203: {  	v15 =	vld [tilespmem:s20+$0x107D0]  }
0x204: {  	v18 =	vld [tilespmem:s20+$0x107E0]  }
0x205: {  	v21 =	vld [tilespmem:s20+$0x107F0];
	v5 =	vadd.f32 v5, v20  }
0x206: {  	v22 =	vld [tilespmem:s20+$0x10800]  }
0x207: {  	v23 =	vld [tilespmem:s20+$0x10810];
	v6 =	vmul.f32 $2.000000030e-01, v5  }
0x208: {  	v24 =	vld [tilespmem:s20+$0x10820]  }
0x209: {  	v27 =	vld [tilespmem:s20+$0x10830];
	v5 =	vmax.f32 v5, v6  }
0x20a: {  	v29 =	vld [tilespmem:s20+$0x10840];
	v5 =	vmul.f32 v5, v1  }
0x20b: {  	v30 =	vld [tilespmem:s20+$0x10850]  }
0x20c: {  	v43 =	vld [tilespmem:s20+$0x10860];
	v15 =	vadd.f32 v15, v19;
	(xrf2) =	vadd.scan.msk.f32 $0xffff, v5  }
0x20d: {  	v33 =	vld [tilespmem:s20+$0x10870];
	v18 =	vadd.f32 v18, v16;
	v21 =	vadd.f32 v21, v17  }
0x20e: {  	v22 =	vadd.f32 v22, v14;
	v23 =	vadd.f32 v23, v13  }
0x20f: {  	v24 =	vadd.f32 v24, v11;
	v27 =	vadd.f32 v27, v12  }
0x210: {  	v35 =	vld [tilespmem:s20+$0x10880];
	v29 =	vadd.f32 v29, v10;
	v30 =	vadd.f32 v30, v9  }
0x211: {  	v46 =	vld [tilespmem:s20+$0x10890];
	v51 =	vadd.f32 v43, v8;
	v26 =	vmul.f32 $2.000000030e-01, v15;
	v28 =	vmul.f32 $2.000000030e-01, v18  }
0x212: {  	v48 =	vld [tilespmem:s20+$0x108A0];
	v57 =	vadd.f32 v33, v7;
	v41 =	vmul.f32 $2.000000030e-01, v21;
	v42 =	vmul.f32 $2.000000030e-01, v22  }
0x213: {  	v52 =	vld [tilespmem:s20+$0x108B0];
	v44 =	vmul.f32 $2.000000030e-01, v23;
	v34 =	vmul.f32 $2.000000030e-01, v24;
	v15 =	vmax.f32 v15, v26  }
0x214: {  	v45 =	vmul.f32 $2.000000030e-01, v27;
	v6 =	vld [tilespmem:s20+$0xFE80];
	v18 =	vmax.f32 v18, v28;
	v31 =	vmul.f32 v15, v2  }
0x215: {  	v47 =	vmul.f32 $2.000000030e-01, v29;
	v21 =	vmax.f32 v21, v41;
	v15 =	vld [tilespmem:s20+$0xFEA0];
	v32 =	vmul.f32 v18, v3  }
0x216: {  	v50 =	vmul.f32 $2.000000030e-01, v30;
	v21 =	vmul.f32 v21, v4;
	v18 =	vld [tilespmem:s20+$0xFEB0];
	v25, _, _ =	vpop (xrf2);
	(xrf2) =	vadd.scan.msk.f32 $0xffff, v31  }
0x217: {  	v56 =	vmul.f32 $2.000000030e-01, v51;
	v61 =	vmul.f32 $2.000000030e-01, v57;
	v22 =	vmax.f32 v22, v42;
	v5 =	vld [tilespmem:s20+$0xFE90];
	(xrf2) =	vadd.scan.msk.f32 $0xffff, v32  }
0x218: {  	v23 =	vmax.f32 v23, v44;
	v24 =	vmax.f32 v24, v34;
	v22 =	vmul.f32 v22, v1;
	(xrf2) =	vadd.scan.msk.f32 $0xffff, v21  }
0x219: {  	v49 =	vmax.f32 v27, v45;
	v54 =	vmax.f32 v29, v47;
	v23 =	vmul.f32 v23, v2  }
0x21a: {  	v55 =	vmax.f32 v30, v50;
	v53 =	vmul.f32 v24, v3;
	v59 =	vadd.f32 v35, v6;
	(xrf2) =	vadd.scan.msk.f32 $0xffff, v22  }
0x21b: {  	v33 =	vadd.f32 v48, v15;
	v28 =	vadd.f32 v52, v18;
	v21 =	vmul.f32 v49, v4;
	(xrf2) =	vadd.scan.msk.f32 $0xffff, v23  }
0x21c: {  	v58 =	vmul.f32 v54, v1;
	v63 =	vmul.f32 $2.000000030e-01, v59;
	v62 =	vadd.f32 v46, v5;
	(xrf2) =	vadd.scan.msk.f32 $0xffff, v53  }
0x21d: {  	v60 =	vmax.f32 v51, v56;
	v37 =	vmul.f32 $2.000000030e-01, v33;
	v41 =	vmul.f32 $2.000000030e-01, v28;
	(xrf2) =	vadd.scan.msk.f32 $0xffff, v21  }
0x21e: {  	v36 =	vmax.f32 v59, v63;
	v35 =	vmul.f32 $2.000000030e-01, v62;
	v23 =	vmul.f32 v55, v2  }
0x21f: {  	v34 =	vmax.f32 v57, v61;
	v39 =	vmul.f32 v36, v1;
	v21 =	vmul.f32 v60, v3;
	(xrf2) =	vadd.scan.msk.f32 $0xffff, v58  }
0x220: {  	v45 =	vmax.f32 v33, v37;
	v25 =	vbroadcast v25, $0xF;
	v22 =	vmul.f32 v34, v4;
	(xrf2) =	vadd.scan.msk.f32 $0xffff, v23;
	v38, _, _ =	vpop (xrf2)  }
0x221: {  	v48 =	vmul.f32 v45, v3;
	v40 =	vmax.f32 v62, v35;
	(xrf2) =	vadd.scan.msk.f32 $0xffff, v21;
	v42 =	vbroadcast v38, $0xF;
	v43, _, _ =	vpop (xrf2)  }
0x222: {  	v44 =	vmul.f32 v40, v2;
	v25 =	vnsel vm0, $0x0, v25;
	(xrf2) =	vadd.scan.msk.f32 $0xffff, v22;
	v46 =	vbroadcast v43, $0xF;
	v47, _, _ =	vpop (xrf2)  }
0x223: {  	v49 =	vmax.f32 v28, v41;
	(xrf2) =	vadd.scan.msk.f32 $0xffff, v39;
	v25 =	vsel vm1, v25, v42;
	v50 =	vbroadcast v47, $0xF  }
0x224: {  	v52 =	vmul.f32 v49, v4;
	v51, _, _ =	vpop (xrf2);
	(xrf2) =	vadd.scan.msk.f32 $0xffff, v44;
	v53 =	vsel vm2, v25, v46  }
0x225: {  	v54 =	vbroadcast v51, $0xF;
	v55, _, _ =	vpop (xrf2);
	(xrf2) =	vadd.scan.msk.f32 $0xffff, v48;
	v56 =	vsel vm3, v53, v50  }
0x226: {  	v57 =	vbroadcast v55, $0xF;
	v58, _, _ =	vpop (xrf2);
	(xrf2) =	vadd.scan.msk.f32 $0xffff, v52;
	v21 =	vmul.f32 $1.442695020e+00, v56  }
0x227: {  	v59, _, _ =	vpop (xrf2);
	v24 =	vnsel vm0, $0x0, v54;
	v25 =	vbroadcast v58, $0xF  }
0x228: {  	v23 =	vsel vm1, v24, v57;
	v22 =	vbroadcast v59, $0xF;
	(erf) = vpow2.f32 v21  }
0x229: {  	v60, _, _ =	vpop (xrf2);
	v61 =	vsel vm2, v23, v25  }
0x22a: {  	v62, _, _ =	vpop (xrf2);
	v24 =	vbroadcast v60, $0xF;
	v21 =	vsel vm3, v61, v22  }
0x22b: {  	v23 =	vbroadcast v62, $0xF;
	v63, _, _ =	vpop (xrf2);
	v21 =	vmul.f32 $1.442695020e+00, v21  }
0x22c: {  	v30 =	vnsel vm0, $0x0, v24;
	v28, _, _ =	vpop (xrf2);
	v22 =	vbroadcast v63, $0xF  }
0x22d: {  	v29, _, _ =	vpop (xrf2);
	(erf) = vpow2.f32 v21;
	v21 =	vsel vm1, v30, v23;
	v32 =	vbroadcast v28, $0xF  }
0x22e: {  	v31, _, _ =	vpop (xrf2);
	v33 =	vbroadcast v29, $0xF;
	v21 =	vsel vm2, v21, v22  }
0x22f: {  	v34, _, _ =	vpop (xrf2);
	v35 =	vbroadcast v31, $0xF;
	v21 =	vsel vm3, v21, v32  }
0x230: {  	v36 =	vnsel vm0, $0x0, v33;
	v37 =	vbroadcast v34, $0xF;
	v38, _, _ =	vpop (xrf2);
	v21 =	vmul.f32 $1.442695020e+00, v21  }
0x231: {  	v22 =	vsel vm1, v36, v35;
	v39 =	vbroadcast v38, $0xF;
	v40 =	vpop (erf)  }
0x232: {  	v22 =	vsel vm2, v22, v37;
	(erf) = vpow2.f32 v21;
	v42 =	vbroadcast v40, $0x0  }
0x233: {  	v41 =	vsel vm3, v22, v39;
	v43 =	vbroadcast v40, $0x1;
	v45 =	vbroadcast v40, $0x2  }
0x234: {  	v44 =	vnsel vm4, $0x0, v40;
	v46 =	vbroadcast v40, $0x3;
	v20 =	vmul.f32 v42, v20  }
0x235: {  	v21 =	vmul.f32 $1.442695020e+00, v41;
	[tilespmem:s7+$0xFFFFFFA0] =	vst v44;
	v19 =	vmul.f32 v43, v19  }
0x236: {  	v16 =	vmul.f32 v45, v16;
	v17 =	vmul.f32 v46, v17;
	v47 =	vpop (erf);
	[tilespmem:s7+$0xFFFFFF60] =	vst v20  }
0x237: {  	(erf) = vpow2.f32 v21;
	[tilespmem:s7+$0xFFFFFF70] =	vst v19;
	v48 =	vbroadcast v47, $0x0  }
0x238: {  	[tilespmem:s7+$0xFFFFFF80] =	vst v16;
	v49 =	vbroadcast v47, $0x1  }
0x239: {  	v50 =	vnsel vm4, $0x0, v47;
	[tilespmem:s7+$0xFFFFFF90] =	vst v17;
	v51 =	vbroadcast v47, $0x2;
	v14 =	vmul.f32 v48, v14  }
0x23a: {  	v52 =	vbroadcast v47, $0x3;
	[tilespmem:s7+$0xFFFFFFF0] =	vst v50;
	v13 =	vmul.f32 v49, v13  }
0x23b: {  	v11 =	vmul.f32 v51, v11;
	v53 =	vpop (erf);
	[tilespmem:s7+$0xFFFFFFB0] =	vst v14  }
0x23c: {  	v12 =	vmul.f32 v52, v12;
	[tilespmem:s7+$0xFFFFFFC0] =	vst v13;
	v54 =	vbroadcast v53, $0x0  }
0x23d: {  	[tilespmem:s7+$0xFFFFFFD0] =	vst v11;
	v55 =	vbroadcast v53, $0x1  }
0x23e: {  	[tilespmem:s7+$0xFFFFFFE0] =	vst v12;
	v56 =	vnsel vm4, $0x0, v53;
	v57 =	vbroadcast v53, $0x2;
	v10 =	vmul.f32 v54, v10  }
0x23f: {  	v58 =	vbroadcast v53, $0x3;
	[tilespmem:s7+$0x40] =	vst v56;
	v9 =	vmul.f32 v55, v9  }
0x240: {  	v8 =	vmul.f32 v57, v8;
	v59 =	vpop (erf);
	[tilespmem:s7+$0x0] =	vst v10  }
0x241: {  	v7 =	vmul.f32 v58, v7;
	[tilespmem:s7+$0x10] =	vst v9;
	v60 =	vbroadcast v59, $0x0  }
0x242: {  	[tilespmem:s7+$0x20] =	vst v8;
	v61 =	vbroadcast v59, $0x1  }
0x243: {  	p1 =	sne.s32 s3, $0x2400;
	v62 =	vnsel vm4, $0x0, v59;
	[tilespmem:s7+$0x30] =	vst v7;
	v7 =	vbroadcast v59, $0x2;
	v6 =	vmul.f32 v60, v6  }
.Ltmp15:
0x244: {  	v63 =	vbroadcast v59, $0x3;
	[tilespmem:s7+$0x90] =	vst v62;
	v5 =	vmul.f32 v61, v5;
	(pc) =	sbr.rel @p1 .LBB2_23-.Ltmp15, $4  }
0x245: {  	[tilespmem:s7+$0x50] =	vst v6;
	v6 =	vmul.f32 v7, v15  }
0x246: {  	[tilespmem:s7+$0x60] =	vst v5;
	v5 =	vmul.f32 v63, v18  }
0x247: {  	[tilespmem:s7+$0x70] =	vst v6  }
0x248: {  	s3 =	sadd.s32 $0x400, s3;
	[tilespmem:s7+$0x80] =	vst v5;
	s7 =	sadd.s32 $0x140, s7  }
0x249: {  	p1 =	seq.s32 s25, $0x7C  }
.Ltmp16:
0x24a: {  	_ = 	snop;
	(pc) =	sbr.rel @p1 .LBB2_26-.Ltmp16, $2  }
0x24b: {  	_ =	sdelay $0x2  }
0x24c: {  	s3 =	sadd.s32 $0x78, s21  }
0x24d: {  	s7 =	smul.u32 $0xA0, s25;
	_ =	sdelay $0x1  }
0x24e: {  	s20 =	sadd.s32 $0x118, s7  }
0x24f: {  	[tilespmem:s8], [sflag:$0x4] =	stream.indirect.gather [hbm4b:s22+s31], $0x40, s20, s31, $0xb8;
	[tilespmem:$0x1F0D0] =	vst v63  }
.Ltmp17:
0x250: {  	_ = 	snop;
	(pc) =	sbr.rel .LBB2_4-.Ltmp17, $4  }
0x251: {  	s7 =	sadd.s32 $0x4F38, s7  }
0x252: {  	[tilespmem:s9], [sflag:$0x4] =	stream.indirect.gather [hbm4b:s23+s31], $0x40, s7, s31, $0xb8;
	[tilespmem:$0x1F0D0] =	vst v63  }
0x253: {  	s25 =	sadd.s32 $0x1, s25  }
0x254: {  	[spmem:s2] =	stream.indirect.scatter.add.f32 [tilespmem:s19], [sflag:$0x8], $0x50, s3, s31, $0xb8;
	[tilespmem:$0x1F0D0] =	vst v63  }
.LBB2_27:
0x255: {  	_ =	sfence.sel $0x180000  }
0x256: {  	[bflag:$0x0] =	sbarrier.arrive $0xFFFF  }
0x257: {  	_ =	strace $0x9000004A  }
0x258: {  	s0 =	stileid.u32;
	[bflag:$0x2] =	sbarrier.arrive $0xFFFF  }
0x259: {  	p0 =	sne.s32 s0, $0x0;
	s0 =	rddreg [dreg:$0x2]  }
0x25a: {  	s0 =	sadd.s32 @!p0 $0x100000, s0  }
0x25b: {  	[sflag:s0] =	ssyncadd.tile.s32 @!p0 $0x1;
	_ =	shalt  }
.Lfunc_end2:
_tile_overlayer_lowered:
.L_overlay_start_2:
0x25c: {  	(tag) =	ssettag $0x2  }
0x25d: {  	s0 =	rddreg [dreg:$0x0];
	s2 =	stileid.u32  }
0x25e: {  	s1 =	rddreg [dreg:$0x1];
	p0 =	sne.s32 s2, $0x0  }
0x25f: {  	s3 =	rddreg [dreg:$0x2];
	[bflag:$0x3] =	sbarrier.arrive $0xFFFF;
	s2 =	simm.s32 @!p0 $0x1C09  }
0x260: {  	[timem:s3], [sflag:s2] =	dma.local @!p0 [hbm:s0], s1  }
0x261: {  	s0 =	simm.s32 @!p0 $0x9  }
0x262: {  	_ =	swait.ge @!p0 [sflag:s0], s1  }
0x263: {  	s1 =	ssub.s32 @!p0 $0x0, s1;
	[sflag:s0] =	ssyncset.done @!p0 $0x0  }
0x264: {  	[sflag:s0] =	ssyncadd.s32 @!p0 s1  }
0x265: {  	[bflag:$0x3] =	sbarrier.arrive $0xFFFF  }
0x266: {  	_ =	shalt  }

// kernel: kernel.5.cloned.1.call-start
scs
__scs_entry_jumppad:
0x0: {  	(pc) =	sbr.rel $0x88, $3  }
0x1: {  	(tag) =	ssettag $0x0;
	lr =	simm.s32 $0x1  }
0x2: {  	[smem:$0x3F89] =	sst lr;
	_ =	strace $0xD0000000  }
0x3: {  	_ = 	snop  }
0x4: {  	_ = 	snop  }
0x5: {  	_ = 	snop  }
0x6: {  	_ = 	snop  }
0x7: {  	_ = 	snop  }
__scs_overlays_trampoline_lowered:
0x8: {  	[smem:$0x3F98] =	sst s0  }
0x9: {  	[smem:$0x3F99] =	sst s1  }
0xa: {  	[smem:$0x3F9A] =	sst s2  }
0xb: {  	[smem:$0x3F9B] =	sst s3  }
0xc: {  	[smem:$0x3F9C] =	sst s4  }
0xd: {  	[smem:$0x3F9D] =	sst s5  }
0xe: {  	[smem:$0x3F9E] =	sst s6  }
0xf: {  	[smem:$0x3F9F] =	sst s7  }
0x10: {  	[smem:$0x3FA0] =	sst s8  }
0x11: {  	[smem:$0x3FA1] =	sst s9;
	s0 =	simm.s32 @!p0 $0x0  }
0x12: {  	s1 =	sld [smem:$0x3F87];
	s0 =	simm.s32 @p0 $0x1  }
0x13: {  	[smem:$0x3FA2] =	sst s0;
	s0 =	simm.s32 @!p1 $0x0  }
0x14: {  	s2 =	sld [smem:$0x3F86];
	s0 =	simm.s32 @p1 $0x1  }
0x15: {  	[smem:$0x3FA3] =	sst s0;
	s0 =	simm.s32 @!p2 $0x0  }
0x16: {  	s3 =	sld [smem:$0x3FDB];
	s0 =	simm.s32 @p2 $0x1  }
0x17: {  	s4 =	simm.s32 $0x1BF5;
	[smem:$0x3FA5] =	sst s0  }
0x18: {  	s0 =	sld [smem:$0x3F88];
	_ =	swait.ge [sflag:s4], $0x0  }
0x19: {  	s7 =	sld [smem:$0x3F89]  }
0x1a: {  	s8 =	sadd.s32 $0xFFFFE003, lr  }
0x1b: {  	s9 =	sadd.s32 $0xFFFFFEF7, lr;
	s5 =	simm.s32 $0xFFFFFFFF;
	p2 =	slt.u32 s8, $0xFFFFF086  }
0x1c: {  	p1 =	slt.u32 s9, $0xF7A;
	s5 =	simm.s32 @!p2 $0x0  }
0x1d: {  	s5 =	simm.s32 @p1 $0x1;
	p0 =	seq.s32 s7, s2  }
0x1e: {  	s7 =	smul.u32 @!p0 $0xF7A, s2;
	p2 =	seq.s32 @!p0 s5, $0x0  }
0x1f: {  	s9 =	smul.u32 $0xF7A, s1;
	s8 =	simm.s32 @!p0 $0x1BF5;
	p2 =	por !p2, p0  }
0x20: {  	[sflag:s8] =	ssyncset.s32 @!p0 $0xFFFFF086;
	s6 =	sadd.s32 @!p0 s3, s7;
	s7 =	simm.s32 @!p0 $0x108  }
0x21: {  	s3 =	sadd.s32 s3, s9;
	s6 =	sadd.s32 @!p0 $0x88, s6;
	s7 =	simm.s32 @p2 $0x1082  }
0x22: {  	[simem:s7], [sflag:s8] =	dma.local @!p0 [hbm:s6], $0xF7A  }
0x23: {  	s9 =	sor.u32 $0xD0000000, s2;
	s6 =	simm.s32 $0x108;
	_ =	swait.ge @!p0 [sflag:s8], $0x0  }
0x24: {  	s3 =	sadd.s32 $0x88, s3;
	s6 =	simm.s32 @!p1 $0x1082;
	[sflag:s4] =	ssyncset.s32 $0xFFFFF086  }
0x25: {  	[simem:s6], [sflag:s4] =	dma.local [hbm:s3], $0xF7A  }
0x26: {  	[smem:$0x3F89] =	sst s1;
	(tag) =	ssettag s2;
	_ =	strace s9  }
0x27: {  	s1 =	sld [smem:$0x3F99]  }
0x28: {  	s2 =	sld [smem:$0x3F9A]  }
0x29: {  	s4 =	sld [smem:$0x3F9C]  }
0x2a: {  	p0 =	seq.s32 s5, $0x0;
	s5 =	sld [smem:$0x3F9D]  }
0x2b: {  	s6 =	sld [smem:$0x3F9E]  }
0x2c: {  	s7 =	sld [smem:$0x3F9F]  }
0x2d: {  	s3 =	simm.s32 $0x108;
	s8 =	sld [smem:$0x3FA0]  }
0x2e: {  	s3 =	simm.s32 @!p0 $0x1082;
	s9 =	sld [smem:$0x3FA1]  }
0x2f: {  	lr =	sadd.s32 s0, s3;
	s0 =	sld [smem:$0x3F98]  }
0x30: {  	s3 =	sld [smem:$0x3F9B]  }
0x31: {  	[smem:$0x3FA4] =	sst s10  }
0x32: {  	s10 =	sld [smem:$0x3FA2];
	_ =	sdelay $0x3  }
0x33: {  	p0 =	seq.s32 s10, $0x1;
	s10 =	sld [smem:$0x3FA4];
	_ =	sdelay $0x3  }
0x34: {  	[smem:$0x3FA4] =	sst s10  }
0x35: {  	s10 =	sld [smem:$0x3FA3];
	_ =	sdelay $0x3  }
0x36: {  	p1 =	seq.s32 s10, $0x1;
	s10 =	sld [smem:$0x3FA4];
	_ =	sdelay $0x3  }
0x37: {  	[smem:$0x3FA4] =	sst s10  }
0x38: {  	s10 =	sld [smem:$0x3FA5]  }
0x39: {  	_ = 	snop;
	(pc) =	sbr.ind lr, $3  }
0x3a: {  	_ = 	snop  }
0x3b: {  	_ = 	snop  }
0x3c: {  	p2 =	seq.s32 s10, $0x1;
	s10 =	sld [smem:$0x3FA4]  }
0x3d: {  	_ =	shalt  }
0x3e: {  	_ =	shalt  }
0x3f: {  	_ =	shalt  }
0x40: {  	_ =	shalt  }
0x41: {  	_ =	shalt  }
0x42: {  	_ =	shalt  }
0x43: {  	_ =	shalt  }
0x44: {  	_ =	shalt  }
0x45: {  	_ =	shalt  }
0x46: {  	_ =	shalt  }
0x47: {  	_ =	shalt  }
0x48: {  	_ =	shalt  }
0x49: {  	_ =	shalt  }
0x4a: {  	_ =	shalt  }
0x4b: {  	_ =	shalt  }
0x4c: {  	_ =	shalt  }
0x4d: {  	_ =	shalt  }
0x4e: {  	_ =	shalt  }
0x4f: {  	_ =	shalt  }
0x50: {  	_ =	shalt  }
0x51: {  	_ =	shalt  }
0x52: {  	_ =	shalt  }
0x53: {  	_ =	shalt  }
0x54: {  	_ =	shalt  }
0x55: {  	_ =	shalt  }
0x56: {  	_ =	shalt  }
0x57: {  	_ =	shalt  }
0x58: {  	_ =	shalt  }
0x59: {  	_ =	shalt  }
0x5a: {  	_ =	shalt  }
0x5b: {  	_ =	shalt  }
0x5c: {  	_ =	shalt  }
0x5d: {  	_ =	shalt  }
0x5e: {  	_ =	shalt  }
0x5f: {  	_ =	shalt  }
0x60: {  	_ =	shalt  }
0x61: {  	_ =	shalt  }
0x62: {  	_ =	shalt  }
0x63: {  	_ =	shalt  }
0x64: {  	_ =	shalt  }
0x65: {  	_ =	shalt  }
0x66: {  	_ =	shalt  }
0x67: {  	_ =	shalt  }
0x68: {  	_ =	shalt  }
0x69: {  	_ =	shalt  }
0x6a: {  	_ =	shalt  }
0x6b: {  	_ =	shalt  }
0x6c: {  	_ =	shalt  }
0x6d: {  	_ =	shalt  }
0x6e: {  	_ =	shalt  }
0x6f: {  	_ =	shalt  }
0x70: {  	_ =	shalt  }
0x71: {  	_ =	shalt  }
0x72: {  	_ =	shalt  }
0x73: {  	_ =	shalt  }
0x74: {  	_ =	shalt  }
0x75: {  	_ =	shalt  }
0x76: {  	_ =	shalt  }
0x77: {  	_ =	shalt  }
0x78: {  	_ =	shalt  }
0x79: {  	_ =	shalt  }
0x7a: {  	_ =	shalt  }
0x7b: {  	_ =	shalt  }
0x7c: {  	_ =	shalt  }
0x7d: {  	_ =	shalt  }
0x7e: {  	_ =	shalt  }
0x7f: {  	_ =	shalt  }
0x80: {  	_ =	shalt  }
0x81: {  	_ =	shalt  }
0x82: {  	_ =	shalt  }
0x83: {  	_ =	shalt  }
0x84: {  	_ =	shalt  }
0x85: {  	_ =	shalt  }
0x86: {  	_ =	shalt  }
0x87: {  	_ =	shalt  }
.Lfunc_end0:
.L_simem_size_0:
called_computation.1_lowered:
.L_overlay_start_0:
0x88: {  	s2 =	sld [smem:$0x3FD9]  }
0x89: {  	s3 =	sld [smem:$0x3FFE];
	_ =	sdelay $0x1  }
0x8a: {  	s1 =	srdreg.scid  }
0x8b: {  	s0 =	sand.u32 $0x1, s1  }
0x8c: {  	s17 =	sshll.u32 s0, $0xA;
	s2 =	sadd.s32 s3, s2  }
0x8d: {  	s2 =	sadd.s32 s2, s17  }
0x8e: {  	[smem:$0x3FB0] =	sst s2  }
0x8f: {  	_ = 	snop  }
0x90: {  	s2 =	sld [smem:$0x3FB2]  }
0x91: {  	s18 =	sld [smem:$0x3FD0];
	(tm) =	ssettm $0x1  }
0x92: {  	s4 =	sld [smem:$0x3FFB];
	_ =	sdelay $0x3  }
0x93: {  	_ =	strace s4  }
0x94: {  	s4 =	sld [smem:$0x3FFC];
	_ =	sdelay $0x3  }
0x95: {  	_ =	strace s4  }
0x96: {  	s4 =	sld [smem:$0x3FFD];
	_ =	sdelay $0x3  }
0x97: {  	_ =	strace s4  }
0x98: {  	_ =	strace $0x8FFFFFFF  }
0x99: {  	s19 =	sld [smem:$0x3FDB];
	_ =	sdelay $0x1  }
0x9a: {  	s5 =	simm.s32 $_scs_section_size  }
0x9b: {  	s6 =	simm.s32 $_size__tile_overlayer_lowered;
	s7 =	simm.s32 $_tile_overlayer_lowered  }
0x9c: {  	s22 =	simm.s32 $0x1BFF;
	s21 =	sshll.u32 s7, $0x1;
	s4 =	sadd.s32 s5, s19  }
0x9d: {  	s8 =	simm.s32 $0x0;
	s20 =	sshll.u32 s6, $0x1;
	s6 =	sadd.s32 s21, s4  }
0x9e: {  	[timem:s8], [sflag:s22] =	dma.local [hbm:s6], s20  }
0x9f: {  	_ =	swait.ge [sflag:s22], s20  }
0xa0: {  	s5 =	ssub.s32 $0x0, s20;
	[sflag:s22] =	ssyncset.done $0x0  }
0xa1: {  	[sflag:s22] =	ssyncadd.s32 s5;
	_ =	sdelay $0x1  }
0xa2: {  	s23 =	simm.s32 $0x1B8B  }
0xa3: {  	_ =	swait.ge [sflag:s23], $0x1  }
0xa4: {  	[sflag:s23] =	ssyncset.done $0x0  }
0xa5: {  	s25 =	simm.s32 $0x1B8E;
	s24 =	sld [smem:$0x3FFE];
	[sflag:s23] =	ssyncadd.s32 $0xFFFFFFFF  }
0xa6: {  	s26 =	simm.s32 $execute0_lowered;
	[smem:$0x3FD2] =	sst s25  }
0xa7: {  	s6 =	sshll.u32 s26, $0x1;
	_ =	strace $0x80000046;
	[dreg:$0x1] =	wrdreg $0xFFFFFFFF  }
0xa8: {  	s28 =	simm.s32 $_size_execute0_lowered;
	s4 =	sadd.s32 s4, s6;
	[dreg:$0x0] =	wrdreg $0x0  }
0xa9: {  	s6 =	sshll.u32 s28, $0x1;
	[dreg:$0x2] =	wrdreg s4  }
0xaa: {  	[dreg:$0x3] =	wrdreg s6  }
0xab: {  	[dreg:$0x4] =	wrdreg $0xC0  }
0xac: {  	_ =	task [dreg:s8], $0x5FFFF  }
0xad: {  	[dreg:$0x1] =	wrdreg $0xFFFFFFFF  }
0xae: {  	[dreg:$0x0] =	wrdreg $0x60  }
0xaf: {  	[dreg:$0x2] =	wrdreg s24  }
0xb0: {  	[dreg:$0x3] =	wrdreg s2  }
0xb1: {  	[dreg:$0x4] =	wrdreg s18  }
0xb2: {  	[dreg:$0x5] =	wrdreg $0x5A780  }
0xb3: {  	[dreg:$0x6] =	wrdreg $0x6E780  }
0xb4: {  	[dreg:$0x7] =	wrdreg $0x9  }
0xb5: {  	_ =	task.clear_ibuf [dreg:s8], $0x8FFFF;
	_ =	strace $0x90000046  }
0xb6: {  	s29 =	simm.s32 $0x9;
	_ =	strace $0x80000048  }
0xb7: {  	_ =	swait.ge [sflag:s29], $0x1  }
0xb8: {  	[sflag:s29] =	ssyncadd.s32 $0xFFFFFFFF  }
0xb9: {  	_ =	strace $0x90000048  }
0xba: {  	_ =	sfence  }
0xbb: {  	s30 =	sld [smem:$0x0];
	_ =	sdelay $0x2  }
0xbc: {  	s31 =	sshll.u32 s1, $0xD;
	s1 =	sshrl.u32 s1, $0x2  }
0xbd: {  	s3 =	sand.u32 $0x4000, s31;
	s1 =	sadd.s32 s1, s30  }
0xbe: {  	s0 =	sor.u32 s3, s0;
	s1 =	sshll.u32 s1, $0x11  }
0xbf: {  	s0 =	sor.u32 s1, s0  }
0xc0: {  	s0 =	sadd.s32 $0x8F2B, s0  }
0xc1: {  	[sflag:s0] =	ssyncadd.remote.s32 $0x1  }
0xc2: {  	_ =	sfence.sel $0xFFFF  }
0xc3: {  	[dreg:$0x0] =	wrdreg $0xFFFFFFFF;
	(pc) =	sbr.abs _section_cstart, $3  }
0xc4: {  	[dreg:$0x1] =	wrdreg $0xFFFFFFFF  }
0xc5: {  	_ =	task.clear_ibuf [dreg:s8], $0x2FFFF;
	_ =	strace $0x9FFFFFFF  }
0xc6: {  	(tm) =	ssettm $0x7FFFFFFF  }
0xc7: {  	_ =	shalt  }
tec
execute0_lowered:
.L_overlay_start_1:
0x0: {  	(tag) =	ssettag $0x1  }
0x1: {  	s8 =	rddreg [dreg:$0x0]  }
0x2: {  	s16 =	rddreg [dreg:$0x1]  }
0x3: {  	s10 =	rddreg [dreg:$0x2]  }
0x4: {  	s2 =	rddreg [dreg:$0x3]  }
0x5: {  	s1 =	srdreg.scid;
	s0 =	stileid.u32  }
0x6: {  	s3 =	rddreg [dreg:$0x4];
	s4 =	simm.s32 $0x0;
	s20 =	simm.s32 $0x57F8  }
0x7: {  	s5 =	sand.u32 $0x1, s1;
	s6 =	smul.u32 $0x1400, s0;
	s1 =	rddreg [dreg:$0x5]  }
0x8: {  	[smem:$0x7FF] =	sst s4;
	s17 =	sadd.s32 $0x5C00, s8;
	s12 =	smul.u32 $0x280, s0  }
0x9: {  	s23 =	sshll.u32 s0, $0x1;
	s7 =	smul.u32 $0x14000, s5;
	_ =	strace $0x80000047  }
0xa: {  	s9 =	ssub.s32 $0x2, s5;
	s24 =	smul.u32 $0x2800, s5;
	s21 =	sor.u32 s5, s23  }
0xb: {  	s23 =	simm.s32 $0x3468;
	s22 =	sshrl.u32 s9, $0x1;
	s14 =	smul.u32 $0x138, s21  }
0xc: {  	s5 =	sadd.s32 s6, s2;
	s15 =	smul.u32 $0x1380, s21;
	p0 =	sne.s32 s21, $0x0  }
0xd: {  	s21 =	simm.s32 $0x68;
	s7 =	sadd.s32 s6, s7;
	s13 =	ssub.s32 s9, s22  }
0xe: {  	s6 =	sadd.s32 s12, s3;
	s12 =	sadd.s32 s12, s24;
	s22 =	simm.s32 $0x1  }
0xf: {  	s24 =	simm.s32 $0x0;
	s7 =	sshrl.u32 s7, $0x3;
	s25 =	sshrl.u32 s12, $0x3  }
0x10: {  	s26 =	sshrl.u32 s14, $0x3;
	s18 =	sadd.s32 $0x68, s14;
	s19 =	sadd.s32 $0xD0, s14  }
0x11: {  	s11 =	sadd.s32 s7, s8;
	s7 =	sadd.s32 $0x4E0, s16;
	s8 =	sadd.s32 $0x2CC00, s8  }
0x12: {  	s10 =	sadd.s32 s10, s25;
	s12 =	sadd.s32 s16, s26;
	s28 =	sshrl.u32 s18, $0x3  }
0x13: {  	s29 =	sshll.u32 s18, $0x4;
	s30 =	sshrl.u32 s19, $0x3;
	s31 =	sshll.u32 s19, $0x4  }
0x14: {  	s18 =	simm.s32 $0x43F8;
	s19 =	simm.s32 $0x2;
	s9 =	sadd.s32 $0x2CE00, s11  }
0x15: {  	s11 =	smax.u32 s13, $0x1;
	s13 =	sadd.s32 s17, s15;
	s14 =	sadd.s32 s16, s28  }
0x16: {  	v0 =	vimm.f32 $0.0e+00;
	v1 =	vimm.f32 $1.000000000e+00;
	s15 =	sadd.s32 s17, s29;
	s16 =	sadd.s32 s16, s30;
	s17 =	sadd.s32 s17, s31  }
.LBB2_1:
0x17: {  	s25 =	sand.u32 $0x7E00, s4  }
0x18: {  	s26 =	sand.u32 $0x70, s4;
	s28 =	sshrl.u32 s25, $0x2  }
0x19: {  	s25 =	simm.s32 $0x40;
	s28 =	sor.u32 s26, s28;
	s26 =	simm.s32 $0x0  }
.LBB2_2:
0x1a: {  	p1 =	sne.s32 s25, $0x4FC0  }
0x1b: {  	[tilespmem:s28+$0x43F8] =	vst v0;
	s26 =	sadd.s32 $0x10, s26;
	s28 =	smov.u32 s25;
	s25 =	sadd.s32 $0x40, s25  }
.Ltmp0:
0x1c: {  	(pc) =	sbr.rel @p1 .LBB2_2-.Ltmp0, $4  }
0x1d: {  	_ = 	snop  }
0x1e: {  	s28 =	sand.u32 $0x7E00, s28  }
0x1f: {  	s29 =	sand.u32 $0x70, s26;
	s28 =	sshrl.u32 s28, $0x2  }
0x20: {  	s28 =	sor.u32 s29, s28  }
0x21: {  	[tilespmem:s28+$0x43F8] =	vst v0  }
0x22: {  	[tilespmem:$0x57F8] =	vst v0  }
0x23: {  	[tilespmem:$0x5808] =	vst v0  }
0x24: {  	[tilespmem:$0x5818] =	vst v0  }
0x25: {  	[tilespmem:$0x5828] =	vst v0  }
0x26: {  	[tilespmem:$0x5838] =	vst v0  }
0x27: {  	[tilespmem:$0x5848] =	vst v0  }
0x28: {  	[tilespmem:$0x5858] =	vst v0  }
0x29: {  	[tilespmem:$0x5868] =	vst v0  }
0x2a: {  	[tilespmem:$0x5878] =	vst v0  }
0x2b: {  	[tilespmem:$0x5888] =	vst v0  }
0x2c: {  	[tilespmem:$0x5898] =	vst v0  }
0x2d: {  	[tilespmem:$0x58A8] =	vst v0  }
0x2e: {  	[tilespmem:$0x58B8] =	vst v0  }
0x2f: {  	[tilespmem:$0x58C8] =	vst v0  }
0x30: {  	[tilespmem:$0x58D8] =	vst v0  }
0x31: {  	[tilespmem:$0x58E8] =	vst v0  }
0x32: {  	[tilespmem:$0x58F8] =	vst v0  }
0x33: {  	[tilespmem:$0x5908] =	vst v0  }
0x34: {  	[tilespmem:$0x5918] =	vst v0  }
0x35: {  	[tilespmem:$0x5928] =	vst v0  }
0x36: {  	[tilespmem:$0x5938] =	vst v0  }
0x37: {  	[tilespmem:$0x5948] =	vst v0  }
0x38: {  	[tilespmem:$0x5958] =	vst v0  }
0x39: {  	[tilespmem:$0x5968] =	vst v0  }
0x3a: {  	[tilespmem:$0x5978] =	vst v0  }
0x3b: {  	[tilespmem:$0x5988] =	vst v0  }
0x3c: {  	[tilespmem:$0x5998] =	vst v0  }
0x3d: {  	[tilespmem:$0x59A8] =	vst v0  }
0x3e: {  	[tilespmem:$0x59B8] =	vst v0  }
0x3f: {  	[tilespmem:$0x59C8] =	vst v0  }
0x40: {  	[tilespmem:$0x59D8] =	vst v0  }
0x41: {  	[tilespmem:$0x59E8] =	vst v0  }
0x42: {  	[tilespmem:$0x59F8] =	vst v0  }
0x43: {  	[tilespmem:$0x5A08] =	vst v0  }
0x44: {  	[tilespmem:$0x5A18] =	vst v0  }
0x45: {  	[tilespmem:$0x5A28] =	vst v0  }
0x46: {  	[tilespmem:$0x5A38] =	vst v0  }
0x47: {  	[tilespmem:$0x5A48] =	vst v0  }
0x48: {  	[tilespmem:$0x5A58] =	vst v0  }
0x49: {  	[tilespmem:$0x5A68] =	vst v0  }
0x4a: {  	[spmem:s5] =	stream.linear.scatter [tilespmem:s18], [sflag:$0x2], $0x1400, $0x38;
	[tilespmem:$0x70F8] =	vst v63  }
0x4b: {  	_ =	swait.ge [sflag:s19], $0x1400  }
0x4c: {  	[sflag:s19] =	ssyncset.done $0x0  }
0x4d: {  	[sflag:s19] =	ssyncadd.s32 $0xFFFFEC00  }
0x4e: {  	[spmem:s6] =	stream.linear.scatter [tilespmem:s20], [sflag:$0x2], $0x280, $0x38;
	[tilespmem:$0x70F8] =	vst v63  }
0x4f: {  	_ =	swait.ge [sflag:s19], $0x280  }
0x50: {  	[sflag:s19] =	ssyncset.done $0x0  }
0x51: {  	s25 =	simm.s32 $0x40;
	s26 =	simm.s32 $0x0;
	[sflag:s19] =	ssyncadd.s32 $0xFFFFFD80  }
.LBB2_4:
0x52: {  	p1 =	sne.s32 s25, $0x19C0;
	[tilespmem:s26+$0x3468] =	vst v1;
	s26 =	smov.u32 s25;
	s25 =	sadd.s32 $0x40, s25  }
.Ltmp1:
0x53: {  	(pc) =	sbr.rel @p1 .LBB2_4-.Ltmp1, $2  }
0x54: {  	_ =	sdelay $0x2  }
0x55: {  	s26 =	sshra.s32 s26, $0x2  }
0x56: {  	[tilespmem:s26+$0x3468] =	vst v1  }
0x57: {  	[bflag:$0x0] =	sbarrier.arrive $0xFFFF  }
0x58: {  	[tilespmem:s4], [sflag:$0x2] =	stream.linear.gather [hbm4b:s12+s4], $0x68, $0x38;
	[tilespmem:$0x70F8] =	vst v63  }
0x59: {  	_ =	swait.ge [sflag:s19], $0x68  }
0x5a: {  	[sflag:s19] =	ssyncset.done $0x0  }
0x5b: {  	[sflag:s19] =	ssyncadd.s32 $0xFFFFFF98  }
0x5c: {  	[tilespmem:s21], [sflag:$0x1] =	stream.linear.gather [hbm4b:s13+s4], $0x3400, $0x38;
	[tilespmem:$0x70F8] =	vst v63  }
0x5d: {  	_ =	swait.ge [sflag:s22], $0x3400  }
0x5e: {  	[sflag:s22] =	ssyncset.done $0x0  }
0x5f: {  	[sflag:s22] =	ssyncadd.s32 $0xFFFFCC00  }
0x60: {  	[spmem:s2] =	stream.indirect.scatter.add.f32 [tilespmem:s21], [sflag:$0x2], $0x80, s4, s21, $0xb8;
	[tilespmem:$0x70F8] =	vst v63  }
0x61: {  	_ =	swait.ge [sflag:s19], $0x3400  }
0x62: {  	[sflag:s19] =	ssyncset.done $0x0  }
0x63: {  	[sflag:s19] =	ssyncadd.s32 $0xFFFFCC00  }
0x64: {  	[spmem:s3] =	stream.indirect.scatter.add.f32 [tilespmem:s23], [sflag:$0x2], $0x10, s4, s21, $0xb8;
	[tilespmem:$0x70F8] =	vst v63  }
0x65: {  	_ =	swait.ge [sflag:s19], $0x680  }
0x66: {  	[sflag:s19] =	ssyncset.done $0x0  }
0x67: {  	[sflag:s19] =	ssyncadd.s32 $0xFFFFF980  }
0x68: {  	[tilespmem:s4], [sflag:$0x2] =	stream.linear.gather [hbm4b:s14+s4], $0x68, $0x38;
	[tilespmem:$0x70F8] =	vst v63  }
0x69: {  	_ =	swait.ge [sflag:s19], $0x68  }
0x6a: {  	[sflag:s19] =	ssyncset.done $0x0  }
0x6b: {  	[sflag:s19] =	ssyncadd.s32 $0xFFFFFF98  }
0x6c: {  	[tilespmem:s21], [sflag:$0x1] =	stream.linear.gather [hbm4b:s15+s4], $0x3400, $0x38;
	[tilespmem:$0x70F8] =	vst v63  }
0x6d: {  	_ =	swait.ge [sflag:s22], $0x3400  }
0x6e: {  	[sflag:s22] =	ssyncset.done $0x0  }
0x6f: {  	[sflag:s22] =	ssyncadd.s32 $0xFFFFCC00  }
0x70: {  	[spmem:s2] =	stream.indirect.scatter.add.f32 [tilespmem:s21], [sflag:$0x2], $0x80, s4, s21, $0xb8;
	[tilespmem:$0x70F8] =	vst v63  }
0x71: {  	_ =	swait.ge [sflag:s19], $0x3400  }
0x72: {  	[sflag:s19] =	ssyncset.done $0x0  }
0x73: {  	[sflag:s19] =	ssyncadd.s32 $0xFFFFCC00  }
0x74: {  	[spmem:s3] =	stream.indirect.scatter.add.f32 [tilespmem:s23], [sflag:$0x2], $0x10, s4, s21, $0xb8;
	[tilespmem:$0x70F8] =	vst v63  }
0x75: {  	_ =	swait.ge [sflag:s19], $0x680  }
0x76: {  	[sflag:s19] =	ssyncset.done $0x0  }
0x77: {  	[sflag:s19] =	ssyncadd.s32 $0xFFFFF980  }
0x78: {  	[tilespmem:s4], [sflag:$0x2] =	stream.linear.gather [hbm4b:s16+s4], $0x68, $0x38;
	[tilespmem:$0x70F8] =	vst v63  }
0x79: {  	_ =	swait.ge [sflag:s19], $0x68  }
0x7a: {  	[sflag:s19] =	ssyncset.done $0x0  }
0x7b: {  	[sflag:s19] =	ssyncadd.s32 $0xFFFFFF98  }
0x7c: {  	[tilespmem:s21], [sflag:$0x1] =	stream.linear.gather [hbm4b:s17+s4], $0x3400, $0x38;
	[tilespmem:$0x70F8] =	vst v63  }
0x7d: {  	_ =	swait.ge [sflag:s22], $0x3400  }
0x7e: {  	[sflag:s22] =	ssyncset.done $0x0  }
0x7f: {  	[sflag:s22] =	ssyncadd.s32 $0xFFFFCC00  }
0x80: {  	[spmem:s2] =	stream.indirect.scatter.add.f32 [tilespmem:s21], [sflag:$0x2], $0x80, s4, s21, $0xb8;
	[tilespmem:$0x70F8] =	vst v63  }
0x81: {  	_ =	swait.ge [sflag:s19], $0x3400  }
0x82: {  	[sflag:s19] =	ssyncset.done $0x0  }
0x83: {  	[sflag:s19] =	ssyncadd.s32 $0xFFFFCC00  }
0x84: {  	[spmem:s3] =	stream.indirect.scatter.add.f32 [tilespmem:s23], [sflag:$0x2], $0x10, s4, s21, $0xb8;
	[tilespmem:$0x70F8] =	vst v63  }
0x85: {  	_ =	swait.ge [sflag:s19], $0x680  }
0x86: {  	[sflag:s19] =	ssyncset.done $0x0  }
0x87: {  	v2 =	vimm.f32 @!p0 $1.000000000e+00;
	[sflag:s19] =	ssyncadd.s32 $0xFFFFF980  }
0x88: {  	[tilespmem:$0x42F8] =	vst @!p0 v2  }
0x89: {  	[tilespmem:$0x4308] =	vst @!p0 v2  }
0x8a: {  	[tilespmem:$0x4318] =	vst @!p0 v2  }
0x8b: {  	[tilespmem:$0x4328] =	vst @!p0 v2  }
0x8c: {  	[tilespmem:$0x4338] =	vst @!p0 v2  }
0x8d: {  	[tilespmem:$0x4348] =	vst @!p0 v2  }
0x8e: {  	[tilespmem:$0x4358] =	vst @!p0 v2  }
0x8f: {  	[tilespmem:$0x4368] =	vst @!p0 v2  }
0x90: {  	[tilespmem:$0x4378] =	vst @!p0 v2  }
0x91: {  	[tilespmem:$0x4388] =	vst @!p0 v2  }
0x92: {  	[tilespmem:$0x4398] =	vst @!p0 v2  }
0x93: {  	[tilespmem:$0x43A8] =	vst @!p0 v2  }
0x94: {  	[tilespmem:$0x43B8] =	vst @!p0 v2  }
0x95: {  	[tilespmem:$0x43C8] =	vst @!p0 v2  }
0x96: {  	[tilespmem:$0x43D8] =	vst @!p0 v2  }
0x97: {  	s25 =	simm.s32 @!p0 $0x0;
	s26 =	simm.s32 @!p0 $0x3AE8;
	s28 =	simm.s32 @!p0 $0x2;
	[tilespmem:$0x43E8] =	vst @!p0 v2  }
0x98: {  	[tilespmem:s26], [sflag:$0x2] =	stream.linear.gather @!p0 [hbm4b:s7+s25], $0x10, $0x38;
	[tilespmem:$0x70F8] =	vst v63  }
0x99: {  	_ =	swait.ge @!p0 [sflag:s28], $0x10  }
0x9a: {  	[sflag:s28] =	ssyncset.done @!p0 $0x0  }
0x9b: {  	s29 =	simm.s32 @!p0 $0x3AF8;
	[sflag:s28] =	ssyncadd.s32 @!p0 $0xFFFFFFF0  }
0x9c: {  	[tilespmem:s29], [sflag:$0x1] =	stream.linear.gather @!p0 [hbm4b:s8+s25], $0x800, $0x38;
	[tilespmem:$0x70F8] =	vst v63  }
0x9d: {  	s25 =	simm.s32 @!p0 $0x1  }
0x9e: {  	_ =	swait.ge @!p0 [sflag:s25], $0x800  }
0x9f: {  	[sflag:s25] =	ssyncset.done @!p0 $0x0  }
0xa0: {  	[sflag:s25] =	ssyncadd.s32 @!p0 $0xFFFFF800;
	s25 =	simm.s32 @!p0 $0x10  }
0xa1: {  	[spmem:s2] =	stream.indirect.scatter.add.f32 @!p0 [tilespmem:s29], [sflag:$0x2], $0x80, s26, s25, $0xb8;
	[tilespmem:$0x70F8] =	vst v63  }
0xa2: {  	_ =	swait.ge @!p0 [sflag:s28], $0x800  }
0xa3: {  	[sflag:s28] =	ssyncset.done @!p0 $0x0  }
0xa4: {  	s29 =	simm.s32 @!p0 $0x42F8;
	[sflag:s28] =	ssyncadd.s32 @!p0 $0xFFFFF800  }
0xa5: {  	[spmem:s3] =	stream.indirect.scatter.add.f32 @!p0 [tilespmem:s29], [sflag:$0x2], $0x10, s26, s25, $0xb8;
	[tilespmem:$0x70F8] =	vst v63  }
0xa6: {  	_ =	swait.ge @!p0 [sflag:s28], $0x100  }
0xa7: {  	[sflag:s28] =	ssyncset.done @!p0 $0x0  }
0xa8: {  	s29 =	sshll.u32 s0, $0x6;
	[sflag:s28] =	ssyncadd.s32 @!p0 $0xFFFFFF00  }
0xa9: {  	s30 =	sshrl.u32 s5, $0x3;
	s25 =	sor.u32 $0x1C02, s29;
	[bflag:$0x0] =	sbarrier.arrive $0xFFFF  }
0xaa: {  	[hbm:s9], [sflag:s25] =	dma.local [spmem:s30], $0x280  }
0xab: {  	s24 =	sadd.s32 $0x1, s24;
	_ =	swait.ge [sflag:s19], $0x280  }
0xac: {  	p1 =	sne.s32 s24, s11;
	[sflag:s19] =	ssyncset.done $0x0  }
.Ltmp2:
0xad: {  	s31 =	sshrl.u32 s6, $0x3;
	[sflag:s19] =	ssyncadd.s32 $0xFFFFFD80;
	(pc) =	sbr.rel @p1 .LBB2_1-.Ltmp2, $4  }
0xae: {  	[hbm:s10], [sflag:s25] =	dma.local [spmem:s31], $0x50  }
0xaf: {  	_ =	swait.ge [sflag:s19], $0x50  }
0xb0: {  	[sflag:s19] =	ssyncset.done $0x0  }
0xb1: {  	[sflag:s19] =	ssyncadd.s32 $0xFFFFFFB0  }
0xb2: {  	_ =	sfence.sel $0x180000  }
0xb3: {  	[bflag:$0x0] =	sbarrier.arrive $0xFFFF  }
0xb4: {  	p0 =	sne.s32 s0, $0x0;
	_ =	strace $0x90000047  }
0xb5: {  	s0 =	sadd.s32 @!p0 $0x100000, s1;
	[bflag:$0x2] =	sbarrier.arrive $0xFFFF  }
0xb6: {  	[sflag:s0] =	ssyncadd.tile.s32 @!p0 $0x1;
	_ =	shalt  }
.Lfunc_end2:
_tile_overlayer_lowered:
.L_overlay_start_2:
0xb7: {  	(tag) =	ssettag $0x2  }
0xb8: {  	s0 =	rddreg [dreg:$0x0];
	s2 =	stileid.u32  }
0xb9: {  	s1 =	rddreg [dreg:$0x1];
	p0 =	sne.s32 s2, $0x0  }
0xba: {  	s3 =	rddreg [dreg:$0x2];
	[bflag:$0x3] =	sbarrier.arrive $0xFFFF;
	s2 =	simm.s32 @!p0 $0x1C02  }
0xbb: {  	[timem:s3], [sflag:s2] =	dma.local @!p0 [hbm:s0], s1  }
0xbc: {  	s0 =	simm.s32 @!p0 $0x2  }
0xbd: {  	_ =	swait.ge @!p0 [sflag:s0], s1  }
0xbe: {  	s1 =	ssub.s32 @!p0 $0x0, s1;
	[sflag:s0] =	ssyncset.done @!p0 $0x0  }
0xbf: {  	[sflag:s0] =	ssyncadd.s32 @!p0 s1  }
0xc0: {  	[bflag:$0x3] =	sbarrier.arrive $0xFFFF  }
0xc1: {  	_ =	shalt  }

</sc_bundles>
